<compile_context>
chip_gen: v7x
topology: tpu7x:2x2x1
jax: 0.10.2.dev20260603
libtpu: 0.0.44.dev20260713+nightly
codegen_flags: <defaults>
</compile_context>

<pallas_src>
import functools

import jax
import jax.numpy as jnp
from jax import lax
from jax.experimental import pallas as pl
from jax.experimental.pallas import tpu as pltpu
from jax.experimental.pallas import tpu_sc as plsc

_NC, _NS, _L = 2, 16, 16
_NW = _NC * _NS


_TROWS = 784


def _proj_body(emb_ref, w_ref, t_ref):
    rows = t_ref.shape[0]
    x3 = emb_ref[...].reshape(rows, 128, 128)
    w2 = w_ref[...]
    for a in range(rows):
        t_ref[a : a + 1, :] = jax.lax.dot_general(
            w2, x3[a], (((1,), (1,)), ((), ()))
        )


def _project_table(emb_table, w_row):
    V, D = emb_table.shape
    grid = 7
    bo = _TROWS // grid
    t2 = pl.pallas_call(
        _proj_body,
        grid=(grid,),
        in_specs=[
            pl.BlockSpec((bo * 128, D), lambda i: (i, 0)),
            pl.BlockSpec((1, D), lambda i: (0, 0)),
        ],
        out_specs=pl.BlockSpec((bo, 128), lambda i: (i, 0)),
        out_shape=jax.ShapeDtypeStruct((_TROWS, 128), jnp.float32),
    )(emb_table, w_row.reshape(1, D))
    return t2.reshape(_TROWS * 128)


def _make_sc_sum(Vp, B, BEAM, S):
    tiles_per_beam = _NW // BEAM
    bpt = B // tiles_per_beam
    nchunk = bpt // _L
    mesh = plsc.VectorSubcoreMesh(core_axis_name="c", subcore_axis_name="s")

    @functools.partial(
        pl.kernel,
        mesh=mesh,
        out_type=jax.ShapeDtypeStruct((BEAM, B), jnp.float32),
        scratch_types=[
            pltpu.VMEM((Vp,), jnp.float32),
            pltpu.VMEM((S, bpt), jnp.int32),
            pltpu.VMEM((bpt,), jnp.int32),
            pltpu.VMEM((bpt,), jnp.float32),
            pltpu.SemaphoreType.DMA,
            pltpu.SemaphoreType.DMA,
        ],
        compiler_params=pltpu.CompilerParams(needs_layout_passes=False),
    )
    def sc_sum(t_hbm, cap_hbm, len_hbm, out_hbm, t_v, cap_v, len_v, o_v, sem_t, sem_c):
        wid = lax.axis_index("s") * _NC + lax.axis_index("c")
        beam = wid // tiles_per_beam
        b0 = (wid % tiles_per_beam) * bpt
        cp_t = pltpu.async_copy(t_hbm, t_v, sem_t)
        cap_cps = [
            pltpu.async_copy(
                cap_hbm.at[beam * S + j, pl.ds(b0, bpt)], cap_v.at[j], sem_c
            )
            for j in range(S)
        ]
        pltpu.sync_copy(len_hbm.at[beam, pl.ds(b0, bpt)], len_v)
        for cp in cap_cps:
            cp.wait()

        def mask_body(c, carry):
            base = c * _L
            l16 = len_v[pl.ds(base, _L)]
            for j in range(S):
                idx = cap_v[j, pl.ds(base, _L)]
                cap_v[j, pl.ds(base, _L)] = jnp.where(l16 > (j + 1), idx, 0)
            return carry

        lax.fori_loop(0, nchunk, mask_body, 0)
        cp_t.wait()

        def body(c, carry):
            base = c * _L
            acc = jnp.zeros((_L,), jnp.float32)
            for j in range(S):
                acc = acc + plsc.load_gather(t_v, [cap_v[j, pl.ds(base, _L)]])
            o_v[pl.ds(base, _L)] = acc
            return carry

        lax.fori_loop(0, nchunk, body, 0)
        pltpu.sync_copy(o_v, out_hbm.at[beam, pl.ds(b0, bpt)])

    return sc_sum


def _post_body(s_ref, dfall_ref, idall_ref, ix_ref, b_ref, out_ref):
    idf = dfall_ref[...] * (idall_ref[...] == ix_ref[...]).astype(jnp.float32)
    sc = (s_ref[...] + b_ref[0, 0]) * idf
    m = jnp.max(sc, axis=0, keepdims=True)
    e = jnp.exp(sc - m)
    lse = jnp.log(jnp.sum(e, axis=0, keepdims=True)) + m
    out_ref[...] = sc - lse


def kernel(captions, caption_lengths, logs, idall, dfall, ix, emb_table, W_out, b_out):
    del logs
    B, BEAM, S = captions.shape
    V, D = emb_table.shape
    t = _project_table(emb_table, W_out[0])

    perm = jnp.eye(BEAM * S, dtype=jnp.float32).reshape(BEAM * S, BEAM, S)
    cap_k = jnp.einsum(
        "kmj,bmj->kb",
        perm,
        captions.astype(jnp.float32),
        precision=jax.lax.Precision.HIGHEST,
    ).astype(jnp.int32)
    cap_t = cap_k
    len_t = caption_lengths.reshape(B, BEAM).T

    sraw = _make_sc_sum(_TROWS * 128, B, BEAM, S)(t, cap_t, len_t)

    out_t = pl.pallas_call(
        _post_body,
        out_shape=jax.ShapeDtypeStruct((BEAM, B), jnp.float32),
    )(sraw, dfall.T, idall.T, ix.reshape(1, B), b_out.reshape(1, 1))
    return out_t.T

# --- scband reference (transcript-rebuilt; emitter-appended) ---
"""Pipeline reference for scband-policy-la-24953759990478 (READ-ONLY COPY).

The authoritative reference and input builder live on the scoring server;
editing this copy changes nothing except your own understanding.
"""

import jax, jax.numpy as jnp
import numpy as np

L_P = 1.0
L_C = 1.0
B, BEAM, S, V, D = 4096, 8, 20, 100000, 128

def setup_inputs(seed: int = 0):
    key = jax.random.key(seed)
    ks = jax.random.split(key, 9)
    captions = jax.random.randint(ks[0], (B, BEAM, S), 0, V, dtype=jnp.int32)
    caption_lengths = jax.random.randint(ks[1], (B, BEAM, 1), 0, 21, dtype=jnp.int32)
    logs = jax.random.normal(ks[2], (B, BEAM), dtype=jnp.float32)
    idall = jax.random.randint(ks[3], (B, BEAM), 0, 16, dtype=jnp.int32)
    dfall = jax.random.uniform(ks[4], (B, BEAM), dtype=jnp.float32)
    ix = jax.random.randint(ks[5], (B,), 0, 16, dtype=jnp.int32)
    emb_table = jax.random.normal(ks[6], (V, D), dtype=jnp.float32) * 0.02
    W_out = jax.random.normal(ks[7], (1, D), dtype=jnp.float32) * 0.2
    b_out = jnp.zeros((1,), dtype=jnp.float32)
    return {"captions": captions, "caption_lengths": caption_lengths, "logs": logs,
            "idall": idall, "dfall": dfall, "ix": ix,
            "emb_table": emb_table, "W_out": W_out, "b_out": b_out}

def reference(captions, caption_lengths, logs, idall, dfall, ix, emb_table, W_out, b_out):
    # caption_mask = caption_lengths > ones.cumsum(dim=2)
    ones = jnp.ones_like(captions)
    cum = jnp.cumsum(ones, axis=2)
    caption_mask = caption_lengths > cum
    masked_captions = caption_mask.astype(captions.dtype) * captions
    # embedding lookup (SparseCore gather) + sum over seq dim
    caption_embeddings = jnp.take(emb_table, masked_captions, axis=0).astype(jnp.float32).sum(axis=2)
    # idfall = dfall * (idall == ix.unsqueeze(1))
    idfall = dfall * (idall == ix[:, None]).astype(dfall.dtype)
    # scores = Linear(decoder_dim -> 1).squeeze(-1)
    scores = (caption_embeddings @ W_out.T + b_out)[..., 0]
    scores = jnp.power(scores, L_P) * jnp.power(idfall, L_C)
    scores = jax.nn.log_softmax(scores, axis=1)
    return scores

if __name__ == "__main__":
    import jax
    _d = setup_inputs()
    print(jax.jit(kernel)(*tuple(_d.values())))

</pallas_src>

<mosaic_0001>
#map = affine_map<(d0, d1) -> (0)>
#map1 = affine_map<(d0, d1) -> (0, 0)>
module attributes {stable_mosaic.version = 14 : i64} {
  func.func @sc_sum(%arg0: i32, %arg1: i32, %arg2: memref<100352xf32, #tpu.memory_space<hbm>>, %arg3: memref<160x4096xi32, #tpu.memory_space<hbm>>, %arg4: memref<8x4096xi32, #tpu.memory_space<hbm>>, %arg5: memref<8x4096xf32, #tpu.memory_space<hbm>>, %arg6: memref<100352xf32, #tpu.memory_space<vmem>>, %arg7: memref<20x1024xi32, #tpu.memory_space<vmem>>, %arg8: memref<1024xi32, #tpu.memory_space<vmem>>, %arg9: memref<1024xf32, #tpu.memory_space<vmem>>, %arg10: memref<!tpu.dma_semaphore, #tpu.memory_space<semaphore_mem>>, %arg11: memref<!tpu.dma_semaphore, #tpu.memory_space<semaphore_mem>>) attributes {dimension_semantics = [#tpu.dimension_semantics<core_parallel>, #tpu.dimension_semantics<subcore_parallel>], iteration_bounds = array<i64: 2, 16>, scalar_prefetch = 0 : i64, scratch_operands = 6 : i64, tpu.core_type = #tpu.core_type<sc_vector_subcore>, window_params = [{transform_indices = #map}, {transform_indices = #map1}, {transform_indices = #map1}, {transform_indices = #map1}]} {
    %mul3A = arith.constant 2 : i32
    %mul3A_0 = arith.muli %arg1, %mul3A : i32
    %add3A = arith.addi %mul3A_0, %arg0 : i32
    %jit3A = arith.constant 4 : i32
    %div3A = arith.divsi %add3A, %jit3A : i32
    %sign3A = arith.constant 0 : i32
    %sign3A_1 = arith.cmpi sgt, %add3A, %sign3A : i32
    %sign3A_2 = arith.extui %sign3A_1 : i1 to i32
    %sign3A_3 = arith.constant 0 : i32
    %sign3A_4 = arith.cmpi slt, %add3A, %sign3A_3 : i32
    %sign3A_5 = arith.extui %sign3A_4 : i1 to i32
    %sign3A_6 = arith.subi %sign3A_2, %sign3A_5 : i32
    %sign3A_7 = arith.constant 0 : i32
    %sign3A_8 = arith.cmpi sgt, %jit3A, %sign3A_7 : i32
    %sign3A_9 = arith.extui %sign3A_8 : i1 to i32
    %sign3A_10 = arith.constant 0 : i32
    %sign3A_11 = arith.cmpi slt, %jit3A, %sign3A_10 : i32
    %sign3A_12 = arith.extui %sign3A_11 : i1 to i32
    %sign3A_13 = arith.subi %sign3A_9, %sign3A_12 : i32
    %ne3A = arith.cmpi ne, %sign3A_6, %sign3A_13 : i32
    %rem3A = arith.remsi %add3A, %jit3A : i32
    %ne3A_14 = arith.constant 0 : i32
    %ne3A_15 = arith.cmpi ne, %rem3A, %ne3A_14 : i32
    %and3A = arith.andi %ne3A, %ne3A_15 : i1
    %sub3A = arith.constant 1 : i32
    %sub3A_16 = arith.subi %div3A, %sub3A : i32
    %select_n3A = arith.select %and3A, %sub3A_16, %div3A : i32
    %jit3A_17 = arith.constant 4 : i32
    %eq3A = arith.constant 0 : i32
    %eq3A_18 = arith.cmpi eq, %jit3A_17, %eq3A : i32
    %jit3A_19 = arith.constant 1 : i32
    %select_n3A_20 = arith.select %eq3A_18, %jit3A_19, %jit3A_17 : i32
    %rem3A_21 = arith.remsi %add3A, %select_n3A_20 : i32
    %ne3A_22 = arith.constant 0 : i32
    %ne3A_23 = arith.cmpi ne, %rem3A_21, %ne3A_22 : i32
    %lt3A = arith.constant 0 : i32
    %lt3A_24 = arith.cmpi slt, %rem3A_21, %lt3A : i32
    %lt3A_25 = arith.constant 0 : i32
    %lt3A_26 = arith.cmpi slt, %select_n3A_20, %lt3A_25 : i32
    %ne3A_27 = arith.xori %lt3A_24, %lt3A_26 : i1
    %and3A_28 = arith.andi %ne3A_27, %ne3A_23 : i1
    %add3A_29 = arith.addi %rem3A_21, %select_n3A_20 : i32
    %select_n3A_30 = arith.select %and3A_28, %add3A_29, %rem3A_21 : i32
    %mul3A_31 = arith.constant 1024 : i32
    %mul3A_32 = arith.muli %select_n3A_30, %mul3A_31 : i32
    tpu.enqueue_dma source(%arg2 : memref<100352xf32, #tpu.memory_space<hbm>>) target(%arg6 : memref<100352xf32, #tpu.memory_space<vmem>>) target_semaphore(%arg10 : memref<!tpu.dma_semaphore, #tpu.memory_space<semaphore_mem>>)
    %mul3A_33 = arith.constant 20 : i32
    %mul3A_34 = arith.muli %select_n3A, %mul3A_33 : i32
    %add3A_35 = arith.constant 0 : i32
    %add3A_36 = arith.addi %mul3A_34, %add3A_35 : i32
    %dma_start3A = arith.constant 0 : i32
    %dma_start3A_37 = arith.constant 0 : i32
    %dma_start3A_38 = tpu.memref_slice %arg7[%dma_start3A, %dma_start3A_37] : memref<20x1024xi32, #tpu.memory_space<vmem>> -> memref<1x1024xi32, #tpu.memory_space<vmem>>
    %dma_start3A_39 = tpu.memref_squeeze %dma_start3A_38 : memref<1x1024xi32, #tpu.memory_space<vmem>> -> memref<1024xi32, #tpu.memory_space<vmem>>
    %dma_start3A_40 = tpu.memref_slice %arg3[%add3A_36, %mul3A_32] : memref<160x4096xi32, #tpu.memory_space<hbm>> -> memref<1x1024xi32, #tpu.memory_space<hbm>>
    %dma_start3A_41 = tpu.memref_squeeze %dma_start3A_40 : memref<1x1024xi32, #tpu.memory_space<hbm>> -> memref<1024xi32, #tpu.memory_space<hbm>>
    %dma_start3A_42 = arith.constant 0 : i32
    %dma_start3A_43 = tpu.memref_slice %arg7[%dma_start3A, %dma_start3A_42] : memref<20x1024xi32, #tpu.memory_space<vmem>> -> memref<1x1024xi32, #tpu.memory_space<vmem>>
    %dma_start3A_44 = tpu.memref_squeeze %dma_start3A_43 : memref<1x1024xi32, #tpu.memory_space<vmem>> -> memref<1024xi32, #tpu.memory_space<vmem>>
    %dma_start3A_45 = tpu.memref_slice %arg3[%add3A_36, %mul3A_32] : memref<160x4096xi32, #tpu.memory_space<hbm>> -> memref<1x1024xi32, #tpu.memory_space<hbm>>
    %dma_start3A_46 = tpu.memref_squeeze %dma_start3A_45 : memref<1x1024xi32, #tpu.memory_space<hbm>> -> memref<1024xi32, #tpu.memory_space<hbm>>
    tpu.enqueue_dma source(%dma_start3A_46 : memref<1024xi32, #tpu.memory_space<hbm>>) target(%dma_start3A_44 : memref<1024xi32, #tpu.memory_space<vmem>>) target_semaphore(%arg11 : memref<!tpu.dma_semaphore, #tpu.memory_space<semaphore_mem>>)
    %mul3A_47 = arith.constant 20 : i32
    %mul3A_48 = arith.muli %select_n3A, %mul3A_47 : i32
    %add3A_49 = arith.constant 1 : i32
    %add3A_50 = arith.addi %mul3A_48, %add3A_49 : i32
    %dma_start3A_51 = arith.constant 1 : i32
    %dma_start3A_52 = arith.constant 0 : i32
    %dma_start3A_53 = tpu.memref_slice %arg7[%dma_start3A_51, %dma_start3A_52] : memref<20x1024xi32, #tpu.memory_space<vmem>> -> memref<1x1024xi32, #tpu.memory_space<vmem>>
    %dma_start3A_54 = tpu.memref_squeeze %dma_start3A_53 : memref<1x1024xi32, #tpu.memory_space<vmem>> -> memref<1024xi32, #tpu.memory_space<vmem>>
    %dma_start3A_55 = tpu.memref_slice %arg3[%add3A_50, %mul3A_32] : memref<160x4096xi32, #tpu.memory_space<hbm>> -> memref<1x1024xi32, #tpu.memory_space<hbm>>
    %dma_start3A_56 = tpu.memref_squeeze %dma_start3A_55 : memref<1x1024xi32, #tpu.memory_space<hbm>> -> memref<1024xi32, #tpu.memory_space<hbm>>
    %dma_start3A_57 = arith.constant 0 : i32
    %dma_start3A_58 = tpu.memref_slice %arg7[%dma_start3A_51, %dma_start3A_57] : memref<20x1024xi32, #tpu.memory_space<vmem>> -> memref<1x1024xi32, #tpu.memory_space<vmem>>
    %dma_start3A_59 = tpu.memref_squeeze %dma_start3A_58 : memref<1x1024xi32, #tpu.memory_space<vmem>> -> memref<1024xi32, #tpu.memory_space<vmem>>
    %dma_start3A_60 = tpu.memref_slice %arg3[%add3A_50, %mul3A_32] : memref<160x4096xi32, #tpu.memory_space<hbm>> -> memref<1x1024xi32, #tpu.memory_space<hbm>>
    %dma_start3A_61 = tpu.memref_squeeze %dma_start3A_60 : memref<1x1024xi32, #tpu.memory_space<hbm>> -> memref<1024xi32, #tpu.memory_space<hbm>>
    tpu.enqueue_dma source(%dma_start3A_61 : memref<1024xi32, #tpu.memory_space<hbm>>) target(%dma_start3A_59 : memref<1024xi32, #tpu.memory_space<vmem>>) target_semaphore(%arg11 : memref<!tpu.dma_semaphore, #tpu.memory_space<semaphore_mem>>)
    %mul3A_62 = arith.constant 20 : i32
    %mul3A_63 = arith.muli %select_n3A, %mul3A_62 : i32
    %add3A_64 = arith.constant 2 : i32
    %add3A_65 = arith.addi %mul3A_63, %add3A_64 : i32
    %dma_start3A_66 = arith.constant 2 : i32
    %dma_start3A_67 = arith.constant 0 : i32
    %dma_start3A_68 = tpu.memref_slice %arg7[%dma_start3A_66, %dma_start3A_67] : memref<20x1024xi32, #tpu.memory_space<vmem>> -> memref<1x1024xi32, #tpu.memory_space<vmem>>
    %dma_start3A_69 = tpu.memref_squeeze %dma_start3A_68 : memref<1x1024xi32, #tpu.memory_space<vmem>> -> memref<1024xi32, #tpu.memory_space<vmem>>
    %dma_start3A_70 = tpu.memref_slice %arg3[%add3A_65, %mul3A_32] : memref<160x4096xi32, #tpu.memory_space<hbm>> -> memref<1x1024xi32, #tpu.memory_space<hbm>>
    %dma_start3A_71 = tpu.memref_squeeze %dma_start3A_70 : memref<1x1024xi32, #tpu.memory_space<hbm>> -> memref<1024xi32, #tpu.memory_space<hbm>>
    %dma_start3A_72 = arith.constant 0 : i32
    %dma_start3A_73 = tpu.memref_slice %arg7[%dma_start3A_66, %dma_start3A_72] : memref<20x1024xi32, #tpu.memory_space<vmem>> -> memref<1x1024xi32, #tpu.memory_space<vmem>>
    %dma_start3A_74 = tpu.memref_squeeze %dma_start3A_73 : memref<1x1024xi32, #tpu.memory_space<vmem>> -> memref<1024xi32, #tpu.memory_space<vmem>>
    %dma_start3A_75 = tpu.memref_slice %arg3[%add3A_65, %mul3A_32] : memref<160x4096xi32, #tpu.memory_space<hbm>> -> memref<1x1024xi32, #tpu.memory_space<hbm>>
    %dma_start3A_76 = tpu.memref_squeeze %dma_start3A_75 : memref<1x1024xi32, #tpu.memory_space<hbm>> -> memref<1024xi32, #tpu.memory_space<hbm>>
    tpu.enqueue_dma source(%dma_start3A_76 : memref<1024xi32, #tpu.memory_space<hbm>>) target(%dma_start3A_74 : memref<1024xi32, #tpu.memory_space<vmem>>) target_semaphore(%arg11 : memref<!tpu.dma_semaphore, #tpu.memory_space<semaphore_mem>>)
    %mul3A_77 = arith.constant 20 : i32
    %mul3A_78 = arith.muli %select_n3A, %mul3A_77 : i32
    %add3A_79 = arith.constant 3 : i32
    %add3A_80 = arith.addi %mul3A_78, %add3A_79 : i32
    %dma_start3A_81 = arith.constant 3 : i32
    %dma_start3A_82 = arith.constant 0 : i32
    %dma_start3A_83 = tpu.memref_slice %arg7[%dma_start3A_81, %dma_start3A_82] : memref<20x1024xi32, #tpu.memory_space<vmem>> -> memref<1x1024xi32, #tpu.memory_space<vmem>>
    %dma_start3A_84 = tpu.memref_squeeze %dma_start3A_83 : memref<1x1024xi32, #tpu.memory_space<vmem>> -> memref<1024xi32, #tpu.memory_space<vmem>>
    %dma_start3A_85 = tpu.memref_slice %arg3[%add3A_80, %mul3A_32] : memref<160x4096xi32, #tpu.memory_space<hbm>> -> memref<1x1024xi32, #tpu.memory_space<hbm>>
    %dma_start3A_86 = tpu.memref_squeeze %dma_start3A_85 : memref<1x1024xi32, #tpu.memory_space<hbm>> -> memref<1024xi32, #tpu.memory_space<hbm>>
    %dma_start3A_87 = arith.constant 0 : i32
    %dma_start3A_88 = tpu.memref_slice %arg7[%dma_start3A_81, %dma_start3A_87] : memref<20x1024xi32, #tpu.memory_space<vmem>> -> memref<1x1024xi32, #tpu.memory_space<vmem>>
    %dma_start3A_89 = tpu.memref_squeeze %dma_start3A_88 : memref<1x1024xi32, #tpu.memory_space<vmem>> -> memref<1024xi32, #tpu.memory_space<vmem>>
    %dma_start3A_90 = tpu.memref_slice %arg3[%add3A_80, %mul3A_32] : memref<160x4096xi32, #tpu.memory_space<hbm>> -> memref<1x1024xi32, #tpu.memory_space<hbm>>
    %dma_start3A_91 = tpu.memref_squeeze %dma_start3A_90 : memref<1x1024xi32, #tpu.memory_space<hbm>> -> memref<1024xi32, #tpu.memory_space<hbm>>
    tpu.enqueue_dma source(%dma_start3A_91 : memref<1024xi32, #tpu.memory_space<hbm>>) target(%dma_start3A_89 : memref<1024xi32, #tpu.memory_space<vmem>>) target_semaphore(%arg11 : memref<!tpu.dma_semaphore, #tpu.memory_space<semaphore_mem>>)
    %mul3A_92 = arith.constant 20 : i32
    %mul3A_93 = arith.muli %select_n3A, %mul3A_92 : i32
    %add3A_94 = arith.constant 4 : i32
    %add3A_95 = arith.addi %mul3A_93, %add3A_94 : i32
    %dma_start3A_96 = arith.constant 4 : i32
    %dma_start3A_97 = arith.constant 0 : i32
    %dma_start3A_98 = tpu.memref_slice %arg7[%dma_start3A_96, %dma_start3A_97] : memref<20x1024xi32, #tpu.memory_space<vmem>> -> memref<1x1024xi32, #tpu.memory_space<vmem>>
    %dma_start3A_99 = tpu.memref_squeeze %dma_start3A_98 : memref<1x1024xi32, #tpu.memory_space<vmem>> -> memref<1024xi32, #tpu.memory_space<vmem>>
    %dma_start3A_100 = tpu.memref_slice %arg3[%add3A_95, %mul3A_32] : memref<160x4096xi32, #tpu.memory_space<hbm>> -> memref<1x1024xi32, #tpu.memory_space<hbm>>
    %dma_start3A_101 = tpu.memref_squeeze %dma_start3A_100 : memref<1x1024xi32, #tpu.memory_space<hbm>> -> memref<1024xi32, #tpu.memory_space<hbm>>
    %dma_start3A_102 = arith.constant 0 : i32
    %dma_start3A_103 = tpu.memref_slice %arg7[%dma_start3A_96, %dma_start3A_102] : memref<20x1024xi32, #tpu.memory_space<vmem>> -> memref<1x1024xi32, #tpu.memory_space<vmem>>
    %dma_start3A_104 = tpu.memref_squeeze %dma_start3A_103 : memref<1x1024xi32, #tpu.memory_space<vmem>> -> memref<1024xi32, #tpu.memory_space<vmem>>
    %dma_start3A_105 = tpu.memref_slice %arg3[%add3A_95, %mul3A_32] : memref<160x4096xi32, #tpu.memory_space<hbm>> -> memref<1x1024xi32, #tpu.memory_space<hbm>>
    %dma_start3A_106 = tpu.memref_squeeze %dma_start3A_105 : memref<1x1024xi32, #tpu.memory_space<hbm>> -> memref<1024xi32, #tpu.memory_space<hbm>>
    tpu.enqueue_dma source(%dma_start3A_106 : memref<1024xi32, #tpu.memory_space<hbm>>) target(%dma_start3A_104 : memref<1024xi32, #tpu.memory_space<vmem>>) target_semaphore(%arg11 : memref<!tpu.dma_semaphore, #tpu.memory_space<semaphore_mem>>)
    %mul3A_107 = arith.constant 20 : i32
    %mul3A_108 = arith.muli %select_n3A, %mul3A_107 : i32
    %add3A_109 = arith.constant 5 : i32
    %add3A_110 = arith.addi %mul3A_108, %add3A_109 : i32
    %dma_start3A_111 = arith.constant 5 : i32
    %dma_start3A_112 = arith.constant 0 : i32
    %dma_start3A_113 = tpu.memref_slice %arg7[%dma_start3A_111, %dma_start3A_112] : memref<20x1024xi32, #tpu.memory_space<vmem>> -> memref<1x1024xi32, #tpu.memory_space<vmem>>
    %dma_start3A_114 = tpu.memref_squeeze %dma_start3A_113 : memref<1x1024xi32, #tpu.memory_space<vmem>> -> memref<1024xi32, #tpu.memory_space<vmem>>
    %dma_start3A_115 = tpu.memref_slice %arg3[%add3A_110, %mul3A_32] : memref<160x4096xi32, #tpu.memory_space<hbm>> -> memref<1x1024xi32, #tpu.memory_space<hbm>>
    %dma_start3A_116 = tpu.memref_squeeze %dma_start3A_115 : memref<1x1024xi32, #tpu.memory_space<hbm>> -> memref<1024xi32, #tpu.memory_space<hbm>>
    %dma_start3A_117 = arith.constant 0 : i32
    %dma_start3A_118 = tpu.memref_slice %arg7[%dma_start3A_111, %dma_start3A_117] : memref<20x1024xi32, #tpu.memory_space<vmem>> -> memref<1x1024xi32, #tpu.memory_space<vmem>>
    %dma_start3A_119 = tpu.memref_squeeze %dma_start3A_118 : memref<1x1024xi32, #tpu.memory_space<vmem>> -> memref<1024xi32, #tpu.memory_space<vmem>>
    %dma_start3A_120 = tpu.memref_slice %arg3[%add3A_110, %mul3A_32] : memref<160x4096xi32, #tpu.memory_space<hbm>> -> memref<1x1024xi32, #tpu.memory_space<hbm>>
    %dma_start3A_121 = tpu.memref_squeeze %dma_start3A_120 : memref<1x1024xi32, #tpu.memory_space<hbm>> -> memref<1024xi32, #tpu.memory_space<hbm>>
    tpu.enqueue_dma source(%dma_start3A_121 : memref<1024xi32, #tpu.memory_space<hbm>>) target(%dma_start3A_119 : memref<1024xi32, #tpu.memory_space<vmem>>) target_semaphore(%arg11 : memref<!tpu.dma_semaphore, #tpu.memory_space<semaphore_mem>>)
    %mul3A_122 = arith.constant 20 : i32
    %mul3A_123 = arith.muli %select_n3A, %mul3A_122 : i32
    %add3A_124 = arith.constant 6 : i32
    %add3A_125 = arith.addi %mul3A_123, %add3A_124 : i32
    %dma_start3A_126 = arith.constant 6 : i32
    %dma_start3A_127 = arith.constant 0 : i32
    %dma_start3A_128 = tpu.memref_slice %arg7[%dma_start3A_126, %dma_start3A_127] : memref<20x1024xi32, #tpu.memory_space<vmem>> -> memref<1x1024xi32, #tpu.memory_space<vmem>>
    %dma_start3A_129 = tpu.memref_squeeze %dma_start3A_128 : memref<1x1024xi32, #tpu.memory_space<vmem>> -> memref<1024xi32, #tpu.memory_space<vmem>>
    %dma_start3A_130 = tpu.memref_slice %arg3[%add3A_125, %mul3A_32] : memref<160x4096xi32, #tpu.memory_space<hbm>> -> memref<1x1024xi32, #tpu.memory_space<hbm>>
    %dma_start3A_131 = tpu.memref_squeeze %dma_start3A_130 : memref<1x1024xi32, #tpu.memory_space<hbm>> -> memref<1024xi32, #tpu.memory_space<hbm>>
    %dma_start3A_132 = arith.constant 0 : i32
    %dma_start3A_133 = tpu.memref_slice %arg7[%dma_start3A_126, %dma_start3A_132] : memref<20x1024xi32, #tpu.memory_space<vmem>> -> memref<1x1024xi32, #tpu.memory_space<vmem>>
    %dma_start3A_134 = tpu.memref_squeeze %dma_start3A_133 : memref<1x1024xi32, #tpu.memory_space<vmem>> -> memref<1024xi32, #tpu.memory_space<vmem>>
    %dma_start3A_135 = tpu.memref_slice %arg3[%add3A_125, %mul3A_32] : memref<160x4096xi32, #tpu.memory_space<hbm>> -> memref<1x1024xi32, #tpu.memory_space<hbm>>
    %dma_start3A_136 = tpu.memref_squeeze %dma_start3A_135 : memref<1x1024xi32, #tpu.memory_space<hbm>> -> memref<1024xi32, #tpu.memory_space<hbm>>
    tpu.enqueue_dma source(%dma_start3A_136 : memref<1024xi32, #tpu.memory_space<hbm>>) target(%dma_start3A_134 : memref<1024xi32, #tpu.memory_space<vmem>>) target_semaphore(%arg11 : memref<!tpu.dma_semaphore, #tpu.memory_space<semaphore_mem>>)
    %mul3A_137 = arith.constant 20 : i32
    %mul3A_138 = arith.muli %select_n3A, %mul3A_137 : i32
    %add3A_139 = arith.constant 7 : i32
    %add3A_140 = arith.addi %mul3A_138, %add3A_139 : i32
    %dma_start3A_141 = arith.constant 7 : i32
    %dma_start3A_142 = arith.constant 0 : i32
    %dma_start3A_143 = tpu.memref_slice %arg7[%dma_start3A_141, %dma_start3A_142] : memref<20x1024xi32, #tpu.memory_space<vmem>> -> memref<1x1024xi32, #tpu.memory_space<vmem>>
    %dma_start3A_144 = tpu.memref_squeeze %dma_start3A_143 : memref<1x1024xi32, #tpu.memory_space<vmem>> -> memref<1024xi32, #tpu.memory_space<vmem>>
    %dma_start3A_145 = tpu.memref_slice %arg3[%add3A_140, %mul3A_32] : memref<160x4096xi32, #tpu.memory_space<hbm>> -> memref<1x1024xi32, #tpu.memory_space<hbm>>
    %dma_start3A_146 = tpu.memref_squeeze %dma_start3A_145 : memref<1x1024xi32, #tpu.memory_space<hbm>> -> memref<1024xi32, #tpu.memory_space<hbm>>
    %dma_start3A_147 = arith.constant 0 : i32
    %dma_start3A_148 = tpu.memref_slice %arg7[%dma_start3A_141, %dma_start3A_147] : memref<20x1024xi32, #tpu.memory_space<vmem>> -> memref<1x1024xi32, #tpu.memory_space<vmem>>
    %dma_start3A_149 = tpu.memref_squeeze %dma_start3A_148 : memref<1x1024xi32, #tpu.memory_space<vmem>> -> memref<1024xi32, #tpu.memory_space<vmem>>
    %dma_start3A_150 = tpu.memref_slice %arg3[%add3A_140, %mul3A_32] : memref<160x4096xi32, #tpu.memory_space<hbm>> -> memref<1x1024xi32, #tpu.memory_space<hbm>>
    %dma_start3A_151 = tpu.memref_squeeze %dma_start3A_150 : memref<1x1024xi32, #tpu.memory_space<hbm>> -> memref<1024xi32, #tpu.memory_space<hbm>>
    tpu.enqueue_dma source(%dma_start3A_151 : memref<1024xi32, #tpu.memory_space<hbm>>) target(%dma_start3A_149 : memref<1024xi32, #tpu.memory_space<vmem>>) target_semaphore(%arg11 : memref<!tpu.dma_semaphore, #tpu.memory_space<semaphore_mem>>)
    %mul3A_152 = arith.constant 20 : i32
    %mul3A_153 = arith.muli %select_n3A, %mul3A_152 : i32
    %add3A_154 = arith.constant 8 : i32
    %add3A_155 = arith.addi %mul3A_153, %add3A_154 : i32
    %dma_start3A_156 = arith.constant 8 : i32
    %dma_start3A_157 = arith.constant 0 : i32
    %dma_start3A_158 = tpu.memref_slice %arg7[%dma_start3A_156, %dma_start3A_157] : memref<20x1024xi32, #tpu.memory_space<vmem>> -> memref<1x1024xi32, #tpu.memory_space<vmem>>
    %dma_start3A_159 = tpu.memref_squeeze %dma_start3A_158 : memref<1x1024xi32, #tpu.memory_space<vmem>> -> memref<1024xi32, #tpu.memory_space<vmem>>
    %dma_start3A_160 = tpu.memref_slice %arg3[%add3A_155, %mul3A_32] : memref<160x4096xi32, #tpu.memory_space<hbm>> -> memref<1x1024xi32, #tpu.memory_space<hbm>>
    %dma_start3A_161 = tpu.memref_squeeze %dma_start3A_160 : memref<1x1024xi32, #tpu.memory_space<hbm>> -> memref<1024xi32, #tpu.memory_space<hbm>>
    %dma_start3A_162 = arith.constant 0 : i32
    %dma_start3A_163 = tpu.memref_slice %arg7[%dma_start3A_156, %dma_start3A_162] : memref<20x1024xi32, #tpu.memory_space<vmem>> -> memref<1x1024xi32, #tpu.memory_space<vmem>>
    %dma_start3A_164 = tpu.memref_squeeze %dma_start3A_163 : memref<1x1024xi32, #tpu.memory_space<vmem>> -> memref<1024xi32, #tpu.memory_space<vmem>>
    %dma_start3A_165 = tpu.memref_slice %arg3[%add3A_155, %mul3A_32] : memref<160x4096xi32, #tpu.memory_space<hbm>> -> memref<1x1024xi32, #tpu.memory_space<hbm>>
    %dma_start3A_166 = tpu.memref_squeeze %dma_start3A_165 : memref<1x1024xi32, #tpu.memory_space<hbm>> -> memref<1024xi32, #tpu.memory_space<hbm>>
    tpu.enqueue_dma source(%dma_start3A_166 : memref<1024xi32, #tpu.memory_space<hbm>>) target(%dma_start3A_164 : memref<1024xi32, #tpu.memory_space<vmem>>) target_semaphore(%arg11 : memref<!tpu.dma_semaphore, #tpu.memory_space<semaphore_mem>>)
    %mul3A_167 = arith.constant 20 : i32
    %mul3A_168 = arith.muli %select_n3A, %mul3A_167 : i32
    %add3A_169 = arith.constant 9 : i32
    %add3A_170 = arith.addi %mul3A_168, %add3A_169 : i32
    %dma_start3A_171 = arith.constant 9 : i32
    %dma_start3A_172 = arith.constant 0 : i32
    %dma_start3A_173 = tpu.memref_slice %arg7[%dma_start3A_171, %dma_start3A_172] : memref<20x1024xi32, #tpu.memory_space<vmem>> -> memref<1x1024xi32, #tpu.memory_space<vmem>>
    %dma_start3A_174 = tpu.memref_squeeze %dma_start3A_173 : memref<1x1024xi32, #tpu.memory_space<vmem>> -> memref<1024xi32, #tpu.memory_space<vmem>>
    %dma_start3A_175 = tpu.memref_slice %arg3[%add3A_170, %mul3A_32] : memref<160x4096xi32, #tpu.memory_space<hbm>> -> memref<1x1024xi32, #tpu.memory_space<hbm>>
    %dma_start3A_176 = tpu.memref_squeeze %dma_start3A_175 : memref<1x1024xi32, #tpu.memory_space<hbm>> -> memref<1024xi32, #tpu.memory_space<hbm>>
    %dma_start3A_177 = arith.constant 0 : i32
    %dma_start3A_178 = tpu.memref_slice %arg7[%dma_start3A_171, %dma_start3A_177] : memref<20x1024xi32, #tpu.memory_space<vmem>> -> memref<1x1024xi32, #tpu.memory_space<vmem>>
    %dma_start3A_179 = tpu.memref_squeeze %dma_start3A_178 : memref<1x1024xi32, #tpu.memory_space<vmem>> -> memref<1024xi32, #tpu.memory_space<vmem>>
    %dma_start3A_180 = tpu.memref_slice %arg3[%add3A_170, %mul3A_32] : memref<160x4096xi32, #tpu.memory_space<hbm>> -> memref<1x1024xi32, #tpu.memory_space<hbm>>
    %dma_start3A_181 = tpu.memref_squeeze %dma_start3A_180 : memref<1x1024xi32, #tpu.memory_space<hbm>> -> memref<1024xi32, #tpu.memory_space<hbm>>
    tpu.enqueue_dma source(%dma_start3A_181 : memref<1024xi32, #tpu.memory_space<hbm>>) target(%dma_start3A_179 : memref<1024xi32, #tpu.memory_space<vmem>>) target_semaphore(%arg11 : memref<!tpu.dma_semaphore, #tpu.memory_space<semaphore_mem>>)
    %mul3A_182 = arith.constant 20 : i32
    %mul3A_183 = arith.muli %select_n3A, %mul3A_182 : i32
    %add3A_184 = arith.constant 10 : i32
    %add3A_185 = arith.addi %mul3A_183, %add3A_184 : i32
    %dma_start3A_186 = arith.constant 10 : i32
    %dma_start3A_187 = arith.constant 0 : i32
    %dma_start3A_188 = tpu.memref_slice %arg7[%dma_start3A_186, %dma_start3A_187] : memref<20x1024xi32, #tpu.memory_space<vmem>> -> memref<1x1024xi32, #tpu.memory_space<vmem>>
    %dma_start3A_189 = tpu.memref_squeeze %dma_start3A_188 : memref<1x1024xi32, #tpu.memory_space<vmem>> -> memref<1024xi32, #tpu.memory_space<vmem>>
    %dma_start3A_190 = tpu.memref_slice %arg3[%add3A_185, %mul3A_32] : memref<160x4096xi32, #tpu.memory_space<hbm>> -> memref<1x1024xi32, #tpu.memory_space<hbm>>
    %dma_start3A_191 = tpu.memref_squeeze %dma_start3A_190 : memref<1x1024xi32, #tpu.memory_space<hbm>> -> memref<1024xi32, #tpu.memory_space<hbm>>
    %dma_start3A_192 = arith.constant 0 : i32
    %dma_start3A_193 = tpu.memref_slice %arg7[%dma_start3A_186, %dma_start3A_192] : memref<20x1024xi32, #tpu.memory_space<vmem>> -> memref<1x1024xi32, #tpu.memory_space<vmem>>
    %dma_start3A_194 = tpu.memref_squeeze %dma_start3A_193 : memref<1x1024xi32, #tpu.memory_space<vmem>> -> memref<1024xi32, #tpu.memory_space<vmem>>
    %dma_start3A_195 = tpu.memref_slice %arg3[%add3A_185, %mul3A_32] : memref<160x4096xi32, #tpu.memory_space<hbm>> -> memref<1x1024xi32, #tpu.memory_space<hbm>>
    %dma_start3A_196 = tpu.memref_squeeze %dma_start3A_195 : memref<1x1024xi32, #tpu.memory_space<hbm>> -> memref<1024xi32, #tpu.memory_space<hbm>>
    tpu.enqueue_dma source(%dma_start3A_196 : memref<1024xi32, #tpu.memory_space<hbm>>) target(%dma_start3A_194 : memref<1024xi32, #tpu.memory_space<vmem>>) target_semaphore(%arg11 : memref<!tpu.dma_semaphore, #tpu.memory_space<semaphore_mem>>)
    %mul3A_197 = arith.constant 20 : i32
    %mul3A_198 = arith.muli %select_n3A, %mul3A_197 : i32
    %add3A_199 = arith.constant 11 : i32
    %add3A_200 = arith.addi %mul3A_198, %add3A_199 : i32
    %dma_start3A_201 = arith.constant 11 : i32
    %dma_start3A_202 = arith.constant 0 : i32
    %dma_start3A_203 = tpu.memref_slice %arg7[%dma_start3A_201, %dma_start3A_202] : memref<20x1024xi32, #tpu.memory_space<vmem>> -> memref<1x1024xi32, #tpu.memory_space<vmem>>
    %dma_start3A_204 = tpu.memref_squeeze %dma_start3A_203 : memref<1x1024xi32, #tpu.memory_space<vmem>> -> memref<1024xi32, #tpu.memory_space<vmem>>
    %dma_start3A_205 = tpu.memref_slice %arg3[%add3A_200, %mul3A_32] : memref<160x4096xi32, #tpu.memory_space<hbm>> -> memref<1x1024xi32, #tpu.memory_space<hbm>>
    %dma_start3A_206 = tpu.memref_squeeze %dma_start3A_205 : memref<1x1024xi32, #tpu.memory_space<hbm>> -> memref<1024xi32, #tpu.memory_space<hbm>>
    %dma_start3A_207 = arith.constant 0 : i32
    %dma_start3A_208 = tpu.memref_slice %arg7[%dma_start3A_201, %dma_start3A_207] : memref<20x1024xi32, #tpu.memory_space<vmem>> -> memref<1x1024xi32, #tpu.memory_space<vmem>>
    %dma_start3A_209 = tpu.memref_squeeze %dma_start3A_208 : memref<1x1024xi32, #tpu.memory_space<vmem>> -> memref<1024xi32, #tpu.memory_space<vmem>>
    %dma_start3A_210 = tpu.memref_slice %arg3[%add3A_200, %mul3A_32] : memref<160x4096xi32, #tpu.memory_space<hbm>> -> memref<1x1024xi32, #tpu.memory_space<hbm>>
    %dma_start3A_211 = tpu.memref_squeeze %dma_start3A_210 : memref<1x1024xi32, #tpu.memory_space<hbm>> -> memref<1024xi32, #tpu.memory_space<hbm>>
    tpu.enqueue_dma source(%dma_start3A_211 : memref<1024xi32, #tpu.memory_space<hbm>>) target(%dma_start3A_209 : memref<1024xi32, #tpu.memory_space<vmem>>) target_semaphore(%arg11 : memref<!tpu.dma_semaphore, #tpu.memory_space<semaphore_mem>>)
    %mul3A_212 = arith.constant 20 : i32
    %mul3A_213 = arith.muli %select_n3A, %mul3A_212 : i32
    %add3A_214 = arith.constant 12 : i32
    %add3A_215 = arith.addi %mul3A_213, %add3A_214 : i32
    %dma_start3A_216 = arith.constant 12 : i32
    %dma_start3A_217 = arith.constant 0 : i32
    %dma_start3A_218 = tpu.memref_slice %arg7[%dma_start3A_216, %dma_start3A_217] : memref<20x1024xi32, #tpu.memory_space<vmem>> -> memref<1x1024xi32, #tpu.memory_space<vmem>>
    %dma_start3A_219 = tpu.memref_squeeze %dma_start3A_218 : memref<1x1024xi32, #tpu.memory_space<vmem>> -> memref<1024xi32, #tpu.memory_space<vmem>>
    %dma_start3A_220 = tpu.memref_slice %arg3[%add3A_215, %mul3A_32] : memref<160x4096xi32, #tpu.memory_space<hbm>> -> memref<1x1024xi32, #tpu.memory_space<hbm>>
    %dma_start3A_221 = tpu.memref_squeeze %dma_start3A_220 : memref<1x1024xi32, #tpu.memory_space<hbm>> -> memref<1024xi32, #tpu.memory_space<hbm>>
    %dma_start3A_222 = arith.constant 0 : i32
    %dma_start3A_223 = tpu.memref_slice %arg7[%dma_start3A_216, %dma_start3A_222] : memref<20x1024xi32, #tpu.memory_space<vmem>> -> memref<1x1024xi32, #tpu.memory_space<vmem>>
    %dma_start3A_224 = tpu.memref_squeeze %dma_start3A_223 : memref<1x1024xi32, #tpu.memory_space<vmem>> -> memref<1024xi32, #tpu.memory_space<vmem>>
    %dma_start3A_225 = tpu.memref_slice %arg3[%add3A_215, %mul3A_32] : memref<160x4096xi32, #tpu.memory_space<hbm>> -> memref<1x1024xi32, #tpu.memory_space<hbm>>
    %dma_start3A_226 = tpu.memref_squeeze %dma_start3A_225 : memref<1x1024xi32, #tpu.memory_space<hbm>> -> memref<1024xi32, #tpu.memory_space<hbm>>
    tpu.enqueue_dma source(%dma_start3A_226 : memref<1024xi32, #tpu.memory_space<hbm>>) target(%dma_start3A_224 : memref<1024xi32, #tpu.memory_space<vmem>>) target_semaphore(%arg11 : memref<!tpu.dma_semaphore, #tpu.memory_space<semaphore_mem>>)
    %mul3A_227 = arith.constant 20 : i32
    %mul3A_228 = arith.muli %select_n3A, %mul3A_227 : i32
    %add3A_229 = arith.constant 13 : i32
    %add3A_230 = arith.addi %mul3A_228, %add3A_229 : i32
    %dma_start3A_231 = arith.constant 13 : i32
    %dma_start3A_232 = arith.constant 0 : i32
    %dma_start3A_233 = tpu.memref_slice %arg7[%dma_start3A_231, %dma_start3A_232] : memref<20x1024xi32, #tpu.memory_space<vmem>> -> memref<1x1024xi32, #tpu.memory_space<vmem>>
    %dma_start3A_234 = tpu.memref_squeeze %dma_start3A_233 : memref<1x1024xi32, #tpu.memory_space<vmem>> -> memref<1024xi32, #tpu.memory_space<vmem>>
    %dma_start3A_235 = tpu.memref_slice %arg3[%add3A_230, %mul3A_32] : memref<160x4096xi32, #tpu.memory_space<hbm>> -> memref<1x1024xi32, #tpu.memory_space<hbm>>
    %dma_start3A_236 = tpu.memref_squeeze %dma_start3A_235 : memref<1x1024xi32, #tpu.memory_space<hbm>> -> memref<1024xi32, #tpu.memory_space<hbm>>
    %dma_start3A_237 = arith.constant 0 : i32
    %dma_start3A_238 = tpu.memref_slice %arg7[%dma_start3A_231, %dma_start3A_237] : memref<20x1024xi32, #tpu.memory_space<vmem>> -> memref<1x1024xi32, #tpu.memory_space<vmem>>
    %dma_start3A_239 = tpu.memref_squeeze %dma_start3A_238 : memref<1x1024xi32, #tpu.memory_space<vmem>> -> memref<1024xi32, #tpu.memory_space<vmem>>
    %dma_start3A_240 = tpu.memref_slice %arg3[%add3A_230, %mul3A_32] : memref<160x4096xi32, #tpu.memory_space<hbm>> -> memref<1x1024xi32, #tpu.memory_space<hbm>>
    %dma_start3A_241 = tpu.memref_squeeze %dma_start3A_240 : memref<1x1024xi32, #tpu.memory_space<hbm>> -> memref<1024xi32, #tpu.memory_space<hbm>>
    tpu.enqueue_dma source(%dma_start3A_241 : memref<1024xi32, #tpu.memory_space<hbm>>) target(%dma_start3A_239 : memref<1024xi32, #tpu.memory_space<vmem>>) target_semaphore(%arg11 : memref<!tpu.dma_semaphore, #tpu.memory_space<semaphore_mem>>)
    %mul3A_242 = arith.constant 20 : i32
    %mul3A_243 = arith.muli %select_n3A, %mul3A_242 : i32
    %add3A_244 = arith.constant 14 : i32
    %add3A_245 = arith.addi %mul3A_243, %add3A_244 : i32
    %dma_start3A_246 = arith.constant 14 : i32
    %dma_start3A_247 = arith.constant 0 : i32
    %dma_start3A_248 = tpu.memref_slice %arg7[%dma_start3A_246, %dma_start3A_247] : memref<20x1024xi32, #tpu.memory_space<vmem>> -> memref<1x1024xi32, #tpu.memory_space<vmem>>
    %dma_start3A_249 = tpu.memref_squeeze %dma_start3A_248 : memref<1x1024xi32, #tpu.memory_space<vmem>> -> memref<1024xi32, #tpu.memory_space<vmem>>
    %dma_start3A_250 = tpu.memref_slice %arg3[%add3A_245, %mul3A_32] : memref<160x4096xi32, #tpu.memory_space<hbm>> -> memref<1x1024xi32, #tpu.memory_space<hbm>>
    %dma_start3A_251 = tpu.memref_squeeze %dma_start3A_250 : memref<1x1024xi32, #tpu.memory_space<hbm>> -> memref<1024xi32, #tpu.memory_space<hbm>>
    %dma_start3A_252 = arith.constant 0 : i32
    %dma_start3A_253 = tpu.memref_slice %arg7[%dma_start3A_246, %dma_start3A_252] : memref<20x1024xi32, #tpu.memory_space<vmem>> -> memref<1x1024xi32, #tpu.memory_space<vmem>>
    %dma_start3A_254 = tpu.memref_squeeze %dma_start3A_253 : memref<1x1024xi32, #tpu.memory_space<vmem>> -> memref<1024xi32, #tpu.memory_space<vmem>>
    %dma_start3A_255 = tpu.memref_slice %arg3[%add3A_245, %mul3A_32] : memref<160x4096xi32, #tpu.memory_space<hbm>> -> memref<1x1024xi32, #tpu.memory_space<hbm>>
    %dma_start3A_256 = tpu.memref_squeeze %dma_start3A_255 : memref<1x1024xi32, #tpu.memory_space<hbm>> -> memref<1024xi32, #tpu.memory_space<hbm>>
    tpu.enqueue_dma source(%dma_start3A_256 : memref<1024xi32, #tpu.memory_space<hbm>>) target(%dma_start3A_254 : memref<1024xi32, #tpu.memory_space<vmem>>) target_semaphore(%arg11 : memref<!tpu.dma_semaphore, #tpu.memory_space<semaphore_mem>>)
    %mul3A_257 = arith.constant 20 : i32
    %mul3A_258 = arith.muli %select_n3A, %mul3A_257 : i32
    %add3A_259 = arith.constant 15 : i32
    %add3A_260 = arith.addi %mul3A_258, %add3A_259 : i32
    %dma_start3A_261 = arith.constant 15 : i32
    %dma_start3A_262 = arith.constant 0 : i32
    %dma_start3A_263 = tpu.memref_slice %arg7[%dma_start3A_261, %dma_start3A_262] : memref<20x1024xi32, #tpu.memory_space<vmem>> -> memref<1x1024xi32, #tpu.memory_space<vmem>>
    %dma_start3A_264 = tpu.memref_squeeze %dma_start3A_263 : memref<1x1024xi32, #tpu.memory_space<vmem>> -> memref<1024xi32, #tpu.memory_space<vmem>>
    %dma_start3A_265 = tpu.memref_slice %arg3[%add3A_260, %mul3A_32] : memref<160x4096xi32, #tpu.memory_space<hbm>> -> memref<1x1024xi32, #tpu.memory_space<hbm>>
    %dma_start3A_266 = tpu.memref_squeeze %dma_start3A_265 : memref<1x1024xi32, #tpu.memory_space<hbm>> -> memref<1024xi32, #tpu.memory_space<hbm>>
    %dma_start3A_267 = arith.constant 0 : i32
    %dma_start3A_268 = tpu.memref_slice %arg7[%dma_start3A_261, %dma_start3A_267] : memref<20x1024xi32, #tpu.memory_space<vmem>> -> memref<1x1024xi32, #tpu.memory_space<vmem>>
    %dma_start3A_269 = tpu.memref_squeeze %dma_start3A_268 : memref<1x1024xi32, #tpu.memory_space<vmem>> -> memref<1024xi32, #tpu.memory_space<vmem>>
    %dma_start3A_270 = tpu.memref_slice %arg3[%add3A_260, %mul3A_32] : memref<160x4096xi32, #tpu.memory_space<hbm>> -> memref<1x1024xi32, #tpu.memory_space<hbm>>
    %dma_start3A_271 = tpu.memref_squeeze %dma_start3A_270 : memref<1x1024xi32, #tpu.memory_space<hbm>> -> memref<1024xi32, #tpu.memory_space<hbm>>
    tpu.enqueue_dma source(%dma_start3A_271 : memref<1024xi32, #tpu.memory_space<hbm>>) target(%dma_start3A_269 : memref<1024xi32, #tpu.memory_space<vmem>>) target_semaphore(%arg11 : memref<!tpu.dma_semaphore, #tpu.memory_space<semaphore_mem>>)
    %mul3A_272 = arith.constant 20 : i32
    %mul3A_273 = arith.muli %select_n3A, %mul3A_272 : i32
    %add3A_274 = arith.constant 16 : i32
    %add3A_275 = arith.addi %mul3A_273, %add3A_274 : i32
    %dma_start3A_276 = arith.constant 16 : i32
    %dma_start3A_277 = arith.constant 0 : i32
    %dma_start3A_278 = tpu.memref_slice %arg7[%dma_start3A_276, %dma_start3A_277] : memref<20x1024xi32, #tpu.memory_space<vmem>> -> memref<1x1024xi32, #tpu.memory_space<vmem>>
    %dma_start3A_279 = tpu.memref_squeeze %dma_start3A_278 : memref<1x1024xi32, #tpu.memory_space<vmem>> -> memref<1024xi32, #tpu.memory_space<vmem>>
    %dma_start3A_280 = tpu.memref_slice %arg3[%add3A_275, %mul3A_32] : memref<160x4096xi32, #tpu.memory_space<hbm>> -> memref<1x1024xi32, #tpu.memory_space<hbm>>
    %dma_start3A_281 = tpu.memref_squeeze %dma_start3A_280 : memref<1x1024xi32, #tpu.memory_space<hbm>> -> memref<1024xi32, #tpu.memory_space<hbm>>
    %dma_start3A_282 = arith.constant 0 : i32
    %dma_start3A_283 = tpu.memref_slice %arg7[%dma_start3A_276, %dma_start3A_282] : memref<20x1024xi32, #tpu.memory_space<vmem>> -> memref<1x1024xi32, #tpu.memory_space<vmem>>
    %dma_start3A_284 = tpu.memref_squeeze %dma_start3A_283 : memref<1x1024xi32, #tpu.memory_space<vmem>> -> memref<1024xi32, #tpu.memory_space<vmem>>
    %dma_start3A_285 = tpu.memref_slice %arg3[%add3A_275, %mul3A_32] : memref<160x4096xi32, #tpu.memory_space<hbm>> -> memref<1x1024xi32, #tpu.memory_space<hbm>>
    %dma_start3A_286 = tpu.memref_squeeze %dma_start3A_285 : memref<1x1024xi32, #tpu.memory_space<hbm>> -> memref<1024xi32, #tpu.memory_space<hbm>>
    tpu.enqueue_dma source(%dma_start3A_286 : memref<1024xi32, #tpu.memory_space<hbm>>) target(%dma_start3A_284 : memref<1024xi32, #tpu.memory_space<vmem>>) target_semaphore(%arg11 : memref<!tpu.dma_semaphore, #tpu.memory_space<semaphore_mem>>)
    %mul3A_287 = arith.constant 20 : i32
    %mul3A_288 = arith.muli %select_n3A, %mul3A_287 : i32
    %add3A_289 = arith.constant 17 : i32
    %add3A_290 = arith.addi %mul3A_288, %add3A_289 : i32
    %dma_start3A_291 = arith.constant 17 : i32
    %dma_start3A_292 = arith.constant 0 : i32
    %dma_start3A_293 = tpu.memref_slice %arg7[%dma_start3A_291, %dma_start3A_292] : memref<20x1024xi32, #tpu.memory_space<vmem>> -> memref<1x1024xi32, #tpu.memory_space<vmem>>
    %dma_start3A_294 = tpu.memref_squeeze %dma_start3A_293 : memref<1x1024xi32, #tpu.memory_space<vmem>> -> memref<1024xi32, #tpu.memory_space<vmem>>
    %dma_start3A_295 = tpu.memref_slice %arg3[%add3A_290, %mul3A_32] : memref<160x4096xi32, #tpu.memory_space<hbm>> -> memref<1x1024xi32, #tpu.memory_space<hbm>>
    %dma_start3A_296 = tpu.memref_squeeze %dma_start3A_295 : memref<1x1024xi32, #tpu.memory_space<hbm>> -> memref<1024xi32, #tpu.memory_space<hbm>>
    %dma_start3A_297 = arith.constant 0 : i32
    %dma_start3A_298 = tpu.memref_slice %arg7[%dma_start3A_291, %dma_start3A_297] : memref<20x1024xi32, #tpu.memory_space<vmem>> -> memref<1x1024xi32, #tpu.memory_space<vmem>>
    %dma_start3A_299 = tpu.memref_squeeze %dma_start3A_298 : memref<1x1024xi32, #tpu.memory_space<vmem>> -> memref<1024xi32, #tpu.memory_space<vmem>>
    %dma_start3A_300 = tpu.memref_slice %arg3[%add3A_290, %mul3A_32] : memref<160x4096xi32, #tpu.memory_space<hbm>> -> memref<1x1024xi32, #tpu.memory_space<hbm>>
    %dma_start3A_301 = tpu.memref_squeeze %dma_start3A_300 : memref<1x1024xi32, #tpu.memory_space<hbm>> -> memref<1024xi32, #tpu.memory_space<hbm>>
    tpu.enqueue_dma source(%dma_start3A_301 : memref<1024xi32, #tpu.memory_space<hbm>>) target(%dma_start3A_299 : memref<1024xi32, #tpu.memory_space<vmem>>) target_semaphore(%arg11 : memref<!tpu.dma_semaphore, #tpu.memory_space<semaphore_mem>>)
    %mul3A_302 = arith.constant 20 : i32
    %mul3A_303 = arith.muli %select_n3A, %mul3A_302 : i32
    %add3A_304 = arith.constant 18 : i32
    %add3A_305 = arith.addi %mul3A_303, %add3A_304 : i32
    %dma_start3A_306 = arith.constant 18 : i32
    %dma_start3A_307 = arith.constant 0 : i32
    %dma_start3A_308 = tpu.memref_slice %arg7[%dma_start3A_306, %dma_start3A_307] : memref<20x1024xi32, #tpu.memory_space<vmem>> -> memref<1x1024xi32, #tpu.memory_space<vmem>>
    %dma_start3A_309 = tpu.memref_squeeze %dma_start3A_308 : memref<1x1024xi32, #tpu.memory_space<vmem>> -> memref<1024xi32, #tpu.memory_space<vmem>>
    %dma_start3A_310 = tpu.memref_slice %arg3[%add3A_305, %mul3A_32] : memref<160x4096xi32, #tpu.memory_space<hbm>> -> memref<1x1024xi32, #tpu.memory_space<hbm>>
    %dma_start3A_311 = tpu.memref_squeeze %dma_start3A_310 : memref<1x1024xi32, #tpu.memory_space<hbm>> -> memref<1024xi32, #tpu.memory_space<hbm>>
    %dma_start3A_312 = arith.constant 0 : i32
    %dma_start3A_313 = tpu.memref_slice %arg7[%dma_start3A_306, %dma_start3A_312] : memref<20x1024xi32, #tpu.memory_space<vmem>> -> memref<1x1024xi32, #tpu.memory_space<vmem>>
    %dma_start3A_314 = tpu.memref_squeeze %dma_start3A_313 : memref<1x1024xi32, #tpu.memory_space<vmem>> -> memref<1024xi32, #tpu.memory_space<vmem>>
    %dma_start3A_315 = tpu.memref_slice %arg3[%add3A_305, %mul3A_32] : memref<160x4096xi32, #tpu.memory_space<hbm>> -> memref<1x1024xi32, #tpu.memory_space<hbm>>
    %dma_start3A_316 = tpu.memref_squeeze %dma_start3A_315 : memref<1x1024xi32, #tpu.memory_space<hbm>> -> memref<1024xi32, #tpu.memory_space<hbm>>
    tpu.enqueue_dma source(%dma_start3A_316 : memref<1024xi32, #tpu.memory_space<hbm>>) target(%dma_start3A_314 : memref<1024xi32, #tpu.memory_space<vmem>>) target_semaphore(%arg11 : memref<!tpu.dma_semaphore, #tpu.memory_space<semaphore_mem>>)
    %mul3A_317 = arith.constant 20 : i32
    %mul3A_318 = arith.muli %select_n3A, %mul3A_317 : i32
    %add3A_319 = arith.constant 19 : i32
    %add3A_320 = arith.addi %mul3A_318, %add3A_319 : i32
    %dma_start3A_321 = arith.constant 19 : i32
    %dma_start3A_322 = arith.constant 0 : i32
    %dma_start3A_323 = tpu.memref_slice %arg7[%dma_start3A_321, %dma_start3A_322] : memref<20x1024xi32, #tpu.memory_space<vmem>> -> memref<1x1024xi32, #tpu.memory_space<vmem>>
    %dma_start3A_324 = tpu.memref_squeeze %dma_start3A_323 : memref<1x1024xi32, #tpu.memory_space<vmem>> -> memref<1024xi32, #tpu.memory_space<vmem>>
    %dma_start3A_325 = tpu.memref_slice %arg3[%add3A_320, %mul3A_32] : memref<160x4096xi32, #tpu.memory_space<hbm>> -> memref<1x1024xi32, #tpu.memory_space<hbm>>
    %dma_start3A_326 = tpu.memref_squeeze %dma_start3A_325 : memref<1x1024xi32, #tpu.memory_space<hbm>> -> memref<1024xi32, #tpu.memory_space<hbm>>
    %dma_start3A_327 = arith.constant 0 : i32
    %dma_start3A_328 = tpu.memref_slice %arg7[%dma_start3A_321, %dma_start3A_327] : memref<20x1024xi32, #tpu.memory_space<vmem>> -> memref<1x1024xi32, #tpu.memory_space<vmem>>
    %dma_start3A_329 = tpu.memref_squeeze %dma_start3A_328 : memref<1x1024xi32, #tpu.memory_space<vmem>> -> memref<1024xi32, #tpu.memory_space<vmem>>
    %dma_start3A_330 = tpu.memref_slice %arg3[%add3A_320, %mul3A_32] : memref<160x4096xi32, #tpu.memory_space<hbm>> -> memref<1x1024xi32, #tpu.memory_space<hbm>>
    %dma_start3A_331 = tpu.memref_squeeze %dma_start3A_330 : memref<1x1024xi32, #tpu.memory_space<hbm>> -> memref<1024xi32, #tpu.memory_space<hbm>>
    tpu.enqueue_dma source(%dma_start3A_331 : memref<1024xi32, #tpu.memory_space<hbm>>) target(%dma_start3A_329 : memref<1024xi32, #tpu.memory_space<vmem>>) target_semaphore(%arg11 : memref<!tpu.dma_semaphore, #tpu.memory_space<semaphore_mem>>)
    "tpu.region"() ({
      %run_scoped3A = tpu.sem_alloc : memref<!tpu.dma_semaphore, #tpu.memory_space<semaphore_mem>>
      %dma_start3A_562 = tpu.memref_slice %arg4[%select_n3A, %mul3A_32] : memref<8x4096xi32, #tpu.memory_space<hbm>> -> memref<1x1024xi32, #tpu.memory_space<hbm>>
      %dma_start3A_563 = tpu.memref_squeeze %dma_start3A_562 : memref<1x1024xi32, #tpu.memory_space<hbm>> -> memref<1024xi32, #tpu.memory_space<hbm>>
      %dma_start3A_564 = tpu.memref_slice %arg4[%select_n3A, %mul3A_32] : memref<8x4096xi32, #tpu.memory_space<hbm>> -> memref<1x1024xi32, #tpu.memory_space<hbm>>
      %dma_start3A_565 = tpu.memref_squeeze %dma_start3A_564 : memref<1x1024xi32, #tpu.memory_space<hbm>> -> memref<1024xi32, #tpu.memory_space<hbm>>
      tpu.enqueue_dma source(%dma_start3A_565 : memref<1024xi32, #tpu.memory_space<hbm>>) target(%arg8 : memref<1024xi32, #tpu.memory_space<vmem>>) target_semaphore(%run_scoped3A : memref<!tpu.dma_semaphore, #tpu.memory_space<semaphore_mem>>)
      %dma_wait3A_566 = tpu.memref_slice %arg4[%select_n3A, %mul3A_32] : memref<8x4096xi32, #tpu.memory_space<hbm>> -> memref<1x1024xi32, #tpu.memory_space<hbm>>
      %dma_wait3A_567 = tpu.memref_squeeze %dma_wait3A_566 : memref<1x1024xi32, #tpu.memory_space<hbm>> -> memref<1024xi32, #tpu.memory_space<hbm>>
      %dma_wait3A_568 = tpu.memref_slice %arg4[%select_n3A, %mul3A_32] : memref<8x4096xi32, #tpu.memory_space<hbm>> -> memref<1x1024xi32, #tpu.memory_space<hbm>>
      %dma_wait3A_569 = tpu.memref_squeeze %dma_wait3A_568 : memref<1x1024xi32, #tpu.memory_space<hbm>> -> memref<1024xi32, #tpu.memory_space<hbm>>
      tpu.wait_dma2 semaphore(%run_scoped3A : memref<!tpu.dma_semaphore, #tpu.memory_space<semaphore_mem>>) src(%dma_wait3A_569 : memref<1024xi32, #tpu.memory_space<hbm>>) dst(%arg8 : memref<1024xi32, #tpu.memory_space<vmem>>)
      tpu.yield
    }) : () -> ()
    %dma_wait3A = arith.constant 0 : i32
    %dma_wait3A_332 = arith.constant 0 : i32
    %dma_wait3A_333 = tpu.memref_slice %arg7[%dma_wait3A, %dma_wait3A_332] : memref<20x1024xi32, #tpu.memory_space<vmem>> -> memref<1x1024xi32, #tpu.memory_space<vmem>>
    %dma_wait3A_334 = tpu.memref_squeeze %dma_wait3A_333 : memref<1x1024xi32, #tpu.memory_space<vmem>> -> memref<1024xi32, #tpu.memory_space<vmem>>
    %dma_wait3A_335 = tpu.memref_slice %arg3[%add3A_36, %mul3A_32] : memref<160x4096xi32, #tpu.memory_space<hbm>> -> memref<1x1024xi32, #tpu.memory_space<hbm>>
    %dma_wait3A_336 = tpu.memref_squeeze %dma_wait3A_335 : memref<1x1024xi32, #tpu.memory_space<hbm>> -> memref<1024xi32, #tpu.memory_space<hbm>>
    %dma_wait3A_337 = arith.constant 0 : i32
    %dma_wait3A_338 = tpu.memref_slice %arg7[%dma_wait3A, %dma_wait3A_337] : memref<20x1024xi32, #tpu.memory_space<vmem>> -> memref<1x1024xi32, #tpu.memory_space<vmem>>
    %dma_wait3A_339 = tpu.memref_squeeze %dma_wait3A_338 : memref<1x1024xi32, #tpu.memory_space<vmem>> -> memref<1024xi32, #tpu.memory_space<vmem>>
    %dma_wait3A_340 = tpu.memref_slice %arg3[%add3A_36, %mul3A_32] : memref<160x4096xi32, #tpu.memory_space<hbm>> -> memref<1x1024xi32, #tpu.memory_space<hbm>>
    %dma_wait3A_341 = tpu.memref_squeeze %dma_wait3A_340 : memref<1x1024xi32, #tpu.memory_space<hbm>> -> memref<1024xi32, #tpu.memory_space<hbm>>
    tpu.wait_dma2 semaphore(%arg11 : memref<!tpu.dma_semaphore, #tpu.memory_space<semaphore_mem>>) src(%dma_wait3A_341 : memref<1024xi32, #tpu.memory_space<hbm>>) dst(%dma_wait3A_339 : memref<1024xi32, #tpu.memory_space<vmem>>)
    %dma_wait3A_342 = arith.constant 1 : i32
    %dma_wait3A_343 = arith.constant 0 : i32
    %dma_wait3A_344 = tpu.memref_slice %arg7[%dma_wait3A_342, %dma_wait3A_343] : memref<20x1024xi32, #tpu.memory_space<vmem>> -> memref<1x1024xi32, #tpu.memory_space<vmem>>
    %dma_wait3A_345 = tpu.memref_squeeze %dma_wait3A_344 : memref<1x1024xi32, #tpu.memory_space<vmem>> -> memref<1024xi32, #tpu.memory_space<vmem>>
    %dma_wait3A_346 = tpu.memref_slice %arg3[%add3A_50, %mul3A_32] : memref<160x4096xi32, #tpu.memory_space<hbm>> -> memref<1x1024xi32, #tpu.memory_space<hbm>>
    %dma_wait3A_347 = tpu.memref_squeeze %dma_wait3A_346 : memref<1x1024xi32, #tpu.memory_space<hbm>> -> memref<1024xi32, #tpu.memory_space<hbm>>
    %dma_wait3A_348 = arith.constant 0 : i32
    %dma_wait3A_349 = tpu.memref_slice %arg7[%dma_wait3A_342, %dma_wait3A_348] : memref<20x1024xi32, #tpu.memory_space<vmem>> -> memref<1x1024xi32, #tpu.memory_space<vmem>>
    %dma_wait3A_350 = tpu.memref_squeeze %dma_wait3A_349 : memref<1x1024xi32, #tpu.memory_space<vmem>> -> memref<1024xi32, #tpu.memory_space<vmem>>
    %dma_wait3A_351 = tpu.memref_slice %arg3[%add3A_50, %mul3A_32] : memref<160x4096xi32, #tpu.memory_space<hbm>> -> memref<1x1024xi32, #tpu.memory_space<hbm>>
    %dma_wait3A_352 = tpu.memref_squeeze %dma_wait3A_351 : memref<1x1024xi32, #tpu.memory_space<hbm>> -> memref<1024xi32, #tpu.memory_space<hbm>>
    tpu.wait_dma2 semaphore(%arg11 : memref<!tpu.dma_semaphore, #tpu.memory_space<semaphore_mem>>) src(%dma_wait3A_352 : memref<1024xi32, #tpu.memory_space<hbm>>) dst(%dma_wait3A_350 : memref<1024xi32, #tpu.memory_space<vmem>>)
    %dma_wait3A_353 = arith.constant 2 : i32
    %dma_wait3A_354 = arith.constant 0 : i32
    %dma_wait3A_355 = tpu.memref_slice %arg7[%dma_wait3A_353, %dma_wait3A_354] : memref<20x1024xi32, #tpu.memory_space<vmem>> -> memref<1x1024xi32, #tpu.memory_space<vmem>>
    %dma_wait3A_356 = tpu.memref_squeeze %dma_wait3A_355 : memref<1x1024xi32, #tpu.memory_space<vmem>> -> memref<1024xi32, #tpu.memory_space<vmem>>
    %dma_wait3A_357 = tpu.memref_slice %arg3[%add3A_65, %mul3A_32] : memref<160x4096xi32, #tpu.memory_space<hbm>> -> memref<1x1024xi32, #tpu.memory_space<hbm>>
    %dma_wait3A_358 = tpu.memref_squeeze %dma_wait3A_357 : memref<1x1024xi32, #tpu.memory_space<hbm>> -> memref<1024xi32, #tpu.memory_space<hbm>>
    %dma_wait3A_359 = arith.constant 0 : i32
    %dma_wait3A_360 = tpu.memref_slice %arg7[%dma_wait3A_353, %dma_wait3A_359] : memref<20x1024xi32, #tpu.memory_space<vmem>> -> memref<1x1024xi32, #tpu.memory_space<vmem>>
    %dma_wait3A_361 = tpu.memref_squeeze %dma_wait3A_360 : memref<1x1024xi32, #tpu.memory_space<vmem>> -> memref<1024xi32, #tpu.memory_space<vmem>>
    %dma_wait3A_362 = tpu.memref_slice %arg3[%add3A_65, %mul3A_32] : memref<160x4096xi32, #tpu.memory_space<hbm>> -> memref<1x1024xi32, #tpu.memory_space<hbm>>
    %dma_wait3A_363 = tpu.memref_squeeze %dma_wait3A_362 : memref<1x1024xi32, #tpu.memory_space<hbm>> -> memref<1024xi32, #tpu.memory_space<hbm>>
    tpu.wait_dma2 semaphore(%arg11 : memref<!tpu.dma_semaphore, #tpu.memory_space<semaphore_mem>>) src(%dma_wait3A_363 : memref<1024xi32, #tpu.memory_space<hbm>>) dst(%dma_wait3A_361 : memref<1024xi32, #tpu.memory_space<vmem>>)
    %dma_wait3A_364 = arith.constant 3 : i32
    %dma_wait3A_365 = arith.constant 0 : i32
    %dma_wait3A_366 = tpu.memref_slice %arg7[%dma_wait3A_364, %dma_wait3A_365] : memref<20x1024xi32, #tpu.memory_space<vmem>> -> memref<1x1024xi32, #tpu.memory_space<vmem>>
    %dma_wait3A_367 = tpu.memref_squeeze %dma_wait3A_366 : memref<1x1024xi32, #tpu.memory_space<vmem>> -> memref<1024xi32, #tpu.memory_space<vmem>>
    %dma_wait3A_368 = tpu.memref_slice %arg3[%add3A_80, %mul3A_32] : memref<160x4096xi32, #tpu.memory_space<hbm>> -> memref<1x1024xi32, #tpu.memory_space<hbm>>
    %dma_wait3A_369 = tpu.memref_squeeze %dma_wait3A_368 : memref<1x1024xi32, #tpu.memory_space<hbm>> -> memref<1024xi32, #tpu.memory_space<hbm>>
    %dma_wait3A_370 = arith.constant 0 : i32
    %dma_wait3A_371 = tpu.memref_slice %arg7[%dma_wait3A_364, %dma_wait3A_370] : memref<20x1024xi32, #tpu.memory_space<vmem>> -> memref<1x1024xi32, #tpu.memory_space<vmem>>
    %dma_wait3A_372 = tpu.memref_squeeze %dma_wait3A_371 : memref<1x1024xi32, #tpu.memory_space<vmem>> -> memref<1024xi32, #tpu.memory_space<vmem>>
    %dma_wait3A_373 = tpu.memref_slice %arg3[%add3A_80, %mul3A_32] : memref<160x4096xi32, #tpu.memory_space<hbm>> -> memref<1x1024xi32, #tpu.memory_space<hbm>>
    %dma_wait3A_374 = tpu.memref_squeeze %dma_wait3A_373 : memref<1x1024xi32, #tpu.memory_space<hbm>> -> memref<1024xi32, #tpu.memory_space<hbm>>
    tpu.wait_dma2 semaphore(%arg11 : memref<!tpu.dma_semaphore, #tpu.memory_space<semaphore_mem>>) src(%dma_wait3A_374 : memref<1024xi32, #tpu.memory_space<hbm>>) dst(%dma_wait3A_372 : memref<1024xi32, #tpu.memory_space<vmem>>)
    %dma_wait3A_375 = arith.constant 4 : i32
    %dma_wait3A_376 = arith.constant 0 : i32
    %dma_wait3A_377 = tpu.memref_slice %arg7[%dma_wait3A_375, %dma_wait3A_376] : memref<20x1024xi32, #tpu.memory_space<vmem>> -> memref<1x1024xi32, #tpu.memory_space<vmem>>
    %dma_wait3A_378 = tpu.memref_squeeze %dma_wait3A_377 : memref<1x1024xi32, #tpu.memory_space<vmem>> -> memref<1024xi32, #tpu.memory_space<vmem>>
    %dma_wait3A_379 = tpu.memref_slice %arg3[%add3A_95, %mul3A_32] : memref<160x4096xi32, #tpu.memory_space<hbm>> -> memref<1x1024xi32, #tpu.memory_space<hbm>>
    %dma_wait3A_380 = tpu.memref_squeeze %dma_wait3A_379 : memref<1x1024xi32, #tpu.memory_space<hbm>> -> memref<1024xi32, #tpu.memory_space<hbm>>
    %dma_wait3A_381 = arith.constant 0 : i32
    %dma_wait3A_382 = tpu.memref_slice %arg7[%dma_wait3A_375, %dma_wait3A_381] : memref<20x1024xi32, #tpu.memory_space<vmem>> -> memref<1x1024xi32, #tpu.memory_space<vmem>>
    %dma_wait3A_383 = tpu.memref_squeeze %dma_wait3A_382 : memref<1x1024xi32, #tpu.memory_space<vmem>> -> memref<1024xi32, #tpu.memory_space<vmem>>
    %dma_wait3A_384 = tpu.memref_slice %arg3[%add3A_95, %mul3A_32] : memref<160x4096xi32, #tpu.memory_space<hbm>> -> memref<1x1024xi32, #tpu.memory_space<hbm>>
    %dma_wait3A_385 = tpu.memref_squeeze %dma_wait3A_384 : memref<1x1024xi32, #tpu.memory_space<hbm>> -> memref<1024xi32, #tpu.memory_space<hbm>>
    tpu.wait_dma2 semaphore(%arg11 : memref<!tpu.dma_semaphore, #tpu.memory_space<semaphore_mem>>) src(%dma_wait3A_385 : memref<1024xi32, #tpu.memory_space<hbm>>) dst(%dma_wait3A_383 : memref<1024xi32, #tpu.memory_space<vmem>>)
    %dma_wait3A_386 = arith.constant 5 : i32
    %dma_wait3A_387 = arith.constant 0 : i32
    %dma_wait3A_388 = tpu.memref_slice %arg7[%dma_wait3A_386, %dma_wait3A_387] : memref<20x1024xi32, #tpu.memory_space<vmem>> -> memref<1x1024xi32, #tpu.memory_space<vmem>>
    %dma_wait3A_389 = tpu.memref_squeeze %dma_wait3A_388 : memref<1x1024xi32, #tpu.memory_space<vmem>> -> memref<1024xi32, #tpu.memory_space<vmem>>
    %dma_wait3A_390 = tpu.memref_slice %arg3[%add3A_110, %mul3A_32] : memref<160x4096xi32, #tpu.memory_space<hbm>> -> memref<1x1024xi32, #tpu.memory_space<hbm>>
    %dma_wait3A_391 = tpu.memref_squeeze %dma_wait3A_390 : memref<1x1024xi32, #tpu.memory_space<hbm>> -> memref<1024xi32, #tpu.memory_space<hbm>>
    %dma_wait3A_392 = arith.constant 0 : i32
    %dma_wait3A_393 = tpu.memref_slice %arg7[%dma_wait3A_386, %dma_wait3A_392] : memref<20x1024xi32, #tpu.memory_space<vmem>> -> memref<1x1024xi32, #tpu.memory_space<vmem>>
    %dma_wait3A_394 = tpu.memref_squeeze %dma_wait3A_393 : memref<1x1024xi32, #tpu.memory_space<vmem>> -> memref<1024xi32, #tpu.memory_space<vmem>>
    %dma_wait3A_395 = tpu.memref_slice %arg3[%add3A_110, %mul3A_32] : memref<160x4096xi32, #tpu.memory_space<hbm>> -> memref<1x1024xi32, #tpu.memory_space<hbm>>
    %dma_wait3A_396 = tpu.memref_squeeze %dma_wait3A_395 : memref<1x1024xi32, #tpu.memory_space<hbm>> -> memref<1024xi32, #tpu.memory_space<hbm>>
    tpu.wait_dma2 semaphore(%arg11 : memref<!tpu.dma_semaphore, #tpu.memory_space<semaphore_mem>>) src(%dma_wait3A_396 : memref<1024xi32, #tpu.memory_space<hbm>>) dst(%dma_wait3A_394 : memref<1024xi32, #tpu.memory_space<vmem>>)
    %dma_wait3A_397 = arith.constant 6 : i32
    %dma_wait3A_398 = arith.constant 0 : i32
    %dma_wait3A_399 = tpu.memref_slice %arg7[%dma_wait3A_397, %dma_wait3A_398] : memref<20x1024xi32, #tpu.memory_space<vmem>> -> memref<1x1024xi32, #tpu.memory_space<vmem>>
    %dma_wait3A_400 = tpu.memref_squeeze %dma_wait3A_399 : memref<1x1024xi32, #tpu.memory_space<vmem>> -> memref<1024xi32, #tpu.memory_space<vmem>>
    %dma_wait3A_401 = tpu.memref_slice %arg3[%add3A_125, %mul3A_32] : memref<160x4096xi32, #tpu.memory_space<hbm>> -> memref<1x1024xi32, #tpu.memory_space<hbm>>
    %dma_wait3A_402 = tpu.memref_squeeze %dma_wait3A_401 : memref<1x1024xi32, #tpu.memory_space<hbm>> -> memref<1024xi32, #tpu.memory_space<hbm>>
    %dma_wait3A_403 = arith.constant 0 : i32
    %dma_wait3A_404 = tpu.memref_slice %arg7[%dma_wait3A_397, %dma_wait3A_403] : memref<20x1024xi32, #tpu.memory_space<vmem>> -> memref<1x1024xi32, #tpu.memory_space<vmem>>
    %dma_wait3A_405 = tpu.memref_squeeze %dma_wait3A_404 : memref<1x1024xi32, #tpu.memory_space<vmem>> -> memref<1024xi32, #tpu.memory_space<vmem>>
    %dma_wait3A_406 = tpu.memref_slice %arg3[%add3A_125, %mul3A_32] : memref<160x4096xi32, #tpu.memory_space<hbm>> -> memref<1x1024xi32, #tpu.memory_space<hbm>>
    %dma_wait3A_407 = tpu.memref_squeeze %dma_wait3A_406 : memref<1x1024xi32, #tpu.memory_space<hbm>> -> memref<1024xi32, #tpu.memory_space<hbm>>
    tpu.wait_dma2 semaphore(%arg11 : memref<!tpu.dma_semaphore, #tpu.memory_space<semaphore_mem>>) src(%dma_wait3A_407 : memref<1024xi32, #tpu.memory_space<hbm>>) dst(%dma_wait3A_405 : memref<1024xi32, #tpu.memory_space<vmem>>)
    %dma_wait3A_408 = arith.constant 7 : i32
    %dma_wait3A_409 = arith.constant 0 : i32
    %dma_wait3A_410 = tpu.memref_slice %arg7[%dma_wait3A_408, %dma_wait3A_409] : memref<20x1024xi32, #tpu.memory_space<vmem>> -> memref<1x1024xi32, #tpu.memory_space<vmem>>
    %dma_wait3A_411 = tpu.memref_squeeze %dma_wait3A_410 : memref<1x1024xi32, #tpu.memory_space<vmem>> -> memref<1024xi32, #tpu.memory_space<vmem>>
    %dma_wait3A_412 = tpu.memref_slice %arg3[%add3A_140, %mul3A_32] : memref<160x4096xi32, #tpu.memory_space<hbm>> -> memref<1x1024xi32, #tpu.memory_space<hbm>>
    %dma_wait3A_413 = tpu.memref_squeeze %dma_wait3A_412 : memref<1x1024xi32, #tpu.memory_space<hbm>> -> memref<1024xi32, #tpu.memory_space<hbm>>
    %dma_wait3A_414 = arith.constant 0 : i32
    %dma_wait3A_415 = tpu.memref_slice %arg7[%dma_wait3A_408, %dma_wait3A_414] : memref<20x1024xi32, #tpu.memory_space<vmem>> -> memref<1x1024xi32, #tpu.memory_space<vmem>>
    %dma_wait3A_416 = tpu.memref_squeeze %dma_wait3A_415 : memref<1x1024xi32, #tpu.memory_space<vmem>> -> memref<1024xi32, #tpu.memory_space<vmem>>
    %dma_wait3A_417 = tpu.memref_slice %arg3[%add3A_140, %mul3A_32] : memref<160x4096xi32, #tpu.memory_space<hbm>> -> memref<1x1024xi32, #tpu.memory_space<hbm>>
    %dma_wait3A_418 = tpu.memref_squeeze %dma_wait3A_417 : memref<1x1024xi32, #tpu.memory_space<hbm>> -> memref<1024xi32, #tpu.memory_space<hbm>>
    tpu.wait_dma2 semaphore(%arg11 : memref<!tpu.dma_semaphore, #tpu.memory_space<semaphore_mem>>) src(%dma_wait3A_418 : memref<1024xi32, #tpu.memory_space<hbm>>) dst(%dma_wait3A_416 : memref<1024xi32, #tpu.memory_space<vmem>>)
    %dma_wait3A_419 = arith.constant 8 : i32
    %dma_wait3A_420 = arith.constant 0 : i32
    %dma_wait3A_421 = tpu.memref_slice %arg7[%dma_wait3A_419, %dma_wait3A_420] : memref<20x1024xi32, #tpu.memory_space<vmem>> -> memref<1x1024xi32, #tpu.memory_space<vmem>>
    %dma_wait3A_422 = tpu.memref_squeeze %dma_wait3A_421 : memref<1x1024xi32, #tpu.memory_space<vmem>> -> memref<1024xi32, #tpu.memory_space<vmem>>
    %dma_wait3A_423 = tpu.memref_slice %arg3[%add3A_155, %mul3A_32] : memref<160x4096xi32, #tpu.memory_space<hbm>> -> memref<1x1024xi32, #tpu.memory_space<hbm>>
    %dma_wait3A_424 = tpu.memref_squeeze %dma_wait3A_423 : memref<1x1024xi32, #tpu.memory_space<hbm>> -> memref<1024xi32, #tpu.memory_space<hbm>>
    %dma_wait3A_425 = arith.constant 0 : i32
    %dma_wait3A_426 = tpu.memref_slice %arg7[%dma_wait3A_419, %dma_wait3A_425] : memref<20x1024xi32, #tpu.memory_space<vmem>> -> memref<1x1024xi32, #tpu.memory_space<vmem>>
    %dma_wait3A_427 = tpu.memref_squeeze %dma_wait3A_426 : memref<1x1024xi32, #tpu.memory_space<vmem>> -> memref<1024xi32, #tpu.memory_space<vmem>>
    %dma_wait3A_428 = tpu.memref_slice %arg3[%add3A_155, %mul3A_32] : memref<160x4096xi32, #tpu.memory_space<hbm>> -> memref<1x1024xi32, #tpu.memory_space<hbm>>
    %dma_wait3A_429 = tpu.memref_squeeze %dma_wait3A_428 : memref<1x1024xi32, #tpu.memory_space<hbm>> -> memref<1024xi32, #tpu.memory_space<hbm>>
    tpu.wait_dma2 semaphore(%arg11 : memref<!tpu.dma_semaphore, #tpu.memory_space<semaphore_mem>>) src(%dma_wait3A_429 : memref<1024xi32, #tpu.memory_space<hbm>>) dst(%dma_wait3A_427 : memref<1024xi32, #tpu.memory_space<vmem>>)
    %dma_wait3A_430 = arith.constant 9 : i32
    %dma_wait3A_431 = arith.constant 0 : i32
    %dma_wait3A_432 = tpu.memref_slice %arg7[%dma_wait3A_430, %dma_wait3A_431] : memref<20x1024xi32, #tpu.memory_space<vmem>> -> memref<1x1024xi32, #tpu.memory_space<vmem>>
    %dma_wait3A_433 = tpu.memref_squeeze %dma_wait3A_432 : memref<1x1024xi32, #tpu.memory_space<vmem>> -> memref<1024xi32, #tpu.memory_space<vmem>>
    %dma_wait3A_434 = tpu.memref_slice %arg3[%add3A_170, %mul3A_32] : memref<160x4096xi32, #tpu.memory_space<hbm>> -> memref<1x1024xi32, #tpu.memory_space<hbm>>
    %dma_wait3A_435 = tpu.memref_squeeze %dma_wait3A_434 : memref<1x1024xi32, #tpu.memory_space<hbm>> -> memref<1024xi32, #tpu.memory_space<hbm>>
    %dma_wait3A_436 = arith.constant 0 : i32
    %dma_wait3A_437 = tpu.memref_slice %arg7[%dma_wait3A_430, %dma_wait3A_436] : memref<20x1024xi32, #tpu.memory_space<vmem>> -> memref<1x1024xi32, #tpu.memory_space<vmem>>
    %dma_wait3A_438 = tpu.memref_squeeze %dma_wait3A_437 : memref<1x1024xi32, #tpu.memory_space<vmem>> -> memref<1024xi32, #tpu.memory_space<vmem>>
    %dma_wait3A_439 = tpu.memref_slice %arg3[%add3A_170, %mul3A_32] : memref<160x4096xi32, #tpu.memory_space<hbm>> -> memref<1x1024xi32, #tpu.memory_space<hbm>>
    %dma_wait3A_440 = tpu.memref_squeeze %dma_wait3A_439 : memref<1x1024xi32, #tpu.memory_space<hbm>> -> memref<1024xi32, #tpu.memory_space<hbm>>
    tpu.wait_dma2 semaphore(%arg11 : memref<!tpu.dma_semaphore, #tpu.memory_space<semaphore_mem>>) src(%dma_wait3A_440 : memref<1024xi32, #tpu.memory_space<hbm>>) dst(%dma_wait3A_438 : memref<1024xi32, #tpu.memory_space<vmem>>)
    %dma_wait3A_441 = arith.constant 10 : i32
    %dma_wait3A_442 = arith.constant 0 : i32
    %dma_wait3A_443 = tpu.memref_slice %arg7[%dma_wait3A_441, %dma_wait3A_442] : memref<20x1024xi32, #tpu.memory_space<vmem>> -> memref<1x1024xi32, #tpu.memory_space<vmem>>
    %dma_wait3A_444 = tpu.memref_squeeze %dma_wait3A_443 : memref<1x1024xi32, #tpu.memory_space<vmem>> -> memref<1024xi32, #tpu.memory_space<vmem>>
    %dma_wait3A_445 = tpu.memref_slice %arg3[%add3A_185, %mul3A_32] : memref<160x4096xi32, #tpu.memory_space<hbm>> -> memref<1x1024xi32, #tpu.memory_space<hbm>>
    %dma_wait3A_446 = tpu.memref_squeeze %dma_wait3A_445 : memref<1x1024xi32, #tpu.memory_space<hbm>> -> memref<1024xi32, #tpu.memory_space<hbm>>
    %dma_wait3A_447 = arith.constant 0 : i32
    %dma_wait3A_448 = tpu.memref_slice %arg7[%dma_wait3A_441, %dma_wait3A_447] : memref<20x1024xi32, #tpu.memory_space<vmem>> -> memref<1x1024xi32, #tpu.memory_space<vmem>>
    %dma_wait3A_449 = tpu.memref_squeeze %dma_wait3A_448 : memref<1x1024xi32, #tpu.memory_space<vmem>> -> memref<1024xi32, #tpu.memory_space<vmem>>
    %dma_wait3A_450 = tpu.memref_slice %arg3[%add3A_185, %mul3A_32] : memref<160x4096xi32, #tpu.memory_space<hbm>> -> memref<1x1024xi32, #tpu.memory_space<hbm>>
    %dma_wait3A_451 = tpu.memref_squeeze %dma_wait3A_450 : memref<1x1024xi32, #tpu.memory_space<hbm>> -> memref<1024xi32, #tpu.memory_space<hbm>>
    tpu.wait_dma2 semaphore(%arg11 : memref<!tpu.dma_semaphore, #tpu.memory_space<semaphore_mem>>) src(%dma_wait3A_451 : memref<1024xi32, #tpu.memory_space<hbm>>) dst(%dma_wait3A_449 : memref<1024xi32, #tpu.memory_space<vmem>>)
    %dma_wait3A_452 = arith.constant 11 : i32
    %dma_wait3A_453 = arith.constant 0 : i32
    %dma_wait3A_454 = tpu.memref_slice %arg7[%dma_wait3A_452, %dma_wait3A_453] : memref<20x1024xi32, #tpu.memory_space<vmem>> -> memref<1x1024xi32, #tpu.memory_space<vmem>>
    %dma_wait3A_455 = tpu.memref_squeeze %dma_wait3A_454 : memref<1x1024xi32, #tpu.memory_space<vmem>> -> memref<1024xi32, #tpu.memory_space<vmem>>
    %dma_wait3A_456 = tpu.memref_slice %arg3[%add3A_200, %mul3A_32] : memref<160x4096xi32, #tpu.memory_space<hbm>> -> memref<1x1024xi32, #tpu.memory_space<hbm>>
    %dma_wait3A_457 = tpu.memref_squeeze %dma_wait3A_456 : memref<1x1024xi32, #tpu.memory_space<hbm>> -> memref<1024xi32, #tpu.memory_space<hbm>>
    %dma_wait3A_458 = arith.constant 0 : i32
    %dma_wait3A_459 = tpu.memref_slice %arg7[%dma_wait3A_452, %dma_wait3A_458] : memref<20x1024xi32, #tpu.memory_space<vmem>> -> memref<1x1024xi32, #tpu.memory_space<vmem>>
    %dma_wait3A_460 = tpu.memref_squeeze %dma_wait3A_459 : memref<1x1024xi32, #tpu.memory_space<vmem>> -> memref<1024xi32, #tpu.memory_space<vmem>>
    %dma_wait3A_461 = tpu.memref_slice %arg3[%add3A_200, %mul3A_32] : memref<160x4096xi32, #tpu.memory_space<hbm>> -> memref<1x1024xi32, #tpu.memory_space<hbm>>
    %dma_wait3A_462 = tpu.memref_squeeze %dma_wait3A_461 : memref<1x1024xi32, #tpu.memory_space<hbm>> -> memref<1024xi32, #tpu.memory_space<hbm>>
    tpu.wait_dma2 semaphore(%arg11 : memref<!tpu.dma_semaphore, #tpu.memory_space<semaphore_mem>>) src(%dma_wait3A_462 : memref<1024xi32, #tpu.memory_space<hbm>>) dst(%dma_wait3A_460 : memref<1024xi32, #tpu.memory_space<vmem>>)
    %dma_wait3A_463 = arith.constant 12 : i32
    %dma_wait3A_464 = arith.constant 0 : i32
    %dma_wait3A_465 = tpu.memref_slice %arg7[%dma_wait3A_463, %dma_wait3A_464] : memref<20x1024xi32, #tpu.memory_space<vmem>> -> memref<1x1024xi32, #tpu.memory_space<vmem>>
    %dma_wait3A_466 = tpu.memref_squeeze %dma_wait3A_465 : memref<1x1024xi32, #tpu.memory_space<vmem>> -> memref<1024xi32, #tpu.memory_space<vmem>>
    %dma_wait3A_467 = tpu.memref_slice %arg3[%add3A_215, %mul3A_32] : memref<160x4096xi32, #tpu.memory_space<hbm>> -> memref<1x1024xi32, #tpu.memory_space<hbm>>
    %dma_wait3A_468 = tpu.memref_squeeze %dma_wait3A_467 : memref<1x1024xi32, #tpu.memory_space<hbm>> -> memref<1024xi32, #tpu.memory_space<hbm>>
    %dma_wait3A_469 = arith.constant 0 : i32
    %dma_wait3A_470 = tpu.memref_slice %arg7[%dma_wait3A_463, %dma_wait3A_469] : memref<20x1024xi32, #tpu.memory_space<vmem>> -> memref<1x1024xi32, #tpu.memory_space<vmem>>
    %dma_wait3A_471 = tpu.memref_squeeze %dma_wait3A_470 : memref<1x1024xi32, #tpu.memory_space<vmem>> -> memref<1024xi32, #tpu.memory_space<vmem>>
    %dma_wait3A_472 = tpu.memref_slice %arg3[%add3A_215, %mul3A_32] : memref<160x4096xi32, #tpu.memory_space<hbm>> -> memref<1x1024xi32, #tpu.memory_space<hbm>>
    %dma_wait3A_473 = tpu.memref_squeeze %dma_wait3A_472 : memref<1x1024xi32, #tpu.memory_space<hbm>> -> memref<1024xi32, #tpu.memory_space<hbm>>
    tpu.wait_dma2 semaphore(%arg11 : memref<!tpu.dma_semaphore, #tpu.memory_space<semaphore_mem>>) src(%dma_wait3A_473 : memref<1024xi32, #tpu.memory_space<hbm>>) dst(%dma_wait3A_471 : memref<1024xi32, #tpu.memory_space<vmem>>)
    %dma_wait3A_474 = arith.constant 13 : i32
    %dma_wait3A_475 = arith.constant 0 : i32
    %dma_wait3A_476 = tpu.memref_slice %arg7[%dma_wait3A_474, %dma_wait3A_475] : memref<20x1024xi32, #tpu.memory_space<vmem>> -> memref<1x1024xi32, #tpu.memory_space<vmem>>
    %dma_wait3A_477 = tpu.memref_squeeze %dma_wait3A_476 : memref<1x1024xi32, #tpu.memory_space<vmem>> -> memref<1024xi32, #tpu.memory_space<vmem>>
    %dma_wait3A_478 = tpu.memref_slice %arg3[%add3A_230, %mul3A_32] : memref<160x4096xi32, #tpu.memory_space<hbm>> -> memref<1x1024xi32, #tpu.memory_space<hbm>>
    %dma_wait3A_479 = tpu.memref_squeeze %dma_wait3A_478 : memref<1x1024xi32, #tpu.memory_space<hbm>> -> memref<1024xi32, #tpu.memory_space<hbm>>
    %dma_wait3A_480 = arith.constant 0 : i32
    %dma_wait3A_481 = tpu.memref_slice %arg7[%dma_wait3A_474, %dma_wait3A_480] : memref<20x1024xi32, #tpu.memory_space<vmem>> -> memref<1x1024xi32, #tpu.memory_space<vmem>>
    %dma_wait3A_482 = tpu.memref_squeeze %dma_wait3A_481 : memref<1x1024xi32, #tpu.memory_space<vmem>> -> memref<1024xi32, #tpu.memory_space<vmem>>
    %dma_wait3A_483 = tpu.memref_slice %arg3[%add3A_230, %mul3A_32] : memref<160x4096xi32, #tpu.memory_space<hbm>> -> memref<1x1024xi32, #tpu.memory_space<hbm>>
    %dma_wait3A_484 = tpu.memref_squeeze %dma_wait3A_483 : memref<1x1024xi32, #tpu.memory_space<hbm>> -> memref<1024xi32, #tpu.memory_space<hbm>>
    tpu.wait_dma2 semaphore(%arg11 : memref<!tpu.dma_semaphore, #tpu.memory_space<semaphore_mem>>) src(%dma_wait3A_484 : memref<1024xi32, #tpu.memory_space<hbm>>) dst(%dma_wait3A_482 : memref<1024xi32, #tpu.memory_space<vmem>>)
    %dma_wait3A_485 = arith.constant 14 : i32
    %dma_wait3A_486 = arith.constant 0 : i32
    %dma_wait3A_487 = tpu.memref_slice %arg7[%dma_wait3A_485, %dma_wait3A_486] : memref<20x1024xi32, #tpu.memory_space<vmem>> -> memref<1x1024xi32, #tpu.memory_space<vmem>>
    %dma_wait3A_488 = tpu.memref_squeeze %dma_wait3A_487 : memref<1x1024xi32, #tpu.memory_space<vmem>> -> memref<1024xi32, #tpu.memory_space<vmem>>
    %dma_wait3A_489 = tpu.memref_slice %arg3[%add3A_245, %mul3A_32] : memref<160x4096xi32, #tpu.memory_space<hbm>> -> memref<1x1024xi32, #tpu.memory_space<hbm>>
    %dma_wait3A_490 = tpu.memref_squeeze %dma_wait3A_489 : memref<1x1024xi32, #tpu.memory_space<hbm>> -> memref<1024xi32, #tpu.memory_space<hbm>>
    %dma_wait3A_491 = arith.constant 0 : i32
    %dma_wait3A_492 = tpu.memref_slice %arg7[%dma_wait3A_485, %dma_wait3A_491] : memref<20x1024xi32, #tpu.memory_space<vmem>> -> memref<1x1024xi32, #tpu.memory_space<vmem>>
    %dma_wait3A_493 = tpu.memref_squeeze %dma_wait3A_492 : memref<1x1024xi32, #tpu.memory_space<vmem>> -> memref<1024xi32, #tpu.memory_space<vmem>>
    %dma_wait3A_494 = tpu.memref_slice %arg3[%add3A_245, %mul3A_32] : memref<160x4096xi32, #tpu.memory_space<hbm>> -> memref<1x1024xi32, #tpu.memory_space<hbm>>
    %dma_wait3A_495 = tpu.memref_squeeze %dma_wait3A_494 : memref<1x1024xi32, #tpu.memory_space<hbm>> -> memref<1024xi32, #tpu.memory_space<hbm>>
    tpu.wait_dma2 semaphore(%arg11 : memref<!tpu.dma_semaphore, #tpu.memory_space<semaphore_mem>>) src(%dma_wait3A_495 : memref<1024xi32, #tpu.memory_space<hbm>>) dst(%dma_wait3A_493 : memref<1024xi32, #tpu.memory_space<vmem>>)
    %dma_wait3A_496 = arith.constant 15 : i32
    %dma_wait3A_497 = arith.constant 0 : i32
    %dma_wait3A_498 = tpu.memref_slice %arg7[%dma_wait3A_496, %dma_wait3A_497] : memref<20x1024xi32, #tpu.memory_space<vmem>> -> memref<1x1024xi32, #tpu.memory_space<vmem>>
    %dma_wait3A_499 = tpu.memref_squeeze %dma_wait3A_498 : memref<1x1024xi32, #tpu.memory_space<vmem>> -> memref<1024xi32, #tpu.memory_space<vmem>>
    %dma_wait3A_500 = tpu.memref_slice %arg3[%add3A_260, %mul3A_32] : memref<160x4096xi32, #tpu.memory_space<hbm>> -> memref<1x1024xi32, #tpu.memory_space<hbm>>
    %dma_wait3A_501 = tpu.memref_squeeze %dma_wait3A_500 : memref<1x1024xi32, #tpu.memory_space<hbm>> -> memref<1024xi32, #tpu.memory_space<hbm>>
    %dma_wait3A_502 = arith.constant 0 : i32
    %dma_wait3A_503 = tpu.memref_slice %arg7[%dma_wait3A_496, %dma_wait3A_502] : memref<20x1024xi32, #tpu.memory_space<vmem>> -> memref<1x1024xi32, #tpu.memory_space<vmem>>
    %dma_wait3A_504 = tpu.memref_squeeze %dma_wait3A_503 : memref<1x1024xi32, #tpu.memory_space<vmem>> -> memref<1024xi32, #tpu.memory_space<vmem>>
    %dma_wait3A_505 = tpu.memref_slice %arg3[%add3A_260, %mul3A_32] : memref<160x4096xi32, #tpu.memory_space<hbm>> -> memref<1x1024xi32, #tpu.memory_space<hbm>>
    %dma_wait3A_506 = tpu.memref_squeeze %dma_wait3A_505 : memref<1x1024xi32, #tpu.memory_space<hbm>> -> memref<1024xi32, #tpu.memory_space<hbm>>
    tpu.wait_dma2 semaphore(%arg11 : memref<!tpu.dma_semaphore, #tpu.memory_space<semaphore_mem>>) src(%dma_wait3A_506 : memref<1024xi32, #tpu.memory_space<hbm>>) dst(%dma_wait3A_504 : memref<1024xi32, #tpu.memory_space<vmem>>)
    %dma_wait3A_507 = arith.constant 16 : i32
    %dma_wait3A_508 = arith.constant 0 : i32
    %dma_wait3A_509 = tpu.memref_slice %arg7[%dma_wait3A_507, %dma_wait3A_508] : memref<20x1024xi32, #tpu.memory_space<vmem>> -> memref<1x1024xi32, #tpu.memory_space<vmem>>
    %dma_wait3A_510 = tpu.memref_squeeze %dma_wait3A_509 : memref<1x1024xi32, #tpu.memory_space<vmem>> -> memref<1024xi32, #tpu.memory_space<vmem>>
    %dma_wait3A_511 = tpu.memref_slice %arg3[%add3A_275, %mul3A_32] : memref<160x4096xi32, #tpu.memory_space<hbm>> -> memref<1x1024xi32, #tpu.memory_space<hbm>>
    %dma_wait3A_512 = tpu.memref_squeeze %dma_wait3A_511 : memref<1x1024xi32, #tpu.memory_space<hbm>> -> memref<1024xi32, #tpu.memory_space<hbm>>
    %dma_wait3A_513 = arith.constant 0 : i32
    %dma_wait3A_514 = tpu.memref_slice %arg7[%dma_wait3A_507, %dma_wait3A_513] : memref<20x1024xi32, #tpu.memory_space<vmem>> -> memref<1x1024xi32, #tpu.memory_space<vmem>>
    %dma_wait3A_515 = tpu.memref_squeeze %dma_wait3A_514 : memref<1x1024xi32, #tpu.memory_space<vmem>> -> memref<1024xi32, #tpu.memory_space<vmem>>
    %dma_wait3A_516 = tpu.memref_slice %arg3[%add3A_275, %mul3A_32] : memref<160x4096xi32, #tpu.memory_space<hbm>> -> memref<1x1024xi32, #tpu.memory_space<hbm>>
    %dma_wait3A_517 = tpu.memref_squeeze %dma_wait3A_516 : memref<1x1024xi32, #tpu.memory_space<hbm>> -> memref<1024xi32, #tpu.memory_space<hbm>>
    tpu.wait_dma2 semaphore(%arg11 : memref<!tpu.dma_semaphore, #tpu.memory_space<semaphore_mem>>) src(%dma_wait3A_517 : memref<1024xi32, #tpu.memory_space<hbm>>) dst(%dma_wait3A_515 : memref<1024xi32, #tpu.memory_space<vmem>>)
    %dma_wait3A_518 = arith.constant 17 : i32
    %dma_wait3A_519 = arith.constant 0 : i32
    %dma_wait3A_520 = tpu.memref_slice %arg7[%dma_wait3A_518, %dma_wait3A_519] : memref<20x1024xi32, #tpu.memory_space<vmem>> -> memref<1x1024xi32, #tpu.memory_space<vmem>>
    %dma_wait3A_521 = tpu.memref_squeeze %dma_wait3A_520 : memref<1x1024xi32, #tpu.memory_space<vmem>> -> memref<1024xi32, #tpu.memory_space<vmem>>
    %dma_wait3A_522 = tpu.memref_slice %arg3[%add3A_290, %mul3A_32] : memref<160x4096xi32, #tpu.memory_space<hbm>> -> memref<1x1024xi32, #tpu.memory_space<hbm>>
    %dma_wait3A_523 = tpu.memref_squeeze %dma_wait3A_522 : memref<1x1024xi32, #tpu.memory_space<hbm>> -> memref<1024xi32, #tpu.memory_space<hbm>>
    %dma_wait3A_524 = arith.constant 0 : i32
    %dma_wait3A_525 = tpu.memref_slice %arg7[%dma_wait3A_518, %dma_wait3A_524] : memref<20x1024xi32, #tpu.memory_space<vmem>> -> memref<1x1024xi32, #tpu.memory_space<vmem>>
    %dma_wait3A_526 = tpu.memref_squeeze %dma_wait3A_525 : memref<1x1024xi32, #tpu.memory_space<vmem>> -> memref<1024xi32, #tpu.memory_space<vmem>>
    %dma_wait3A_527 = tpu.memref_slice %arg3[%add3A_290, %mul3A_32] : memref<160x4096xi32, #tpu.memory_space<hbm>> -> memref<1x1024xi32, #tpu.memory_space<hbm>>
    %dma_wait3A_528 = tpu.memref_squeeze %dma_wait3A_527 : memref<1x1024xi32, #tpu.memory_space<hbm>> -> memref<1024xi32, #tpu.memory_space<hbm>>
    tpu.wait_dma2 semaphore(%arg11 : memref<!tpu.dma_semaphore, #tpu.memory_space<semaphore_mem>>) src(%dma_wait3A_528 : memref<1024xi32, #tpu.memory_space<hbm>>) dst(%dma_wait3A_526 : memref<1024xi32, #tpu.memory_space<vmem>>)
    %dma_wait3A_529 = arith.constant 18 : i32
    %dma_wait3A_530 = arith.constant 0 : i32
    %dma_wait3A_531 = tpu.memref_slice %arg7[%dma_wait3A_529, %dma_wait3A_530] : memref<20x1024xi32, #tpu.memory_space<vmem>> -> memref<1x1024xi32, #tpu.memory_space<vmem>>
    %dma_wait3A_532 = tpu.memref_squeeze %dma_wait3A_531 : memref<1x1024xi32, #tpu.memory_space<vmem>> -> memref<1024xi32, #tpu.memory_space<vmem>>
    %dma_wait3A_533 = tpu.memref_slice %arg3[%add3A_305, %mul3A_32] : memref<160x4096xi32, #tpu.memory_space<hbm>> -> memref<1x1024xi32, #tpu.memory_space<hbm>>
    %dma_wait3A_534 = tpu.memref_squeeze %dma_wait3A_533 : memref<1x1024xi32, #tpu.memory_space<hbm>> -> memref<1024xi32, #tpu.memory_space<hbm>>
    %dma_wait3A_535 = arith.constant 0 : i32
    %dma_wait3A_536 = tpu.memref_slice %arg7[%dma_wait3A_529, %dma_wait3A_535] : memref<20x1024xi32, #tpu.memory_space<vmem>> -> memref<1x1024xi32, #tpu.memory_space<vmem>>
    %dma_wait3A_537 = tpu.memref_squeeze %dma_wait3A_536 : memref<1x1024xi32, #tpu.memory_space<vmem>> -> memref<1024xi32, #tpu.memory_space<vmem>>
    %dma_wait3A_538 = tpu.memref_slice %arg3[%add3A_305, %mul3A_32] : memref<160x4096xi32, #tpu.memory_space<hbm>> -> memref<1x1024xi32, #tpu.memory_space<hbm>>
    %dma_wait3A_539 = tpu.memref_squeeze %dma_wait3A_538 : memref<1x1024xi32, #tpu.memory_space<hbm>> -> memref<1024xi32, #tpu.memory_space<hbm>>
    tpu.wait_dma2 semaphore(%arg11 : memref<!tpu.dma_semaphore, #tpu.memory_space<semaphore_mem>>) src(%dma_wait3A_539 : memref<1024xi32, #tpu.memory_space<hbm>>) dst(%dma_wait3A_537 : memref<1024xi32, #tpu.memory_space<vmem>>)
    %dma_wait3A_540 = arith.constant 19 : i32
    %dma_wait3A_541 = arith.constant 0 : i32
    %dma_wait3A_542 = tpu.memref_slice %arg7[%dma_wait3A_540, %dma_wait3A_541] : memref<20x1024xi32, #tpu.memory_space<vmem>> -> memref<1x1024xi32, #tpu.memory_space<vmem>>
    %dma_wait3A_543 = tpu.memref_squeeze %dma_wait3A_542 : memref<1x1024xi32, #tpu.memory_space<vmem>> -> memref<1024xi32, #tpu.memory_space<vmem>>
    %dma_wait3A_544 = tpu.memref_slice %arg3[%add3A_320, %mul3A_32] : memref<160x4096xi32, #tpu.memory_space<hbm>> -> memref<1x1024xi32, #tpu.memory_space<hbm>>
    %dma_wait3A_545 = tpu.memref_squeeze %dma_wait3A_544 : memref<1x1024xi32, #tpu.memory_space<hbm>> -> memref<1024xi32, #tpu.memory_space<hbm>>
    %dma_wait3A_546 = arith.constant 0 : i32
    %dma_wait3A_547 = tpu.memref_slice %arg7[%dma_wait3A_540, %dma_wait3A_546] : memref<20x1024xi32, #tpu.memory_space<vmem>> -> memref<1x1024xi32, #tpu.memory_space<vmem>>
    %dma_wait3A_548 = tpu.memref_squeeze %dma_wait3A_547 : memref<1x1024xi32, #tpu.memory_space<vmem>> -> memref<1024xi32, #tpu.memory_space<vmem>>
    %dma_wait3A_549 = tpu.memref_slice %arg3[%add3A_320, %mul3A_32] : memref<160x4096xi32, #tpu.memory_space<hbm>> -> memref<1x1024xi32, #tpu.memory_space<hbm>>
    %dma_wait3A_550 = tpu.memref_squeeze %dma_wait3A_549 : memref<1x1024xi32, #tpu.memory_space<hbm>> -> memref<1024xi32, #tpu.memory_space<hbm>>
    tpu.wait_dma2 semaphore(%arg11 : memref<!tpu.dma_semaphore, #tpu.memory_space<semaphore_mem>>) src(%dma_wait3A_550 : memref<1024xi32, #tpu.memory_space<hbm>>) dst(%dma_wait3A_548 : memref<1024xi32, #tpu.memory_space<vmem>>)
    %scan3A = arith.constant 0 : i32
    %scan3A_551 = arith.constant 0 : i32
    %scan3A_552 = arith.constant 64 : i32
    %scan3A_553 = arith.addi %scan3A_551, %scan3A_552 : i32
    %scan3A_554 = arith.constant 1 : i32
    scf.for %scan3A_562 = %scan3A_551 to %scan3A_553 step %scan3A_554  : i32 {
      %mul3A_563 = arith.constant 16 : i32
      %mul3A_564 = arith.muli %scan3A_562, %mul3A_563 : i32
      %get3A = arith.index_cast %mul3A_564 : i32 to index
      %get3A_565 = tpu.vector_load %arg8[%get3A] {strides = array<i32>} : memref<1024xi32, #tpu.memory_space<vmem>>, vector<16xi32>,
      %get3A_566 = arith.constant 0 : i32
      %get3A_567 = arith.index_cast %get3A_566 : i32 to index
      %get3A_568 = arith.index_cast %mul3A_564 : i32 to index
      %get3A_569 = tpu.vector_load %arg7[%get3A_567, %get3A_568] {strides = array<i32>} : memref<20x1024xi32, #tpu.memory_space<vmem>>, vector<16xi32>,
      %gt3A = arith.constant 1 : i32
      %gt3A_570 = vector.broadcast %gt3A : i32 to vector<16xi32>
      %gt3A_571 = arith.cmpi sgt, %get3A_565, %gt3A_570 : vector<16xi32>
      %jit3A_572 = arith.constant 0 : i32
      %broadcast_in_dim3A = vector.broadcast %jit3A_572 : i32 to vector<16xi32>
      %select_n3A_573 = arith.select %gt3A_571, %get3A_569, %broadcast_in_dim3A : vector<16xi1>, vector<16xi32>
      %swap3A = arith.constant 0 : i32
      %swap3A_574 = arith.index_cast %swap3A : i32 to index
      %swap3A_575 = arith.index_cast %mul3A_564 : i32 to index
      %swap3A_576 = tpu.vector_load %arg7[%swap3A_574, %swap3A_575] {strides = array<i32>} : memref<20x1024xi32, #tpu.memory_space<vmem>>, vector<16xi32>,
      tpu.vector_store %arg7[%swap3A_574, %swap3A_575], %select_n3A_573 {strides = array<i32>} : memref<20x1024xi32, #tpu.memory_space<vmem>>, vector<16xi32>,
      %get3A_577 = arith.constant 1 : i32
      %get3A_578 = arith.index_cast %get3A_577 : i32 to index
      %get3A_579 = arith.index_cast %mul3A_564 : i32 to index
      %get3A_580 = tpu.vector_load %arg7[%get3A_578, %get3A_579] {strides = array<i32>} : memref<20x1024xi32, #tpu.memory_space<vmem>>, vector<16xi32>,
      %gt3A_581 = arith.constant 2 : i32
      %gt3A_582 = vector.broadcast %gt3A_581 : i32 to vector<16xi32>
      %gt3A_583 = arith.cmpi sgt, %get3A_565, %gt3A_582 : vector<16xi32>
      %jit3A_584 = arith.constant 0 : i32
      %broadcast_in_dim3A_585 = vector.broadcast %jit3A_584 : i32 to vector<16xi32>
      %select_n3A_586 = arith.select %gt3A_583, %get3A_580, %broadcast_in_dim3A_585 : vector<16xi1>, vector<16xi32>
      %swap3A_587 = arith.constant 1 : i32
      %swap3A_588 = arith.index_cast %swap3A_587 : i32 to index
      %swap3A_589 = arith.index_cast %mul3A_564 : i32 to index
      %swap3A_590 = tpu.vector_load %arg7[%swap3A_588, %swap3A_589] {strides = array<i32>} : memref<20x1024xi32, #tpu.memory_space<vmem>>, vector<16xi32>,
      tpu.vector_store %arg7[%swap3A_588, %swap3A_589], %select_n3A_586 {strides = array<i32>} : memref<20x1024xi32, #tpu.memory_space<vmem>>, vector<16xi32>,
      %get3A_591 = arith.constant 2 : i32
      %get3A_592 = arith.index_cast %get3A_591 : i32 to index
      %get3A_593 = arith.index_cast %mul3A_564 : i32 to index
      %get3A_594 = tpu.vector_load %arg7[%get3A_592, %get3A_593] {strides = array<i32>} : memref<20x1024xi32, #tpu.memory_space<vmem>>, vector<16xi32>,
      %gt3A_595 = arith.constant 3 : i32
      %gt3A_596 = vector.broadcast %gt3A_595 : i32 to vector<16xi32>
      %gt3A_597 = arith.cmpi sgt, %get3A_565, %gt3A_596 : vector<16xi32>
      %jit3A_598 = arith.constant 0 : i32
      %broadcast_in_dim3A_599 = vector.broadcast %jit3A_598 : i32 to vector<16xi32>
      %select_n3A_600 = arith.select %gt3A_597, %get3A_594, %broadcast_in_dim3A_599 : vector<16xi1>, vector<16xi32>
      %swap3A_601 = arith.constant 2 : i32
      %swap3A_602 = arith.index_cast %swap3A_601 : i32 to index
      %swap3A_603 = arith.index_cast %mul3A_564 : i32 to index
      %swap3A_604 = tpu.vector_load %arg7[%swap3A_602, %swap3A_603] {strides = array<i32>} : memref<20x1024xi32, #tpu.memory_space<vmem>>, vector<16xi32>,
      tpu.vector_store %arg7[%swap3A_602, %swap3A_603], %select_n3A_600 {strides = array<i32>} : memref<20x1024xi32, #tpu.memory_space<vmem>>, vector<16xi32>,
      %get3A_605 = arith.constant 3 : i32
      %get3A_606 = arith.index_cast %get3A_605 : i32 to index
      %get3A_607 = arith.index_cast %mul3A_564 : i32 to index
      %get3A_608 = tpu.vector_load %arg7[%get3A_606, %get3A_607] {strides = array<i32>} : memref<20x1024xi32, #tpu.memory_space<vmem>>, vector<16xi32>,
      %gt3A_609 = arith.constant 4 : i32
      %gt3A_610 = vector.broadcast %gt3A_609 : i32 to vector<16xi32>
      %gt3A_611 = arith.cmpi sgt, %get3A_565, %gt3A_610 : vector<16xi32>
      %jit3A_612 = arith.constant 0 : i32
      %broadcast_in_dim3A_613 = vector.broadcast %jit3A_612 : i32 to vector<16xi32>
      %select_n3A_614 = arith.select %gt3A_611, %get3A_608, %broadcast_in_dim3A_613 : vector<16xi1>, vector<16xi32>
      %swap3A_615 = arith.constant 3 : i32
      %swap3A_616 = arith.index_cast %swap3A_615 : i32 to index
      %swap3A_617 = arith.index_cast %mul3A_564 : i32 to index
      %swap3A_618 = tpu.vector_load %arg7[%swap3A_616, %swap3A_617] {strides = array<i32>} : memref<20x1024xi32, #tpu.memory_space<vmem>>, vector<16xi32>,
      tpu.vector_store %arg7[%swap3A_616, %swap3A_617], %select_n3A_614 {strides = array<i32>} : memref<20x1024xi32, #tpu.memory_space<vmem>>, vector<16xi32>,
      %get3A_619 = arith.constant 4 : i32
      %get3A_620 = arith.index_cast %get3A_619 : i32 to index
      %get3A_621 = arith.index_cast %mul3A_564 : i32 to index
      %get3A_622 = tpu.vector_load %arg7[%get3A_620, %get3A_621] {strides = array<i32>} : memref<20x1024xi32, #tpu.memory_space<vmem>>, vector<16xi32>,
      %gt3A_623 = arith.constant 5 : i32
      %gt3A_624 = vector.broadcast %gt3A_623 : i32 to vector<16xi32>
      %gt3A_625 = arith.cmpi sgt, %get3A_565, %gt3A_624 : vector<16xi32>
      %jit3A_626 = arith.constant 0 : i32
      %broadcast_in_dim3A_627 = vector.broadcast %jit3A_626 : i32 to vector<16xi32>
      %select_n3A_628 = arith.select %gt3A_625, %get3A_622, %broadcast_in_dim3A_627 : vector<16xi1>, vector<16xi32>
      %swap3A_629 = arith.constant 4 : i32
      %swap3A_630 = arith.index_cast %swap3A_629 : i32 to index
      %swap3A_631 = arith.index_cast %mul3A_564 : i32 to index
      %swap3A_632 = tpu.vector_load %arg7[%swap3A_630, %swap3A_631] {strides = array<i32>} : memref<20x1024xi32, #tpu.memory_space<vmem>>, vector<16xi32>,
      tpu.vector_store %arg7[%swap3A_630, %swap3A_631], %select_n3A_628 {strides = array<i32>} : memref<20x1024xi32, #tpu.memory_space<vmem>>, vector<16xi32>,
      %get3A_633 = arith.constant 5 : i32
      %get3A_634 = arith.index_cast %get3A_633 : i32 to index
      %get3A_635 = arith.index_cast %mul3A_564 : i32 to index
      %get3A_636 = tpu.vector_load %arg7[%get3A_634, %get3A_635] {strides = array<i32>} : memref<20x1024xi32, #tpu.memory_space<vmem>>, vector<16xi32>,
      %gt3A_637 = arith.constant 6 : i32
      %gt3A_638 = vector.broadcast %gt3A_637 : i32 to vector<16xi32>
      %gt3A_639 = arith.cmpi sgt, %get3A_565, %gt3A_638 : vector<16xi32>
      %jit3A_640 = arith.constant 0 : i32
      %broadcast_in_dim3A_641 = vector.broadcast %jit3A_640 : i32 to vector<16xi32>
      %select_n3A_642 = arith.select %gt3A_639, %get3A_636, %broadcast_in_dim3A_641 : vector<16xi1>, vector<16xi32>
      %swap3A_643 = arith.constant 5 : i32
      %swap3A_644 = arith.index_cast %swap3A_643 : i32 to index
      %swap3A_645 = arith.index_cast %mul3A_564 : i32 to index
      %swap3A_646 = tpu.vector_load %arg7[%swap3A_644, %swap3A_645] {strides = array<i32>} : memref<20x1024xi32, #tpu.memory_space<vmem>>, vector<16xi32>,
      tpu.vector_store %arg7[%swap3A_644, %swap3A_645], %select_n3A_642 {strides = array<i32>} : memref<20x1024xi32, #tpu.memory_space<vmem>>, vector<16xi32>,
      %get3A_647 = arith.constant 6 : i32
      %get3A_648 = arith.index_cast %get3A_647 : i32 to index
      %get3A_649 = arith.index_cast %mul3A_564 : i32 to index
      %get3A_650 = tpu.vector_load %arg7[%get3A_648, %get3A_649] {strides = array<i32>} : memref<20x1024xi32, #tpu.memory_space<vmem>>, vector<16xi32>,
      %gt3A_651 = arith.constant 7 : i32
      %gt3A_652 = vector.broadcast %gt3A_651 : i32 to vector<16xi32>
      %gt3A_653 = arith.cmpi sgt, %get3A_565, %gt3A_652 : vector<16xi32>
      %jit3A_654 = arith.constant 0 : i32
      %broadcast_in_dim3A_655 = vector.broadcast %jit3A_654 : i32 to vector<16xi32>
      %select_n3A_656 = arith.select %gt3A_653, %get3A_650, %broadcast_in_dim3A_655 : vector<16xi1>, vector<16xi32>
      %swap3A_657 = arith.constant 6 : i32
      %swap3A_658 = arith.index_cast %swap3A_657 : i32 to index
      %swap3A_659 = arith.index_cast %mul3A_564 : i32 to index
      %swap3A_660 = tpu.vector_load %arg7[%swap3A_658, %swap3A_659] {strides = array<i32>} : memref<20x1024xi32, #tpu.memory_space<vmem>>, vector<16xi32>,
      tpu.vector_store %arg7[%swap3A_658, %swap3A_659], %select_n3A_656 {strides = array<i32>} : memref<20x1024xi32, #tpu.memory_space<vmem>>, vector<16xi32>,
      %get3A_661 = arith.constant 7 : i32
      %get3A_662 = arith.index_cast %get3A_661 : i32 to index
      %get3A_663 = arith.index_cast %mul3A_564 : i32 to index
      %get3A_664 = tpu.vector_load %arg7[%get3A_662, %get3A_663] {strides = array<i32>} : memref<20x1024xi32, #tpu.memory_space<vmem>>, vector<16xi32>,
      %gt3A_665 = arith.constant 8 : i32
      %gt3A_666 = vector.broadcast %gt3A_665 : i32 to vector<16xi32>
      %gt3A_667 = arith.cmpi sgt, %get3A_565, %gt3A_666 : vector<16xi32>
      %jit3A_668 = arith.constant 0 : i32
      %broadcast_in_dim3A_669 = vector.broadcast %jit3A_668 : i32 to vector<16xi32>
      %select_n3A_670 = arith.select %gt3A_667, %get3A_664, %broadcast_in_dim3A_669 : vector<16xi1>, vector<16xi32>
      %swap3A_671 = arith.constant 7 : i32
      %swap3A_672 = arith.index_cast %swap3A_671 : i32 to index
      %swap3A_673 = arith.index_cast %mul3A_564 : i32 to index
      %swap3A_674 = tpu.vector_load %arg7[%swap3A_672, %swap3A_673] {strides = array<i32>} : memref<20x1024xi32, #tpu.memory_space<vmem>>, vector<16xi32>,
      tpu.vector_store %arg7[%swap3A_672, %swap3A_673], %select_n3A_670 {strides = array<i32>} : memref<20x1024xi32, #tpu.memory_space<vmem>>, vector<16xi32>,
      %get3A_675 = arith.constant 8 : i32
      %get3A_676 = arith.index_cast %get3A_675 : i32 to index
      %get3A_677 = arith.index_cast %mul3A_564 : i32 to index
      %get3A_678 = tpu.vector_load %arg7[%get3A_676, %get3A_677] {strides = array<i32>} : memref<20x1024xi32, #tpu.memory_space<vmem>>, vector<16xi32>,
      %gt3A_679 = arith.constant 9 : i32
      %gt3A_680 = vector.broadcast %gt3A_679 : i32 to vector<16xi32>
      %gt3A_681 = arith.cmpi sgt, %get3A_565, %gt3A_680 : vector<16xi32>
      %jit3A_682 = arith.constant 0 : i32
      %broadcast_in_dim3A_683 = vector.broadcast %jit3A_682 : i32 to vector<16xi32>
      %select_n3A_684 = arith.select %gt3A_681, %get3A_678, %broadcast_in_dim3A_683 : vector<16xi1>, vector<16xi32>
      %swap3A_685 = arith.constant 8 : i32
      %swap3A_686 = arith.index_cast %swap3A_685 : i32 to index
      %swap3A_687 = arith.index_cast %mul3A_564 : i32 to index
      %swap3A_688 = tpu.vector_load %arg7[%swap3A_686, %swap3A_687] {strides = array<i32>} : memref<20x1024xi32, #tpu.memory_space<vmem>>, vector<16xi32>,
      tpu.vector_store %arg7[%swap3A_686, %swap3A_687], %select_n3A_684 {strides = array<i32>} : memref<20x1024xi32, #tpu.memory_space<vmem>>, vector<16xi32>,
      %get3A_689 = arith.constant 9 : i32
      %get3A_690 = arith.index_cast %get3A_689 : i32 to index
      %get3A_691 = arith.index_cast %mul3A_564 : i32 to index
      %get3A_692 = tpu.vector_load %arg7[%get3A_690, %get3A_691] {strides = array<i32>} : memref<20x1024xi32, #tpu.memory_space<vmem>>, vector<16xi32>,
      %gt3A_693 = arith.constant 10 : i32
      %gt3A_694 = vector.broadcast %gt3A_693 : i32 to vector<16xi32>
      %gt3A_695 = arith.cmpi sgt, %get3A_565, %gt3A_694 : vector<16xi32>
      %jit3A_696 = arith.constant 0 : i32
      %broadcast_in_dim3A_697 = vector.broadcast %jit3A_696 : i32 to vector<16xi32>
      %select_n3A_698 = arith.select %gt3A_695, %get3A_692, %broadcast_in_dim3A_697 : vector<16xi1>, vector<16xi32>
      %swap3A_699 = arith.constant 9 : i32
      %swap3A_700 = arith.index_cast %swap3A_699 : i32 to index
      %swap3A_701 = arith.index_cast %mul3A_564 : i32 to index
      %swap3A_702 = tpu.vector_load %arg7[%swap3A_700, %swap3A_701] {strides = array<i32>} : memref<20x1024xi32, #tpu.memory_space<vmem>>, vector<16xi32>,
      tpu.vector_store %arg7[%swap3A_700, %swap3A_701], %select_n3A_698 {strides = array<i32>} : memref<20x1024xi32, #tpu.memory_space<vmem>>, vector<16xi32>,
      %get3A_703 = arith.constant 10 : i32
      %get3A_704 = arith.index_cast %get3A_703 : i32 to index
      %get3A_705 = arith.index_cast %mul3A_564 : i32 to index
      %get3A_706 = tpu.vector_load %arg7[%get3A_704, %get3A_705] {strides = array<i32>} : memref<20x1024xi32, #tpu.memory_space<vmem>>, vector<16xi32>,
      %gt3A_707 = arith.constant 11 : i32
      %gt3A_708 = vector.broadcast %gt3A_707 : i32 to vector<16xi32>
      %gt3A_709 = arith.cmpi sgt, %get3A_565, %gt3A_708 : vector<16xi32>
      %jit3A_710 = arith.constant 0 : i32
      %broadcast_in_dim3A_711 = vector.broadcast %jit3A_710 : i32 to vector<16xi32>
      %select_n3A_712 = arith.select %gt3A_709, %get3A_706, %broadcast_in_dim3A_711 : vector<16xi1>, vector<16xi32>
      %swap3A_713 = arith.constant 10 : i32
      %swap3A_714 = arith.index_cast %swap3A_713 : i32 to index
      %swap3A_715 = arith.index_cast %mul3A_564 : i32 to index
      %swap3A_716 = tpu.vector_load %arg7[%swap3A_714, %swap3A_715] {strides = array<i32>} : memref<20x1024xi32, #tpu.memory_space<vmem>>, vector<16xi32>,
      tpu.vector_store %arg7[%swap3A_714, %swap3A_715], %select_n3A_712 {strides = array<i32>} : memref<20x1024xi32, #tpu.memory_space<vmem>>, vector<16xi32>,
      %get3A_717 = arith.constant 11 : i32
      %get3A_718 = arith.index_cast %get3A_717 : i32 to index
      %get3A_719 = arith.index_cast %mul3A_564 : i32 to index
      %get3A_720 = tpu.vector_load %arg7[%get3A_718, %get3A_719] {strides = array<i32>} : memref<20x1024xi32, #tpu.memory_space<vmem>>, vector<16xi32>,
      %gt3A_721 = arith.constant 12 : i32
      %gt3A_722 = vector.broadcast %gt3A_721 : i32 to vector<16xi32>
      %gt3A_723 = arith.cmpi sgt, %get3A_565, %gt3A_722 : vector<16xi32>
      %jit3A_724 = arith.constant 0 : i32
      %broadcast_in_dim3A_725 = vector.broadcast %jit3A_724 : i32 to vector<16xi32>
      %select_n3A_726 = arith.select %gt3A_723, %get3A_720, %broadcast_in_dim3A_725 : vector<16xi1>, vector<16xi32>
      %swap3A_727 = arith.constant 11 : i32
      %swap3A_728 = arith.index_cast %swap3A_727 : i32 to index
      %swap3A_729 = arith.index_cast %mul3A_564 : i32 to index
      %swap3A_730 = tpu.vector_load %arg7[%swap3A_728, %swap3A_729] {strides = array<i32>} : memref<20x1024xi32, #tpu.memory_space<vmem>>, vector<16xi32>,
      tpu.vector_store %arg7[%swap3A_728, %swap3A_729], %select_n3A_726 {strides = array<i32>} : memref<20x1024xi32, #tpu.memory_space<vmem>>, vector<16xi32>,
      %get3A_731 = arith.constant 12 : i32
      %get3A_732 = arith.index_cast %get3A_731 : i32 to index
      %get3A_733 = arith.index_cast %mul3A_564 : i32 to index
      %get3A_734 = tpu.vector_load %arg7[%get3A_732, %get3A_733] {strides = array<i32>} : memref<20x1024xi32, #tpu.memory_space<vmem>>, vector<16xi32>,
      %gt3A_735 = arith.constant 13 : i32
      %gt3A_736 = vector.broadcast %gt3A_735 : i32 to vector<16xi32>
      %gt3A_737 = arith.cmpi sgt, %get3A_565, %gt3A_736 : vector<16xi32>
      %jit3A_738 = arith.constant 0 : i32
      %broadcast_in_dim3A_739 = vector.broadcast %jit3A_738 : i32 to vector<16xi32>
      %select_n3A_740 = arith.select %gt3A_737, %get3A_734, %broadcast_in_dim3A_739 : vector<16xi1>, vector<16xi32>
      %swap3A_741 = arith.constant 12 : i32
      %swap3A_742 = arith.index_cast %swap3A_741 : i32 to index
      %swap3A_743 = arith.index_cast %mul3A_564 : i32 to index
      %swap3A_744 = tpu.vector_load %arg7[%swap3A_742, %swap3A_743] {strides = array<i32>} : memref<20x1024xi32, #tpu.memory_space<vmem>>, vector<16xi32>,
      tpu.vector_store %arg7[%swap3A_742, %swap3A_743], %select_n3A_740 {strides = array<i32>} : memref<20x1024xi32, #tpu.memory_space<vmem>>, vector<16xi32>,
      %get3A_745 = arith.constant 13 : i32
      %get3A_746 = arith.index_cast %get3A_745 : i32 to index
      %get3A_747 = arith.index_cast %mul3A_564 : i32 to index
      %get3A_748 = tpu.vector_load %arg7[%get3A_746, %get3A_747] {strides = array<i32>} : memref<20x1024xi32, #tpu.memory_space<vmem>>, vector<16xi32>,
      %gt3A_749 = arith.constant 14 : i32
      %gt3A_750 = vector.broadcast %gt3A_749 : i32 to vector<16xi32>
      %gt3A_751 = arith.cmpi sgt, %get3A_565, %gt3A_750 : vector<16xi32>
      %jit3A_752 = arith.constant 0 : i32
      %broadcast_in_dim3A_753 = vector.broadcast %jit3A_752 : i32 to vector<16xi32>
      %select_n3A_754 = arith.select %gt3A_751, %get3A_748, %broadcast_in_dim3A_753 : vector<16xi1>, vector<16xi32>
      %swap3A_755 = arith.constant 13 : i32
      %swap3A_756 = arith.index_cast %swap3A_755 : i32 to index
      %swap3A_757 = arith.index_cast %mul3A_564 : i32 to index
      %swap3A_758 = tpu.vector_load %arg7[%swap3A_756, %swap3A_757] {strides = array<i32>} : memref<20x1024xi32, #tpu.memory_space<vmem>>, vector<16xi32>,
      tpu.vector_store %arg7[%swap3A_756, %swap3A_757], %select_n3A_754 {strides = array<i32>} : memref<20x1024xi32, #tpu.memory_space<vmem>>, vector<16xi32>,
      %get3A_759 = arith.constant 14 : i32
      %get3A_760 = arith.index_cast %get3A_759 : i32 to index
      %get3A_761 = arith.index_cast %mul3A_564 : i32 to index
      %get3A_762 = tpu.vector_load %arg7[%get3A_760, %get3A_761] {strides = array<i32>} : memref<20x1024xi32, #tpu.memory_space<vmem>>, vector<16xi32>,
      %gt3A_763 = arith.constant 15 : i32
      %gt3A_764 = vector.broadcast %gt3A_763 : i32 to vector<16xi32>
      %gt3A_765 = arith.cmpi sgt, %get3A_565, %gt3A_764 : vector<16xi32>
      %jit3A_766 = arith.constant 0 : i32
      %broadcast_in_dim3A_767 = vector.broadcast %jit3A_766 : i32 to vector<16xi32>
      %select_n3A_768 = arith.select %gt3A_765, %get3A_762, %broadcast_in_dim3A_767 : vector<16xi1>, vector<16xi32>
      %swap3A_769 = arith.constant 14 : i32
      %swap3A_770 = arith.index_cast %swap3A_769 : i32 to index
      %swap3A_771 = arith.index_cast %mul3A_564 : i32 to index
      %swap3A_772 = tpu.vector_load %arg7[%swap3A_770, %swap3A_771] {strides = array<i32>} : memref<20x1024xi32, #tpu.memory_space<vmem>>, vector<16xi32>,
      tpu.vector_store %arg7[%swap3A_770, %swap3A_771], %select_n3A_768 {strides = array<i32>} : memref<20x1024xi32, #tpu.memory_space<vmem>>, vector<16xi32>,
      %get3A_773 = arith.constant 15 : i32
      %get3A_774 = arith.index_cast %get3A_773 : i32 to index
      %get3A_775 = arith.index_cast %mul3A_564 : i32 to index
      %get3A_776 = tpu.vector_load %arg7[%get3A_774, %get3A_775] {strides = array<i32>} : memref<20x1024xi32, #tpu.memory_space<vmem>>, vector<16xi32>,
      %gt3A_777 = arith.constant 16 : i32
      %gt3A_778 = vector.broadcast %gt3A_777 : i32 to vector<16xi32>
      %gt3A_779 = arith.cmpi sgt, %get3A_565, %gt3A_778 : vector<16xi32>
      %jit3A_780 = arith.constant 0 : i32
      %broadcast_in_dim3A_781 = vector.broadcast %jit3A_780 : i32 to vector<16xi32>
      %select_n3A_782 = arith.select %gt3A_779, %get3A_776, %broadcast_in_dim3A_781 : vector<16xi1>, vector<16xi32>
      %swap3A_783 = arith.constant 15 : i32
      %swap3A_784 = arith.index_cast %swap3A_783 : i32 to index
      %swap3A_785 = arith.index_cast %mul3A_564 : i32 to index
      %swap3A_786 = tpu.vector_load %arg7[%swap3A_784, %swap3A_785] {strides = array<i32>} : memref<20x1024xi32, #tpu.memory_space<vmem>>, vector<16xi32>,
      tpu.vector_store %arg7[%swap3A_784, %swap3A_785], %select_n3A_782 {strides = array<i32>} : memref<20x1024xi32, #tpu.memory_space<vmem>>, vector<16xi32>,
      %get3A_787 = arith.constant 16 : i32
      %get3A_788 = arith.index_cast %get3A_787 : i32 to index
      %get3A_789 = arith.index_cast %mul3A_564 : i32 to index
      %get3A_790 = tpu.vector_load %arg7[%get3A_788, %get3A_789] {strides = array<i32>} : memref<20x1024xi32, #tpu.memory_space<vmem>>, vector<16xi32>,
      %gt3A_791 = arith.constant 17 : i32
      %gt3A_792 = vector.broadcast %gt3A_791 : i32 to vector<16xi32>
      %gt3A_793 = arith.cmpi sgt, %get3A_565, %gt3A_792 : vector<16xi32>
      %jit3A_794 = arith.constant 0 : i32
      %broadcast_in_dim3A_795 = vector.broadcast %jit3A_794 : i32 to vector<16xi32>
      %select_n3A_796 = arith.select %gt3A_793, %get3A_790, %broadcast_in_dim3A_795 : vector<16xi1>, vector<16xi32>
      %swap3A_797 = arith.constant 16 : i32
      %swap3A_798 = arith.index_cast %swap3A_797 : i32 to index
      %swap3A_799 = arith.index_cast %mul3A_564 : i32 to index
      %swap3A_800 = tpu.vector_load %arg7[%swap3A_798, %swap3A_799] {strides = array<i32>} : memref<20x1024xi32, #tpu.memory_space<vmem>>, vector<16xi32>,
      tpu.vector_store %arg7[%swap3A_798, %swap3A_799], %select_n3A_796 {strides = array<i32>} : memref<20x1024xi32, #tpu.memory_space<vmem>>, vector<16xi32>,
      %get3A_801 = arith.constant 17 : i32
      %get3A_802 = arith.index_cast %get3A_801 : i32 to index
      %get3A_803 = arith.index_cast %mul3A_564 : i32 to index
      %get3A_804 = tpu.vector_load %arg7[%get3A_802, %get3A_803] {strides = array<i32>} : memref<20x1024xi32, #tpu.memory_space<vmem>>, vector<16xi32>,
      %gt3A_805 = arith.constant 18 : i32
      %gt3A_806 = vector.broadcast %gt3A_805 : i32 to vector<16xi32>
      %gt3A_807 = arith.cmpi sgt, %get3A_565, %gt3A_806 : vector<16xi32>
      %jit3A_808 = arith.constant 0 : i32
      %broadcast_in_dim3A_809 = vector.broadcast %jit3A_808 : i32 to vector<16xi32>
      %select_n3A_810 = arith.select %gt3A_807, %get3A_804, %broadcast_in_dim3A_809 : vector<16xi1>, vector<16xi32>
      %swap3A_811 = arith.constant 17 : i32
      %swap3A_812 = arith.index_cast %swap3A_811 : i32 to index
      %swap3A_813 = arith.index_cast %mul3A_564 : i32 to index
      %swap3A_814 = tpu.vector_load %arg7[%swap3A_812, %swap3A_813] {strides = array<i32>} : memref<20x1024xi32, #tpu.memory_space<vmem>>, vector<16xi32>,
      tpu.vector_store %arg7[%swap3A_812, %swap3A_813], %select_n3A_810 {strides = array<i32>} : memref<20x1024xi32, #tpu.memory_space<vmem>>, vector<16xi32>,
      %get3A_815 = arith.constant 18 : i32
      %get3A_816 = arith.index_cast %get3A_815 : i32 to index
      %get3A_817 = arith.index_cast %mul3A_564 : i32 to index
      %get3A_818 = tpu.vector_load %arg7[%get3A_816, %get3A_817] {strides = array<i32>} : memref<20x1024xi32, #tpu.memory_space<vmem>>, vector<16xi32>,
      %gt3A_819 = arith.constant 19 : i32
      %gt3A_820 = vector.broadcast %gt3A_819 : i32 to vector<16xi32>
      %gt3A_821 = arith.cmpi sgt, %get3A_565, %gt3A_820 : vector<16xi32>
      %jit3A_822 = arith.constant 0 : i32
      %broadcast_in_dim3A_823 = vector.broadcast %jit3A_822 : i32 to vector<16xi32>
      %select_n3A_824 = arith.select %gt3A_821, %get3A_818, %broadcast_in_dim3A_823 : vector<16xi1>, vector<16xi32>
      %swap3A_825 = arith.constant 18 : i32
      %swap3A_826 = arith.index_cast %swap3A_825 : i32 to index
      %swap3A_827 = arith.index_cast %mul3A_564 : i32 to index
      %swap3A_828 = tpu.vector_load %arg7[%swap3A_826, %swap3A_827] {strides = array<i32>} : memref<20x1024xi32, #tpu.memory_space<vmem>>, vector<16xi32>,
      tpu.vector_store %arg7[%swap3A_826, %swap3A_827], %select_n3A_824 {strides = array<i32>} : memref<20x1024xi32, #tpu.memory_space<vmem>>, vector<16xi32>,
      %get3A_829 = arith.constant 19 : i32
      %get3A_830 = arith.index_cast %get3A_829 : i32 to index
      %get3A_831 = arith.index_cast %mul3A_564 : i32 to index
      %get3A_832 = tpu.vector_load %arg7[%get3A_830, %get3A_831] {strides = array<i32>} : memref<20x1024xi32, #tpu.memory_space<vmem>>, vector<16xi32>,
      %gt3A_833 = arith.constant 20 : i32
      %gt3A_834 = vector.broadcast %gt3A_833 : i32 to vector<16xi32>
      %gt3A_835 = arith.cmpi sgt, %get3A_565, %gt3A_834 : vector<16xi32>
      %jit3A_836 = arith.constant 0 : i32
      %broadcast_in_dim3A_837 = vector.broadcast %jit3A_836 : i32 to vector<16xi32>
      %select_n3A_838 = arith.select %gt3A_835, %get3A_832, %broadcast_in_dim3A_837 : vector<16xi1>, vector<16xi32>
      %swap3A_839 = arith.constant 19 : i32
      %swap3A_840 = arith.index_cast %swap3A_839 : i32 to index
      %swap3A_841 = arith.index_cast %mul3A_564 : i32 to index
      %swap3A_842 = tpu.vector_load %arg7[%swap3A_840, %swap3A_841] {strides = array<i32>} : memref<20x1024xi32, #tpu.memory_space<vmem>>, vector<16xi32>,
      tpu.vector_store %arg7[%swap3A_840, %swap3A_841], %select_n3A_838 {strides = array<i32>} : memref<20x1024xi32, #tpu.memory_space<vmem>>, vector<16xi32>,
    }
    %scan3A_555 = arith.constant 64 : i32
    tpu.wait_dma2 semaphore(%arg10 : memref<!tpu.dma_semaphore, #tpu.memory_space<semaphore_mem>>) src(%arg2 : memref<100352xf32, #tpu.memory_space<hbm>>) dst(%arg6 : memref<100352xf32, #tpu.memory_space<vmem>>)
    %scan3A_556 = arith.constant 0 : i32
    %scan3A_557 = arith.constant 0 : i32
    %scan3A_558 = arith.constant 64 : i32
    %scan3A_559 = arith.addi %scan3A_557, %scan3A_558 : i32
    %scan3A_560 = arith.constant 1 : i32
    scf.for %scan3A_562 = %scan3A_557 to %scan3A_559 step %scan3A_560  : i32 {
      %mul3A_563 = arith.constant 16 : i32
      %mul3A_564 = arith.muli %scan3A_562, %mul3A_563 : i32
      %broadcast_in_dim3A = arith.constant 0.000000e+00 : f32
      %broadcast_in_dim3A_565 = vector.broadcast %broadcast_in_dim3A : f32 to vector<16xf32>
      %get3A = arith.constant 0 : i32
      %get3A_566 = arith.index_cast %get3A : i32 to index
      %get3A_567 = arith.index_cast %mul3A_564 : i32 to index
      %get3A_568 = tpu.vector_load %arg7[%get3A_566, %get3A_567] {strides = array<i32>} : memref<20x1024xi32, #tpu.memory_space<vmem>>, vector<16xi32>,
      %gather3A = tpu.vector_load_idx %arg6[%get3A_568] : memref<100352xf32, #tpu.memory_space<vmem>>[vector<16xi32>], vector<16xf32>,
      %add3A_569 = arith.addf %broadcast_in_dim3A_565, %gather3A : vector<16xf32>
      %get3A_570 = arith.constant 1 : i32
      %get3A_571 = arith.index_cast %get3A_570 : i32 to index
      %get3A_572 = arith.index_cast %mul3A_564 : i32 to index
      %get3A_573 = tpu.vector_load %arg7[%get3A_571, %get3A_572] {strides = array<i32>} : memref<20x1024xi32, #tpu.memory_space<vmem>>, vector<16xi32>,
      %gather3A_574 = tpu.vector_load_idx %arg6[%get3A_573] : memref<100352xf32, #tpu.memory_space<vmem>>[vector<16xi32>], vector<16xf32>,
      %add3A_575 = arith.addf %add3A_569, %gather3A_574 : vector<16xf32>
      %get3A_576 = arith.constant 2 : i32
      %get3A_577 = arith.index_cast %get3A_576 : i32 to index
      %get3A_578 = arith.index_cast %mul3A_564 : i32 to index
      %get3A_579 = tpu.vector_load %arg7[%get3A_577, %get3A_578] {strides = array<i32>} : memref<20x1024xi32, #tpu.memory_space<vmem>>, vector<16xi32>,
      %gather3A_580 = tpu.vector_load_idx %arg6[%get3A_579] : memref<100352xf32, #tpu.memory_space<vmem>>[vector<16xi32>], vector<16xf32>,
      %add3A_581 = arith.addf %add3A_575, %gather3A_580 : vector<16xf32>
      %get3A_582 = arith.constant 3 : i32
      %get3A_583 = arith.index_cast %get3A_582 : i32 to index
      %get3A_584 = arith.index_cast %mul3A_564 : i32 to index
      %get3A_585 = tpu.vector_load %arg7[%get3A_583, %get3A_584] {strides = array<i32>} : memref<20x1024xi32, #tpu.memory_space<vmem>>, vector<16xi32>,
      %gather3A_586 = tpu.vector_load_idx %arg6[%get3A_585] : memref<100352xf32, #tpu.memory_space<vmem>>[vector<16xi32>], vector<16xf32>,
      %add3A_587 = arith.addf %add3A_581, %gather3A_586 : vector<16xf32>
      %get3A_588 = arith.constant 4 : i32
      %get3A_589 = arith.index_cast %get3A_588 : i32 to index
      %get3A_590 = arith.index_cast %mul3A_564 : i32 to index
      %get3A_591 = tpu.vector_load %arg7[%get3A_589, %get3A_590] {strides = array<i32>} : memref<20x1024xi32, #tpu.memory_space<vmem>>, vector<16xi32>,
      %gather3A_592 = tpu.vector_load_idx %arg6[%get3A_591] : memref<100352xf32, #tpu.memory_space<vmem>>[vector<16xi32>], vector<16xf32>,
      %add3A_593 = arith.addf %add3A_587, %gather3A_592 : vector<16xf32>
      %get3A_594 = arith.constant 5 : i32
      %get3A_595 = arith.index_cast %get3A_594 : i32 to index
      %get3A_596 = arith.index_cast %mul3A_564 : i32 to index
      %get3A_597 = tpu.vector_load %arg7[%get3A_595, %get3A_596] {strides = array<i32>} : memref<20x1024xi32, #tpu.memory_space<vmem>>, vector<16xi32>,
      %gather3A_598 = tpu.vector_load_idx %arg6[%get3A_597] : memref<100352xf32, #tpu.memory_space<vmem>>[vector<16xi32>], vector<16xf32>,
      %add3A_599 = arith.addf %add3A_593, %gather3A_598 : vector<16xf32>
      %get3A_600 = arith.constant 6 : i32
      %get3A_601 = arith.index_cast %get3A_600 : i32 to index
      %get3A_602 = arith.index_cast %mul3A_564 : i32 to index
      %get3A_603 = tpu.vector_load %arg7[%get3A_601, %get3A_602] {strides = array<i32>} : memref<20x1024xi32, #tpu.memory_space<vmem>>, vector<16xi32>,
      %gather3A_604 = tpu.vector_load_idx %arg6[%get3A_603] : memref<100352xf32, #tpu.memory_space<vmem>>[vector<16xi32>], vector<16xf32>,
      %add3A_605 = arith.addf %add3A_599, %gather3A_604 : vector<16xf32>
      %get3A_606 = arith.constant 7 : i32
      %get3A_607 = arith.index_cast %get3A_606 : i32 to index
      %get3A_608 = arith.index_cast %mul3A_564 : i32 to index
      %get3A_609 = tpu.vector_load %arg7[%get3A_607, %get3A_608] {strides = array<i32>} : memref<20x1024xi32, #tpu.memory_space<vmem>>, vector<16xi32>,
      %gather3A_610 = tpu.vector_load_idx %arg6[%get3A_609] : memref<100352xf32, #tpu.memory_space<vmem>>[vector<16xi32>], vector<16xf32>,
      %add3A_611 = arith.addf %add3A_605, %gather3A_610 : vector<16xf32>
      %get3A_612 = arith.constant 8 : i32
      %get3A_613 = arith.index_cast %get3A_612 : i32 to index
      %get3A_614 = arith.index_cast %mul3A_564 : i32 to index
      %get3A_615 = tpu.vector_load %arg7[%get3A_613, %get3A_614] {strides = array<i32>} : memref<20x1024xi32, #tpu.memory_space<vmem>>, vector<16xi32>,
      %gather3A_616 = tpu.vector_load_idx %arg6[%get3A_615] : memref<100352xf32, #tpu.memory_space<vmem>>[vector<16xi32>], vector<16xf32>,
      %add3A_617 = arith.addf %add3A_611, %gather3A_616 : vector<16xf32>
      %get3A_618 = arith.constant 9 : i32
      %get3A_619 = arith.index_cast %get3A_618 : i32 to index
      %get3A_620 = arith.index_cast %mul3A_564 : i32 to index
      %get3A_621 = tpu.vector_load %arg7[%get3A_619, %get3A_620] {strides = array<i32>} : memref<20x1024xi32, #tpu.memory_space<vmem>>, vector<16xi32>,
      %gather3A_622 = tpu.vector_load_idx %arg6[%get3A_621] : memref<100352xf32, #tpu.memory_space<vmem>>[vector<16xi32>], vector<16xf32>,
      %add3A_623 = arith.addf %add3A_617, %gather3A_622 : vector<16xf32>
      %get3A_624 = arith.constant 10 : i32
      %get3A_625 = arith.index_cast %get3A_624 : i32 to index
      %get3A_626 = arith.index_cast %mul3A_564 : i32 to index
      %get3A_627 = tpu.vector_load %arg7[%get3A_625, %get3A_626] {strides = array<i32>} : memref<20x1024xi32, #tpu.memory_space<vmem>>, vector<16xi32>,
      %gather3A_628 = tpu.vector_load_idx %arg6[%get3A_627] : memref<100352xf32, #tpu.memory_space<vmem>>[vector<16xi32>], vector<16xf32>,
      %add3A_629 = arith.addf %add3A_623, %gather3A_628 : vector<16xf32>
      %get3A_630 = arith.constant 11 : i32
      %get3A_631 = arith.index_cast %get3A_630 : i32 to index
      %get3A_632 = arith.index_cast %mul3A_564 : i32 to index
      %get3A_633 = tpu.vector_load %arg7[%get3A_631, %get3A_632] {strides = array<i32>} : memref<20x1024xi32, #tpu.memory_space<vmem>>, vector<16xi32>,
      %gather3A_634 = tpu.vector_load_idx %arg6[%get3A_633] : memref<100352xf32, #tpu.memory_space<vmem>>[vector<16xi32>], vector<16xf32>,
      %add3A_635 = arith.addf %add3A_629, %gather3A_634 : vector<16xf32>
      %get3A_636 = arith.constant 12 : i32
      %get3A_637 = arith.index_cast %get3A_636 : i32 to index
      %get3A_638 = arith.index_cast %mul3A_564 : i32 to index
      %get3A_639 = tpu.vector_load %arg7[%get3A_637, %get3A_638] {strides = array<i32>} : memref<20x1024xi32, #tpu.memory_space<vmem>>, vector<16xi32>,
      %gather3A_640 = tpu.vector_load_idx %arg6[%get3A_639] : memref<100352xf32, #tpu.memory_space<vmem>>[vector<16xi32>], vector<16xf32>,
      %add3A_641 = arith.addf %add3A_635, %gather3A_640 : vector<16xf32>
      %get3A_642 = arith.constant 13 : i32
      %get3A_643 = arith.index_cast %get3A_642 : i32 to index
      %get3A_644 = arith.index_cast %mul3A_564 : i32 to index
      %get3A_645 = tpu.vector_load %arg7[%get3A_643, %get3A_644] {strides = array<i32>} : memref<20x1024xi32, #tpu.memory_space<vmem>>, vector<16xi32>,
      %gather3A_646 = tpu.vector_load_idx %arg6[%get3A_645] : memref<100352xf32, #tpu.memory_space<vmem>>[vector<16xi32>], vector<16xf32>,
      %add3A_647 = arith.addf %add3A_641, %gather3A_646 : vector<16xf32>
      %get3A_648 = arith.constant 14 : i32
      %get3A_649 = arith.index_cast %get3A_648 : i32 to index
      %get3A_650 = arith.index_cast %mul3A_564 : i32 to index
      %get3A_651 = tpu.vector_load %arg7[%get3A_649, %get3A_650] {strides = array<i32>} : memref<20x1024xi32, #tpu.memory_space<vmem>>, vector<16xi32>,
      %gather3A_652 = tpu.vector_load_idx %arg6[%get3A_651] : memref<100352xf32, #tpu.memory_space<vmem>>[vector<16xi32>], vector<16xf32>,
      %add3A_653 = arith.addf %add3A_647, %gather3A_652 : vector<16xf32>
      %get3A_654 = arith.constant 15 : i32
      %get3A_655 = arith.index_cast %get3A_654 : i32 to index
      %get3A_656 = arith.index_cast %mul3A_564 : i32 to index
      %get3A_657 = tpu.vector_load %arg7[%get3A_655, %get3A_656] {strides = array<i32>} : memref<20x1024xi32, #tpu.memory_space<vmem>>, vector<16xi32>,
      %gather3A_658 = tpu.vector_load_idx %arg6[%get3A_657] : memref<100352xf32, #tpu.memory_space<vmem>>[vector<16xi32>], vector<16xf32>,
      %add3A_659 = arith.addf %add3A_653, %gather3A_658 : vector<16xf32>
      %get3A_660 = arith.constant 16 : i32
      %get3A_661 = arith.index_cast %get3A_660 : i32 to index
      %get3A_662 = arith.index_cast %mul3A_564 : i32 to index
      %get3A_663 = tpu.vector_load %arg7[%get3A_661, %get3A_662] {strides = array<i32>} : memref<20x1024xi32, #tpu.memory_space<vmem>>, vector<16xi32>,
      %gather3A_664 = tpu.vector_load_idx %arg6[%get3A_663] : memref<100352xf32, #tpu.memory_space<vmem>>[vector<16xi32>], vector<16xf32>,
      %add3A_665 = arith.addf %add3A_659, %gather3A_664 : vector<16xf32>
      %get3A_666 = arith.constant 17 : i32
      %get3A_667 = arith.index_cast %get3A_666 : i32 to index
      %get3A_668 = arith.index_cast %mul3A_564 : i32 to index
      %get3A_669 = tpu.vector_load %arg7[%get3A_667, %get3A_668] {strides = array<i32>} : memref<20x1024xi32, #tpu.memory_space<vmem>>, vector<16xi32>,
      %gather3A_670 = tpu.vector_load_idx %arg6[%get3A_669] : memref<100352xf32, #tpu.memory_space<vmem>>[vector<16xi32>], vector<16xf32>,
      %add3A_671 = arith.addf %add3A_665, %gather3A_670 : vector<16xf32>
      %get3A_672 = arith.constant 18 : i32
      %get3A_673 = arith.index_cast %get3A_672 : i32 to index
      %get3A_674 = arith.index_cast %mul3A_564 : i32 to index
      %get3A_675 = tpu.vector_load %arg7[%get3A_673, %get3A_674] {strides = array<i32>} : memref<20x1024xi32, #tpu.memory_space<vmem>>, vector<16xi32>,
      %gather3A_676 = tpu.vector_load_idx %arg6[%get3A_675] : memref<100352xf32, #tpu.memory_space<vmem>>[vector<16xi32>], vector<16xf32>,
      %add3A_677 = arith.addf %add3A_671, %gather3A_676 : vector<16xf32>
      %get3A_678 = arith.constant 19 : i32
      %get3A_679 = arith.index_cast %get3A_678 : i32 to index
      %get3A_680 = arith.index_cast %mul3A_564 : i32 to index
      %get3A_681 = tpu.vector_load %arg7[%get3A_679, %get3A_680] {strides = array<i32>} : memref<20x1024xi32, #tpu.memory_space<vmem>>, vector<16xi32>,
      %gather3A_682 = tpu.vector_load_idx %arg6[%get3A_681] : memref<100352xf32, #tpu.memory_space<vmem>>[vector<16xi32>], vector<16xf32>,
      %add3A_683 = arith.addf %add3A_677, %gather3A_682 : vector<16xf32>
      %swap3A = arith.index_cast %mul3A_564 : i32 to index
      %swap3A_684 = tpu.vector_load %arg9[%swap3A] {strides = array<i32>} : memref<1024xf32, #tpu.memory_space<vmem>>, vector<16xf32>,
      tpu.vector_store %arg9[%swap3A], %add3A_683 {strides = array<i32>} : memref<1024xf32, #tpu.memory_space<vmem>>, vector<16xf32>,
    }
    %scan3A_561 = arith.constant 64 : i32
    "tpu.region"() ({
      %run_scoped3A = tpu.sem_alloc : memref<!tpu.dma_semaphore, #tpu.memory_space<semaphore_mem>>
      %dma_start3A_562 = tpu.memref_slice %arg5[%select_n3A, %mul3A_32] : memref<8x4096xf32, #tpu.memory_space<hbm>> -> memref<1x1024xf32, #tpu.memory_space<hbm>>
      %dma_start3A_563 = tpu.memref_squeeze %dma_start3A_562 : memref<1x1024xf32, #tpu.memory_space<hbm>> -> memref<1024xf32, #tpu.memory_space<hbm>>
      %dma_start3A_564 = tpu.memref_slice %arg5[%select_n3A, %mul3A_32] : memref<8x4096xf32, #tpu.memory_space<hbm>> -> memref<1x1024xf32, #tpu.memory_space<hbm>>
      %dma_start3A_565 = tpu.memref_squeeze %dma_start3A_564 : memref<1x1024xf32, #tpu.memory_space<hbm>> -> memref<1024xf32, #tpu.memory_space<hbm>>
      tpu.enqueue_dma source(%arg9 : memref<1024xf32, #tpu.memory_space<vmem>>) target(%dma_start3A_565 : memref<1024xf32, #tpu.memory_space<hbm>>) target_semaphore(%run_scoped3A : memref<!tpu.dma_semaphore, #tpu.memory_space<semaphore_mem>>)
      %dma_wait3A_566 = tpu.memref_slice %arg5[%select_n3A, %mul3A_32] : memref<8x4096xf32, #tpu.memory_space<hbm>> -> memref<1x1024xf32, #tpu.memory_space<hbm>>
      %dma_wait3A_567 = tpu.memref_squeeze %dma_wait3A_566 : memref<1x1024xf32, #tpu.memory_space<hbm>> -> memref<1024xf32, #tpu.memory_space<hbm>>
      %dma_wait3A_568 = tpu.memref_slice %arg5[%select_n3A, %mul3A_32] : memref<8x4096xf32, #tpu.memory_space<hbm>> -> memref<1x1024xf32, #tpu.memory_space<hbm>>
      %dma_wait3A_569 = tpu.memref_squeeze %dma_wait3A_568 : memref<1x1024xf32, #tpu.memory_space<hbm>> -> memref<1024xf32, #tpu.memory_space<hbm>>
      tpu.wait_dma2 semaphore(%run_scoped3A : memref<!tpu.dma_semaphore, #tpu.memory_space<semaphore_mem>>) src(%arg9 : memref<1024xf32, #tpu.memory_space<vmem>>) dst(%dma_wait3A_569 : memref<1024xf32, #tpu.memory_space<hbm>>)
      tpu.yield
    }) : () -> ()
    return
  }
}

module attributes {stable_mosaic.version = 14 : i64} {
  func.func @_proj_body(%arg0: i32, %arg1: memref<14336x128xf32, #tpu.memory_space<vmem>>, %arg2: memref<1x128xf32, #tpu.memory_space<vmem>>, %arg3: memref<112x128xf32, #tpu.memory_space<vmem>>) attributes {dimension_semantics = [#tpu.dimension_semantics<arbitrary>], iteration_bounds = array<i64: 7>, scalar_prefetch = 0 : i64, scratch_operands = 0 : i64, tpu.core_type = #tpu.core_type<tc>, window_params = [{transform_indices = @transform_0, window_bounds = array<i64: 14336, 128>}, {pipeline_mode = #tpu.pipeline_mode<synchronous>, transform_indices = @transform_1, window_bounds = array<i64: 1, 128>}, {transform_indices = @transform_2, window_bounds = array<i64: 112, 128>}]} {
    %get3A = arith.constant 0 : index
    %get3A_0 = arith.constant 0 : index
    %get3A_1 = vector.load %arg1[%get3A, %get3A_0] : memref<14336x128xf32, #tpu.memory_space<vmem>>, vector<14336x128xf32>
    %reshape3A = vector.shape_cast %get3A_1 : vector<14336x128xf32> to vector<112x128x128xf32>
    %get3A_2 = arith.constant 0 : index
    %get3A_3 = arith.constant 0 : index
    %get3A_4 = vector.load %arg2[%get3A_2, %get3A_3] : memref<1x128xf32, #tpu.memory_space<vmem>>, vector<1x128xf32>
    %slice3A = vector.extract_strided_slice %reshape3A {offsets = [0, 0, 0], sizes = [1, 128, 128], strides = [1, 1, 1]} : vector<112x128x128xf32> to vector<1x128x128xf32>
    %squeeze3A = vector.shape_cast %slice3A : vector<1x128x128xf32> to vector<128x128xf32>
    %dot_general3A = arith.constant dense<0.000000e+00> : vector<1x128xf32>
    %dot_general3A_5 = tpu.matmul %get3A_4, %squeeze3A, %dot_general3A {dimension_numbers = #tpu.dot_dimension_numbers<[1], [1], [0], [0], [0, 0, 1, 0], [], []>, transpose_lhs_hint = false} : vector<1x128xf32>, vector<128x128xf32>, vector<1x128xf32> -> vector<1x128xf32>
    %swap3A = arith.constant 0 : index
    %swap3A_6 = arith.constant 0 : index
    %swap3A_7 = vector.load %arg3[%swap3A, %swap3A_6] : memref<112x128xf32, #tpu.memory_space<vmem>>, vector<1x128xf32>
    tpu.vector_store %arg3[%swap3A, %swap3A_6], %dot_general3A_5 {strides = array<i32>} : memref<112x128xf32, #tpu.memory_space<vmem>>, vector<1x128xf32>,
    %slice3A_8 = vector.extract_strided_slice %reshape3A {offsets = [1, 0, 0], sizes = [1, 128, 128], strides = [1, 1, 1]} : vector<112x128x128xf32> to vector<1x128x128xf32>
    %squeeze3A_9 = vector.shape_cast %slice3A_8 : vector<1x128x128xf32> to vector<128x128xf32>
    %dot_general3A_10 = arith.constant dense<0.000000e+00> : vector<1x128xf32>
    %dot_general3A_11 = tpu.matmul %get3A_4, %squeeze3A_9, %dot_general3A_10 {dimension_numbers = #tpu.dot_dimension_numbers<[1], [1], [0], [0], [0, 0, 1, 0], [], []>, transpose_lhs_hint = false} : vector<1x128xf32>, vector<128x128xf32>, vector<1x128xf32> -> vector<1x128xf32>
    %swap3A_12 = arith.constant 1 : index
    %swap3A_13 = arith.constant 0 : index
    %swap3A_14 = vector.load %arg3[%swap3A_12, %swap3A_13] : memref<112x128xf32, #tpu.memory_space<vmem>>, vector<1x128xf32>
    tpu.vector_store %arg3[%swap3A_12, %swap3A_13], %dot_general3A_11 {strides = array<i32>} : memref<112x128xf32, #tpu.memory_space<vmem>>, vector<1x128xf32>,
    %slice3A_15 = vector.extract_strided_slice %reshape3A {offsets = [2, 0, 0], sizes = [1, 128, 128], strides = [1, 1, 1]} : vector<112x128x128xf32> to vector<1x128x128xf32>
    %squeeze3A_16 = vector.shape_cast %slice3A_15 : vector<1x128x128xf32> to vector<128x128xf32>
    %dot_general3A_17 = arith.constant dense<0.000000e+00> : vector<1x128xf32>
    %dot_general3A_18 = tpu.matmul %get3A_4, %squeeze3A_16, %dot_general3A_17 {dimension_numbers = #tpu.dot_dimension_numbers<[1], [1], [0], [0], [0, 0, 1, 0], [], []>, transpose_lhs_hint = false} : vector<1x128xf32>, vector<128x128xf32>, vector<1x128xf32> -> vector<1x128xf32>
    %swap3A_19 = arith.constant 2 : index
    %swap3A_20 = arith.constant 0 : index
    %swap3A_21 = vector.load %arg3[%swap3A_19, %swap3A_20] : memref<112x128xf32, #tpu.memory_space<vmem>>, vector<1x128xf32>
    tpu.vector_store %arg3[%swap3A_19, %swap3A_20], %dot_general3A_18 {strides = array<i32>} : memref<112x128xf32, #tpu.memory_space<vmem>>, vector<1x128xf32>,
    %slice3A_22 = vector.extract_strided_slice %reshape3A {offsets = [3, 0, 0], sizes = [1, 128, 128], strides = [1, 1, 1]} : vector<112x128x128xf32> to vector<1x128x128xf32>
    %squeeze3A_23 = vector.shape_cast %slice3A_22 : vector<1x128x128xf32> to vector<128x128xf32>
    %dot_general3A_24 = arith.constant dense<0.000000e+00> : vector<1x128xf32>
    %dot_general3A_25 = tpu.matmul %get3A_4, %squeeze3A_23, %dot_general3A_24 {dimension_numbers = #tpu.dot_dimension_numbers<[1], [1], [0], [0], [0, 0, 1, 0], [], []>, transpose_lhs_hint = false} : vector<1x128xf32>, vector<128x128xf32>, vector<1x128xf32> -> vector<1x128xf32>
    %swap3A_26 = arith.constant 3 : index
    %swap3A_27 = arith.constant 0 : index
    %swap3A_28 = vector.load %arg3[%swap3A_26, %swap3A_27] : memref<112x128xf32, #tpu.memory_space<vmem>>, vector<1x128xf32>
    tpu.vector_store %arg3[%swap3A_26, %swap3A_27], %dot_general3A_25 {strides = array<i32>} : memref<112x128xf32, #tpu.memory_space<vmem>>, vector<1x128xf32>,
    %slice3A_29 = vector.extract_strided_slice %reshape3A {offsets = [4, 0, 0], sizes = [1, 128, 128], strides = [1, 1, 1]} : vector<112x128x128xf32> to vector<1x128x128xf32>
    %squeeze3A_30 = vector.shape_cast %slice3A_29 : vector<1x128x128xf32> to vector<128x128xf32>
    %dot_general3A_31 = arith.constant dense<0.000000e+00> : vector<1x128xf32>
    %dot_general3A_32 = tpu.matmul %get3A_4, %squeeze3A_30, %dot_general3A_31 {dimension_numbers = #tpu.dot_dimension_numbers<[1], [1], [0], [0], [0, 0, 1, 0], [], []>, transpose_lhs_hint = false} : vector<1x128xf32>, vector<128x128xf32>, vector<1x128xf32> -> vector<1x128xf32>
    %swap3A_33 = arith.constant 4 : index
    %swap3A_34 = arith.constant 0 : index
    %swap3A_35 = vector.load %arg3[%swap3A_33, %swap3A_34] : memref<112x128xf32, #tpu.memory_space<vmem>>, vector<1x128xf32>
    tpu.vector_store %arg3[%swap3A_33, %swap3A_34], %dot_general3A_32 {strides = array<i32>} : memref<112x128xf32, #tpu.memory_space<vmem>>, vector<1x128xf32>,
    %slice3A_36 = vector.extract_strided_slice %reshape3A {offsets = [5, 0, 0], sizes = [1, 128, 128], strides = [1, 1, 1]} : vector<112x128x128xf32> to vector<1x128x128xf32>
    %squeeze3A_37 = vector.shape_cast %slice3A_36 : vector<1x128x128xf32> to vector<128x128xf32>
    %dot_general3A_38 = arith.constant dense<0.000000e+00> : vector<1x128xf32>
    %dot_general3A_39 = tpu.matmul %get3A_4, %squeeze3A_37, %dot_general3A_38 {dimension_numbers = #tpu.dot_dimension_numbers<[1], [1], [0], [0], [0, 0, 1, 0], [], []>, transpose_lhs_hint = false} : vector<1x128xf32>, vector<128x128xf32>, vector<1x128xf32> -> vector<1x128xf32>
    %swap3A_40 = arith.constant 5 : index
    %swap3A_41 = arith.constant 0 : index
    %swap3A_42 = vector.load %arg3[%swap3A_40, %swap3A_41] : memref<112x128xf32, #tpu.memory_space<vmem>>, vector<1x128xf32>
    tpu.vector_store %arg3[%swap3A_40, %swap3A_41], %dot_general3A_39 {strides = array<i32>} : memref<112x128xf32, #tpu.memory_space<vmem>>, vector<1x128xf32>,
    %slice3A_43 = vector.extract_strided_slice %reshape3A {offsets = [6, 0, 0], sizes = [1, 128, 128], strides = [1, 1, 1]} : vector<112x128x128xf32> to vector<1x128x128xf32>
    %squeeze3A_44 = vector.shape_cast %slice3A_43 : vector<1x128x128xf32> to vector<128x128xf32>
    %dot_general3A_45 = arith.constant dense<0.000000e+00> : vector<1x128xf32>
    %dot_general3A_46 = tpu.matmul %get3A_4, %squeeze3A_44, %dot_general3A_45 {dimension_numbers = #tpu.dot_dimension_numbers<[1], [1], [0], [0], [0, 0, 1, 0], [], []>, transpose_lhs_hint = false} : vector<1x128xf32>, vector<128x128xf32>, vector<1x128xf32> -> vector<1x128xf32>
    %swap3A_47 = arith.constant 6 : index
    %swap3A_48 = arith.constant 0 : index
    %swap3A_49 = vector.load %arg3[%swap3A_47, %swap3A_48] : memref<112x128xf32, #tpu.memory_space<vmem>>, vector<1x128xf32>
    tpu.vector_store %arg3[%swap3A_47, %swap3A_48], %dot_general3A_46 {strides = array<i32>} : memref<112x128xf32, #tpu.memory_space<vmem>>, vector<1x128xf32>,
    %slice3A_50 = vector.extract_strided_slice %reshape3A {offsets = [7, 0, 0], sizes = [1, 128, 128], strides = [1, 1, 1]} : vector<112x128x128xf32> to vector<1x128x128xf32>
    %squeeze3A_51 = vector.shape_cast %slice3A_50 : vector<1x128x128xf32> to vector<128x128xf32>
    %dot_general3A_52 = arith.constant dense<0.000000e+00> : vector<1x128xf32>
    %dot_general3A_53 = tpu.matmul %get3A_4, %squeeze3A_51, %dot_general3A_52 {dimension_numbers = #tpu.dot_dimension_numbers<[1], [1], [0], [0], [0, 0, 1, 0], [], []>, transpose_lhs_hint = false} : vector<1x128xf32>, vector<128x128xf32>, vector<1x128xf32> -> vector<1x128xf32>
    %swap3A_54 = arith.constant 7 : index
    %swap3A_55 = arith.constant 0 : index
    %swap3A_56 = vector.load %arg3[%swap3A_54, %swap3A_55] : memref<112x128xf32, #tpu.memory_space<vmem>>, vector<1x128xf32>
    tpu.vector_store %arg3[%swap3A_54, %swap3A_55], %dot_general3A_53 {strides = array<i32>} : memref<112x128xf32, #tpu.memory_space<vmem>>, vector<1x128xf32>,
    %slice3A_57 = vector.extract_strided_slice %reshape3A {offsets = [8, 0, 0], sizes = [1, 128, 128], strides = [1, 1, 1]} : vector<112x128x128xf32> to vector<1x128x128xf32>
    %squeeze3A_58 = vector.shape_cast %slice3A_57 : vector<1x128x128xf32> to vector<128x128xf32>
    %dot_general3A_59 = arith.constant dense<0.000000e+00> : vector<1x128xf32>
    %dot_general3A_60 = tpu.matmul %get3A_4, %squeeze3A_58, %dot_general3A_59 {dimension_numbers = #tpu.dot_dimension_numbers<[1], [1], [0], [0], [0, 0, 1, 0], [], []>, transpose_lhs_hint = false} : vector<1x128xf32>, vector<128x128xf32>, vector<1x128xf32> -> vector<1x128xf32>
    %swap3A_61 = arith.constant 8 : index
    %swap3A_62 = arith.constant 0 : index
    %swap3A_63 = vector.load %arg3[%swap3A_61, %swap3A_62] : memref<112x128xf32, #tpu.memory_space<vmem>>, vector<1x128xf32>
    tpu.vector_store %arg3[%swap3A_61, %swap3A_62], %dot_general3A_60 {strides = array<i32>} : memref<112x128xf32, #tpu.memory_space<vmem>>, vector<1x128xf32>,
    %slice3A_64 = vector.extract_strided_slice %reshape3A {offsets = [9, 0, 0], sizes = [1, 128, 128], strides = [1, 1, 1]} : vector<112x128x128xf32> to vector<1x128x128xf32>
    %squeeze3A_65 = vector.shape_cast %slice3A_64 : vector<1x128x128xf32> to vector<128x128xf32>
    %dot_general3A_66 = arith.constant dense<0.000000e+00> : vector<1x128xf32>
    %dot_general3A_67 = tpu.matmul %get3A_4, %squeeze3A_65, %dot_general3A_66 {dimension_numbers = #tpu.dot_dimension_numbers<[1], [1], [0], [0], [0, 0, 1, 0], [], []>, transpose_lhs_hint = false} : vector<1x128xf32>, vector<128x128xf32>, vector<1x128xf32> -> vector<1x128xf32>
    %swap3A_68 = arith.constant 9 : index
    %swap3A_69 = arith.constant 0 : index
    %swap3A_70 = vector.load %arg3[%swap3A_68, %swap3A_69] : memref<112x128xf32, #tpu.memory_space<vmem>>, vector<1x128xf32>
    tpu.vector_store %arg3[%swap3A_68, %swap3A_69], %dot_general3A_67 {strides = array<i32>} : memref<112x128xf32, #tpu.memory_space<vmem>>, vector<1x128xf32>,
    %slice3A_71 = vector.extract_strided_slice %reshape3A {offsets = [10, 0, 0], sizes = [1, 128, 128], strides = [1, 1, 1]} : vector<112x128x128xf32> to vector<1x128x128xf32>
    %squeeze3A_72 = vector.shape_cast %slice3A_71 : vector<1x128x128xf32> to vector<128x128xf32>
    %dot_general3A_73 = arith.constant dense<0.000000e+00> : vector<1x128xf32>
    %dot_general3A_74 = tpu.matmul %get3A_4, %squeeze3A_72, %dot_general3A_73 {dimension_numbers = #tpu.dot_dimension_numbers<[1], [1], [0], [0], [0, 0, 1, 0], [], []>, transpose_lhs_hint = false} : vector<1x128xf32>, vector<128x128xf32>, vector<1x128xf32> -> vector<1x128xf32>
    %swap3A_75 = arith.constant 10 : index
    %swap3A_76 = arith.constant 0 : index
    %swap3A_77 = vector.load %arg3[%swap3A_75, %swap3A_76] : memref<112x128xf32, #tpu.memory_space<vmem>>, vector<1x128xf32>
    tpu.vector_store %arg3[%swap3A_75, %swap3A_76], %dot_general3A_74 {strides = array<i32>} : memref<112x128xf32, #tpu.memory_space<vmem>>, vector<1x128xf32>,
    %slice3A_78 = vector.extract_strided_slice %reshape3A {offsets = [11, 0, 0], sizes = [1, 128, 128], strides = [1, 1, 1]} : vector<112x128x128xf32> to vector<1x128x128xf32>
    %squeeze3A_79 = vector.shape_cast %slice3A_78 : vector<1x128x128xf32> to vector<128x128xf32>
    %dot_general3A_80 = arith.constant dense<0.000000e+00> : vector<1x128xf32>
    %dot_general3A_81 = tpu.matmul %get3A_4, %squeeze3A_79, %dot_general3A_80 {dimension_numbers = #tpu.dot_dimension_numbers<[1], [1], [0], [0], [0, 0, 1, 0], [], []>, transpose_lhs_hint = false} : vector<1x128xf32>, vector<128x128xf32>, vector<1x128xf32> -> vector<1x128xf32>
    %swap3A_82 = arith.constant 11 : index
    %swap3A_83 = arith.constant 0 : index
    %swap3A_84 = vector.load %arg3[%swap3A_82, %swap3A_83] : memref<112x128xf32, #tpu.memory_space<vmem>>, vector<1x128xf32>
    tpu.vector_store %arg3[%swap3A_82, %swap3A_83], %dot_general3A_81 {strides = array<i32>} : memref<112x128xf32, #tpu.memory_space<vmem>>, vector<1x128xf32>,
    %slice3A_85 = vector.extract_strided_slice %reshape3A {offsets = [12, 0, 0], sizes = [1, 128, 128], strides = [1, 1, 1]} : vector<112x128x128xf32> to vector<1x128x128xf32>
    %squeeze3A_86 = vector.shape_cast %slice3A_85 : vector<1x128x128xf32> to vector<128x128xf32>
    %dot_general3A_87 = arith.constant dense<0.000000e+00> : vector<1x128xf32>
    %dot_general3A_88 = tpu.matmul %get3A_4, %squeeze3A_86, %dot_general3A_87 {dimension_numbers = #tpu.dot_dimension_numbers<[1], [1], [0], [0], [0, 0, 1, 0], [], []>, transpose_lhs_hint = false} : vector<1x128xf32>, vector<128x128xf32>, vector<1x128xf32> -> vector<1x128xf32>
    %swap3A_89 = arith.constant 12 : index
    %swap3A_90 = arith.constant 0 : index
    %swap3A_91 = vector.load %arg3[%swap3A_89, %swap3A_90] : memref<112x128xf32, #tpu.memory_space<vmem>>, vector<1x128xf32>
    tpu.vector_store %arg3[%swap3A_89, %swap3A_90], %dot_general3A_88 {strides = array<i32>} : memref<112x128xf32, #tpu.memory_space<vmem>>, vector<1x128xf32>,
    %slice3A_92 = vector.extract_strided_slice %reshape3A {offsets = [13, 0, 0], sizes = [1, 128, 128], strides = [1, 1, 1]} : vector<112x128x128xf32> to vector<1x128x128xf32>
    %squeeze3A_93 = vector.shape_cast %slice3A_92 : vector<1x128x128xf32> to vector<128x128xf32>
    %dot_general3A_94 = arith.constant dense<0.000000e+00> : vector<1x128xf32>
    %dot_general3A_95 = tpu.matmul %get3A_4, %squeeze3A_93, %dot_general3A_94 {dimension_numbers = #tpu.dot_dimension_numbers<[1], [1], [0], [0], [0, 0, 1, 0], [], []>, transpose_lhs_hint = false} : vector<1x128xf32>, vector<128x128xf32>, vector<1x128xf32> -> vector<1x128xf32>
    %swap3A_96 = arith.constant 13 : index
    %swap3A_97 = arith.constant 0 : index
    %swap3A_98 = vector.load %arg3[%swap3A_96, %swap3A_97] : memref<112x128xf32, #tpu.memory_space<vmem>>, vector<1x128xf32>
    tpu.vector_store %arg3[%swap3A_96, %swap3A_97], %dot_general3A_95 {strides = array<i32>} : memref<112x128xf32, #tpu.memory_space<vmem>>, vector<1x128xf32>,
    %slice3A_99 = vector.extract_strided_slice %reshape3A {offsets = [14, 0, 0], sizes = [1, 128, 128], strides = [1, 1, 1]} : vector<112x128x128xf32> to vector<1x128x128xf32>
    %squeeze3A_100 = vector.shape_cast %slice3A_99 : vector<1x128x128xf32> to vector<128x128xf32>
    %dot_general3A_101 = arith.constant dense<0.000000e+00> : vector<1x128xf32>
    %dot_general3A_102 = tpu.matmul %get3A_4, %squeeze3A_100, %dot_general3A_101 {dimension_numbers = #tpu.dot_dimension_numbers<[1], [1], [0], [0], [0, 0, 1, 0], [], []>, transpose_lhs_hint = false} : vector<1x128xf32>, vector<128x128xf32>, vector<1x128xf32> -> vector<1x128xf32>
    %swap3A_103 = arith.constant 14 : index
    %swap3A_104 = arith.constant 0 : index
    %swap3A_105 = vector.load %arg3[%swap3A_103, %swap3A_104] : memref<112x128xf32, #tpu.memory_space<vmem>>, vector<1x128xf32>
    tpu.vector_store %arg3[%swap3A_103, %swap3A_104], %dot_general3A_102 {strides = array<i32>} : memref<112x128xf32, #tpu.memory_space<vmem>>, vector<1x128xf32>,
    %slice3A_106 = vector.extract_strided_slice %reshape3A {offsets = [15, 0, 0], sizes = [1, 128, 128], strides = [1, 1, 1]} : vector<112x128x128xf32> to vector<1x128x128xf32>
    %squeeze3A_107 = vector.shape_cast %slice3A_106 : vector<1x128x128xf32> to vector<128x128xf32>
    %dot_general3A_108 = arith.constant dense<0.000000e+00> : vector<1x128xf32>
    %dot_general3A_109 = tpu.matmul %get3A_4, %squeeze3A_107, %dot_general3A_108 {dimension_numbers = #tpu.dot_dimension_numbers<[1], [1], [0], [0], [0, 0, 1, 0], [], []>, transpose_lhs_hint = false} : vector<1x128xf32>, vector<128x128xf32>, vector<1x128xf32> -> vector<1x128xf32>
    %swap3A_110 = arith.constant 15 : index
    %swap3A_111 = arith.constant 0 : index
    %swap3A_112 = vector.load %arg3[%swap3A_110, %swap3A_111] : memref<112x128xf32, #tpu.memory_space<vmem>>, vector<1x128xf32>
    tpu.vector_store %arg3[%swap3A_110, %swap3A_111], %dot_general3A_109 {strides = array<i32>} : memref<112x128xf32, #tpu.memory_space<vmem>>, vector<1x128xf32>,
    %slice3A_113 = vector.extract_strided_slice %reshape3A {offsets = [16, 0, 0], sizes = [1, 128, 128], strides = [1, 1, 1]} : vector<112x128x128xf32> to vector<1x128x128xf32>
    %squeeze3A_114 = vector.shape_cast %slice3A_113 : vector<1x128x128xf32> to vector<128x128xf32>
    %dot_general3A_115 = arith.constant dense<0.000000e+00> : vector<1x128xf32>
    %dot_general3A_116 = tpu.matmul %get3A_4, %squeeze3A_114, %dot_general3A_115 {dimension_numbers = #tpu.dot_dimension_numbers<[1], [1], [0], [0], [0, 0, 1, 0], [], []>, transpose_lhs_hint = false} : vector<1x128xf32>, vector<128x128xf32>, vector<1x128xf32> -> vector<1x128xf32>
    %swap3A_117 = arith.constant 16 : index
    %swap3A_118 = arith.constant 0 : index
    %swap3A_119 = vector.load %arg3[%swap3A_117, %swap3A_118] : memref<112x128xf32, #tpu.memory_space<vmem>>, vector<1x128xf32>
    tpu.vector_store %arg3[%swap3A_117, %swap3A_118], %dot_general3A_116 {strides = array<i32>} : memref<112x128xf32, #tpu.memory_space<vmem>>, vector<1x128xf32>,
    %slice3A_120 = vector.extract_strided_slice %reshape3A {offsets = [17, 0, 0], sizes = [1, 128, 128], strides = [1, 1, 1]} : vector<112x128x128xf32> to vector<1x128x128xf32>
    %squeeze3A_121 = vector.shape_cast %slice3A_120 : vector<1x128x128xf32> to vector<128x128xf32>
    %dot_general3A_122 = arith.constant dense<0.000000e+00> : vector<1x128xf32>
    %dot_general3A_123 = tpu.matmul %get3A_4, %squeeze3A_121, %dot_general3A_122 {dimension_numbers = #tpu.dot_dimension_numbers<[1], [1], [0], [0], [0, 0, 1, 0], [], []>, transpose_lhs_hint = false} : vector<1x128xf32>, vector<128x128xf32>, vector<1x128xf32> -> vector<1x128xf32>
    %swap3A_124 = arith.constant 17 : index
    %swap3A_125 = arith.constant 0 : index
    %swap3A_126 = vector.load %arg3[%swap3A_124, %swap3A_125] : memref<112x128xf32, #tpu.memory_space<vmem>>, vector<1x128xf32>
    tpu.vector_store %arg3[%swap3A_124, %swap3A_125], %dot_general3A_123 {strides = array<i32>} : memref<112x128xf32, #tpu.memory_space<vmem>>, vector<1x128xf32>,
    %slice3A_127 = vector.extract_strided_slice %reshape3A {offsets = [18, 0, 0], sizes = [1, 128, 128], strides = [1, 1, 1]} : vector<112x128x128xf32> to vector<1x128x128xf32>
    %squeeze3A_128 = vector.shape_cast %slice3A_127 : vector<1x128x128xf32> to vector<128x128xf32>
    %dot_general3A_129 = arith.constant dense<0.000000e+00> : vector<1x128xf32>
    %dot_general3A_130 = tpu.matmul %get3A_4, %squeeze3A_128, %dot_general3A_129 {dimension_numbers = #tpu.dot_dimension_numbers<[1], [1], [0], [0], [0, 0, 1, 0], [], []>, transpose_lhs_hint = false} : vector<1x128xf32>, vector<128x128xf32>, vector<1x128xf32> -> vector<1x128xf32>
    %swap3A_131 = arith.constant 18 : index
    %swap3A_132 = arith.constant 0 : index
    %swap3A_133 = vector.load %arg3[%swap3A_131, %swap3A_132] : memref<112x128xf32, #tpu.memory_space<vmem>>, vector<1x128xf32>
    tpu.vector_store %arg3[%swap3A_131, %swap3A_132], %dot_general3A_130 {strides = array<i32>} : memref<112x128xf32, #tpu.memory_space<vmem>>, vector<1x128xf32>,
    %slice3A_134 = vector.extract_strided_slice %reshape3A {offsets = [19, 0, 0], sizes = [1, 128, 128], strides = [1, 1, 1]} : vector<112x128x128xf32> to vector<1x128x128xf32>
    %squeeze3A_135 = vector.shape_cast %slice3A_134 : vector<1x128x128xf32> to vector<128x128xf32>
    %dot_general3A_136 = arith.constant dense<0.000000e+00> : vector<1x128xf32>
    %dot_general3A_137 = tpu.matmul %get3A_4, %squeeze3A_135, %dot_general3A_136 {dimension_numbers = #tpu.dot_dimension_numbers<[1], [1], [0], [0], [0, 0, 1, 0], [], []>, transpose_lhs_hint = false} : vector<1x128xf32>, vector<128x128xf32>, vector<1x128xf32> -> vector<1x128xf32>
    %swap3A_138 = arith.constant 19 : index
    %swap3A_139 = arith.constant 0 : index
    %swap3A_140 = vector.load %arg3[%swap3A_138, %swap3A_139] : memref<112x128xf32, #tpu.memory_space<vmem>>, vector<1x128xf32>
    tpu.vector_store %arg3[%swap3A_138, %swap3A_139], %dot_general3A_137 {strides = array<i32>} : memref<112x128xf32, #tpu.memory_space<vmem>>, vector<1x128xf32>,
    %slice3A_141 = vector.extract_strided_slice %reshape3A {offsets = [20, 0, 0], sizes = [1, 128, 128], strides = [1, 1, 1]} : vector<112x128x128xf32> to vector<1x128x128xf32>
    %squeeze3A_142 = vector.shape_cast %slice3A_141 : vector<1x128x128xf32> to vector<128x128xf32>
    %dot_general3A_143 = arith.constant dense<0.000000e+00> : vector<1x128xf32>
    %dot_general3A_144 = tpu.matmul %get3A_4, %squeeze3A_142, %dot_general3A_143 {dimension_numbers = #tpu.dot_dimension_numbers<[1], [1], [0], [0], [0, 0, 1, 0], [], []>, transpose_lhs_hint = false} : vector<1x128xf32>, vector<128x128xf32>, vector<1x128xf32> -> vector<1x128xf32>
    %swap3A_145 = arith.constant 20 : index
    %swap3A_146 = arith.constant 0 : index
    %swap3A_147 = vector.load %arg3[%swap3A_145, %swap3A_146] : memref<112x128xf32, #tpu.memory_space<vmem>>, vector<1x128xf32>
    tpu.vector_store %arg3[%swap3A_145, %swap3A_146], %dot_general3A_144 {strides = array<i32>} : memref<112x128xf32, #tpu.memory_space<vmem>>, vector<1x128xf32>,
    %slice3A_148 = vector.extract_strided_slice %reshape3A {offsets = [21, 0, 0], sizes = [1, 128, 128], strides = [1, 1, 1]} : vector<112x128x128xf32> to vector<1x128x128xf32>
    %squeeze3A_149 = vector.shape_cast %slice3A_148 : vector<1x128x128xf32> to vector<128x128xf32>
    %dot_general3A_150 = arith.constant dense<0.000000e+00> : vector<1x128xf32>
    %dot_general3A_151 = tpu.matmul %get3A_4, %squeeze3A_149, %dot_general3A_150 {dimension_numbers = #tpu.dot_dimension_numbers<[1], [1], [0], [0], [0, 0, 1, 0], [], []>, transpose_lhs_hint = false} : vector<1x128xf32>, vector<128x128xf32>, vector<1x128xf32> -> vector<1x128xf32>
    %swap3A_152 = arith.constant 21 : index
    %swap3A_153 = arith.constant 0 : index
    %swap3A_154 = vector.load %arg3[%swap3A_152, %swap3A_153] : memref<112x128xf32, #tpu.memory_space<vmem>>, vector<1x128xf32>
    tpu.vector_store %arg3[%swap3A_152, %swap3A_153], %dot_general3A_151 {strides = array<i32>} : memref<112x128xf32, #tpu.memory_space<vmem>>, vector<1x128xf32>,
    %slice3A_155 = vector.extract_strided_slice %reshape3A {offsets = [22, 0, 0], sizes = [1, 128, 128], strides = [1, 1, 1]} : vector<112x128x128xf32> to vector<1x128x128xf32>
    %squeeze3A_156 = vector.shape_cast %slice3A_155 : vector<1x128x128xf32> to vector<128x128xf32>
    %dot_general3A_157 = arith.constant dense<0.000000e+00> : vector<1x128xf32>
    %dot_general3A_158 = tpu.matmul %get3A_4, %squeeze3A_156, %dot_general3A_157 {dimension_numbers = #tpu.dot_dimension_numbers<[1], [1], [0], [0], [0, 0, 1, 0], [], []>, transpose_lhs_hint = false} : vector<1x128xf32>, vector<128x128xf32>, vector<1x128xf32> -> vector<1x128xf32>
    %swap3A_159 = arith.constant 22 : index
    %swap3A_160 = arith.constant 0 : index
    %swap3A_161 = vector.load %arg3[%swap3A_159, %swap3A_160] : memref<112x128xf32, #tpu.memory_space<vmem>>, vector<1x128xf32>
    tpu.vector_store %arg3[%swap3A_159, %swap3A_160], %dot_general3A_158 {strides = array<i32>} : memref<112x128xf32, #tpu.memory_space<vmem>>, vector<1x128xf32>,
    %slice3A_162 = vector.extract_strided_slice %reshape3A {offsets = [23, 0, 0], sizes = [1, 128, 128], strides = [1, 1, 1]} : vector<112x128x128xf32> to vector<1x128x128xf32>
    %squeeze3A_163 = vector.shape_cast %slice3A_162 : vector<1x128x128xf32> to vector<128x128xf32>
    %dot_general3A_164 = arith.constant dense<0.000000e+00> : vector<1x128xf32>
    %dot_general3A_165 = tpu.matmul %get3A_4, %squeeze3A_163, %dot_general3A_164 {dimension_numbers = #tpu.dot_dimension_numbers<[1], [1], [0], [0], [0, 0, 1, 0], [], []>, transpose_lhs_hint = false} : vector<1x128xf32>, vector<128x128xf32>, vector<1x128xf32> -> vector<1x128xf32>
    %swap3A_166 = arith.constant 23 : index
    %swap3A_167 = arith.constant 0 : index
    %swap3A_168 = vector.load %arg3[%swap3A_166, %swap3A_167] : memref<112x128xf32, #tpu.memory_space<vmem>>, vector<1x128xf32>
    tpu.vector_store %arg3[%swap3A_166, %swap3A_167], %dot_general3A_165 {strides = array<i32>} : memref<112x128xf32, #tpu.memory_space<vmem>>, vector<1x128xf32>,
    %slice3A_169 = vector.extract_strided_slice %reshape3A {offsets = [24, 0, 0], sizes = [1, 128, 128], strides = [1, 1, 1]} : vector<112x128x128xf32> to vector<1x128x128xf32>
    %squeeze3A_170 = vector.shape_cast %slice3A_169 : vector<1x128x128xf32> to vector<128x128xf32>
    %dot_general3A_171 = arith.constant dense<0.000000e+00> : vector<1x128xf32>
    %dot_general3A_172 = tpu.matmul %get3A_4, %squeeze3A_170, %dot_general3A_171 {dimension_numbers = #tpu.dot_dimension_numbers<[1], [1], [0], [0], [0, 0, 1, 0], [], []>, transpose_lhs_hint = false} : vector<1x128xf32>, vector<128x128xf32>, vector<1x128xf32> -> vector<1x128xf32>
    %swap3A_173 = arith.constant 24 : index
    %swap3A_174 = arith.constant 0 : index
    %swap3A_175 = vector.load %arg3[%swap3A_173, %swap3A_174] : memref<112x128xf32, #tpu.memory_space<vmem>>, vector<1x128xf32>
    tpu.vector_store %arg3[%swap3A_173, %swap3A_174], %dot_general3A_172 {strides = array<i32>} : memref<112x128xf32, #tpu.memory_space<vmem>>, vector<1x128xf32>,
    %slice3A_176 = vector.extract_strided_slice %reshape3A {offsets = [25, 0, 0], sizes = [1, 128, 128], strides = [1, 1, 1]} : vector<112x128x128xf32> to vector<1x128x128xf32>
    %squeeze3A_177 = vector.shape_cast %slice3A_176 : vector<1x128x128xf32> to vector<128x128xf32>
    %dot_general3A_178 = arith.constant dense<0.000000e+00> : vector<1x128xf32>
    %dot_general3A_179 = tpu.matmul %get3A_4, %squeeze3A_177, %dot_general3A_178 {dimension_numbers = #tpu.dot_dimension_numbers<[1], [1], [0], [0], [0, 0, 1, 0], [], []>, transpose_lhs_hint = false} : vector<1x128xf32>, vector<128x128xf32>, vector<1x128xf32> -> vector<1x128xf32>
    %swap3A_180 = arith.constant 25 : index
    %swap3A_181 = arith.constant 0 : index
    %swap3A_182 = vector.load %arg3[%swap3A_180, %swap3A_181] : memref<112x128xf32, #tpu.memory_space<vmem>>, vector<1x128xf32>
    tpu.vector_store %arg3[%swap3A_180, %swap3A_181], %dot_general3A_179 {strides = array<i32>} : memref<112x128xf32, #tpu.memory_space<vmem>>, vector<1x128xf32>,
    %slice3A_183 = vector.extract_strided_slice %reshape3A {offsets = [26, 0, 0], sizes = [1, 128, 128], strides = [1, 1, 1]} : vector<112x128x128xf32> to vector<1x128x128xf32>
    %squeeze3A_184 = vector.shape_cast %slice3A_183 : vector<1x128x128xf32> to vector<128x128xf32>
    %dot_general3A_185 = arith.constant dense<0.000000e+00> : vector<1x128xf32>
    %dot_general3A_186 = tpu.matmul %get3A_4, %squeeze3A_184, %dot_general3A_185 {dimension_numbers = #tpu.dot_dimension_numbers<[1], [1], [0], [0], [0, 0, 1, 0], [], []>, transpose_lhs_hint = false} : vector<1x128xf32>, vector<128x128xf32>, vector<1x128xf32> -> vector<1x128xf32>
    %swap3A_187 = arith.constant 26 : index
    %swap3A_188 = arith.constant 0 : index
    %swap3A_189 = vector.load %arg3[%swap3A_187, %swap3A_188] : memref<112x128xf32, #tpu.memory_space<vmem>>, vector<1x128xf32>
    tpu.vector_store %arg3[%swap3A_187, %swap3A_188], %dot_general3A_186 {strides = array<i32>} : memref<112x128xf32, #tpu.memory_space<vmem>>, vector<1x128xf32>,
    %slice3A_190 = vector.extract_strided_slice %reshape3A {offsets = [27, 0, 0], sizes = [1, 128, 128], strides = [1, 1, 1]} : vector<112x128x128xf32> to vector<1x128x128xf32>
    %squeeze3A_191 = vector.shape_cast %slice3A_190 : vector<1x128x128xf32> to vector<128x128xf32>
    %dot_general3A_192 = arith.constant dense<0.000000e+00> : vector<1x128xf32>
    %dot_general3A_193 = tpu.matmul %get3A_4, %squeeze3A_191, %dot_general3A_192 {dimension_numbers = #tpu.dot_dimension_numbers<[1], [1], [0], [0], [0, 0, 1, 0], [], []>, transpose_lhs_hint = false} : vector<1x128xf32>, vector<128x128xf32>, vector<1x128xf32> -> vector<1x128xf32>
    %swap3A_194 = arith.constant 27 : index
    %swap3A_195 = arith.constant 0 : index
    %swap3A_196 = vector.load %arg3[%swap3A_194, %swap3A_195] : memref<112x128xf32, #tpu.memory_space<vmem>>, vector<1x128xf32>
    tpu.vector_store %arg3[%swap3A_194, %swap3A_195], %dot_general3A_193 {strides = array<i32>} : memref<112x128xf32, #tpu.memory_space<vmem>>, vector<1x128xf32>,
    %slice3A_197 = vector.extract_strided_slice %reshape3A {offsets = [28, 0, 0], sizes = [1, 128, 128], strides = [1, 1, 1]} : vector<112x128x128xf32> to vector<1x128x128xf32>
    %squeeze3A_198 = vector.shape_cast %slice3A_197 : vector<1x128x128xf32> to vector<128x128xf32>
    %dot_general3A_199 = arith.constant dense<0.000000e+00> : vector<1x128xf32>
    %dot_general3A_200 = tpu.matmul %get3A_4, %squeeze3A_198, %dot_general3A_199 {dimension_numbers = #tpu.dot_dimension_numbers<[1], [1], [0], [0], [0, 0, 1, 0], [], []>, transpose_lhs_hint = false} : vector<1x128xf32>, vector<128x128xf32>, vector<1x128xf32> -> vector<1x128xf32>
    %swap3A_201 = arith.constant 28 : index
    %swap3A_202 = arith.constant 0 : index
    %swap3A_203 = vector.load %arg3[%swap3A_201, %swap3A_202] : memref<112x128xf32, #tpu.memory_space<vmem>>, vector<1x128xf32>
    tpu.vector_store %arg3[%swap3A_201, %swap3A_202], %dot_general3A_200 {strides = array<i32>} : memref<112x128xf32, #tpu.memory_space<vmem>>, vector<1x128xf32>,
    %slice3A_204 = vector.extract_strided_slice %reshape3A {offsets = [29, 0, 0], sizes = [1, 128, 128], strides = [1, 1, 1]} : vector<112x128x128xf32> to vector<1x128x128xf32>
    %squeeze3A_205 = vector.shape_cast %slice3A_204 : vector<1x128x128xf32> to vector<128x128xf32>
    %dot_general3A_206 = arith.constant dense<0.000000e+00> : vector<1x128xf32>
    %dot_general3A_207 = tpu.matmul %get3A_4, %squeeze3A_205, %dot_general3A_206 {dimension_numbers = #tpu.dot_dimension_numbers<[1], [1], [0], [0], [0, 0, 1, 0], [], []>, transpose_lhs_hint = false} : vector<1x128xf32>, vector<128x128xf32>, vector<1x128xf32> -> vector<1x128xf32>
    %swap3A_208 = arith.constant 29 : index
    %swap3A_209 = arith.constant 0 : index
    %swap3A_210 = vector.load %arg3[%swap3A_208, %swap3A_209] : memref<112x128xf32, #tpu.memory_space<vmem>>, vector<1x128xf32>
    tpu.vector_store %arg3[%swap3A_208, %swap3A_209], %dot_general3A_207 {strides = array<i32>} : memref<112x128xf32, #tpu.memory_space<vmem>>, vector<1x128xf32>,
    %slice3A_211 = vector.extract_strided_slice %reshape3A {offsets = [30, 0, 0], sizes = [1, 128, 128], strides = [1, 1, 1]} : vector<112x128x128xf32> to vector<1x128x128xf32>
    %squeeze3A_212 = vector.shape_cast %slice3A_211 : vector<1x128x128xf32> to vector<128x128xf32>
    %dot_general3A_213 = arith.constant dense<0.000000e+00> : vector<1x128xf32>
    %dot_general3A_214 = tpu.matmul %get3A_4, %squeeze3A_212, %dot_general3A_213 {dimension_numbers = #tpu.dot_dimension_numbers<[1], [1], [0], [0], [0, 0, 1, 0], [], []>, transpose_lhs_hint = false} : vector<1x128xf32>, vector<128x128xf32>, vector<1x128xf32> -> vector<1x128xf32>
    %swap3A_215 = arith.constant 30 : index
    %swap3A_216 = arith.constant 0 : index
    %swap3A_217 = vector.load %arg3[%swap3A_215, %swap3A_216] : memref<112x128xf32, #tpu.memory_space<vmem>>, vector<1x128xf32>
    tpu.vector_store %arg3[%swap3A_215, %swap3A_216], %dot_general3A_214 {strides = array<i32>} : memref<112x128xf32, #tpu.memory_space<vmem>>, vector<1x128xf32>,
    %slice3A_218 = vector.extract_strided_slice %reshape3A {offsets = [31, 0, 0], sizes = [1, 128, 128], strides = [1, 1, 1]} : vector<112x128x128xf32> to vector<1x128x128xf32>
    %squeeze3A_219 = vector.shape_cast %slice3A_218 : vector<1x128x128xf32> to vector<128x128xf32>
    %dot_general3A_220 = arith.constant dense<0.000000e+00> : vector<1x128xf32>
    %dot_general3A_221 = tpu.matmul %get3A_4, %squeeze3A_219, %dot_general3A_220 {dimension_numbers = #tpu.dot_dimension_numbers<[1], [1], [0], [0], [0, 0, 1, 0], [], []>, transpose_lhs_hint = false} : vector<1x128xf32>, vector<128x128xf32>, vector<1x128xf32> -> vector<1x128xf32>
    %swap3A_222 = arith.constant 31 : index
    %swap3A_223 = arith.constant 0 : index
    %swap3A_224 = vector.load %arg3[%swap3A_222, %swap3A_223] : memref<112x128xf32, #tpu.memory_space<vmem>>, vector<1x128xf32>
    tpu.vector_store %arg3[%swap3A_222, %swap3A_223], %dot_general3A_221 {strides = array<i32>} : memref<112x128xf32, #tpu.memory_space<vmem>>, vector<1x128xf32>,
    %slice3A_225 = vector.extract_strided_slice %reshape3A {offsets = [32, 0, 0], sizes = [1, 128, 128], strides = [1, 1, 1]} : vector<112x128x128xf32> to vector<1x128x128xf32>
    %squeeze3A_226 = vector.shape_cast %slice3A_225 : vector<1x128x128xf32> to vector<128x128xf32>
    %dot_general3A_227 = arith.constant dense<0.000000e+00> : vector<1x128xf32>
    %dot_general3A_228 = tpu.matmul %get3A_4, %squeeze3A_226, %dot_general3A_227 {dimension_numbers = #tpu.dot_dimension_numbers<[1], [1], [0], [0], [0, 0, 1, 0], [], []>, transpose_lhs_hint = false} : vector<1x128xf32>, vector<128x128xf32>, vector<1x128xf32> -> vector<1x128xf32>
    %swap3A_229 = arith.constant 32 : index
    %swap3A_230 = arith.constant 0 : index
    %swap3A_231 = vector.load %arg3[%swap3A_229, %swap3A_230] : memref<112x128xf32, #tpu.memory_space<vmem>>, vector<1x128xf32>
    tpu.vector_store %arg3[%swap3A_229, %swap3A_230], %dot_general3A_228 {strides = array<i32>} : memref<112x128xf32, #tpu.memory_space<vmem>>, vector<1x128xf32>,
    %slice3A_232 = vector.extract_strided_slice %reshape3A {offsets = [33, 0, 0], sizes = [1, 128, 128], strides = [1, 1, 1]} : vector<112x128x128xf32> to vector<1x128x128xf32>
    %squeeze3A_233 = vector.shape_cast %slice3A_232 : vector<1x128x128xf32> to vector<128x128xf32>
    %dot_general3A_234 = arith.constant dense<0.000000e+00> : vector<1x128xf32>
    %dot_general3A_235 = tpu.matmul %get3A_4, %squeeze3A_233, %dot_general3A_234 {dimension_numbers = #tpu.dot_dimension_numbers<[1], [1], [0], [0], [0, 0, 1, 0], [], []>, transpose_lhs_hint = false} : vector<1x128xf32>, vector<128x128xf32>, vector<1x128xf32> -> vector<1x128xf32>
    %swap3A_236 = arith.constant 33 : index
    %swap3A_237 = arith.constant 0 : index
    %swap3A_238 = vector.load %arg3[%swap3A_236, %swap3A_237] : memref<112x128xf32, #tpu.memory_space<vmem>>, vector<1x128xf32>
    tpu.vector_store %arg3[%swap3A_236, %swap3A_237], %dot_general3A_235 {strides = array<i32>} : memref<112x128xf32, #tpu.memory_space<vmem>>, vector<1x128xf32>,
    %slice3A_239 = vector.extract_strided_slice %reshape3A {offsets = [34, 0, 0], sizes = [1, 128, 128], strides = [1, 1, 1]} : vector<112x128x128xf32> to vector<1x128x128xf32>
    %squeeze3A_240 = vector.shape_cast %slice3A_239 : vector<1x128x128xf32> to vector<128x128xf32>
    %dot_general3A_241 = arith.constant dense<0.000000e+00> : vector<1x128xf32>
    %dot_general3A_242 = tpu.matmul %get3A_4, %squeeze3A_240, %dot_general3A_241 {dimension_numbers = #tpu.dot_dimension_numbers<[1], [1], [0], [0], [0, 0, 1, 0], [], []>, transpose_lhs_hint = false} : vector<1x128xf32>, vector<128x128xf32>, vector<1x128xf32> -> vector<1x128xf32>
    %swap3A_243 = arith.constant 34 : index
    %swap3A_244 = arith.constant 0 : index
    %swap3A_245 = vector.load %arg3[%swap3A_243, %swap3A_244] : memref<112x128xf32, #tpu.memory_space<vmem>>, vector<1x128xf32>
    tpu.vector_store %arg3[%swap3A_243, %swap3A_244], %dot_general3A_242 {strides = array<i32>} : memref<112x128xf32, #tpu.memory_space<vmem>>, vector<1x128xf32>,
    %slice3A_246 = vector.extract_strided_slice %reshape3A {offsets = [35, 0, 0], sizes = [1, 128, 128], strides = [1, 1, 1]} : vector<112x128x128xf32> to vector<1x128x128xf32>
    %squeeze3A_247 = vector.shape_cast %slice3A_246 : vector<1x128x128xf32> to vector<128x128xf32>
    %dot_general3A_248 = arith.constant dense<0.000000e+00> : vector<1x128xf32>
    %dot_general3A_249 = tpu.matmul %get3A_4, %squeeze3A_247, %dot_general3A_248 {dimension_numbers = #tpu.dot_dimension_numbers<[1], [1], [0], [0], [0, 0, 1, 0], [], []>, transpose_lhs_hint = false} : vector<1x128xf32>, vector<128x128xf32>, vector<1x128xf32> -> vector<1x128xf32>
    %swap3A_250 = arith.constant 35 : index
    %swap3A_251 = arith.constant 0 : index
    %swap3A_252 = vector.load %arg3[%swap3A_250, %swap3A_251] : memref<112x128xf32, #tpu.memory_space<vmem>>, vector<1x128xf32>
    tpu.vector_store %arg3[%swap3A_250, %swap3A_251], %dot_general3A_249 {strides = array<i32>} : memref<112x128xf32, #tpu.memory_space<vmem>>, vector<1x128xf32>,
    %slice3A_253 = vector.extract_strided_slice %reshape3A {offsets = [36, 0, 0], sizes = [1, 128, 128], strides = [1, 1, 1]} : vector<112x128x128xf32> to vector<1x128x128xf32>
    %squeeze3A_254 = vector.shape_cast %slice3A_253 : vector<1x128x128xf32> to vector<128x128xf32>
    %dot_general3A_255 = arith.constant dense<0.000000e+00> : vector<1x128xf32>
    %dot_general3A_256 = tpu.matmul %get3A_4, %squeeze3A_254, %dot_general3A_255 {dimension_numbers = #tpu.dot_dimension_numbers<[1], [1], [0], [0], [0, 0, 1, 0], [], []>, transpose_lhs_hint = false} : vector<1x128xf32>, vector<128x128xf32>, vector<1x128xf32> -> vector<1x128xf32>
    %swap3A_257 = arith.constant 36 : index
    %swap3A_258 = arith.constant 0 : index
    %swap3A_259 = vector.load %arg3[%swap3A_257, %swap3A_258] : memref<112x128xf32, #tpu.memory_space<vmem>>, vector<1x128xf32>
    tpu.vector_store %arg3[%swap3A_257, %swap3A_258], %dot_general3A_256 {strides = array<i32>} : memref<112x128xf32, #tpu.memory_space<vmem>>, vector<1x128xf32>,
    %slice3A_260 = vector.extract_strided_slice %reshape3A {offsets = [37, 0, 0], sizes = [1, 128, 128], strides = [1, 1, 1]} : vector<112x128x128xf32> to vector<1x128x128xf32>
    %squeeze3A_261 = vector.shape_cast %slice3A_260 : vector<1x128x128xf32> to vector<128x128xf32>
    %dot_general3A_262 = arith.constant dense<0.000000e+00> : vector<1x128xf32>
    %dot_general3A_263 = tpu.matmul %get3A_4, %squeeze3A_261, %dot_general3A_262 {dimension_numbers = #tpu.dot_dimension_numbers<[1], [1], [0], [0], [0, 0, 1, 0], [], []>, transpose_lhs_hint = false} : vector<1x128xf32>, vector<128x128xf32>, vector<1x128xf32> -> vector<1x128xf32>
    %swap3A_264 = arith.constant 37 : index
    %swap3A_265 = arith.constant 0 : index
    %swap3A_266 = vector.load %arg3[%swap3A_264, %swap3A_265] : memref<112x128xf32, #tpu.memory_space<vmem>>, vector<1x128xf32>
    tpu.vector_store %arg3[%swap3A_264, %swap3A_265], %dot_general3A_263 {strides = array<i32>} : memref<112x128xf32, #tpu.memory_space<vmem>>, vector<1x128xf32>,
    %slice3A_267 = vector.extract_strided_slice %reshape3A {offsets = [38, 0, 0], sizes = [1, 128, 128], strides = [1, 1, 1]} : vector<112x128x128xf32> to vector<1x128x128xf32>
    %squeeze3A_268 = vector.shape_cast %slice3A_267 : vector<1x128x128xf32> to vector<128x128xf32>
    %dot_general3A_269 = arith.constant dense<0.000000e+00> : vector<1x128xf32>
    %dot_general3A_270 = tpu.matmul %get3A_4, %squeeze3A_268, %dot_general3A_269 {dimension_numbers = #tpu.dot_dimension_numbers<[1], [1], [0], [0], [0, 0, 1, 0], [], []>, transpose_lhs_hint = false} : vector<1x128xf32>, vector<128x128xf32>, vector<1x128xf32> -> vector<1x128xf32>
    %swap3A_271 = arith.constant 38 : index
    %swap3A_272 = arith.constant 0 : index
    %swap3A_273 = vector.load %arg3[%swap3A_271, %swap3A_272] : memref<112x128xf32, #tpu.memory_space<vmem>>, vector<1x128xf32>
    tpu.vector_store %arg3[%swap3A_271, %swap3A_272], %dot_general3A_270 {strides = array<i32>} : memref<112x128xf32, #tpu.memory_space<vmem>>, vector<1x128xf32>,
    %slice3A_274 = vector.extract_strided_slice %reshape3A {offsets = [39, 0, 0], sizes = [1, 128, 128], strides = [1, 1, 1]} : vector<112x128x128xf32> to vector<1x128x128xf32>
    %squeeze3A_275 = vector.shape_cast %slice3A_274 : vector<1x128x128xf32> to vector<128x128xf32>
    %dot_general3A_276 = arith.constant dense<0.000000e+00> : vector<1x128xf32>
    %dot_general3A_277 = tpu.matmul %get3A_4, %squeeze3A_275, %dot_general3A_276 {dimension_numbers = #tpu.dot_dimension_numbers<[1], [1], [0], [0], [0, 0, 1, 0], [], []>, transpose_lhs_hint = false} : vector<1x128xf32>, vector<128x128xf32>, vector<1x128xf32> -> vector<1x128xf32>
    %swap3A_278 = arith.constant 39 : index
    %swap3A_279 = arith.constant 0 : index
    %swap3A_280 = vector.load %arg3[%swap3A_278, %swap3A_279] : memref<112x128xf32, #tpu.memory_space<vmem>>, vector<1x128xf32>
    tpu.vector_store %arg3[%swap3A_278, %swap3A_279], %dot_general3A_277 {strides = array<i32>} : memref<112x128xf32, #tpu.memory_space<vmem>>, vector<1x128xf32>,
    %slice3A_281 = vector.extract_strided_slice %reshape3A {offsets = [40, 0, 0], sizes = [1, 128, 128], strides = [1, 1, 1]} : vector<112x128x128xf32> to vector<1x128x128xf32>
    %squeeze3A_282 = vector.shape_cast %slice3A_281 : vector<1x128x128xf32> to vector<128x128xf32>
    %dot_general3A_283 = arith.constant dense<0.000000e+00> : vector<1x128xf32>
    %dot_general3A_284 = tpu.matmul %get3A_4, %squeeze3A_282, %dot_general3A_283 {dimension_numbers = #tpu.dot_dimension_numbers<[1], [1], [0], [0], [0, 0, 1, 0], [], []>, transpose_lhs_hint = false} : vector<1x128xf32>, vector<128x128xf32>, vector<1x128xf32> -> vector<1x128xf32>
    %swap3A_285 = arith.constant 40 : index
    %swap3A_286 = arith.constant 0 : index
    %swap3A_287 = vector.load %arg3[%swap3A_285, %swap3A_286] : memref<112x128xf32, #tpu.memory_space<vmem>>, vector<1x128xf32>
    tpu.vector_store %arg3[%swap3A_285, %swap3A_286], %dot_general3A_284 {strides = array<i32>} : memref<112x128xf32, #tpu.memory_space<vmem>>, vector<1x128xf32>,
    %slice3A_288 = vector.extract_strided_slice %reshape3A {offsets = [41, 0, 0], sizes = [1, 128, 128], strides = [1, 1, 1]} : vector<112x128x128xf32> to vector<1x128x128xf32>
    %squeeze3A_289 = vector.shape_cast %slice3A_288 : vector<1x128x128xf32> to vector<128x128xf32>
    %dot_general3A_290 = arith.constant dense<0.000000e+00> : vector<1x128xf32>
    %dot_general3A_291 = tpu.matmul %get3A_4, %squeeze3A_289, %dot_general3A_290 {dimension_numbers = #tpu.dot_dimension_numbers<[1], [1], [0], [0], [0, 0, 1, 0], [], []>, transpose_lhs_hint = false} : vector<1x128xf32>, vector<128x128xf32>, vector<1x128xf32> -> vector<1x128xf32>
    %swap3A_292 = arith.constant 41 : index
    %swap3A_293 = arith.constant 0 : index
    %swap3A_294 = vector.load %arg3[%swap3A_292, %swap3A_293] : memref<112x128xf32, #tpu.memory_space<vmem>>, vector<1x128xf32>
    tpu.vector_store %arg3[%swap3A_292, %swap3A_293], %dot_general3A_291 {strides = array<i32>} : memref<112x128xf32, #tpu.memory_space<vmem>>, vector<1x128xf32>,
    %slice3A_295 = vector.extract_strided_slice %reshape3A {offsets = [42, 0, 0], sizes = [1, 128, 128], strides = [1, 1, 1]} : vector<112x128x128xf32> to vector<1x128x128xf32>
    %squeeze3A_296 = vector.shape_cast %slice3A_295 : vector<1x128x128xf32> to vector<128x128xf32>
    %dot_general3A_297 = arith.constant dense<0.000000e+00> : vector<1x128xf32>
    %dot_general3A_298 = tpu.matmul %get3A_4, %squeeze3A_296, %dot_general3A_297 {dimension_numbers = #tpu.dot_dimension_numbers<[1], [1], [0], [0], [0, 0, 1, 0], [], []>, transpose_lhs_hint = false} : vector<1x128xf32>, vector<128x128xf32>, vector<1x128xf32> -> vector<1x128xf32>
    %swap3A_299 = arith.constant 42 : index
    %swap3A_300 = arith.constant 0 : index
    %swap3A_301 = vector.load %arg3[%swap3A_299, %swap3A_300] : memref<112x128xf32, #tpu.memory_space<vmem>>, vector<1x128xf32>
    tpu.vector_store %arg3[%swap3A_299, %swap3A_300], %dot_general3A_298 {strides = array<i32>} : memref<112x128xf32, #tpu.memory_space<vmem>>, vector<1x128xf32>,
    %slice3A_302 = vector.extract_strided_slice %reshape3A {offsets = [43, 0, 0], sizes = [1, 128, 128], strides = [1, 1, 1]} : vector<112x128x128xf32> to vector<1x128x128xf32>
    %squeeze3A_303 = vector.shape_cast %slice3A_302 : vector<1x128x128xf32> to vector<128x128xf32>
    %dot_general3A_304 = arith.constant dense<0.000000e+00> : vector<1x128xf32>
    %dot_general3A_305 = tpu.matmul %get3A_4, %squeeze3A_303, %dot_general3A_304 {dimension_numbers = #tpu.dot_dimension_numbers<[1], [1], [0], [0], [0, 0, 1, 0], [], []>, transpose_lhs_hint = false} : vector<1x128xf32>, vector<128x128xf32>, vector<1x128xf32> -> vector<1x128xf32>
    %swap3A_306 = arith.constant 43 : index
    %swap3A_307 = arith.constant 0 : index
    %swap3A_308 = vector.load %arg3[%swap3A_306, %swap3A_307] : memref<112x128xf32, #tpu.memory_space<vmem>>, vector<1x128xf32>
    tpu.vector_store %arg3[%swap3A_306, %swap3A_307], %dot_general3A_305 {strides = array<i32>} : memref<112x128xf32, #tpu.memory_space<vmem>>, vector<1x128xf32>,
    %slice3A_309 = vector.extract_strided_slice %reshape3A {offsets = [44, 0, 0], sizes = [1, 128, 128], strides = [1, 1, 1]} : vector<112x128x128xf32> to vector<1x128x128xf32>
    %squeeze3A_310 = vector.shape_cast %slice3A_309 : vector<1x128x128xf32> to vector<128x128xf32>
    %dot_general3A_311 = arith.constant dense<0.000000e+00> : vector<1x128xf32>
    %dot_general3A_312 = tpu.matmul %get3A_4, %squeeze3A_310, %dot_general3A_311 {dimension_numbers = #tpu.dot_dimension_numbers<[1], [1], [0], [0], [0, 0, 1, 0], [], []>, transpose_lhs_hint = false} : vector<1x128xf32>, vector<128x128xf32>, vector<1x128xf32> -> vector<1x128xf32>
    %swap3A_313 = arith.constant 44 : index
    %swap3A_314 = arith.constant 0 : index
    %swap3A_315 = vector.load %arg3[%swap3A_313, %swap3A_314] : memref<112x128xf32, #tpu.memory_space<vmem>>, vector<1x128xf32>
    tpu.vector_store %arg3[%swap3A_313, %swap3A_314], %dot_general3A_312 {strides = array<i32>} : memref<112x128xf32, #tpu.memory_space<vmem>>, vector<1x128xf32>,
    %slice3A_316 = vector.extract_strided_slice %reshape3A {offsets = [45, 0, 0], sizes = [1, 128, 128], strides = [1, 1, 1]} : vector<112x128x128xf32> to vector<1x128x128xf32>
    %squeeze3A_317 = vector.shape_cast %slice3A_316 : vector<1x128x128xf32> to vector<128x128xf32>
    %dot_general3A_318 = arith.constant dense<0.000000e+00> : vector<1x128xf32>
    %dot_general3A_319 = tpu.matmul %get3A_4, %squeeze3A_317, %dot_general3A_318 {dimension_numbers = #tpu.dot_dimension_numbers<[1], [1], [0], [0], [0, 0, 1, 0], [], []>, transpose_lhs_hint = false} : vector<1x128xf32>, vector<128x128xf32>, vector<1x128xf32> -> vector<1x128xf32>
    %swap3A_320 = arith.constant 45 : index
    %swap3A_321 = arith.constant 0 : index
    %swap3A_322 = vector.load %arg3[%swap3A_320, %swap3A_321] : memref<112x128xf32, #tpu.memory_space<vmem>>, vector<1x128xf32>
    tpu.vector_store %arg3[%swap3A_320, %swap3A_321], %dot_general3A_319 {strides = array<i32>} : memref<112x128xf32, #tpu.memory_space<vmem>>, vector<1x128xf32>,
    %slice3A_323 = vector.extract_strided_slice %reshape3A {offsets = [46, 0, 0], sizes = [1, 128, 128], strides = [1, 1, 1]} : vector<112x128x128xf32> to vector<1x128x128xf32>
    %squeeze3A_324 = vector.shape_cast %slice3A_323 : vector<1x128x128xf32> to vector<128x128xf32>
    %dot_general3A_325 = arith.constant dense<0.000000e+00> : vector<1x128xf32>
    %dot_general3A_326 = tpu.matmul %get3A_4, %squeeze3A_324, %dot_general3A_325 {dimension_numbers = #tpu.dot_dimension_numbers<[1], [1], [0], [0], [0, 0, 1, 0], [], []>, transpose_lhs_hint = false} : vector<1x128xf32>, vector<128x128xf32>, vector<1x128xf32> -> vector<1x128xf32>
    %swap3A_327 = arith.constant 46 : index
    %swap3A_328 = arith.constant 0 : index
    %swap3A_329 = vector.load %arg3[%swap3A_327, %swap3A_328] : memref<112x128xf32, #tpu.memory_space<vmem>>, vector<1x128xf32>
    tpu.vector_store %arg3[%swap3A_327, %swap3A_328], %dot_general3A_326 {strides = array<i32>} : memref<112x128xf32, #tpu.memory_space<vmem>>, vector<1x128xf32>,
    %slice3A_330 = vector.extract_strided_slice %reshape3A {offsets = [47, 0, 0], sizes = [1, 128, 128], strides = [1, 1, 1]} : vector<112x128x128xf32> to vector<1x128x128xf32>
    %squeeze3A_331 = vector.shape_cast %slice3A_330 : vector<1x128x128xf32> to vector<128x128xf32>
    %dot_general3A_332 = arith.constant dense<0.000000e+00> : vector<1x128xf32>
    %dot_general3A_333 = tpu.matmul %get3A_4, %squeeze3A_331, %dot_general3A_332 {dimension_numbers = #tpu.dot_dimension_numbers<[1], [1], [0], [0], [0, 0, 1, 0], [], []>, transpose_lhs_hint = false} : vector<1x128xf32>, vector<128x128xf32>, vector<1x128xf32> -> vector<1x128xf32>
    %swap3A_334 = arith.constant 47 : index
    %swap3A_335 = arith.constant 0 : index
    %swap3A_336 = vector.load %arg3[%swap3A_334, %swap3A_335] : memref<112x128xf32, #tpu.memory_space<vmem>>, vector<1x128xf32>
    tpu.vector_store %arg3[%swap3A_334, %swap3A_335], %dot_general3A_333 {strides = array<i32>} : memref<112x128xf32, #tpu.memory_space<vmem>>, vector<1x128xf32>,
    %slice3A_337 = vector.extract_strided_slice %reshape3A {offsets = [48, 0, 0], sizes = [1, 128, 128], strides = [1, 1, 1]} : vector<112x128x128xf32> to vector<1x128x128xf32>
    %squeeze3A_338 = vector.shape_cast %slice3A_337 : vector<1x128x128xf32> to vector<128x128xf32>
    %dot_general3A_339 = arith.constant dense<0.000000e+00> : vector<1x128xf32>
    %dot_general3A_340 = tpu.matmul %get3A_4, %squeeze3A_338, %dot_general3A_339 {dimension_numbers = #tpu.dot_dimension_numbers<[1], [1], [0], [0], [0, 0, 1, 0], [], []>, transpose_lhs_hint = false} : vector<1x128xf32>, vector<128x128xf32>, vector<1x128xf32> -> vector<1x128xf32>
    %swap3A_341 = arith.constant 48 : index
    %swap3A_342 = arith.constant 0 : index
    %swap3A_343 = vector.load %arg3[%swap3A_341, %swap3A_342] : memref<112x128xf32, #tpu.memory_space<vmem>>, vector<1x128xf32>
    tpu.vector_store %arg3[%swap3A_341, %swap3A_342], %dot_general3A_340 {strides = array<i32>} : memref<112x128xf32, #tpu.memory_space<vmem>>, vector<1x128xf32>,
    %slice3A_344 = vector.extract_strided_slice %reshape3A {offsets = [49, 0, 0], sizes = [1, 128, 128], strides = [1, 1, 1]} : vector<112x128x128xf32> to vector<1x128x128xf32>
    %squeeze3A_345 = vector.shape_cast %slice3A_344 : vector<1x128x128xf32> to vector<128x128xf32>
    %dot_general3A_346 = arith.constant dense<0.000000e+00> : vector<1x128xf32>
    %dot_general3A_347 = tpu.matmul %get3A_4, %squeeze3A_345, %dot_general3A_346 {dimension_numbers = #tpu.dot_dimension_numbers<[1], [1], [0], [0], [0, 0, 1, 0], [], []>, transpose_lhs_hint = false} : vector<1x128xf32>, vector<128x128xf32>, vector<1x128xf32> -> vector<1x128xf32>
    %swap3A_348 = arith.constant 49 : index
    %swap3A_349 = arith.constant 0 : index
    %swap3A_350 = vector.load %arg3[%swap3A_348, %swap3A_349] : memref<112x128xf32, #tpu.memory_space<vmem>>, vector<1x128xf32>
    tpu.vector_store %arg3[%swap3A_348, %swap3A_349], %dot_general3A_347 {strides = array<i32>} : memref<112x128xf32, #tpu.memory_space<vmem>>, vector<1x128xf32>,
    %slice3A_351 = vector.extract_strided_slice %reshape3A {offsets = [50, 0, 0], sizes = [1, 128, 128], strides = [1, 1, 1]} : vector<112x128x128xf32> to vector<1x128x128xf32>
    %squeeze3A_352 = vector.shape_cast %slice3A_351 : vector<1x128x128xf32> to vector<128x128xf32>
    %dot_general3A_353 = arith.constant dense<0.000000e+00> : vector<1x128xf32>
    %dot_general3A_354 = tpu.matmul %get3A_4, %squeeze3A_352, %dot_general3A_353 {dimension_numbers = #tpu.dot_dimension_numbers<[1], [1], [0], [0], [0, 0, 1, 0], [], []>, transpose_lhs_hint = false} : vector<1x128xf32>, vector<128x128xf32>, vector<1x128xf32> -> vector<1x128xf32>
    %swap3A_355 = arith.constant 50 : index
    %swap3A_356 = arith.constant 0 : index
    %swap3A_357 = vector.load %arg3[%swap3A_355, %swap3A_356] : memref<112x128xf32, #tpu.memory_space<vmem>>, vector<1x128xf32>
    tpu.vector_store %arg3[%swap3A_355, %swap3A_356], %dot_general3A_354 {strides = array<i32>} : memref<112x128xf32, #tpu.memory_space<vmem>>, vector<1x128xf32>,
    %slice3A_358 = vector.extract_strided_slice %reshape3A {offsets = [51, 0, 0], sizes = [1, 128, 128], strides = [1, 1, 1]} : vector<112x128x128xf32> to vector<1x128x128xf32>
    %squeeze3A_359 = vector.shape_cast %slice3A_358 : vector<1x128x128xf32> to vector<128x128xf32>
    %dot_general3A_360 = arith.constant dense<0.000000e+00> : vector<1x128xf32>
    %dot_general3A_361 = tpu.matmul %get3A_4, %squeeze3A_359, %dot_general3A_360 {dimension_numbers = #tpu.dot_dimension_numbers<[1], [1], [0], [0], [0, 0, 1, 0], [], []>, transpose_lhs_hint = false} : vector<1x128xf32>, vector<128x128xf32>, vector<1x128xf32> -> vector<1x128xf32>
    %swap3A_362 = arith.constant 51 : index
    %swap3A_363 = arith.constant 0 : index
    %swap3A_364 = vector.load %arg3[%swap3A_362, %swap3A_363] : memref<112x128xf32, #tpu.memory_space<vmem>>, vector<1x128xf32>
    tpu.vector_store %arg3[%swap3A_362, %swap3A_363], %dot_general3A_361 {strides = array<i32>} : memref<112x128xf32, #tpu.memory_space<vmem>>, vector<1x128xf32>,
    %slice3A_365 = vector.extract_strided_slice %reshape3A {offsets = [52, 0, 0], sizes = [1, 128, 128], strides = [1, 1, 1]} : vector<112x128x128xf32> to vector<1x128x128xf32>
    %squeeze3A_366 = vector.shape_cast %slice3A_365 : vector<1x128x128xf32> to vector<128x128xf32>
    %dot_general3A_367 = arith.constant dense<0.000000e+00> : vector<1x128xf32>
    %dot_general3A_368 = tpu.matmul %get3A_4, %squeeze3A_366, %dot_general3A_367 {dimension_numbers = #tpu.dot_dimension_numbers<[1], [1], [0], [0], [0, 0, 1, 0], [], []>, transpose_lhs_hint = false} : vector<1x128xf32>, vector<128x128xf32>, vector<1x128xf32> -> vector<1x128xf32>
    %swap3A_369 = arith.constant 52 : index
    %swap3A_370 = arith.constant 0 : index
    %swap3A_371 = vector.load %arg3[%swap3A_369, %swap3A_370] : memref<112x128xf32, #tpu.memory_space<vmem>>, vector<1x128xf32>
    tpu.vector_store %arg3[%swap3A_369, %swap3A_370], %dot_general3A_368 {strides = array<i32>} : memref<112x128xf32, #tpu.memory_space<vmem>>, vector<1x128xf32>,
    %slice3A_372 = vector.extract_strided_slice %reshape3A {offsets = [53, 0, 0], sizes = [1, 128, 128], strides = [1, 1, 1]} : vector<112x128x128xf32> to vector<1x128x128xf32>
    %squeeze3A_373 = vector.shape_cast %slice3A_372 : vector<1x128x128xf32> to vector<128x128xf32>
    %dot_general3A_374 = arith.constant dense<0.000000e+00> : vector<1x128xf32>
    %dot_general3A_375 = tpu.matmul %get3A_4, %squeeze3A_373, %dot_general3A_374 {dimension_numbers = #tpu.dot_dimension_numbers<[1], [1], [0], [0], [0, 0, 1, 0], [], []>, transpose_lhs_hint = false} : vector<1x128xf32>, vector<128x128xf32>, vector<1x128xf32> -> vector<1x128xf32>
    %swap3A_376 = arith.constant 53 : index
    %swap3A_377 = arith.constant 0 : index
    %swap3A_378 = vector.load %arg3[%swap3A_376, %swap3A_377] : memref<112x128xf32, #tpu.memory_space<vmem>>, vector<1x128xf32>
    tpu.vector_store %arg3[%swap3A_376, %swap3A_377], %dot_general3A_375 {strides = array<i32>} : memref<112x128xf32, #tpu.memory_space<vmem>>, vector<1x128xf32>,
    %slice3A_379 = vector.extract_strided_slice %reshape3A {offsets = [54, 0, 0], sizes = [1, 128, 128], strides = [1, 1, 1]} : vector<112x128x128xf32> to vector<1x128x128xf32>
    %squeeze3A_380 = vector.shape_cast %slice3A_379 : vector<1x128x128xf32> to vector<128x128xf32>
    %dot_general3A_381 = arith.constant dense<0.000000e+00> : vector<1x128xf32>
    %dot_general3A_382 = tpu.matmul %get3A_4, %squeeze3A_380, %dot_general3A_381 {dimension_numbers = #tpu.dot_dimension_numbers<[1], [1], [0], [0], [0, 0, 1, 0], [], []>, transpose_lhs_hint = false} : vector<1x128xf32>, vector<128x128xf32>, vector<1x128xf32> -> vector<1x128xf32>
    %swap3A_383 = arith.constant 54 : index
    %swap3A_384 = arith.constant 0 : index
    %swap3A_385 = vector.load %arg3[%swap3A_383, %swap3A_384] : memref<112x128xf32, #tpu.memory_space<vmem>>, vector<1x128xf32>
    tpu.vector_store %arg3[%swap3A_383, %swap3A_384], %dot_general3A_382 {strides = array<i32>} : memref<112x128xf32, #tpu.memory_space<vmem>>, vector<1x128xf32>,
    %slice3A_386 = vector.extract_strided_slice %reshape3A {offsets = [55, 0, 0], sizes = [1, 128, 128], strides = [1, 1, 1]} : vector<112x128x128xf32> to vector<1x128x128xf32>
    %squeeze3A_387 = vector.shape_cast %slice3A_386 : vector<1x128x128xf32> to vector<128x128xf32>
    %dot_general3A_388 = arith.constant dense<0.000000e+00> : vector<1x128xf32>
    %dot_general3A_389 = tpu.matmul %get3A_4, %squeeze3A_387, %dot_general3A_388 {dimension_numbers = #tpu.dot_dimension_numbers<[1], [1], [0], [0], [0, 0, 1, 0], [], []>, transpose_lhs_hint = false} : vector<1x128xf32>, vector<128x128xf32>, vector<1x128xf32> -> vector<1x128xf32>
    %swap3A_390 = arith.constant 55 : index
    %swap3A_391 = arith.constant 0 : index
    %swap3A_392 = vector.load %arg3[%swap3A_390, %swap3A_391] : memref<112x128xf32, #tpu.memory_space<vmem>>, vector<1x128xf32>
    tpu.vector_store %arg3[%swap3A_390, %swap3A_391], %dot_general3A_389 {strides = array<i32>} : memref<112x128xf32, #tpu.memory_space<vmem>>, vector<1x128xf32>,
    %slice3A_393 = vector.extract_strided_slice %reshape3A {offsets = [56, 0, 0], sizes = [1, 128, 128], strides = [1, 1, 1]} : vector<112x128x128xf32> to vector<1x128x128xf32>
    %squeeze3A_394 = vector.shape_cast %slice3A_393 : vector<1x128x128xf32> to vector<128x128xf32>
    %dot_general3A_395 = arith.constant dense<0.000000e+00> : vector<1x128xf32>
    %dot_general3A_396 = tpu.matmul %get3A_4, %squeeze3A_394, %dot_general3A_395 {dimension_numbers = #tpu.dot_dimension_numbers<[1], [1], [0], [0], [0, 0, 1, 0], [], []>, transpose_lhs_hint = false} : vector<1x128xf32>, vector<128x128xf32>, vector<1x128xf32> -> vector<1x128xf32>
    %swap3A_397 = arith.constant 56 : index
    %swap3A_398 = arith.constant 0 : index
    %swap3A_399 = vector.load %arg3[%swap3A_397, %swap3A_398] : memref<112x128xf32, #tpu.memory_space<vmem>>, vector<1x128xf32>
    tpu.vector_store %arg3[%swap3A_397, %swap3A_398], %dot_general3A_396 {strides = array<i32>} : memref<112x128xf32, #tpu.memory_space<vmem>>, vector<1x128xf32>,
    %slice3A_400 = vector.extract_strided_slice %reshape3A {offsets = [57, 0, 0], sizes = [1, 128, 128], strides = [1, 1, 1]} : vector<112x128x128xf32> to vector<1x128x128xf32>
    %squeeze3A_401 = vector.shape_cast %slice3A_400 : vector<1x128x128xf32> to vector<128x128xf32>
    %dot_general3A_402 = arith.constant dense<0.000000e+00> : vector<1x128xf32>
    %dot_general3A_403 = tpu.matmul %get3A_4, %squeeze3A_401, %dot_general3A_402 {dimension_numbers = #tpu.dot_dimension_numbers<[1], [1], [0], [0], [0, 0, 1, 0], [], []>, transpose_lhs_hint = false} : vector<1x128xf32>, vector<128x128xf32>, vector<1x128xf32> -> vector<1x128xf32>
    %swap3A_404 = arith.constant 57 : index
    %swap3A_405 = arith.constant 0 : index
    %swap3A_406 = vector.load %arg3[%swap3A_404, %swap3A_405] : memref<112x128xf32, #tpu.memory_space<vmem>>, vector<1x128xf32>
    tpu.vector_store %arg3[%swap3A_404, %swap3A_405], %dot_general3A_403 {strides = array<i32>} : memref<112x128xf32, #tpu.memory_space<vmem>>, vector<1x128xf32>,
    %slice3A_407 = vector.extract_strided_slice %reshape3A {offsets = [58, 0, 0], sizes = [1, 128, 128], strides = [1, 1, 1]} : vector<112x128x128xf32> to vector<1x128x128xf32>
    %squeeze3A_408 = vector.shape_cast %slice3A_407 : vector<1x128x128xf32> to vector<128x128xf32>
    %dot_general3A_409 = arith.constant dense<0.000000e+00> : vector<1x128xf32>
    %dot_general3A_410 = tpu.matmul %get3A_4, %squeeze3A_408, %dot_general3A_409 {dimension_numbers = #tpu.dot_dimension_numbers<[1], [1], [0], [0], [0, 0, 1, 0], [], []>, transpose_lhs_hint = false} : vector<1x128xf32>, vector<128x128xf32>, vector<1x128xf32> -> vector<1x128xf32>
    %swap3A_411 = arith.constant 58 : index
    %swap3A_412 = arith.constant 0 : index
    %swap3A_413 = vector.load %arg3[%swap3A_411, %swap3A_412] : memref<112x128xf32, #tpu.memory_space<vmem>>, vector<1x128xf32>
    tpu.vector_store %arg3[%swap3A_411, %swap3A_412], %dot_general3A_410 {strides = array<i32>} : memref<112x128xf32, #tpu.memory_space<vmem>>, vector<1x128xf32>,
    %slice3A_414 = vector.extract_strided_slice %reshape3A {offsets = [59, 0, 0], sizes = [1, 128, 128], strides = [1, 1, 1]} : vector<112x128x128xf32> to vector<1x128x128xf32>
    %squeeze3A_415 = vector.shape_cast %slice3A_414 : vector<1x128x128xf32> to vector<128x128xf32>
    %dot_general3A_416 = arith.constant dense<0.000000e+00> : vector<1x128xf32>
    %dot_general3A_417 = tpu.matmul %get3A_4, %squeeze3A_415, %dot_general3A_416 {dimension_numbers = #tpu.dot_dimension_numbers<[1], [1], [0], [0], [0, 0, 1, 0], [], []>, transpose_lhs_hint = false} : vector<1x128xf32>, vector<128x128xf32>, vector<1x128xf32> -> vector<1x128xf32>
    %swap3A_418 = arith.constant 59 : index
    %swap3A_419 = arith.constant 0 : index
    %swap3A_420 = vector.load %arg3[%swap3A_418, %swap3A_419] : memref<112x128xf32, #tpu.memory_space<vmem>>, vector<1x128xf32>
    tpu.vector_store %arg3[%swap3A_418, %swap3A_419], %dot_general3A_417 {strides = array<i32>} : memref<112x128xf32, #tpu.memory_space<vmem>>, vector<1x128xf32>,
    %slice3A_421 = vector.extract_strided_slice %reshape3A {offsets = [60, 0, 0], sizes = [1, 128, 128], strides = [1, 1, 1]} : vector<112x128x128xf32> to vector<1x128x128xf32>
    %squeeze3A_422 = vector.shape_cast %slice3A_421 : vector<1x128x128xf32> to vector<128x128xf32>
    %dot_general3A_423 = arith.constant dense<0.000000e+00> : vector<1x128xf32>
    %dot_general3A_424 = tpu.matmul %get3A_4, %squeeze3A_422, %dot_general3A_423 {dimension_numbers = #tpu.dot_dimension_numbers<[1], [1], [0], [0], [0, 0, 1, 0], [], []>, transpose_lhs_hint = false} : vector<1x128xf32>, vector<128x128xf32>, vector<1x128xf32> -> vector<1x128xf32>
    %swap3A_425 = arith.constant 60 : index
    %swap3A_426 = arith.constant 0 : index
    %swap3A_427 = vector.load %arg3[%swap3A_425, %swap3A_426] : memref<112x128xf32, #tpu.memory_space<vmem>>, vector<1x128xf32>
    tpu.vector_store %arg3[%swap3A_425, %swap3A_426], %dot_general3A_424 {strides = array<i32>} : memref<112x128xf32, #tpu.memory_space<vmem>>, vector<1x128xf32>,
    %slice3A_428 = vector.extract_strided_slice %reshape3A {offsets = [61, 0, 0], sizes = [1, 128, 128], strides = [1, 1, 1]} : vector<112x128x128xf32> to vector<1x128x128xf32>
    %squeeze3A_429 = vector.shape_cast %slice3A_428 : vector<1x128x128xf32> to vector<128x128xf32>
    %dot_general3A_430 = arith.constant dense<0.000000e+00> : vector<1x128xf32>
    %dot_general3A_431 = tpu.matmul %get3A_4, %squeeze3A_429, %dot_general3A_430 {dimension_numbers = #tpu.dot_dimension_numbers<[1], [1], [0], [0], [0, 0, 1, 0], [], []>, transpose_lhs_hint = false} : vector<1x128xf32>, vector<128x128xf32>, vector<1x128xf32> -> vector<1x128xf32>
    %swap3A_432 = arith.constant 61 : index
    %swap3A_433 = arith.constant 0 : index
    %swap3A_434 = vector.load %arg3[%swap3A_432, %swap3A_433] : memref<112x128xf32, #tpu.memory_space<vmem>>, vector<1x128xf32>
    tpu.vector_store %arg3[%swap3A_432, %swap3A_433], %dot_general3A_431 {strides = array<i32>} : memref<112x128xf32, #tpu.memory_space<vmem>>, vector<1x128xf32>,
    %slice3A_435 = vector.extract_strided_slice %reshape3A {offsets = [62, 0, 0], sizes = [1, 128, 128], strides = [1, 1, 1]} : vector<112x128x128xf32> to vector<1x128x128xf32>
    %squeeze3A_436 = vector.shape_cast %slice3A_435 : vector<1x128x128xf32> to vector<128x128xf32>
    %dot_general3A_437 = arith.constant dense<0.000000e+00> : vector<1x128xf32>
    %dot_general3A_438 = tpu.matmul %get3A_4, %squeeze3A_436, %dot_general3A_437 {dimension_numbers = #tpu.dot_dimension_numbers<[1], [1], [0], [0], [0, 0, 1, 0], [], []>, transpose_lhs_hint = false} : vector<1x128xf32>, vector<128x128xf32>, vector<1x128xf32> -> vector<1x128xf32>
    %swap3A_439 = arith.constant 62 : index
    %swap3A_440 = arith.constant 0 : index
    %swap3A_441 = vector.load %arg3[%swap3A_439, %swap3A_440] : memref<112x128xf32, #tpu.memory_space<vmem>>, vector<1x128xf32>
    tpu.vector_store %arg3[%swap3A_439, %swap3A_440], %dot_general3A_438 {strides = array<i32>} : memref<112x128xf32, #tpu.memory_space<vmem>>, vector<1x128xf32>,
    %slice3A_442 = vector.extract_strided_slice %reshape3A {offsets = [63, 0, 0], sizes = [1, 128, 128], strides = [1, 1, 1]} : vector<112x128x128xf32> to vector<1x128x128xf32>
    %squeeze3A_443 = vector.shape_cast %slice3A_442 : vector<1x128x128xf32> to vector<128x128xf32>
    %dot_general3A_444 = arith.constant dense<0.000000e+00> : vector<1x128xf32>
    %dot_general3A_445 = tpu.matmul %get3A_4, %squeeze3A_443, %dot_general3A_444 {dimension_numbers = #tpu.dot_dimension_numbers<[1], [1], [0], [0], [0, 0, 1, 0], [], []>, transpose_lhs_hint = false} : vector<1x128xf32>, vector<128x128xf32>, vector<1x128xf32> -> vector<1x128xf32>
    %swap3A_446 = arith.constant 63 : index
    %swap3A_447 = arith.constant 0 : index
    %swap3A_448 = vector.load %arg3[%swap3A_446, %swap3A_447] : memref<112x128xf32, #tpu.memory_space<vmem>>, vector<1x128xf32>
    tpu.vector_store %arg3[%swap3A_446, %swap3A_447], %dot_general3A_445 {strides = array<i32>} : memref<112x128xf32, #tpu.memory_space<vmem>>, vector<1x128xf32>,
    %slice3A_449 = vector.extract_strided_slice %reshape3A {offsets = [64, 0, 0], sizes = [1, 128, 128], strides = [1, 1, 1]} : vector<112x128x128xf32> to vector<1x128x128xf32>
    %squeeze3A_450 = vector.shape_cast %slice3A_449 : vector<1x128x128xf32> to vector<128x128xf32>
    %dot_general3A_451 = arith.constant dense<0.000000e+00> : vector<1x128xf32>
    %dot_general3A_452 = tpu.matmul %get3A_4, %squeeze3A_450, %dot_general3A_451 {dimension_numbers = #tpu.dot_dimension_numbers<[1], [1], [0], [0], [0, 0, 1, 0], [], []>, transpose_lhs_hint = false} : vector<1x128xf32>, vector<128x128xf32>, vector<1x128xf32> -> vector<1x128xf32>
    %swap3A_453 = arith.constant 64 : index
    %swap3A_454 = arith.constant 0 : index
    %swap3A_455 = vector.load %arg3[%swap3A_453, %swap3A_454] : memref<112x128xf32, #tpu.memory_space<vmem>>, vector<1x128xf32>
    tpu.vector_store %arg3[%swap3A_453, %swap3A_454], %dot_general3A_452 {strides = array<i32>} : memref<112x128xf32, #tpu.memory_space<vmem>>, vector<1x128xf32>,
    %slice3A_456 = vector.extract_strided_slice %reshape3A {offsets = [65, 0, 0], sizes = [1, 128, 128], strides = [1, 1, 1]} : vector<112x128x128xf32> to vector<1x128x128xf32>
    %squeeze3A_457 = vector.shape_cast %slice3A_456 : vector<1x128x128xf32> to vector<128x128xf32>
    %dot_general3A_458 = arith.constant dense<0.000000e+00> : vector<1x128xf32>
    %dot_general3A_459 = tpu.matmul %get3A_4, %squeeze3A_457, %dot_general3A_458 {dimension_numbers = #tpu.dot_dimension_numbers<[1], [1], [0], [0], [0, 0, 1, 0], [], []>, transpose_lhs_hint = false} : vector<1x128xf32>, vector<128x128xf32>, vector<1x128xf32> -> vector<1x128xf32>
    %swap3A_460 = arith.constant 65 : index
    %swap3A_461 = arith.constant 0 : index
    %swap3A_462 = vector.load %arg3[%swap3A_460, %swap3A_461] : memref<112x128xf32, #tpu.memory_space<vmem>>, vector<1x128xf32>
    tpu.vector_store %arg3[%swap3A_460, %swap3A_461], %dot_general3A_459 {strides = array<i32>} : memref<112x128xf32, #tpu.memory_space<vmem>>, vector<1x128xf32>,
    %slice3A_463 = vector.extract_strided_slice %reshape3A {offsets = [66, 0, 0], sizes = [1, 128, 128], strides = [1, 1, 1]} : vector<112x128x128xf32> to vector<1x128x128xf32>
    %squeeze3A_464 = vector.shape_cast %slice3A_463 : vector<1x128x128xf32> to vector<128x128xf32>
    %dot_general3A_465 = arith.constant dense<0.000000e+00> : vector<1x128xf32>
    %dot_general3A_466 = tpu.matmul %get3A_4, %squeeze3A_464, %dot_general3A_465 {dimension_numbers = #tpu.dot_dimension_numbers<[1], [1], [0], [0], [0, 0, 1, 0], [], []>, transpose_lhs_hint = false} : vector<1x128xf32>, vector<128x128xf32>, vector<1x128xf32> -> vector<1x128xf32>
    %swap3A_467 = arith.constant 66 : index
    %swap3A_468 = arith.constant 0 : index
    %swap3A_469 = vector.load %arg3[%swap3A_467, %swap3A_468] : memref<112x128xf32, #tpu.memory_space<vmem>>, vector<1x128xf32>
    tpu.vector_store %arg3[%swap3A_467, %swap3A_468], %dot_general3A_466 {strides = array<i32>} : memref<112x128xf32, #tpu.memory_space<vmem>>, vector<1x128xf32>,
    %slice3A_470 = vector.extract_strided_slice %reshape3A {offsets = [67, 0, 0], sizes = [1, 128, 128], strides = [1, 1, 1]} : vector<112x128x128xf32> to vector<1x128x128xf32>
    %squeeze3A_471 = vector.shape_cast %slice3A_470 : vector<1x128x128xf32> to vector<128x128xf32>
    %dot_general3A_472 = arith.constant dense<0.000000e+00> : vector<1x128xf32>
    %dot_general3A_473 = tpu.matmul %get3A_4, %squeeze3A_471, %dot_general3A_472 {dimension_numbers = #tpu.dot_dimension_numbers<[1], [1], [0], [0], [0, 0, 1, 0], [], []>, transpose_lhs_hint = false} : vector<1x128xf32>, vector<128x128xf32>, vector<1x128xf32> -> vector<1x128xf32>
    %swap3A_474 = arith.constant 67 : index
    %swap3A_475 = arith.constant 0 : index
    %swap3A_476 = vector.load %arg3[%swap3A_474, %swap3A_475] : memref<112x128xf32, #tpu.memory_space<vmem>>, vector<1x128xf32>
    tpu.vector_store %arg3[%swap3A_474, %swap3A_475], %dot_general3A_473 {strides = array<i32>} : memref<112x128xf32, #tpu.memory_space<vmem>>, vector<1x128xf32>,
    %slice3A_477 = vector.extract_strided_slice %reshape3A {offsets = [68, 0, 0], sizes = [1, 128, 128], strides = [1, 1, 1]} : vector<112x128x128xf32> to vector<1x128x128xf32>
    %squeeze3A_478 = vector.shape_cast %slice3A_477 : vector<1x128x128xf32> to vector<128x128xf32>
    %dot_general3A_479 = arith.constant dense<0.000000e+00> : vector<1x128xf32>
    %dot_general3A_480 = tpu.matmul %get3A_4, %squeeze3A_478, %dot_general3A_479 {dimension_numbers = #tpu.dot_dimension_numbers<[1], [1], [0], [0], [0, 0, 1, 0], [], []>, transpose_lhs_hint = false} : vector<1x128xf32>, vector<128x128xf32>, vector<1x128xf32> -> vector<1x128xf32>
    %swap3A_481 = arith.constant 68 : index
    %swap3A_482 = arith.constant 0 : index
    %swap3A_483 = vector.load %arg3[%swap3A_481, %swap3A_482] : memref<112x128xf32, #tpu.memory_space<vmem>>, vector<1x128xf32>
    tpu.vector_store %arg3[%swap3A_481, %swap3A_482], %dot_general3A_480 {strides = array<i32>} : memref<112x128xf32, #tpu.memory_space<vmem>>, vector<1x128xf32>,
    %slice3A_484 = vector.extract_strided_slice %reshape3A {offsets = [69, 0, 0], sizes = [1, 128, 128], strides = [1, 1, 1]} : vector<112x128x128xf32> to vector<1x128x128xf32>
    %squeeze3A_485 = vector.shape_cast %slice3A_484 : vector<1x128x128xf32> to vector<128x128xf32>
    %dot_general3A_486 = arith.constant dense<0.000000e+00> : vector<1x128xf32>
    %dot_general3A_487 = tpu.matmul %get3A_4, %squeeze3A_485, %dot_general3A_486 {dimension_numbers = #tpu.dot_dimension_numbers<[1], [1], [0], [0], [0, 0, 1, 0], [], []>, transpose_lhs_hint = false} : vector<1x128xf32>, vector<128x128xf32>, vector<1x128xf32> -> vector<1x128xf32>
    %swap3A_488 = arith.constant 69 : index
    %swap3A_489 = arith.constant 0 : index
    %swap3A_490 = vector.load %arg3[%swap3A_488, %swap3A_489] : memref<112x128xf32, #tpu.memory_space<vmem>>, vector<1x128xf32>
    tpu.vector_store %arg3[%swap3A_488, %swap3A_489], %dot_general3A_487 {strides = array<i32>} : memref<112x128xf32, #tpu.memory_space<vmem>>, vector<1x128xf32>,
    %slice3A_491 = vector.extract_strided_slice %reshape3A {offsets = [70, 0, 0], sizes = [1, 128, 128], strides = [1, 1, 1]} : vector<112x128x128xf32> to vector<1x128x128xf32>
    %squeeze3A_492 = vector.shape_cast %slice3A_491 : vector<1x128x128xf32> to vector<128x128xf32>
    %dot_general3A_493 = arith.constant dense<0.000000e+00> : vector<1x128xf32>
    %dot_general3A_494 = tpu.matmul %get3A_4, %squeeze3A_492, %dot_general3A_493 {dimension_numbers = #tpu.dot_dimension_numbers<[1], [1], [0], [0], [0, 0, 1, 0], [], []>, transpose_lhs_hint = false} : vector<1x128xf32>, vector<128x128xf32>, vector<1x128xf32> -> vector<1x128xf32>
    %swap3A_495 = arith.constant 70 : index
    %swap3A_496 = arith.constant 0 : index
    %swap3A_497 = vector.load %arg3[%swap3A_495, %swap3A_496] : memref<112x128xf32, #tpu.memory_space<vmem>>, vector<1x128xf32>
    tpu.vector_store %arg3[%swap3A_495, %swap3A_496], %dot_general3A_494 {strides = array<i32>} : memref<112x128xf32, #tpu.memory_space<vmem>>, vector<1x128xf32>,
    %slice3A_498 = vector.extract_strided_slice %reshape3A {offsets = [71, 0, 0], sizes = [1, 128, 128], strides = [1, 1, 1]} : vector<112x128x128xf32> to vector<1x128x128xf32>
    %squeeze3A_499 = vector.shape_cast %slice3A_498 : vector<1x128x128xf32> to vector<128x128xf32>
    %dot_general3A_500 = arith.constant dense<0.000000e+00> : vector<1x128xf32>
    %dot_general3A_501 = tpu.matmul %get3A_4, %squeeze3A_499, %dot_general3A_500 {dimension_numbers = #tpu.dot_dimension_numbers<[1], [1], [0], [0], [0, 0, 1, 0], [], []>, transpose_lhs_hint = false} : vector<1x128xf32>, vector<128x128xf32>, vector<1x128xf32> -> vector<1x128xf32>
    %swap3A_502 = arith.constant 71 : index
    %swap3A_503 = arith.constant 0 : index
    %swap3A_504 = vector.load %arg3[%swap3A_502, %swap3A_503] : memref<112x128xf32, #tpu.memory_space<vmem>>, vector<1x128xf32>
    tpu.vector_store %arg3[%swap3A_502, %swap3A_503], %dot_general3A_501 {strides = array<i32>} : memref<112x128xf32, #tpu.memory_space<vmem>>, vector<1x128xf32>,
    %slice3A_505 = vector.extract_strided_slice %reshape3A {offsets = [72, 0, 0], sizes = [1, 128, 128], strides = [1, 1, 1]} : vector<112x128x128xf32> to vector<1x128x128xf32>
    %squeeze3A_506 = vector.shape_cast %slice3A_505 : vector<1x128x128xf32> to vector<128x128xf32>
    %dot_general3A_507 = arith.constant dense<0.000000e+00> : vector<1x128xf32>
    %dot_general3A_508 = tpu.matmul %get3A_4, %squeeze3A_506, %dot_general3A_507 {dimension_numbers = #tpu.dot_dimension_numbers<[1], [1], [0], [0], [0, 0, 1, 0], [], []>, transpose_lhs_hint = false} : vector<1x128xf32>, vector<128x128xf32>, vector<1x128xf32> -> vector<1x128xf32>
    %swap3A_509 = arith.constant 72 : index
    %swap3A_510 = arith.constant 0 : index
    %swap3A_511 = vector.load %arg3[%swap3A_509, %swap3A_510] : memref<112x128xf32, #tpu.memory_space<vmem>>, vector<1x128xf32>
    tpu.vector_store %arg3[%swap3A_509, %swap3A_510], %dot_general3A_508 {strides = array<i32>} : memref<112x128xf32, #tpu.memory_space<vmem>>, vector<1x128xf32>,
    %slice3A_512 = vector.extract_strided_slice %reshape3A {offsets = [73, 0, 0], sizes = [1, 128, 128], strides = [1, 1, 1]} : vector<112x128x128xf32> to vector<1x128x128xf32>
    %squeeze3A_513 = vector.shape_cast %slice3A_512 : vector<1x128x128xf32> to vector<128x128xf32>
    %dot_general3A_514 = arith.constant dense<0.000000e+00> : vector<1x128xf32>
    %dot_general3A_515 = tpu.matmul %get3A_4, %squeeze3A_513, %dot_general3A_514 {dimension_numbers = #tpu.dot_dimension_numbers<[1], [1], [0], [0], [0, 0, 1, 0], [], []>, transpose_lhs_hint = false} : vector<1x128xf32>, vector<128x128xf32>, vector<1x128xf32> -> vector<1x128xf32>
    %swap3A_516 = arith.constant 73 : index
    %swap3A_517 = arith.constant 0 : index
    %swap3A_518 = vector.load %arg3[%swap3A_516, %swap3A_517] : memref<112x128xf32, #tpu.memory_space<vmem>>, vector<1x128xf32>
    tpu.vector_store %arg3[%swap3A_516, %swap3A_517], %dot_general3A_515 {strides = array<i32>} : memref<112x128xf32, #tpu.memory_space<vmem>>, vector<1x128xf32>,
    %slice3A_519 = vector.extract_strided_slice %reshape3A {offsets = [74, 0, 0], sizes = [1, 128, 128], strides = [1, 1, 1]} : vector<112x128x128xf32> to vector<1x128x128xf32>
    %squeeze3A_520 = vector.shape_cast %slice3A_519 : vector<1x128x128xf32> to vector<128x128xf32>
    %dot_general3A_521 = arith.constant dense<0.000000e+00> : vector<1x128xf32>
    %dot_general3A_522 = tpu.matmul %get3A_4, %squeeze3A_520, %dot_general3A_521 {dimension_numbers = #tpu.dot_dimension_numbers<[1], [1], [0], [0], [0, 0, 1, 0], [], []>, transpose_lhs_hint = false} : vector<1x128xf32>, vector<128x128xf32>, vector<1x128xf32> -> vector<1x128xf32>
    %swap3A_523 = arith.constant 74 : index
    %swap3A_524 = arith.constant 0 : index
    %swap3A_525 = vector.load %arg3[%swap3A_523, %swap3A_524] : memref<112x128xf32, #tpu.memory_space<vmem>>, vector<1x128xf32>
    tpu.vector_store %arg3[%swap3A_523, %swap3A_524], %dot_general3A_522 {strides = array<i32>} : memref<112x128xf32, #tpu.memory_space<vmem>>, vector<1x128xf32>,
    %slice3A_526 = vector.extract_strided_slice %reshape3A {offsets = [75, 0, 0], sizes = [1, 128, 128], strides = [1, 1, 1]} : vector<112x128x128xf32> to vector<1x128x128xf32>
    %squeeze3A_527 = vector.shape_cast %slice3A_526 : vector<1x128x128xf32> to vector<128x128xf32>
    %dot_general3A_528 = arith.constant dense<0.000000e+00> : vector<1x128xf32>
    %dot_general3A_529 = tpu.matmul %get3A_4, %squeeze3A_527, %dot_general3A_528 {dimension_numbers = #tpu.dot_dimension_numbers<[1], [1], [0], [0], [0, 0, 1, 0], [], []>, transpose_lhs_hint = false} : vector<1x128xf32>, vector<128x128xf32>, vector<1x128xf32> -> vector<1x128xf32>
    %swap3A_530 = arith.constant 75 : index
    %swap3A_531 = arith.constant 0 : index
    %swap3A_532 = vector.load %arg3[%swap3A_530, %swap3A_531] : memref<112x128xf32, #tpu.memory_space<vmem>>, vector<1x128xf32>
    tpu.vector_store %arg3[%swap3A_530, %swap3A_531], %dot_general3A_529 {strides = array<i32>} : memref<112x128xf32, #tpu.memory_space<vmem>>, vector<1x128xf32>,
    %slice3A_533 = vector.extract_strided_slice %reshape3A {offsets = [76, 0, 0], sizes = [1, 128, 128], strides = [1, 1, 1]} : vector<112x128x128xf32> to vector<1x128x128xf32>
    %squeeze3A_534 = vector.shape_cast %slice3A_533 : vector<1x128x128xf32> to vector<128x128xf32>
    %dot_general3A_535 = arith.constant dense<0.000000e+00> : vector<1x128xf32>
    %dot_general3A_536 = tpu.matmul %get3A_4, %squeeze3A_534, %dot_general3A_535 {dimension_numbers = #tpu.dot_dimension_numbers<[1], [1], [0], [0], [0, 0, 1, 0], [], []>, transpose_lhs_hint = false} : vector<1x128xf32>, vector<128x128xf32>, vector<1x128xf32> -> vector<1x128xf32>
    %swap3A_537 = arith.constant 76 : index
    %swap3A_538 = arith.constant 0 : index
    %swap3A_539 = vector.load %arg3[%swap3A_537, %swap3A_538] : memref<112x128xf32, #tpu.memory_space<vmem>>, vector<1x128xf32>
    tpu.vector_store %arg3[%swap3A_537, %swap3A_538], %dot_general3A_536 {strides = array<i32>} : memref<112x128xf32, #tpu.memory_space<vmem>>, vector<1x128xf32>,
    %slice3A_540 = vector.extract_strided_slice %reshape3A {offsets = [77, 0, 0], sizes = [1, 128, 128], strides = [1, 1, 1]} : vector<112x128x128xf32> to vector<1x128x128xf32>
    %squeeze3A_541 = vector.shape_cast %slice3A_540 : vector<1x128x128xf32> to vector<128x128xf32>
    %dot_general3A_542 = arith.constant dense<0.000000e+00> : vector<1x128xf32>
    %dot_general3A_543 = tpu.matmul %get3A_4, %squeeze3A_541, %dot_general3A_542 {dimension_numbers = #tpu.dot_dimension_numbers<[1], [1], [0], [0], [0, 0, 1, 0], [], []>, transpose_lhs_hint = false} : vector<1x128xf32>, vector<128x128xf32>, vector<1x128xf32> -> vector<1x128xf32>
    %swap3A_544 = arith.constant 77 : index
    %swap3A_545 = arith.constant 0 : index
    %swap3A_546 = vector.load %arg3[%swap3A_544, %swap3A_545] : memref<112x128xf32, #tpu.memory_space<vmem>>, vector<1x128xf32>
    tpu.vector_store %arg3[%swap3A_544, %swap3A_545], %dot_general3A_543 {strides = array<i32>} : memref<112x128xf32, #tpu.memory_space<vmem>>, vector<1x128xf32>,
    %slice3A_547 = vector.extract_strided_slice %reshape3A {offsets = [78, 0, 0], sizes = [1, 128, 128], strides = [1, 1, 1]} : vector<112x128x128xf32> to vector<1x128x128xf32>
    %squeeze3A_548 = vector.shape_cast %slice3A_547 : vector<1x128x128xf32> to vector<128x128xf32>
    %dot_general3A_549 = arith.constant dense<0.000000e+00> : vector<1x128xf32>
    %dot_general3A_550 = tpu.matmul %get3A_4, %squeeze3A_548, %dot_general3A_549 {dimension_numbers = #tpu.dot_dimension_numbers<[1], [1], [0], [0], [0, 0, 1, 0], [], []>, transpose_lhs_hint = false} : vector<1x128xf32>, vector<128x128xf32>, vector<1x128xf32> -> vector<1x128xf32>
    %swap3A_551 = arith.constant 78 : index
    %swap3A_552 = arith.constant 0 : index
    %swap3A_553 = vector.load %arg3[%swap3A_551, %swap3A_552] : memref<112x128xf32, #tpu.memory_space<vmem>>, vector<1x128xf32>
    tpu.vector_store %arg3[%swap3A_551, %swap3A_552], %dot_general3A_550 {strides = array<i32>} : memref<112x128xf32, #tpu.memory_space<vmem>>, vector<1x128xf32>,
    %slice3A_554 = vector.extract_strided_slice %reshape3A {offsets = [79, 0, 0], sizes = [1, 128, 128], strides = [1, 1, 1]} : vector<112x128x128xf32> to vector<1x128x128xf32>
    %squeeze3A_555 = vector.shape_cast %slice3A_554 : vector<1x128x128xf32> to vector<128x128xf32>
    %dot_general3A_556 = arith.constant dense<0.000000e+00> : vector<1x128xf32>
    %dot_general3A_557 = tpu.matmul %get3A_4, %squeeze3A_555, %dot_general3A_556 {dimension_numbers = #tpu.dot_dimension_numbers<[1], [1], [0], [0], [0, 0, 1, 0], [], []>, transpose_lhs_hint = false} : vector<1x128xf32>, vector<128x128xf32>, vector<1x128xf32> -> vector<1x128xf32>
    %swap3A_558 = arith.constant 79 : index
    %swap3A_559 = arith.constant 0 : index
    %swap3A_560 = vector.load %arg3[%swap3A_558, %swap3A_559] : memref<112x128xf32, #tpu.memory_space<vmem>>, vector<1x128xf32>
    tpu.vector_store %arg3[%swap3A_558, %swap3A_559], %dot_general3A_557 {strides = array<i32>} : memref<112x128xf32, #tpu.memory_space<vmem>>, vector<1x128xf32>,
    %slice3A_561 = vector.extract_strided_slice %reshape3A {offsets = [80, 0, 0], sizes = [1, 128, 128], strides = [1, 1, 1]} : vector<112x128x128xf32> to vector<1x128x128xf32>
    %squeeze3A_562 = vector.shape_cast %slice3A_561 : vector<1x128x128xf32> to vector<128x128xf32>
    %dot_general3A_563 = arith.constant dense<0.000000e+00> : vector<1x128xf32>
    %dot_general3A_564 = tpu.matmul %get3A_4, %squeeze3A_562, %dot_general3A_563 {dimension_numbers = #tpu.dot_dimension_numbers<[1], [1], [0], [0], [0, 0, 1, 0], [], []>, transpose_lhs_hint = false} : vector<1x128xf32>, vector<128x128xf32>, vector<1x128xf32> -> vector<1x128xf32>
    %swap3A_565 = arith.constant 80 : index
    %swap3A_566 = arith.constant 0 : index
    %swap3A_567 = vector.load %arg3[%swap3A_565, %swap3A_566] : memref<112x128xf32, #tpu.memory_space<vmem>>, vector<1x128xf32>
    tpu.vector_store %arg3[%swap3A_565, %swap3A_566], %dot_general3A_564 {strides = array<i32>} : memref<112x128xf32, #tpu.memory_space<vmem>>, vector<1x128xf32>,
    %slice3A_568 = vector.extract_strided_slice %reshape3A {offsets = [81, 0, 0], sizes = [1, 128, 128], strides = [1, 1, 1]} : vector<112x128x128xf32> to vector<1x128x128xf32>
    %squeeze3A_569 = vector.shape_cast %slice3A_568 : vector<1x128x128xf32> to vector<128x128xf32>
    %dot_general3A_570 = arith.constant dense<0.000000e+00> : vector<1x128xf32>
    %dot_general3A_571 = tpu.matmul %get3A_4, %squeeze3A_569, %dot_general3A_570 {dimension_numbers = #tpu.dot_dimension_numbers<[1], [1], [0], [0], [0, 0, 1, 0], [], []>, transpose_lhs_hint = false} : vector<1x128xf32>, vector<128x128xf32>, vector<1x128xf32> -> vector<1x128xf32>
    %swap3A_572 = arith.constant 81 : index
    %swap3A_573 = arith.constant 0 : index
    %swap3A_574 = vector.load %arg3[%swap3A_572, %swap3A_573] : memref<112x128xf32, #tpu.memory_space<vmem>>, vector<1x128xf32>
    tpu.vector_store %arg3[%swap3A_572, %swap3A_573], %dot_general3A_571 {strides = array<i32>} : memref<112x128xf32, #tpu.memory_space<vmem>>, vector<1x128xf32>,
    %slice3A_575 = vector.extract_strided_slice %reshape3A {offsets = [82, 0, 0], sizes = [1, 128, 128], strides = [1, 1, 1]} : vector<112x128x128xf32> to vector<1x128x128xf32>
    %squeeze3A_576 = vector.shape_cast %slice3A_575 : vector<1x128x128xf32> to vector<128x128xf32>
    %dot_general3A_577 = arith.constant dense<0.000000e+00> : vector<1x128xf32>
    %dot_general3A_578 = tpu.matmul %get3A_4, %squeeze3A_576, %dot_general3A_577 {dimension_numbers = #tpu.dot_dimension_numbers<[1], [1], [0], [0], [0, 0, 1, 0], [], []>, transpose_lhs_hint = false} : vector<1x128xf32>, vector<128x128xf32>, vector<1x128xf32> -> vector<1x128xf32>
    %swap3A_579 = arith.constant 82 : index
    %swap3A_580 = arith.constant 0 : index
    %swap3A_581 = vector.load %arg3[%swap3A_579, %swap3A_580] : memref<112x128xf32, #tpu.memory_space<vmem>>, vector<1x128xf32>
    tpu.vector_store %arg3[%swap3A_579, %swap3A_580], %dot_general3A_578 {strides = array<i32>} : memref<112x128xf32, #tpu.memory_space<vmem>>, vector<1x128xf32>,
    %slice3A_582 = vector.extract_strided_slice %reshape3A {offsets = [83, 0, 0], sizes = [1, 128, 128], strides = [1, 1, 1]} : vector<112x128x128xf32> to vector<1x128x128xf32>
    %squeeze3A_583 = vector.shape_cast %slice3A_582 : vector<1x128x128xf32> to vector<128x128xf32>
    %dot_general3A_584 = arith.constant dense<0.000000e+00> : vector<1x128xf32>
    %dot_general3A_585 = tpu.matmul %get3A_4, %squeeze3A_583, %dot_general3A_584 {dimension_numbers = #tpu.dot_dimension_numbers<[1], [1], [0], [0], [0, 0, 1, 0], [], []>, transpose_lhs_hint = false} : vector<1x128xf32>, vector<128x128xf32>, vector<1x128xf32> -> vector<1x128xf32>
    %swap3A_586 = arith.constant 83 : index
    %swap3A_587 = arith.constant 0 : index
    %swap3A_588 = vector.load %arg3[%swap3A_586, %swap3A_587] : memref<112x128xf32, #tpu.memory_space<vmem>>, vector<1x128xf32>
    tpu.vector_store %arg3[%swap3A_586, %swap3A_587], %dot_general3A_585 {strides = array<i32>} : memref<112x128xf32, #tpu.memory_space<vmem>>, vector<1x128xf32>,
    %slice3A_589 = vector.extract_strided_slice %reshape3A {offsets = [84, 0, 0], sizes = [1, 128, 128], strides = [1, 1, 1]} : vector<112x128x128xf32> to vector<1x128x128xf32>
    %squeeze3A_590 = vector.shape_cast %slice3A_589 : vector<1x128x128xf32> to vector<128x128xf32>
    %dot_general3A_591 = arith.constant dense<0.000000e+00> : vector<1x128xf32>
    %dot_general3A_592 = tpu.matmul %get3A_4, %squeeze3A_590, %dot_general3A_591 {dimension_numbers = #tpu.dot_dimension_numbers<[1], [1], [0], [0], [0, 0, 1, 0], [], []>, transpose_lhs_hint = false} : vector<1x128xf32>, vector<128x128xf32>, vector<1x128xf32> -> vector<1x128xf32>
    %swap3A_593 = arith.constant 84 : index
    %swap3A_594 = arith.constant 0 : index
    %swap3A_595 = vector.load %arg3[%swap3A_593, %swap3A_594] : memref<112x128xf32, #tpu.memory_space<vmem>>, vector<1x128xf32>
    tpu.vector_store %arg3[%swap3A_593, %swap3A_594], %dot_general3A_592 {strides = array<i32>} : memref<112x128xf32, #tpu.memory_space<vmem>>, vector<1x128xf32>,
    %slice3A_596 = vector.extract_strided_slice %reshape3A {offsets = [85, 0, 0], sizes = [1, 128, 128], strides = [1, 1, 1]} : vector<112x128x128xf32> to vector<1x128x128xf32>
    %squeeze3A_597 = vector.shape_cast %slice3A_596 : vector<1x128x128xf32> to vector<128x128xf32>
    %dot_general3A_598 = arith.constant dense<0.000000e+00> : vector<1x128xf32>
    %dot_general3A_599 = tpu.matmul %get3A_4, %squeeze3A_597, %dot_general3A_598 {dimension_numbers = #tpu.dot_dimension_numbers<[1], [1], [0], [0], [0, 0, 1, 0], [], []>, transpose_lhs_hint = false} : vector<1x128xf32>, vector<128x128xf32>, vector<1x128xf32> -> vector<1x128xf32>
    %swap3A_600 = arith.constant 85 : index
    %swap3A_601 = arith.constant 0 : index
    %swap3A_602 = vector.load %arg3[%swap3A_600, %swap3A_601] : memref<112x128xf32, #tpu.memory_space<vmem>>, vector<1x128xf32>
    tpu.vector_store %arg3[%swap3A_600, %swap3A_601], %dot_general3A_599 {strides = array<i32>} : memref<112x128xf32, #tpu.memory_space<vmem>>, vector<1x128xf32>,
    %slice3A_603 = vector.extract_strided_slice %reshape3A {offsets = [86, 0, 0], sizes = [1, 128, 128], strides = [1, 1, 1]} : vector<112x128x128xf32> to vector<1x128x128xf32>
    %squeeze3A_604 = vector.shape_cast %slice3A_603 : vector<1x128x128xf32> to vector<128x128xf32>
    %dot_general3A_605 = arith.constant dense<0.000000e+00> : vector<1x128xf32>
    %dot_general3A_606 = tpu.matmul %get3A_4, %squeeze3A_604, %dot_general3A_605 {dimension_numbers = #tpu.dot_dimension_numbers<[1], [1], [0], [0], [0, 0, 1, 0], [], []>, transpose_lhs_hint = false} : vector<1x128xf32>, vector<128x128xf32>, vector<1x128xf32> -> vector<1x128xf32>
    %swap3A_607 = arith.constant 86 : index
    %swap3A_608 = arith.constant 0 : index
    %swap3A_609 = vector.load %arg3[%swap3A_607, %swap3A_608] : memref<112x128xf32, #tpu.memory_space<vmem>>, vector<1x128xf32>
    tpu.vector_store %arg3[%swap3A_607, %swap3A_608], %dot_general3A_606 {strides = array<i32>} : memref<112x128xf32, #tpu.memory_space<vmem>>, vector<1x128xf32>,
    %slice3A_610 = vector.extract_strided_slice %reshape3A {offsets = [87, 0, 0], sizes = [1, 128, 128], strides = [1, 1, 1]} : vector<112x128x128xf32> to vector<1x128x128xf32>
    %squeeze3A_611 = vector.shape_cast %slice3A_610 : vector<1x128x128xf32> to vector<128x128xf32>
    %dot_general3A_612 = arith.constant dense<0.000000e+00> : vector<1x128xf32>
    %dot_general3A_613 = tpu.matmul %get3A_4, %squeeze3A_611, %dot_general3A_612 {dimension_numbers = #tpu.dot_dimension_numbers<[1], [1], [0], [0], [0, 0, 1, 0], [], []>, transpose_lhs_hint = false} : vector<1x128xf32>, vector<128x128xf32>, vector<1x128xf32> -> vector<1x128xf32>
    %swap3A_614 = arith.constant 87 : index
    %swap3A_615 = arith.constant 0 : index
    %swap3A_616 = vector.load %arg3[%swap3A_614, %swap3A_615] : memref<112x128xf32, #tpu.memory_space<vmem>>, vector<1x128xf32>
    tpu.vector_store %arg3[%swap3A_614, %swap3A_615], %dot_general3A_613 {strides = array<i32>} : memref<112x128xf32, #tpu.memory_space<vmem>>, vector<1x128xf32>,
    %slice3A_617 = vector.extract_strided_slice %reshape3A {offsets = [88, 0, 0], sizes = [1, 128, 128], strides = [1, 1, 1]} : vector<112x128x128xf32> to vector<1x128x128xf32>
    %squeeze3A_618 = vector.shape_cast %slice3A_617 : vector<1x128x128xf32> to vector<128x128xf32>
    %dot_general3A_619 = arith.constant dense<0.000000e+00> : vector<1x128xf32>
    %dot_general3A_620 = tpu.matmul %get3A_4, %squeeze3A_618, %dot_general3A_619 {dimension_numbers = #tpu.dot_dimension_numbers<[1], [1], [0], [0], [0, 0, 1, 0], [], []>, transpose_lhs_hint = false} : vector<1x128xf32>, vector<128x128xf32>, vector<1x128xf32> -> vector<1x128xf32>
    %swap3A_621 = arith.constant 88 : index
    %swap3A_622 = arith.constant 0 : index
    %swap3A_623 = vector.load %arg3[%swap3A_621, %swap3A_622] : memref<112x128xf32, #tpu.memory_space<vmem>>, vector<1x128xf32>
    tpu.vector_store %arg3[%swap3A_621, %swap3A_622], %dot_general3A_620 {strides = array<i32>} : memref<112x128xf32, #tpu.memory_space<vmem>>, vector<1x128xf32>,
    %slice3A_624 = vector.extract_strided_slice %reshape3A {offsets = [89, 0, 0], sizes = [1, 128, 128], strides = [1, 1, 1]} : vector<112x128x128xf32> to vector<1x128x128xf32>
    %squeeze3A_625 = vector.shape_cast %slice3A_624 : vector<1x128x128xf32> to vector<128x128xf32>
    %dot_general3A_626 = arith.constant dense<0.000000e+00> : vector<1x128xf32>
    %dot_general3A_627 = tpu.matmul %get3A_4, %squeeze3A_625, %dot_general3A_626 {dimension_numbers = #tpu.dot_dimension_numbers<[1], [1], [0], [0], [0, 0, 1, 0], [], []>, transpose_lhs_hint = false} : vector<1x128xf32>, vector<128x128xf32>, vector<1x128xf32> -> vector<1x128xf32>
    %swap3A_628 = arith.constant 89 : index
    %swap3A_629 = arith.constant 0 : index
    %swap3A_630 = vector.load %arg3[%swap3A_628, %swap3A_629] : memref<112x128xf32, #tpu.memory_space<vmem>>, vector<1x128xf32>
    tpu.vector_store %arg3[%swap3A_628, %swap3A_629], %dot_general3A_627 {strides = array<i32>} : memref<112x128xf32, #tpu.memory_space<vmem>>, vector<1x128xf32>,
    %slice3A_631 = vector.extract_strided_slice %reshape3A {offsets = [90, 0, 0], sizes = [1, 128, 128], strides = [1, 1, 1]} : vector<112x128x128xf32> to vector<1x128x128xf32>
    %squeeze3A_632 = vector.shape_cast %slice3A_631 : vector<1x128x128xf32> to vector<128x128xf32>
    %dot_general3A_633 = arith.constant dense<0.000000e+00> : vector<1x128xf32>
    %dot_general3A_634 = tpu.matmul %get3A_4, %squeeze3A_632, %dot_general3A_633 {dimension_numbers = #tpu.dot_dimension_numbers<[1], [1], [0], [0], [0, 0, 1, 0], [], []>, transpose_lhs_hint = false} : vector<1x128xf32>, vector<128x128xf32>, vector<1x128xf32> -> vector<1x128xf32>
    %swap3A_635 = arith.constant 90 : index
    %swap3A_636 = arith.constant 0 : index
    %swap3A_637 = vector.load %arg3[%swap3A_635, %swap3A_636] : memref<112x128xf32, #tpu.memory_space<vmem>>, vector<1x128xf32>
    tpu.vector_store %arg3[%swap3A_635, %swap3A_636], %dot_general3A_634 {strides = array<i32>} : memref<112x128xf32, #tpu.memory_space<vmem>>, vector<1x128xf32>,
    %slice3A_638 = vector.extract_strided_slice %reshape3A {offsets = [91, 0, 0], sizes = [1, 128, 128], strides = [1, 1, 1]} : vector<112x128x128xf32> to vector<1x128x128xf32>
    %squeeze3A_639 = vector.shape_cast %slice3A_638 : vector<1x128x128xf32> to vector<128x128xf32>
    %dot_general3A_640 = arith.constant dense<0.000000e+00> : vector<1x128xf32>
    %dot_general3A_641 = tpu.matmul %get3A_4, %squeeze3A_639, %dot_general3A_640 {dimension_numbers = #tpu.dot_dimension_numbers<[1], [1], [0], [0], [0, 0, 1, 0], [], []>, transpose_lhs_hint = false} : vector<1x128xf32>, vector<128x128xf32>, vector<1x128xf32> -> vector<1x128xf32>
    %swap3A_642 = arith.constant 91 : index
    %swap3A_643 = arith.constant 0 : index
    %swap3A_644 = vector.load %arg3[%swap3A_642, %swap3A_643] : memref<112x128xf32, #tpu.memory_space<vmem>>, vector<1x128xf32>
    tpu.vector_store %arg3[%swap3A_642, %swap3A_643], %dot_general3A_641 {strides = array<i32>} : memref<112x128xf32, #tpu.memory_space<vmem>>, vector<1x128xf32>,
    %slice3A_645 = vector.extract_strided_slice %reshape3A {offsets = [92, 0, 0], sizes = [1, 128, 128], strides = [1, 1, 1]} : vector<112x128x128xf32> to vector<1x128x128xf32>
    %squeeze3A_646 = vector.shape_cast %slice3A_645 : vector<1x128x128xf32> to vector<128x128xf32>
    %dot_general3A_647 = arith.constant dense<0.000000e+00> : vector<1x128xf32>
    %dot_general3A_648 = tpu.matmul %get3A_4, %squeeze3A_646, %dot_general3A_647 {dimension_numbers = #tpu.dot_dimension_numbers<[1], [1], [0], [0], [0, 0, 1, 0], [], []>, transpose_lhs_hint = false} : vector<1x128xf32>, vector<128x128xf32>, vector<1x128xf32> -> vector<1x128xf32>
    %swap3A_649 = arith.constant 92 : index
    %swap3A_650 = arith.constant 0 : index
    %swap3A_651 = vector.load %arg3[%swap3A_649, %swap3A_650] : memref<112x128xf32, #tpu.memory_space<vmem>>, vector<1x128xf32>
    tpu.vector_store %arg3[%swap3A_649, %swap3A_650], %dot_general3A_648 {strides = array<i32>} : memref<112x128xf32, #tpu.memory_space<vmem>>, vector<1x128xf32>,
    %slice3A_652 = vector.extract_strided_slice %reshape3A {offsets = [93, 0, 0], sizes = [1, 128, 128], strides = [1, 1, 1]} : vector<112x128x128xf32> to vector<1x128x128xf32>
    %squeeze3A_653 = vector.shape_cast %slice3A_652 : vector<1x128x128xf32> to vector<128x128xf32>
    %dot_general3A_654 = arith.constant dense<0.000000e+00> : vector<1x128xf32>
    %dot_general3A_655 = tpu.matmul %get3A_4, %squeeze3A_653, %dot_general3A_654 {dimension_numbers = #tpu.dot_dimension_numbers<[1], [1], [0], [0], [0, 0, 1, 0], [], []>, transpose_lhs_hint = false} : vector<1x128xf32>, vector<128x128xf32>, vector<1x128xf32> -> vector<1x128xf32>
    %swap3A_656 = arith.constant 93 : index
    %swap3A_657 = arith.constant 0 : index
    %swap3A_658 = vector.load %arg3[%swap3A_656, %swap3A_657] : memref<112x128xf32, #tpu.memory_space<vmem>>, vector<1x128xf32>
    tpu.vector_store %arg3[%swap3A_656, %swap3A_657], %dot_general3A_655 {strides = array<i32>} : memref<112x128xf32, #tpu.memory_space<vmem>>, vector<1x128xf32>,
    %slice3A_659 = vector.extract_strided_slice %reshape3A {offsets = [94, 0, 0], sizes = [1, 128, 128], strides = [1, 1, 1]} : vector<112x128x128xf32> to vector<1x128x128xf32>
    %squeeze3A_660 = vector.shape_cast %slice3A_659 : vector<1x128x128xf32> to vector<128x128xf32>
    %dot_general3A_661 = arith.constant dense<0.000000e+00> : vector<1x128xf32>
    %dot_general3A_662 = tpu.matmul %get3A_4, %squeeze3A_660, %dot_general3A_661 {dimension_numbers = #tpu.dot_dimension_numbers<[1], [1], [0], [0], [0, 0, 1, 0], [], []>, transpose_lhs_hint = false} : vector<1x128xf32>, vector<128x128xf32>, vector<1x128xf32> -> vector<1x128xf32>
    %swap3A_663 = arith.constant 94 : index
    %swap3A_664 = arith.constant 0 : index
    %swap3A_665 = vector.load %arg3[%swap3A_663, %swap3A_664] : memref<112x128xf32, #tpu.memory_space<vmem>>, vector<1x128xf32>
    tpu.vector_store %arg3[%swap3A_663, %swap3A_664], %dot_general3A_662 {strides = array<i32>} : memref<112x128xf32, #tpu.memory_space<vmem>>, vector<1x128xf32>,
    %slice3A_666 = vector.extract_strided_slice %reshape3A {offsets = [95, 0, 0], sizes = [1, 128, 128], strides = [1, 1, 1]} : vector<112x128x128xf32> to vector<1x128x128xf32>
    %squeeze3A_667 = vector.shape_cast %slice3A_666 : vector<1x128x128xf32> to vector<128x128xf32>
    %dot_general3A_668 = arith.constant dense<0.000000e+00> : vector<1x128xf32>
    %dot_general3A_669 = tpu.matmul %get3A_4, %squeeze3A_667, %dot_general3A_668 {dimension_numbers = #tpu.dot_dimension_numbers<[1], [1], [0], [0], [0, 0, 1, 0], [], []>, transpose_lhs_hint = false} : vector<1x128xf32>, vector<128x128xf32>, vector<1x128xf32> -> vector<1x128xf32>
    %swap3A_670 = arith.constant 95 : index
    %swap3A_671 = arith.constant 0 : index
    %swap3A_672 = vector.load %arg3[%swap3A_670, %swap3A_671] : memref<112x128xf32, #tpu.memory_space<vmem>>, vector<1x128xf32>
    tpu.vector_store %arg3[%swap3A_670, %swap3A_671], %dot_general3A_669 {strides = array<i32>} : memref<112x128xf32, #tpu.memory_space<vmem>>, vector<1x128xf32>,
    %slice3A_673 = vector.extract_strided_slice %reshape3A {offsets = [96, 0, 0], sizes = [1, 128, 128], strides = [1, 1, 1]} : vector<112x128x128xf32> to vector<1x128x128xf32>
    %squeeze3A_674 = vector.shape_cast %slice3A_673 : vector<1x128x128xf32> to vector<128x128xf32>
    %dot_general3A_675 = arith.constant dense<0.000000e+00> : vector<1x128xf32>
    %dot_general3A_676 = tpu.matmul %get3A_4, %squeeze3A_674, %dot_general3A_675 {dimension_numbers = #tpu.dot_dimension_numbers<[1], [1], [0], [0], [0, 0, 1, 0], [], []>, transpose_lhs_hint = false} : vector<1x128xf32>, vector<128x128xf32>, vector<1x128xf32> -> vector<1x128xf32>
    %swap3A_677 = arith.constant 96 : index
    %swap3A_678 = arith.constant 0 : index
    %swap3A_679 = vector.load %arg3[%swap3A_677, %swap3A_678] : memref<112x128xf32, #tpu.memory_space<vmem>>, vector<1x128xf32>
    tpu.vector_store %arg3[%swap3A_677, %swap3A_678], %dot_general3A_676 {strides = array<i32>} : memref<112x128xf32, #tpu.memory_space<vmem>>, vector<1x128xf32>,
    %slice3A_680 = vector.extract_strided_slice %reshape3A {offsets = [97, 0, 0], sizes = [1, 128, 128], strides = [1, 1, 1]} : vector<112x128x128xf32> to vector<1x128x128xf32>
    %squeeze3A_681 = vector.shape_cast %slice3A_680 : vector<1x128x128xf32> to vector<128x128xf32>
    %dot_general3A_682 = arith.constant dense<0.000000e+00> : vector<1x128xf32>
    %dot_general3A_683 = tpu.matmul %get3A_4, %squeeze3A_681, %dot_general3A_682 {dimension_numbers = #tpu.dot_dimension_numbers<[1], [1], [0], [0], [0, 0, 1, 0], [], []>, transpose_lhs_hint = false} : vector<1x128xf32>, vector<128x128xf32>, vector<1x128xf32> -> vector<1x128xf32>
    %swap3A_684 = arith.constant 97 : index
    %swap3A_685 = arith.constant 0 : index
    %swap3A_686 = vector.load %arg3[%swap3A_684, %swap3A_685] : memref<112x128xf32, #tpu.memory_space<vmem>>, vector<1x128xf32>
    tpu.vector_store %arg3[%swap3A_684, %swap3A_685], %dot_general3A_683 {strides = array<i32>} : memref<112x128xf32, #tpu.memory_space<vmem>>, vector<1x128xf32>,
    %slice3A_687 = vector.extract_strided_slice %reshape3A {offsets = [98, 0, 0], sizes = [1, 128, 128], strides = [1, 1, 1]} : vector<112x128x128xf32> to vector<1x128x128xf32>
    %squeeze3A_688 = vector.shape_cast %slice3A_687 : vector<1x128x128xf32> to vector<128x128xf32>
    %dot_general3A_689 = arith.constant dense<0.000000e+00> : vector<1x128xf32>
    %dot_general3A_690 = tpu.matmul %get3A_4, %squeeze3A_688, %dot_general3A_689 {dimension_numbers = #tpu.dot_dimension_numbers<[1], [1], [0], [0], [0, 0, 1, 0], [], []>, transpose_lhs_hint = false} : vector<1x128xf32>, vector<128x128xf32>, vector<1x128xf32> -> vector<1x128xf32>
    %swap3A_691 = arith.constant 98 : index
    %swap3A_692 = arith.constant 0 : index
    %swap3A_693 = vector.load %arg3[%swap3A_691, %swap3A_692] : memref<112x128xf32, #tpu.memory_space<vmem>>, vector<1x128xf32>
    tpu.vector_store %arg3[%swap3A_691, %swap3A_692], %dot_general3A_690 {strides = array<i32>} : memref<112x128xf32, #tpu.memory_space<vmem>>, vector<1x128xf32>,
    %slice3A_694 = vector.extract_strided_slice %reshape3A {offsets = [99, 0, 0], sizes = [1, 128, 128], strides = [1, 1, 1]} : vector<112x128x128xf32> to vector<1x128x128xf32>
    %squeeze3A_695 = vector.shape_cast %slice3A_694 : vector<1x128x128xf32> to vector<128x128xf32>
    %dot_general3A_696 = arith.constant dense<0.000000e+00> : vector<1x128xf32>
    %dot_general3A_697 = tpu.matmul %get3A_4, %squeeze3A_695, %dot_general3A_696 {dimension_numbers = #tpu.dot_dimension_numbers<[1], [1], [0], [0], [0, 0, 1, 0], [], []>, transpose_lhs_hint = false} : vector<1x128xf32>, vector<128x128xf32>, vector<1x128xf32> -> vector<1x128xf32>
    %swap3A_698 = arith.constant 99 : index
    %swap3A_699 = arith.constant 0 : index
    %swap3A_700 = vector.load %arg3[%swap3A_698, %swap3A_699] : memref<112x128xf32, #tpu.memory_space<vmem>>, vector<1x128xf32>
    tpu.vector_store %arg3[%swap3A_698, %swap3A_699], %dot_general3A_697 {strides = array<i32>} : memref<112x128xf32, #tpu.memory_space<vmem>>, vector<1x128xf32>,
    %slice3A_701 = vector.extract_strided_slice %reshape3A {offsets = [100, 0, 0], sizes = [1, 128, 128], strides = [1, 1, 1]} : vector<112x128x128xf32> to vector<1x128x128xf32>
    %squeeze3A_702 = vector.shape_cast %slice3A_701 : vector<1x128x128xf32> to vector<128x128xf32>
    %dot_general3A_703 = arith.constant dense<0.000000e+00> : vector<1x128xf32>
    %dot_general3A_704 = tpu.matmul %get3A_4, %squeeze3A_702, %dot_general3A_703 {dimension_numbers = #tpu.dot_dimension_numbers<[1], [1], [0], [0], [0, 0, 1, 0], [], []>, transpose_lhs_hint = false} : vector<1x128xf32>, vector<128x128xf32>, vector<1x128xf32> -> vector<1x128xf32>
    %swap3A_705 = arith.constant 100 : index
    %swap3A_706 = arith.constant 0 : index
    %swap3A_707 = vector.load %arg3[%swap3A_705, %swap3A_706] : memref<112x128xf32, #tpu.memory_space<vmem>>, vector<1x128xf32>
    tpu.vector_store %arg3[%swap3A_705, %swap3A_706], %dot_general3A_704 {strides = array<i32>} : memref<112x128xf32, #tpu.memory_space<vmem>>, vector<1x128xf32>,
    %slice3A_708 = vector.extract_strided_slice %reshape3A {offsets = [101, 0, 0], sizes = [1, 128, 128], strides = [1, 1, 1]} : vector<112x128x128xf32> to vector<1x128x128xf32>
    %squeeze3A_709 = vector.shape_cast %slice3A_708 : vector<1x128x128xf32> to vector<128x128xf32>
    %dot_general3A_710 = arith.constant dense<0.000000e+00> : vector<1x128xf32>
    %dot_general3A_711 = tpu.matmul %get3A_4, %squeeze3A_709, %dot_general3A_710 {dimension_numbers = #tpu.dot_dimension_numbers<[1], [1], [0], [0], [0, 0, 1, 0], [], []>, transpose_lhs_hint = false} : vector<1x128xf32>, vector<128x128xf32>, vector<1x128xf32> -> vector<1x128xf32>
    %swap3A_712 = arith.constant 101 : index
    %swap3A_713 = arith.constant 0 : index
    %swap3A_714 = vector.load %arg3[%swap3A_712, %swap3A_713] : memref<112x128xf32, #tpu.memory_space<vmem>>, vector<1x128xf32>
    tpu.vector_store %arg3[%swap3A_712, %swap3A_713], %dot_general3A_711 {strides = array<i32>} : memref<112x128xf32, #tpu.memory_space<vmem>>, vector<1x128xf32>,
    %slice3A_715 = vector.extract_strided_slice %reshape3A {offsets = [102, 0, 0], sizes = [1, 128, 128], strides = [1, 1, 1]} : vector<112x128x128xf32> to vector<1x128x128xf32>
    %squeeze3A_716 = vector.shape_cast %slice3A_715 : vector<1x128x128xf32> to vector<128x128xf32>
    %dot_general3A_717 = arith.constant dense<0.000000e+00> : vector<1x128xf32>
    %dot_general3A_718 = tpu.matmul %get3A_4, %squeeze3A_716, %dot_general3A_717 {dimension_numbers = #tpu.dot_dimension_numbers<[1], [1], [0], [0], [0, 0, 1, 0], [], []>, transpose_lhs_hint = false} : vector<1x128xf32>, vector<128x128xf32>, vector<1x128xf32> -> vector<1x128xf32>
    %swap3A_719 = arith.constant 102 : index
    %swap3A_720 = arith.constant 0 : index
    %swap3A_721 = vector.load %arg3[%swap3A_719, %swap3A_720] : memref<112x128xf32, #tpu.memory_space<vmem>>, vector<1x128xf32>
    tpu.vector_store %arg3[%swap3A_719, %swap3A_720], %dot_general3A_718 {strides = array<i32>} : memref<112x128xf32, #tpu.memory_space<vmem>>, vector<1x128xf32>,
    %slice3A_722 = vector.extract_strided_slice %reshape3A {offsets = [103, 0, 0], sizes = [1, 128, 128], strides = [1, 1, 1]} : vector<112x128x128xf32> to vector<1x128x128xf32>
    %squeeze3A_723 = vector.shape_cast %slice3A_722 : vector<1x128x128xf32> to vector<128x128xf32>
    %dot_general3A_724 = arith.constant dense<0.000000e+00> : vector<1x128xf32>
    %dot_general3A_725 = tpu.matmul %get3A_4, %squeeze3A_723, %dot_general3A_724 {dimension_numbers = #tpu.dot_dimension_numbers<[1], [1], [0], [0], [0, 0, 1, 0], [], []>, transpose_lhs_hint = false} : vector<1x128xf32>, vector<128x128xf32>, vector<1x128xf32> -> vector<1x128xf32>
    %swap3A_726 = arith.constant 103 : index
    %swap3A_727 = arith.constant 0 : index
    %swap3A_728 = vector.load %arg3[%swap3A_726, %swap3A_727] : memref<112x128xf32, #tpu.memory_space<vmem>>, vector<1x128xf32>
    tpu.vector_store %arg3[%swap3A_726, %swap3A_727], %dot_general3A_725 {strides = array<i32>} : memref<112x128xf32, #tpu.memory_space<vmem>>, vector<1x128xf32>,
    %slice3A_729 = vector.extract_strided_slice %reshape3A {offsets = [104, 0, 0], sizes = [1, 128, 128], strides = [1, 1, 1]} : vector<112x128x128xf32> to vector<1x128x128xf32>
    %squeeze3A_730 = vector.shape_cast %slice3A_729 : vector<1x128x128xf32> to vector<128x128xf32>
    %dot_general3A_731 = arith.constant dense<0.000000e+00> : vector<1x128xf32>
    %dot_general3A_732 = tpu.matmul %get3A_4, %squeeze3A_730, %dot_general3A_731 {dimension_numbers = #tpu.dot_dimension_numbers<[1], [1], [0], [0], [0, 0, 1, 0], [], []>, transpose_lhs_hint = false} : vector<1x128xf32>, vector<128x128xf32>, vector<1x128xf32> -> vector<1x128xf32>
    %swap3A_733 = arith.constant 104 : index
    %swap3A_734 = arith.constant 0 : index
    %swap3A_735 = vector.load %arg3[%swap3A_733, %swap3A_734] : memref<112x128xf32, #tpu.memory_space<vmem>>, vector<1x128xf32>
    tpu.vector_store %arg3[%swap3A_733, %swap3A_734], %dot_general3A_732 {strides = array<i32>} : memref<112x128xf32, #tpu.memory_space<vmem>>, vector<1x128xf32>,
    %slice3A_736 = vector.extract_strided_slice %reshape3A {offsets = [105, 0, 0], sizes = [1, 128, 128], strides = [1, 1, 1]} : vector<112x128x128xf32> to vector<1x128x128xf32>
    %squeeze3A_737 = vector.shape_cast %slice3A_736 : vector<1x128x128xf32> to vector<128x128xf32>
    %dot_general3A_738 = arith.constant dense<0.000000e+00> : vector<1x128xf32>
    %dot_general3A_739 = tpu.matmul %get3A_4, %squeeze3A_737, %dot_general3A_738 {dimension_numbers = #tpu.dot_dimension_numbers<[1], [1], [0], [0], [0, 0, 1, 0], [], []>, transpose_lhs_hint = false} : vector<1x128xf32>, vector<128x128xf32>, vector<1x128xf32> -> vector<1x128xf32>
    %swap3A_740 = arith.constant 105 : index
    %swap3A_741 = arith.constant 0 : index
    %swap3A_742 = vector.load %arg3[%swap3A_740, %swap3A_741] : memref<112x128xf32, #tpu.memory_space<vmem>>, vector<1x128xf32>
    tpu.vector_store %arg3[%swap3A_740, %swap3A_741], %dot_general3A_739 {strides = array<i32>} : memref<112x128xf32, #tpu.memory_space<vmem>>, vector<1x128xf32>,
    %slice3A_743 = vector.extract_strided_slice %reshape3A {offsets = [106, 0, 0], sizes = [1, 128, 128], strides = [1, 1, 1]} : vector<112x128x128xf32> to vector<1x128x128xf32>
    %squeeze3A_744 = vector.shape_cast %slice3A_743 : vector<1x128x128xf32> to vector<128x128xf32>
    %dot_general3A_745 = arith.constant dense<0.000000e+00> : vector<1x128xf32>
    %dot_general3A_746 = tpu.matmul %get3A_4, %squeeze3A_744, %dot_general3A_745 {dimension_numbers = #tpu.dot_dimension_numbers<[1], [1], [0], [0], [0, 0, 1, 0], [], []>, transpose_lhs_hint = false} : vector<1x128xf32>, vector<128x128xf32>, vector<1x128xf32> -> vector<1x128xf32>
    %swap3A_747 = arith.constant 106 : index
    %swap3A_748 = arith.constant 0 : index
    %swap3A_749 = vector.load %arg3[%swap3A_747, %swap3A_748] : memref<112x128xf32, #tpu.memory_space<vmem>>, vector<1x128xf32>
    tpu.vector_store %arg3[%swap3A_747, %swap3A_748], %dot_general3A_746 {strides = array<i32>} : memref<112x128xf32, #tpu.memory_space<vmem>>, vector<1x128xf32>,
    %slice3A_750 = vector.extract_strided_slice %reshape3A {offsets = [107, 0, 0], sizes = [1, 128, 128], strides = [1, 1, 1]} : vector<112x128x128xf32> to vector<1x128x128xf32>
    %squeeze3A_751 = vector.shape_cast %slice3A_750 : vector<1x128x128xf32> to vector<128x128xf32>
    %dot_general3A_752 = arith.constant dense<0.000000e+00> : vector<1x128xf32>
    %dot_general3A_753 = tpu.matmul %get3A_4, %squeeze3A_751, %dot_general3A_752 {dimension_numbers = #tpu.dot_dimension_numbers<[1], [1], [0], [0], [0, 0, 1, 0], [], []>, transpose_lhs_hint = false} : vector<1x128xf32>, vector<128x128xf32>, vector<1x128xf32> -> vector<1x128xf32>
    %swap3A_754 = arith.constant 107 : index
    %swap3A_755 = arith.constant 0 : index
    %swap3A_756 = vector.load %arg3[%swap3A_754, %swap3A_755] : memref<112x128xf32, #tpu.memory_space<vmem>>, vector<1x128xf32>
    tpu.vector_store %arg3[%swap3A_754, %swap3A_755], %dot_general3A_753 {strides = array<i32>} : memref<112x128xf32, #tpu.memory_space<vmem>>, vector<1x128xf32>,
    %slice3A_757 = vector.extract_strided_slice %reshape3A {offsets = [108, 0, 0], sizes = [1, 128, 128], strides = [1, 1, 1]} : vector<112x128x128xf32> to vector<1x128x128xf32>
    %squeeze3A_758 = vector.shape_cast %slice3A_757 : vector<1x128x128xf32> to vector<128x128xf32>
    %dot_general3A_759 = arith.constant dense<0.000000e+00> : vector<1x128xf32>
    %dot_general3A_760 = tpu.matmul %get3A_4, %squeeze3A_758, %dot_general3A_759 {dimension_numbers = #tpu.dot_dimension_numbers<[1], [1], [0], [0], [0, 0, 1, 0], [], []>, transpose_lhs_hint = false} : vector<1x128xf32>, vector<128x128xf32>, vector<1x128xf32> -> vector<1x128xf32>
    %swap3A_761 = arith.constant 108 : index
    %swap3A_762 = arith.constant 0 : index
    %swap3A_763 = vector.load %arg3[%swap3A_761, %swap3A_762] : memref<112x128xf32, #tpu.memory_space<vmem>>, vector<1x128xf32>
    tpu.vector_store %arg3[%swap3A_761, %swap3A_762], %dot_general3A_760 {strides = array<i32>} : memref<112x128xf32, #tpu.memory_space<vmem>>, vector<1x128xf32>,
    %slice3A_764 = vector.extract_strided_slice %reshape3A {offsets = [109, 0, 0], sizes = [1, 128, 128], strides = [1, 1, 1]} : vector<112x128x128xf32> to vector<1x128x128xf32>
    %squeeze3A_765 = vector.shape_cast %slice3A_764 : vector<1x128x128xf32> to vector<128x128xf32>
    %dot_general3A_766 = arith.constant dense<0.000000e+00> : vector<1x128xf32>
    %dot_general3A_767 = tpu.matmul %get3A_4, %squeeze3A_765, %dot_general3A_766 {dimension_numbers = #tpu.dot_dimension_numbers<[1], [1], [0], [0], [0, 0, 1, 0], [], []>, transpose_lhs_hint = false} : vector<1x128xf32>, vector<128x128xf32>, vector<1x128xf32> -> vector<1x128xf32>
    %swap3A_768 = arith.constant 109 : index
    %swap3A_769 = arith.constant 0 : index
    %swap3A_770 = vector.load %arg3[%swap3A_768, %swap3A_769] : memref<112x128xf32, #tpu.memory_space<vmem>>, vector<1x128xf32>
    tpu.vector_store %arg3[%swap3A_768, %swap3A_769], %dot_general3A_767 {strides = array<i32>} : memref<112x128xf32, #tpu.memory_space<vmem>>, vector<1x128xf32>,
    %slice3A_771 = vector.extract_strided_slice %reshape3A {offsets = [110, 0, 0], sizes = [1, 128, 128], strides = [1, 1, 1]} : vector<112x128x128xf32> to vector<1x128x128xf32>
    %squeeze3A_772 = vector.shape_cast %slice3A_771 : vector<1x128x128xf32> to vector<128x128xf32>
    %dot_general3A_773 = arith.constant dense<0.000000e+00> : vector<1x128xf32>
    %dot_general3A_774 = tpu.matmul %get3A_4, %squeeze3A_772, %dot_general3A_773 {dimension_numbers = #tpu.dot_dimension_numbers<[1], [1], [0], [0], [0, 0, 1, 0], [], []>, transpose_lhs_hint = false} : vector<1x128xf32>, vector<128x128xf32>, vector<1x128xf32> -> vector<1x128xf32>
    %swap3A_775 = arith.constant 110 : index
    %swap3A_776 = arith.constant 0 : index
    %swap3A_777 = vector.load %arg3[%swap3A_775, %swap3A_776] : memref<112x128xf32, #tpu.memory_space<vmem>>, vector<1x128xf32>
    tpu.vector_store %arg3[%swap3A_775, %swap3A_776], %dot_general3A_774 {strides = array<i32>} : memref<112x128xf32, #tpu.memory_space<vmem>>, vector<1x128xf32>,
    %slice3A_778 = vector.extract_strided_slice %reshape3A {offsets = [111, 0, 0], sizes = [1, 128, 128], strides = [1, 1, 1]} : vector<112x128x128xf32> to vector<1x128x128xf32>
    %squeeze3A_779 = vector.shape_cast %slice3A_778 : vector<1x128x128xf32> to vector<128x128xf32>
    %dot_general3A_780 = arith.constant dense<0.000000e+00> : vector<1x128xf32>
    %dot_general3A_781 = tpu.matmul %get3A_4, %squeeze3A_779, %dot_general3A_780 {dimension_numbers = #tpu.dot_dimension_numbers<[1], [1], [0], [0], [0, 0, 1, 0], [], []>, transpose_lhs_hint = false} : vector<1x128xf32>, vector<128x128xf32>, vector<1x128xf32> -> vector<1x128xf32>
    %swap3A_782 = arith.constant 111 : index
    %swap3A_783 = arith.constant 0 : index
    %swap3A_784 = vector.load %arg3[%swap3A_782, %swap3A_783] : memref<112x128xf32, #tpu.memory_space<vmem>>, vector<1x128xf32>
    tpu.vector_store %arg3[%swap3A_782, %swap3A_783], %dot_general3A_781 {strides = array<i32>} : memref<112x128xf32, #tpu.memory_space<vmem>>, vector<1x128xf32>,
    return
  }
  func.func @transform_0(%arg0: i32) -> (i32, i32) {
    %c0_i32 = arith.constant 0 : i32
    %c0_i32_0 = arith.constant 0 : i32
    return %arg0, %c0_i32 : i32, i32
  }
  func.func @transform_1(%arg0: i32) -> (i32, i32) {
    %c0_i32 = arith.constant 0 : i32
    %c0_i32_0 = arith.constant 0 : i32
    %c0_i32_1 = arith.constant 0 : i32
    return %c0_i32, %c0_i32_0 : i32, i32
  }
  func.func @transform_2(%arg0: i32) -> (i32, i32) {
    %c0_i32 = arith.constant 0 : i32
    %c0_i32_0 = arith.constant 0 : i32
    return %arg0, %c0_i32 : i32, i32
  }
}

module attributes {stable_mosaic.version = 14 : i64} {
  func.func @_post_body(%arg0: memref<8x4096xf32, #tpu.memory_space<vmem>>, %arg1: memref<8x4096xf32, #tpu.memory_space<vmem>>, %arg2: memref<8x4096xi32, #tpu.memory_space<vmem>>, %arg3: memref<1x4096xi32, #tpu.memory_space<vmem>>, %arg4: memref<1x1xf32, #tpu.memory_space<vmem>>, %arg5: memref<8x4096xf32, #tpu.memory_space<vmem>>) attributes {dimension_semantics = [], scalar_prefetch = 0 : i64, scratch_operands = 0 : i64, tpu.core_type = #tpu.core_type<tc>} {
    %get3A = arith.constant 0 : index
    %get3A_0 = arith.constant 0 : index
    %get3A_1 = vector.load %arg1[%get3A, %get3A_0] : memref<8x4096xf32, #tpu.memory_space<vmem>>, vector<8x4096xf32>
    %get3A_2 = arith.constant 0 : index
    %get3A_3 = arith.constant 0 : index
    %get3A_4 = vector.load %arg2[%get3A_2, %get3A_3] : memref<8x4096xi32, #tpu.memory_space<vmem>>, vector<8x4096xi32>
    %get3A_5 = arith.constant 0 : index
    %get3A_6 = arith.constant 0 : index
    %get3A_7 = vector.load %arg3[%get3A_5, %get3A_6] : memref<1x4096xi32, #tpu.memory_space<vmem>>, vector<1x4096xi32>
    %eq3A = vector.broadcast %get3A_7 : vector<1x4096xi32> to vector<8x4096xi32>
    %eq3A_8 = arith.cmpi eq, %get3A_4, %eq3A : vector<8x4096xi32>
    %convert_element_type3A = arith.extui %eq3A_8 : vector<8x4096xi1> to vector<8x4096xi32>
    %convert_element_type3A_9 = arith.sitofp %convert_element_type3A : vector<8x4096xi32> to vector<8x4096xf32>
    %mul3A = arith.mulf %get3A_1, %convert_element_type3A_9 : vector<8x4096xf32>
    %get3A_10 = arith.constant 0 : index
    %get3A_11 = arith.constant 0 : index
    %get3A_12 = vector.load %arg0[%get3A_10, %get3A_11] : memref<8x4096xf32, #tpu.memory_space<vmem>>, vector<8x4096xf32>
    %get3A_13 = arith.constant 0 : index
    %get3A_14 = arith.constant 0 : index
    %get3A_15 = vector.load %arg4[%get3A_13, %get3A_14] : memref<1x1xf32, #tpu.memory_space<vmem>>, vector<1x1xf32>
    %get3A_16 = vector.extract %get3A_15[0, 0] : f32 from vector<1x1xf32>
    %add3A = vector.broadcast %get3A_16 : f32 to vector<8x4096xf32>
    %add3A_17 = arith.addf %get3A_12, %add3A : vector<8x4096xf32>
    %mul3A_18 = arith.mulf %add3A_17, %mul3A : vector<8x4096xf32>
    %reduce_max3A = arith.constant dense<0xFF800000> : vector<4096xf32>
    %reduce_max3A_19 = vector.multi_reduction <maximumf>, %mul3A_18, %reduce_max3A [0] : vector<8x4096xf32> to vector<4096xf32>
    %broadcast_in_dim3A = vector.shape_cast %reduce_max3A_19 : vector<4096xf32> to vector<1x4096xf32>
    %sub3A = vector.broadcast %broadcast_in_dim3A : vector<1x4096xf32> to vector<8x4096xf32>
    %sub3A_20 = arith.subf %mul3A_18, %sub3A : vector<8x4096xf32>
    %exp3A = math.exp %sub3A_20 : vector<8x4096xf32>
    %reduce_sum3A = arith.constant dense<0.000000e+00> : vector<4096xf32>
    %reduce_sum3A_21 = vector.multi_reduction <add>, %exp3A, %reduce_sum3A [0] : vector<8x4096xf32> to vector<4096xf32>
    %broadcast_in_dim3A_22 = vector.shape_cast %reduce_sum3A_21 : vector<4096xf32> to vector<1x4096xf32>
    %log3A = math.log %broadcast_in_dim3A_22 : vector<1x4096xf32>
    %add3A_23 = arith.addf %log3A, %broadcast_in_dim3A : vector<1x4096xf32>
    %sub3A_24 = vector.broadcast %add3A_23 : vector<1x4096xf32> to vector<8x4096xf32>
    %sub3A_25 = arith.subf %mul3A_18, %sub3A_24 : vector<8x4096xf32>
    %swap3A = arith.constant 0 : index
    %swap3A_26 = arith.constant 0 : index
    %swap3A_27 = vector.load %arg5[%swap3A, %swap3A_26] : memref<8x4096xf32, #tpu.memory_space<vmem>>, vector<8x4096xf32>
    tpu.vector_store %arg5[%swap3A, %swap3A_26], %sub3A_25 {strides = array<i32>} : memref<8x4096xf32, #tpu.memory_space<vmem>>, vector<8x4096xf32>,
    return
  }
}

</mosaic_0001>

<sc_bundles>
// kernel: kernel.5.cloned.1.call-start
scs
__scs_entry_jumppad:
0x0: {  	(pc) =	sbr.rel $0x88, $3  }
0x1: {  	(tag) =	ssettag $0x0;
	lr =	simm.s32 $0x1  }
0x2: {  	[smem:$0x3F99] =	sst lr;
	_ =	strace $0xD0000000  }
0x3: {  	_ = 	snop  }
0x4: {  	_ = 	snop  }
0x5: {  	_ = 	snop  }
0x6: {  	_ = 	snop  }
0x7: {  	_ = 	snop  }
__scs_overlays_trampoline_lowered:
0x8: {  	[smem:$0x3FA8] =	sst s0  }
0x9: {  	[smem:$0x3FA9] =	sst s1  }
0xa: {  	[smem:$0x3FAA] =	sst s2  }
0xb: {  	[smem:$0x3FAB] =	sst s3  }
0xc: {  	[smem:$0x3FAC] =	sst s4  }
0xd: {  	[smem:$0x3FAD] =	sst s5  }
0xe: {  	[smem:$0x3FAE] =	sst s6  }
0xf: {  	[smem:$0x3FAF] =	sst s7  }
0x10: {  	[smem:$0x3FB0] =	sst s8  }
0x11: {  	[smem:$0x3FB1] =	sst s9;
	s0 =	simm.s32 @!p0 $0x0  }
0x12: {  	s1 =	sld [smem:$0x3F97];
	s0 =	simm.s32 @p0 $0x1  }
0x13: {  	[smem:$0x3FB2] =	sst s0;
	s0 =	simm.s32 @!p1 $0x0  }
0x14: {  	s2 =	sld [smem:$0x3F96];
	s0 =	simm.s32 @p1 $0x1  }
0x15: {  	[smem:$0x3FB3] =	sst s0;
	s0 =	simm.s32 @!p2 $0x0  }
0x16: {  	s3 =	sld [smem:$0x3FDB];
	s0 =	simm.s32 @p2 $0x1  }
0x17: {  	s4 =	simm.s32 $0x1BF5;
	[smem:$0x3FB5] =	sst s0  }
0x18: {  	s0 =	sld [smem:$0x3F98];
	_ =	swait.ge [sflag:s4], $0x0  }
0x19: {  	s7 =	sld [smem:$0x3F99]  }
0x1a: {  	s8 =	sadd.s32 $0xFFFFE003, lr  }
0x1b: {  	s9 =	sadd.s32 $0xFFFFFEF7, lr;
	s5 =	simm.s32 $0xFFFFFFFF;
	p2 =	slt.u32 s8, $0xFFFFF086  }
0x1c: {  	p1 =	slt.u32 s9, $0xF7A;
	s5 =	simm.s32 @!p2 $0x0  }
0x1d: {  	s5 =	simm.s32 @p1 $0x1;
	p0 =	seq.s32 s7, s2  }
0x1e: {  	s7 =	smul.u32 @!p0 $0xF7A, s2;
	p2 =	seq.s32 @!p0 s5, $0x0  }
0x1f: {  	s9 =	smul.u32 $0xF7A, s1;
	s8 =	simm.s32 @!p0 $0x1BF5;
	p2 =	por !p2, p0  }
0x20: {  	[sflag:s8] =	ssyncset.s32 @!p0 $0xFFFFF086;
	s6 =	sadd.s32 @!p0 s3, s7;
	s7 =	simm.s32 @!p0 $0x108  }
0x21: {  	s3 =	sadd.s32 s3, s9;
	s6 =	sadd.s32 @!p0 $0x88, s6;
	s7 =	simm.s32 @p2 $0x1082  }
0x22: {  	[simem:s7], [sflag:s8] =	dma.local @!p0 [hbm:s6], $0xF7A  }
0x23: {  	s9 =	sor.u32 $0xD0000000, s2;
	s6 =	simm.s32 $0x108;
	_ =	swait.ge @!p0 [sflag:s8], $0x0  }
0x24: {  	s3 =	sadd.s32 $0x88, s3;
	s6 =	simm.s32 @!p1 $0x1082;
	[sflag:s4] =	ssyncset.s32 $0xFFFFF086  }
0x25: {  	[simem:s6], [sflag:s4] =	dma.local [hbm:s3], $0xF7A  }
0x26: {  	[smem:$0x3F99] =	sst s1;
	(tag) =	ssettag s2;
	_ =	strace s9  }
0x27: {  	s1 =	sld [smem:$0x3FA9]  }
0x28: {  	s2 =	sld [smem:$0x3FAA]  }
0x29: {  	s4 =	sld [smem:$0x3FAC]  }
0x2a: {  	p0 =	seq.s32 s5, $0x0;
	s5 =	sld [smem:$0x3FAD]  }
0x2b: {  	s6 =	sld [smem:$0x3FAE]  }
0x2c: {  	s7 =	sld [smem:$0x3FAF]  }
0x2d: {  	s3 =	simm.s32 $0x108;
	s8 =	sld [smem:$0x3FB0]  }
0x2e: {  	s3 =	simm.s32 @!p0 $0x1082;
	s9 =	sld [smem:$0x3FB1]  }
0x2f: {  	lr =	sadd.s32 s0, s3;
	s0 =	sld [smem:$0x3FA8]  }
0x30: {  	s3 =	sld [smem:$0x3FAB]  }
0x31: {  	[smem:$0x3FB4] =	sst s10  }
0x32: {  	s10 =	sld [smem:$0x3FB2];
	_ =	sdelay $0x3  }
0x33: {  	p0 =	seq.s32 s10, $0x1;
	s10 =	sld [smem:$0x3FB4];
	_ =	sdelay $0x3  }
0x34: {  	[smem:$0x3FB4] =	sst s10  }
0x35: {  	s10 =	sld [smem:$0x3FB3];
	_ =	sdelay $0x3  }
0x36: {  	p1 =	seq.s32 s10, $0x1;
	s10 =	sld [smem:$0x3FB4];
	_ =	sdelay $0x3  }
0x37: {  	[smem:$0x3FB4] =	sst s10  }
0x38: {  	s10 =	sld [smem:$0x3FB5]  }
0x39: {  	_ = 	snop;
	(pc) =	sbr.ind lr, $3  }
0x3a: {  	_ = 	snop  }
0x3b: {  	_ = 	snop  }
0x3c: {  	p2 =	seq.s32 s10, $0x1;
	s10 =	sld [smem:$0x3FB4]  }
0x3d: {  	_ =	shalt  }
0x3e: {  	_ =	shalt  }
0x3f: {  	_ =	shalt  }
0x40: {  	_ =	shalt  }
0x41: {  	_ =	shalt  }
0x42: {  	_ =	shalt  }
0x43: {  	_ =	shalt  }
0x44: {  	_ =	shalt  }
0x45: {  	_ =	shalt  }
0x46: {  	_ =	shalt  }
0x47: {  	_ =	shalt  }
0x48: {  	_ =	shalt  }
0x49: {  	_ =	shalt  }
0x4a: {  	_ =	shalt  }
0x4b: {  	_ =	shalt  }
0x4c: {  	_ =	shalt  }
0x4d: {  	_ =	shalt  }
0x4e: {  	_ =	shalt  }
0x4f: {  	_ =	shalt  }
0x50: {  	_ =	shalt  }
0x51: {  	_ =	shalt  }
0x52: {  	_ =	shalt  }
0x53: {  	_ =	shalt  }
0x54: {  	_ =	shalt  }
0x55: {  	_ =	shalt  }
0x56: {  	_ =	shalt  }
0x57: {  	_ =	shalt  }
0x58: {  	_ =	shalt  }
0x59: {  	_ =	shalt  }
0x5a: {  	_ =	shalt  }
0x5b: {  	_ =	shalt  }
0x5c: {  	_ =	shalt  }
0x5d: {  	_ =	shalt  }
0x5e: {  	_ =	shalt  }
0x5f: {  	_ =	shalt  }
0x60: {  	_ =	shalt  }
0x61: {  	_ =	shalt  }
0x62: {  	_ =	shalt  }
0x63: {  	_ =	shalt  }
0x64: {  	_ =	shalt  }
0x65: {  	_ =	shalt  }
0x66: {  	_ =	shalt  }
0x67: {  	_ =	shalt  }
0x68: {  	_ =	shalt  }
0x69: {  	_ =	shalt  }
0x6a: {  	_ =	shalt  }
0x6b: {  	_ =	shalt  }
0x6c: {  	_ =	shalt  }
0x6d: {  	_ =	shalt  }
0x6e: {  	_ =	shalt  }
0x6f: {  	_ =	shalt  }
0x70: {  	_ =	shalt  }
0x71: {  	_ =	shalt  }
0x72: {  	_ =	shalt  }
0x73: {  	_ =	shalt  }
0x74: {  	_ =	shalt  }
0x75: {  	_ =	shalt  }
0x76: {  	_ =	shalt  }
0x77: {  	_ =	shalt  }
0x78: {  	_ =	shalt  }
0x79: {  	_ =	shalt  }
0x7a: {  	_ =	shalt  }
0x7b: {  	_ =	shalt  }
0x7c: {  	_ =	shalt  }
0x7d: {  	_ =	shalt  }
0x7e: {  	_ =	shalt  }
0x7f: {  	_ =	shalt  }
0x80: {  	_ =	shalt  }
0x81: {  	_ =	shalt  }
0x82: {  	_ =	shalt  }
0x83: {  	_ =	shalt  }
0x84: {  	_ =	shalt  }
0x85: {  	_ =	shalt  }
0x86: {  	_ =	shalt  }
0x87: {  	_ =	shalt  }
.Lfunc_end0:
.L_simem_size_0:
called_computation_lowered:
.L_overlay_start_0:
0x88: {  	s2 =	sld [smem:$0x3FD9]  }
0x89: {  	s3 =	sld [smem:$0x3FFE];
	_ =	sdelay $0x1  }
0x8a: {  	s1 =	srdreg.scid  }
0x8b: {  	s0 =	sand.u32 $0x1, s1  }
0x8c: {  	s17 =	sshll.u32 s0, $0xA;
	s2 =	sadd.s32 s3, s2  }
0x8d: {  	s2 =	sadd.s32 s2, s17  }
0x8e: {  	[smem:$0x3FC0] =	sst s2  }
0x8f: {  	_ = 	snop  }
0x90: {  	s2 =	sld [smem:$0x3FD0];
	(tm) =	ssettm $0x1  }
0x91: {  	s18 =	sld [smem:$0x3FFB];
	_ =	sdelay $0x3  }
0x92: {  	_ =	strace s18  }
0x93: {  	s3 =	sld [smem:$0x3FFC];
	_ =	sdelay $0x3  }
0x94: {  	_ =	strace s3  }
0x95: {  	s3 =	sld [smem:$0x3FFD];
	_ =	sdelay $0x3  }
0x96: {  	_ =	strace s3  }
0x97: {  	_ =	strace $0x8FFFFFFF  }
0x98: {  	s19 =	sld [smem:$0x3FDB];
	_ =	sdelay $0x1  }
0x99: {  	s4 =	simm.s32 $_scs_section_size  }
0x9a: {  	s5 =	simm.s32 $_size__tile_overlayer_lowered;
	s6 =	simm.s32 $_tile_overlayer_lowered  }
0x9b: {  	s22 =	simm.s32 $0x1BFF;
	s21 =	sshll.u32 s6, $0x1;
	s3 =	sadd.s32 s4, s19  }
0x9c: {  	s7 =	simm.s32 $0x0;
	s20 =	sshll.u32 s5, $0x1;
	s5 =	sadd.s32 s21, s3  }
0x9d: {  	[timem:s7], [sflag:s22] =	dma.local [hbm:s5], s20  }
0x9e: {  	_ =	swait.ge [sflag:s22], s20  }
0x9f: {  	s4 =	ssub.s32 $0x0, s20;
	[sflag:s22] =	ssyncset.done $0x0  }
0xa0: {  	[sflag:s22] =	ssyncadd.s32 s4;
	_ =	sdelay $0x1  }
0xa1: {  	s23 =	simm.s32 $0x1B8B  }
0xa2: {  	_ =	swait.ge [sflag:s23], $0x1  }
0xa3: {  	[sflag:s23] =	ssyncset.done $0x0  }
0xa4: {  	s25 =	simm.s32 $0x1B8E;
	s24 =	sld [smem:$0x3FFE];
	[sflag:s23] =	ssyncadd.s32 $0xFFFFFFFF  }
0xa5: {  	s26 =	simm.s32 $execute0_lowered;
	[smem:$0x3FD2] =	sst s25  }
0xa6: {  	s5 =	sshll.u32 s26, $0x1;
	_ =	strace $0x80000046;
	[dreg:$0x1] =	wrdreg $0xFFFFFFFF  }
0xa7: {  	s28 =	simm.s32 $_size_execute0_lowered;
	s3 =	sadd.s32 s3, s5;
	[dreg:$0x0] =	wrdreg $0x0  }
0xa8: {  	s5 =	sshll.u32 s28, $0x1;
	[dreg:$0x2] =	wrdreg s3  }
0xa9: {  	[dreg:$0x3] =	wrdreg s5  }
0xaa: {  	[dreg:$0x4] =	wrdreg $0xC0  }
0xab: {  	_ =	task [dreg:s7], $0x5FFFF  }
0xac: {  	[dreg:$0x1] =	wrdreg $0xFFFFFFFF  }
0xad: {  	[dreg:$0x0] =	wrdreg $0x60  }
0xae: {  	[dreg:$0x2] =	wrdreg s24  }
0xaf: {  	[dreg:$0x3] =	wrdreg s2  }
0xb0: {  	[dreg:$0x4] =	wrdreg $0x9  }
0xb1: {  	_ =	task.clear_ibuf [dreg:s7], $0x5FFFF;
	_ =	strace $0x90000046  }
0xb2: {  	s29 =	simm.s32 $0x9;
	_ =	strace $0x80000048  }
0xb3: {  	_ =	swait.ge [sflag:s29], $0x1  }
0xb4: {  	[sflag:s29] =	ssyncadd.s32 $0xFFFFFFFF  }
0xb5: {  	_ =	strace $0x90000048  }
0xb6: {  	_ =	sfence  }
0xb7: {  	s30 =	sld [smem:$0x0];
	_ =	sdelay $0x2  }
0xb8: {  	s31 =	sshll.u32 s1, $0xD;
	s1 =	sshrl.u32 s1, $0x2  }
0xb9: {  	s3 =	sand.u32 $0x4000, s31;
	s1 =	sadd.s32 s1, s30  }
0xba: {  	s0 =	sor.u32 s3, s0;
	s1 =	sshll.u32 s1, $0x11  }
0xbb: {  	s0 =	sor.u32 s1, s0  }
0xbc: {  	s0 =	sadd.s32 $0x8F2B, s0  }
0xbd: {  	[sflag:s0] =	ssyncadd.remote.s32 $0x1  }
0xbe: {  	_ =	sfence.sel $0xFFFF  }
0xbf: {  	[dreg:$0x0] =	wrdreg $0xFFFFFFFF;
	(pc) =	sbr.abs _section_cstart, $3  }
0xc0: {  	[dreg:$0x1] =	wrdreg $0xFFFFFFFF  }
0xc1: {  	_ =	task.clear_ibuf [dreg:s7], $0x2FFFF;
	_ =	strace $0x9FFFFFFF  }
0xc2: {  	(tm) =	ssettm $0x7FFFFFFF  }
0xc3: {  	_ =	shalt  }
tec
execute0_lowered:
.L_overlay_start_1:
0x0: {  	(tag) =	ssettag $0x1  }
0x1: {  	s4 =	rddreg [dreg:$0x0]  }
0x2: {  	s0 =	rddreg [dreg:$0x1];
	s2 =	simm.s32 $0x0;
	s1 =	srdreg.scid  }
0x3: {  	s11 =	stileid.u32;
	[smem:$0x7FF] =	sst s2;
	s1 =	sand.u32 $0x1, s1  }
0x4: {  	s3 =	sshll.u32 s11, $0x1;
	s5 =	sshrl.u32 s11, $0x1;
	s17 =	sadd.s32 $0x15200, s4  }
0x5: {  	s18 =	sshll.u32 s11, $0x8;
	_ =	strace $0x80000047;
	s6 =	smul.u32 $0x14, s5  }
0x6: {  	s3 =	sand.u32 $0x2, s3;
	s7 =	ssub.s32 $0x2, s1;
	s9 =	smul.u32 $0x14000, s5  }
0x7: {  	[dreg:$0x3] =	wrdreg s17;
	s13 =	sand.u32 $0x200, s18;
	s1 =	sor.u32 s1, s3  }
0x8: {  	s5 =	sshll.u32 s5, $0x7;
	s8 =	sshrl.u32 s7, $0x1;
	s3 =	sshll.u32 s1, $0xD  }
0x9: {  	s1 =	ssub.s32 s7, s8;
	s10 =	sand.u32 $0xF8000, s9;
	s19 =	sadd.s32 $0x4, s6  }
0xa: {  	s23 =	sadd.s32 $0x5, s6;
	s12 =	sadd.s32 $0x6, s6;
	s26 =	sadd.s32 $0x7, s6  }
0xb: {  	s31 =	sadd.s32 $0x9, s6;
	s16 =	sadd.s32 $0xA, s6;
	s20 =	sshll.u32 s19, $0xC  }
0xc: {  	s8 =	sshll.u32 s19, $0x7;
	s21 =	sor.u32 s13, s3;
	s24 =	sshll.u32 s23, $0xC  }
0xd: {  	s9 =	sshll.u32 s23, $0x7;
	s14 =	sshll.u32 s12, $0xC;
	s12 =	sshll.u32 s12, $0x7  }
0xe: {  	s15 =	sshll.u32 s26, $0xC;
	s17 =	sshll.u32 s16, $0xC;
	s5 =	sor.u32 s5, s3  }
0xf: {  	s22 =	sand.u32 $0x1F8000, s20;
	s8 =	sand.u32 $0x200, s8;
	s7 =	sor.u32 s10, s21  }
0x10: {  	s11 =	sand.u32 $0x1F8000, s24;
	s9 =	sand.u32 $0x280, s9;
	s25 =	sand.u32 $0x1F8000, s14  }
0x11: {  	s14 =	sshll.u32 s26, $0x7;
	s12 =	sand.u32 $0x300, s12;
	s15 =	sand.u32 $0x1F8000, s15  }
0x12: {  	s10 =	sor.u32 s13, s10;
	s8 =	sor.u32 s22, s8;
	s9 =	sor.u32 s11, s9  }
0x13: {  	s14 =	sand.u32 $0x380, s14;
	s12 =	sor.u32 s25, s12;
	s26 =	sshrl.u32 s7, $0x3  }
0x14: {  	s11 =	sor.u32 s15, s14;
	s15 =	sshll.u32 s31, $0xC;
	s14 =	sshll.u32 s31, $0x7  }
0x15: {  	s31 =	sor.u32 s3, s8;
	s7 =	sor.u32 s3, s9;
	s8 =	sor.u32 s3, s12  }
0x16: {  	s13 =	sand.u32 $0x1F8000, s15;
	s14 =	sand.u32 $0x280, s14;
	s15 =	sshll.u32 s16, $0x7  }
0x17: {  	s16 =	sadd.s32 $0xB, s6;
	s9 =	sor.u32 s3, s11;
	s13 =	sor.u32 s13, s14  }
0x18: {  	s14 =	sand.u32 $0x1F8000, s17;
	s15 =	sand.u32 $0x300, s15;
	s18 =	sshll.u32 s16, $0xC  }
0x19: {  	s16 =	sshll.u32 s16, $0x7;
	s17 =	sadd.s32 $0xC, s6;
	s14 =	sor.u32 s14, s15  }
0x1a: {  	s15 =	sand.u32 $0x1F8000, s18;
	s16 =	sand.u32 $0x380, s16;
	s19 =	sshll.u32 s17, $0xC  }
0x1b: {  	s17 =	sshll.u32 s17, $0x7;
	s18 =	sadd.s32 $0xD, s6;
	s11 =	sor.u32 s3, s13  }
0x1c: {  	s15 =	sor.u32 s15, s16;
	s16 =	sand.u32 $0x1F8000, s19;
	s17 =	sand.u32 $0x200, s17  }
0x1d: {  	s20 =	sshll.u32 s18, $0xC;
	s18 =	sshll.u32 s18, $0x7;
	s19 =	sadd.s32 $0xE, s6  }
0x1e: {  	s12 =	sor.u32 s3, s14;
	s16 =	sor.u32 s16, s17;
	s17 =	sand.u32 $0x1F8000, s20  }
0x1f: {  	s18 =	sand.u32 $0x280, s18;
	s21 =	sshll.u32 s19, $0xC;
	s19 =	sshll.u32 s19, $0x7  }
0x20: {  	s20 =	sadd.s32 $0xF, s6;
	s13 =	sor.u32 s3, s15;
	s17 =	sor.u32 s17, s18  }
0x21: {  	s18 =	sand.u32 $0x1F8000, s21;
	s19 =	sand.u32 $0x300, s19;
	s22 =	sshll.u32 s20, $0xC  }
0x22: {  	s20 =	sshll.u32 s20, $0x7;
	s21 =	sadd.s32 $0x11, s6;
	s14 =	sor.u32 s3, s16  }
0x23: {  	s18 =	sor.u32 s18, s19;
	s19 =	sand.u32 $0x1F8000, s22;
	s20 =	sand.u32 $0x380, s20  }
0x24: {  	s23 =	sshll.u32 s21, $0xC;
	s21 =	sshll.u32 s21, $0x7;
	s22 =	sadd.s32 $0x12, s6  }
0x25: {  	s6 =	sadd.s32 $0x13, s6;
	s15 =	sor.u32 s3, s17;
	s19 =	sor.u32 s19, s20  }
0x26: {  	s20 =	sand.u32 $0x1F8000, s23;
	s21 =	sand.u32 $0x280, s21;
	s24 =	sshll.u32 s22, $0xC  }
0x27: {  	s22 =	sshll.u32 s22, $0x7;
	s25 =	sshll.u32 s6, $0xC;
	s6 =	sshll.u32 s6, $0x7  }
0x28: {  	s23 =	sadd.s32 $0x1200, s4;
	s16 =	sor.u32 s3, s18;
	s20 =	sor.u32 s20, s21  }
0x29: {  	s21 =	sand.u32 $0x1F8000, s24;
	s22 =	sand.u32 $0x300, s22;
	s6 =	sand.u32 $0x380, s6  }
0x2a: {  	s24 =	sshrl.u32 s5, $0x3;
	s18 =	sor.u32 s3, s19;
	s21 =	sor.u32 s21, s22  }
0x2b: {  	s22 =	sand.u32 $0x1F8000, s25;
	s25 =	sadd.s32 s24, s4;
	s4 =	sadd.s32 s23, s26  }
0x2c: {  	s26 =	sor.u32 s3, s10;
	s19 =	sor.u32 s3, s20;
	s0 =	sadd.s32 s0, s24  }
0x2d: {  	s22 =	sor.u32 s22, s6;
	s6 =	sshrl.u32 s31, $0x3;
	s20 =	sor.u32 s3, s21  }
0x2e: {  	s10 =	sadd.s32 $0x8000, s26;
	s21 =	sshrl.u32 s11, $0x3;
	s11 =	sshrl.u32 s12, $0x3  }
0x2f: {  	s12 =	sshrl.u32 s13, $0x3;
	s13 =	sshrl.u32 s14, $0x3;
	s14 =	sshrl.u32 s15, $0x3  }
0x30: {  	s15 =	sshrl.u32 s16, $0x3;
	s16 =	sshrl.u32 s18, $0x3;
	s18 =	sshrl.u32 s19, $0x3  }
0x31: {  	[dreg:$0x5] =	wrdreg s0;
	s31 =	sadd.s32 $0x20, s4;
	s24 =	sadd.s32 $0x100, s4  }
0x32: {  	s5 =	sadd.s32 s23, s6;
	s6 =	sshrl.u32 s7, $0x3;
	s7 =	sshrl.u32 s8, $0x3  }
0x33: {  	s8 =	sshrl.u32 s9, $0x3;
	s3 =	sor.u32 s3, s22;
	s10 =	sshrl.u32 s10, $0x3  }
0x34: {  	s11 =	sadd.s32 s23, s11;
	s12 =	sadd.s32 s23, s12;
	s13 =	sadd.s32 s23, s13  }
0x35: {  	s14 =	sadd.s32 s23, s14;
	s22 =	sadd.s32 $0x10000, s26;
	s15 =	sadd.s32 s23, s15  }
0x36: {  	s16 =	sadd.s32 s23, s16;
	s18 =	sadd.s32 s23, s18;
	[dreg:$0x6] =	wrdreg s31  }
0x37: {  	s19 =	sshrl.u32 s20, $0x3;
	s26 =	sadd.s32 $0x10, s4;
	[dreg:$0xb] =	wrdreg s24  }
0x38: {  	s31 =	sadd.s32 $0x280, s4;
	s24 =	sadd.s32 $0x210, s4;
	[dreg:$0x4] =	wrdreg s26  }
0x39: {  	s6 =	sadd.s32 s23, s6;
	s9 =	sadd.s32 s23, s10;
	[dreg:$0xe] =	wrdreg s31  }
0x3a: {  	s10 =	sadd.s32 s23, s21;
	s21 =	smax.u32 s1, $0x1;
	[dreg:$0x14] =	wrdreg s24  }
0x3b: {  	s17 =	sshrl.u32 s22, $0x3;
	s22 =	sadd.s32 $0x30, s4;
	[dreg:$0x8] =	wrdreg s21  }
0x3c: {  	s7 =	sadd.s32 s23, s7;
	s26 =	sadd.s32 $0x200, s4;
	[dreg:$0x9] =	wrdreg s22  }
0x3d: {  	s8 =	sadd.s32 s23, s8;
	s1 =	sadd.s32 $0x300, s4;
	[dreg:$0xd] =	wrdreg s26  }
0x3e: {  	s3 =	sshrl.u32 s3, $0x3;
	s31 =	sadd.s32 $0x390, s4;
	[dreg:$0xf] =	wrdreg s1  }
0x3f: {  	s19 =	sadd.s32 s23, s19;
	s24 =	sadd.s32 $0x320, s4;
	[dreg:$0x17] =	wrdreg s31  }
0x40: {  	s20 =	sadd.s32 s23, s3;
	s3 =	sadd.s32 $0x18400, s25;
	[dreg:$0x1d] =	wrdreg s24  }
0x41: {  	s17 =	sadd.s32 s23, s17;
	s23 =	sadd.s32 $0x80, s4;
	[dreg:$0x7] =	wrdreg s3  }
0x42: {  	s25 =	sadd.s32 $0x180, s4;
	[dreg:$0xa] =	wrdreg s23  }
0x43: {  	s21 =	sadd.s32 $0x90, s4;
	[dreg:$0xc] =	wrdreg s25  }
0x44: {  	s22 =	sadd.s32 $0x110, s4;
	[dreg:$0x11] =	wrdreg s21  }
0x45: {  	s26 =	sadd.s32 $0x310, s4;
	[dreg:$0x12] =	wrdreg s22  }
0x46: {  	s1 =	sadd.s32 $0xA0, s4;
	[dreg:$0x16] =	wrdreg s26  }
0x47: {  	s31 =	sadd.s32 $0x130, s4;
	[dreg:$0x18] =	wrdreg s1  }
0x48: {  	s24 =	sadd.s32 $0x80, s5;
	[smem:$0x788] =	sst s31  }
0x49: {  	s3 =	sadd.s32 $0x380, s4;
	[smem:$0x78E] =	sst s24  }
0x4a: {  	s23 =	sadd.s32 $0x190, s4;
	[dreg:$0x10] =	wrdreg s3  }
0x4b: {  	s25 =	sadd.s32 $0x290, s4;
	[dreg:$0x13] =	wrdreg s23  }
0x4c: {  	s21 =	sadd.s32 $0x1A0, s4;
	[dreg:$0x15] =	wrdreg s25  }
0x4d: {  	s22 =	sadd.s32 $0x220, s4;
	[dreg:$0x1a] =	wrdreg s21  }
0x4e: {  	s26 =	sadd.s32 $0xB0, s4;
	[dreg:$0x1b] =	wrdreg s22  }
0x4f: {  	s1 =	sadd.s32 $0x1B0, s4;
	[dreg:$0x1f] =	wrdreg s26  }
0x50: {  	s31 =	sadd.s32 $0x200, s5;
	[smem:$0x789] =	sst s1  }
0x51: {  	s24 =	sadd.s32 $0x180, s6;
	[smem:$0x791] =	sst s31  }
0x52: {  	s3 =	sadd.s32 $0x120, s4;
	[smem:$0x797] =	sst s24  }
0x53: {  	s23 =	sadd.s32 $0x2A0, s4;
	[dreg:$0x19] =	wrdreg s3  }
0x54: {  	s25 =	sadd.s32 $0x3A0, s4;
	[dreg:$0x1c] =	wrdreg s23  }
0x55: {  	s21 =	sadd.s32 $0x2B0, s4;
	[dreg:$0x1e] =	wrdreg s25  }
0x56: {  	s22 =	sadd.s32 $0x330, s4;
	[smem:$0x78B] =	sst s21  }
0x57: {  	s26 =	sadd.s32 $0x180, s5;
	[smem:$0x78C] =	sst s22  }
0x58: {  	s1 =	sadd.s32 $0x280, s5;
	[smem:$0x790] =	sst s26  }
0x59: {  	s31 =	sadd.s32 $0x300, s6;
	[smem:$0x792] =	sst s1  }
0x5a: {  	s24 =	sadd.s32 $0x280, s7;
	[smem:$0x79A] =	sst s31  }
0x5b: {  	s3 =	sadd.s32 $0x230, s4;
	[smem:$0x7A0] =	sst s24  }
0x5c: {  	s23 =	sadd.s32 $0x3B0, s4;
	[smem:$0x78A] =	sst s3  }
0x5d: {  	s25 =	sadd.s32 $0x100, s5;
	[smem:$0x78D] =	sst s23  }
0x5e: {  	s21 =	sadd.s32 $0x380, s5;
	[smem:$0x78F] =	sst s25  }
0x5f: {  	s22 =	sadd.s32 $0x80, s6;
	[smem:$0x794] =	sst s21  }
0x60: {  	s26 =	sadd.s32 $0x280, s6;
	[smem:$0x795] =	sst s22  }
0x61: {  	s1 =	sadd.s32 $0x380, s6;
	[smem:$0x799] =	sst s26  }
0x62: {  	s31 =	sadd.s32 $0x80, s8;
	[smem:$0x79B] =	sst s1  }
0x63: {  	s24 =	sadd.s32 $0x380, s8;
	[smem:$0x7A3] =	sst s31  }
0x64: {  	s3 =	sadd.s32 $0x300, s5;
	[smem:$0x7A9] =	sst s24  }
0x65: {  	s23 =	sadd.s32 $0x100, s6;
	[smem:$0x793] =	sst s3  }
0x66: {  	s25 =	sadd.s32 $0x200, s6;
	[smem:$0x796] =	sst s23  }
0x67: {  	s21 =	sadd.s32 $0x100, s7;
	[smem:$0x798] =	sst s25  }
0x68: {  	s22 =	sadd.s32 $0x180, s7;
	[smem:$0x79D] =	sst s21  }
0x69: {  	s26 =	sadd.s32 $0x380, s7;
	[smem:$0x79E] =	sst s22  }
0x6a: {  	s1 =	sadd.s32 $0x100, s8;
	[smem:$0x7A2] =	sst s26  }
0x6b: {  	s31 =	sadd.s32 $0x180, s9;
	[smem:$0x7A4] =	sst s1  }
0x6c: {  	s24 =	sadd.s32 $0x100, s10;
	[smem:$0x7AC] =	sst s31  }
0x6d: {  	s3 =	sadd.s32 $0x80, s7;
	[smem:$0x7B2] =	sst s24  }
0x6e: {  	s23 =	sadd.s32 $0x200, s7;
	[smem:$0x79C] =	sst s3  }
0x6f: {  	s25 =	sadd.s32 $0x300, s7;
	[smem:$0x79F] =	sst s23  }
0x70: {  	s21 =	sadd.s32 $0x200, s8;
	[smem:$0x7A1] =	sst s25  }
0x71: {  	s22 =	sadd.s32 $0x280, s8;
	[smem:$0x7A6] =	sst s21  }
0x72: {  	s26 =	sadd.s32 $0x100, s9;
	[smem:$0x7A7] =	sst s22  }
0x73: {  	s1 =	sadd.s32 $0x200, s9;
	[smem:$0x7AB] =	sst s26  }
0x74: {  	s31 =	sadd.s32 $0x280, s10;
	[smem:$0x7AD] =	sst s1  }
0x75: {  	s24 =	sadd.s32 $0x200, s11;
	[smem:$0x7B5] =	sst s31  }
0x76: {  	s3 =	sadd.s32 $0x180, s8;
	[smem:$0x7BB] =	sst s24  }
0x77: {  	s23 =	sadd.s32 $0x300, s8;
	[smem:$0x7A5] =	sst s3  }
0x78: {  	s25 =	sadd.s32 $0x80, s9;
	[smem:$0x7A8] =	sst s23  }
0x79: {  	s21 =	sadd.s32 $0x300, s9;
	[smem:$0x7AA] =	sst s25  }
0x7a: {  	s22 =	sadd.s32 $0x380, s9;
	[smem:$0x7AF] =	sst s21  }
0x7b: {  	s26 =	sadd.s32 $0x200, s10;
	[smem:$0x7B0] =	sst s22  }
0x7c: {  	s1 =	sadd.s32 $0x300, s10;
	[smem:$0x7B4] =	sst s26  }
0x7d: {  	s31 =	sadd.s32 $0x380, s11;
	[smem:$0x7B6] =	sst s1  }
0x7e: {  	s24 =	sadd.s32 $0x300, s12;
	[smem:$0x7BE] =	sst s31  }
0x7f: {  	s3 =	sadd.s32 $0x280, s9;
	[smem:$0x7C4] =	sst s24  }
0x80: {  	s23 =	sadd.s32 $0x80, s10;
	[smem:$0x7AE] =	sst s3  }
0x81: {  	s25 =	sadd.s32 $0x180, s10;
	[smem:$0x7B1] =	sst s23  }
0x82: {  	s21 =	sadd.s32 $0x80, s11;
	[smem:$0x7B3] =	sst s25  }
0x83: {  	s22 =	sadd.s32 $0x100, s11;
	[smem:$0x7B8] =	sst s21  }
0x84: {  	s26 =	sadd.s32 $0x300, s11;
	[smem:$0x7B9] =	sst s22  }
0x85: {  	s1 =	sadd.s32 $0x80, s12;
	[smem:$0x7BD] =	sst s26  }
0x86: {  	s31 =	sadd.s32 $0x100, s13;
	[smem:$0x7BF] =	sst s1  }
0x87: {  	s24 =	sadd.s32 $0x80, s14;
	[smem:$0x7C7] =	sst s31  }
0x88: {  	s3 =	sadd.s32 $0x380, s10;
	[smem:$0x7CD] =	sst s24  }
0x89: {  	s23 =	sadd.s32 $0x180, s11;
	[smem:$0x7B7] =	sst s3  }
0x8a: {  	s25 =	sadd.s32 $0x280, s11;
	[smem:$0x7BA] =	sst s23  }
0x8b: {  	s21 =	sadd.s32 $0x180, s12;
	[smem:$0x7BC] =	sst s25  }
0x8c: {  	s22 =	sadd.s32 $0x200, s12;
	[smem:$0x7C1] =	sst s21  }
0x8d: {  	s26 =	sadd.s32 $0x80, s13;
	[smem:$0x7C2] =	sst s22  }
0x8e: {  	s1 =	sadd.s32 $0x180, s13;
	[smem:$0x7C6] =	sst s26  }
0x8f: {  	s31 =	sadd.s32 $0x200, s14;
	[smem:$0x7C8] =	sst s1  }
0x90: {  	s24 =	sadd.s32 $0x180, s15;
	[smem:$0x7D0] =	sst s31  }
0x91: {  	s3 =	sadd.s32 $0x100, s12;
	[smem:$0x7D6] =	sst s24  }
0x92: {  	s23 =	sadd.s32 $0x280, s12;
	[smem:$0x7C0] =	sst s3  }
0x93: {  	s25 =	sadd.s32 $0x380, s12;
	[smem:$0x7C3] =	sst s23  }
0x94: {  	s21 =	sadd.s32 $0x280, s13;
	[smem:$0x7C5] =	sst s25  }
0x95: {  	s22 =	sadd.s32 $0x300, s13;
	[smem:$0x7CA] =	sst s21  }
0x96: {  	s26 =	sadd.s32 $0x180, s14;
	[smem:$0x7CB] =	sst s22  }
0x97: {  	s1 =	sadd.s32 $0x280, s14;
	[smem:$0x7CF] =	sst s26  }
0x98: {  	s31 =	sadd.s32 $0x300, s15;
	[smem:$0x7D1] =	sst s1  }
0x99: {  	s24 =	sadd.s32 $0x280, s16;
	[smem:$0x7D9] =	sst s31  }
0x9a: {  	s3 =	sadd.s32 $0x200, s13;
	[smem:$0x7DF] =	sst s24  }
0x9b: {  	s23 =	sadd.s32 $0x380, s13;
	[smem:$0x7C9] =	sst s3  }
0x9c: {  	s25 =	sadd.s32 $0x100, s14;
	[smem:$0x7CC] =	sst s23  }
0x9d: {  	s21 =	sadd.s32 $0x380, s14;
	[smem:$0x7CE] =	sst s25  }
0x9e: {  	s22 =	sadd.s32 $0x80, s15;
	[smem:$0x7D3] =	sst s21  }
0x9f: {  	s26 =	sadd.s32 $0x280, s15;
	[smem:$0x7D4] =	sst s22  }
0xa0: {  	s1 =	sadd.s32 $0x380, s15;
	[smem:$0x7D8] =	sst s26  }
0xa1: {  	s31 =	sadd.s32 $0x80, s17;
	[smem:$0x7DA] =	sst s1  }
0xa2: {  	s24 =	sadd.s32 $0x380, s17;
	[smem:$0x7E2] =	sst s31  }
0xa3: {  	s3 =	sadd.s32 $0x300, s14;
	[smem:$0x7E8] =	sst s24  }
0xa4: {  	s23 =	sadd.s32 $0x100, s15;
	[smem:$0x7D2] =	sst s3  }
0xa5: {  	s25 =	sadd.s32 $0x200, s15;
	[smem:$0x7D5] =	sst s23  }
0xa6: {  	s21 =	sadd.s32 $0x100, s16;
	[smem:$0x7D7] =	sst s25  }
0xa7: {  	s22 =	sadd.s32 $0x180, s16;
	[smem:$0x7DC] =	sst s21  }
0xa8: {  	s26 =	sadd.s32 $0x380, s16;
	[smem:$0x7DD] =	sst s22  }
0xa9: {  	s1 =	sadd.s32 $0x100, s17;
	[smem:$0x7E1] =	sst s26  }
0xaa: {  	s31 =	sadd.s32 $0x180, s18;
	[smem:$0x7E3] =	sst s1  }
0xab: {  	s24 =	sadd.s32 $0x100, s19;
	[smem:$0x7EB] =	sst s31  }
0xac: {  	s3 =	sadd.s32 $0x80, s16;
	[smem:$0x7F1] =	sst s24  }
0xad: {  	s23 =	sadd.s32 $0x200, s16;
	[smem:$0x7DB] =	sst s3  }
0xae: {  	s25 =	sadd.s32 $0x300, s16;
	[smem:$0x7DE] =	sst s23  }
0xaf: {  	s21 =	sadd.s32 $0x200, s17;
	[smem:$0x7E0] =	sst s25  }
0xb0: {  	s22 =	sadd.s32 $0x280, s17;
	[smem:$0x7E5] =	sst s21  }
0xb1: {  	s26 =	sadd.s32 $0x100, s18;
	[smem:$0x7E6] =	sst s22  }
0xb2: {  	s1 =	sadd.s32 $0x200, s18;
	[smem:$0x7EA] =	sst s26  }
0xb3: {  	s31 =	sadd.s32 $0x280, s19;
	[smem:$0x7EC] =	sst s1  }
0xb4: {  	s24 =	sadd.s32 $0x200, s20;
	[smem:$0x7F4] =	sst s31  }
0xb5: {  	s3 =	sadd.s32 $0x180, s17;
	[smem:$0x7FA] =	sst s24  }
0xb6: {  	s23 =	sadd.s32 $0x300, s17;
	[smem:$0x7E4] =	sst s3  }
0xb7: {  	s25 =	sadd.s32 $0x80, s18;
	[smem:$0x7E7] =	sst s23  }
0xb8: {  	s21 =	sadd.s32 $0x300, s18;
	[smem:$0x7E9] =	sst s25  }
0xb9: {  	s22 =	sadd.s32 $0x380, s18;
	[smem:$0x7EE] =	sst s21  }
0xba: {  	s26 =	sadd.s32 $0x200, s19;
	[smem:$0x7EF] =	sst s22  }
0xbb: {  	s1 =	sadd.s32 $0x300, s19;
	[smem:$0x7F3] =	sst s26  }
0xbc: {  	s31 =	sadd.s32 $0x380, s20;
	[smem:$0x7F5] =	sst s1  }
0xbd: {  	s3 =	sadd.s32 $0x280, s18;
	[smem:$0x7FD] =	sst s31  }
0xbe: {  	s23 =	sadd.s32 $0x80, s19;
	[smem:$0x7ED] =	sst s3  }
0xbf: {  	s25 =	sadd.s32 $0x180, s19;
	[smem:$0x7F0] =	sst s23  }
0xc0: {  	s21 =	sadd.s32 $0x80, s20;
	[smem:$0x7F2] =	sst s25  }
0xc1: {  	s22 =	sadd.s32 $0x100, s20;
	[smem:$0x7F7] =	sst s21  }
0xc2: {  	s28 =	simm.s32 $0x2;
	s26 =	sadd.s32 $0x300, s20;
	[smem:$0x7F8] =	sst s22  }
0xc3: {  	s29 =	simm.s32 $0x1;
	s3 =	sadd.s32 $0x380, s19;
	[smem:$0x7FC] =	sst s26  }
0xc4: {  	s30 =	simm.s32 $0x0;
	s23 =	sadd.s32 $0x180, s20;
	[smem:$0x7F6] =	sst s3  }
0xc5: {  	s24 =	simm.s32 $0x80;
	s25 =	sadd.s32 $0x280, s20;
	[smem:$0x7F9] =	sst s23  }
0xc6: {  	s26 =	simm.s32 $0x3;
	[smem:$0x7FB] =	sst s25;
	s25 =	simm.s32 $0x400  }
.LBB2_1:
0xc7: {  	s0 =	rddreg [dreg:$0x3]  }
0xc8: {  	[tilespmem:s2], [sflag:$0x1] =	stream.linear.gather [hbm4b:s0+s2], $0x18800, $0x38;
	[tilespmem:$0x1F000] =	vst v63  }
0xc9: {  	s22 =	simm.s32 $0x18800;
	s23 =	rddreg [dreg:$0xa]  }
0xca: {  	[tilespmem:s22], [sflag:$0x2] =	stream.linear.gather [hbm4b:s4+s2], $0x80, $0x38;
	[tilespmem:$0x1F000] =	vst v63  }
0xcb: {  	s1 =	simm.s32 $0x18C00;
	s3 =	rddreg [dreg:$0xb]  }
0xcc: {  	[tilespmem:s1], [sflag:$0x2] =	stream.linear.gather [hbm4b:s23+s2], $0x80, $0x38;
	[tilespmem:$0x1F000] =	vst v63  }
0xcd: {  	s21 =	simm.s32 $0x19000;
	s22 =	rddreg [dreg:$0xc]  }
0xce: {  	[tilespmem:s21], [sflag:$0x2] =	stream.linear.gather [hbm4b:s3+s2], $0x80, $0x38;
	[tilespmem:$0x1F000] =	vst v63  }
0xcf: {  	s23 =	simm.s32 $0x19400;
	s3 =	rddreg [dreg:$0xd]  }
0xd0: {  	[tilespmem:s23], [sflag:$0x2] =	stream.linear.gather [hbm4b:s22+s2], $0x80, $0x38;
	[tilespmem:$0x1F000] =	vst v63  }
0xd1: {  	s21 =	simm.s32 $0x19800;
	s22 =	rddreg [dreg:$0xe]  }
0xd2: {  	[tilespmem:s21], [sflag:$0x2] =	stream.linear.gather [hbm4b:s3+s2], $0x80, $0x38;
	[tilespmem:$0x1F000] =	vst v63  }
0xd3: {  	s23 =	simm.s32 $0x19C00;
	s3 =	rddreg [dreg:$0xf]  }
0xd4: {  	[tilespmem:s23], [sflag:$0x2] =	stream.linear.gather [hbm4b:s22+s2], $0x80, $0x38;
	[tilespmem:$0x1F000] =	vst v63  }
0xd5: {  	s21 =	simm.s32 $0x1A000;
	s22 =	rddreg [dreg:$0x10]  }
0xd6: {  	[tilespmem:s21], [sflag:$0x2] =	stream.linear.gather [hbm4b:s3+s2], $0x80, $0x38;
	[tilespmem:$0x1F000] =	vst v63  }
0xd7: {  	s23 =	simm.s32 $0x1A400;
	s3 =	rddreg [dreg:$0x4]  }
0xd8: {  	[tilespmem:s23], [sflag:$0x2] =	stream.linear.gather [hbm4b:s22+s2], $0x80, $0x38;
	[tilespmem:$0x1F000] =	vst v63  }
0xd9: {  	s21 =	simm.s32 $0x18880;
	s22 =	rddreg [dreg:$0x11]  }
0xda: {  	[tilespmem:s21], [sflag:$0x2] =	stream.linear.gather [hbm4b:s3+s2], $0x80, $0x38;
	[tilespmem:$0x1F000] =	vst v63  }
0xdb: {  	s23 =	simm.s32 $0x18C80;
	s3 =	rddreg [dreg:$0x12]  }
0xdc: {  	[tilespmem:s23], [sflag:$0x2] =	stream.linear.gather [hbm4b:s22+s2], $0x80, $0x38;
	[tilespmem:$0x1F000] =	vst v63  }
0xdd: {  	s21 =	simm.s32 $0x19080;
	s22 =	rddreg [dreg:$0x13]  }
0xde: {  	[tilespmem:s21], [sflag:$0x2] =	stream.linear.gather [hbm4b:s3+s2], $0x80, $0x38;
	[tilespmem:$0x1F000] =	vst v63  }
0xdf: {  	s23 =	simm.s32 $0x19480;
	s3 =	rddreg [dreg:$0x14]  }
0xe0: {  	[tilespmem:s23], [sflag:$0x2] =	stream.linear.gather [hbm4b:s22+s2], $0x80, $0x38;
	[tilespmem:$0x1F000] =	vst v63  }
0xe1: {  	s21 =	simm.s32 $0x19880;
	s22 =	rddreg [dreg:$0x15]  }
0xe2: {  	[tilespmem:s21], [sflag:$0x2] =	stream.linear.gather [hbm4b:s3+s2], $0x80, $0x38;
	[tilespmem:$0x1F000] =	vst v63  }
0xe3: {  	s23 =	simm.s32 $0x19C80;
	s3 =	rddreg [dreg:$0x16]  }
0xe4: {  	[tilespmem:s23], [sflag:$0x2] =	stream.linear.gather [hbm4b:s22+s2], $0x80, $0x38;
	[tilespmem:$0x1F000] =	vst v63  }
0xe5: {  	s21 =	simm.s32 $0x1A080;
	s22 =	rddreg [dreg:$0x17]  }
0xe6: {  	[tilespmem:s21], [sflag:$0x2] =	stream.linear.gather [hbm4b:s3+s2], $0x80, $0x38;
	[tilespmem:$0x1F000] =	vst v63  }
0xe7: {  	s23 =	simm.s32 $0x1A480;
	s3 =	rddreg [dreg:$0x6]  }
0xe8: {  	[tilespmem:s23], [sflag:$0x2] =	stream.linear.gather [hbm4b:s22+s2], $0x80, $0x38;
	[tilespmem:$0x1F000] =	vst v63  }
0xe9: {  	s21 =	simm.s32 $0x18900;
	s22 =	rddreg [dreg:$0x18]  }
0xea: {  	[tilespmem:s21], [sflag:$0x2] =	stream.linear.gather [hbm4b:s3+s2], $0x80, $0x38;
	[tilespmem:$0x1F000] =	vst v63  }
0xeb: {  	s23 =	simm.s32 $0x18D00;
	s3 =	rddreg [dreg:$0x19]  }
0xec: {  	[tilespmem:s23], [sflag:$0x2] =	stream.linear.gather [hbm4b:s22+s2], $0x80, $0x38;
	[tilespmem:$0x1F000] =	vst v63  }
0xed: {  	s21 =	simm.s32 $0x19100;
	s22 =	rddreg [dreg:$0x1a]  }
0xee: {  	[tilespmem:s21], [sflag:$0x2] =	stream.linear.gather [hbm4b:s3+s2], $0x80, $0x38;
	[tilespmem:$0x1F000] =	vst v63  }
0xef: {  	s23 =	simm.s32 $0x19500;
	s3 =	rddreg [dreg:$0x1b]  }
0xf0: {  	[tilespmem:s23], [sflag:$0x2] =	stream.linear.gather [hbm4b:s22+s2], $0x80, $0x38;
	[tilespmem:$0x1F000] =	vst v63  }
0xf1: {  	s21 =	simm.s32 $0x19900;
	s22 =	rddreg [dreg:$0x1c]  }
0xf2: {  	[tilespmem:s21], [sflag:$0x2] =	stream.linear.gather [hbm4b:s3+s2], $0x80, $0x38;
	[tilespmem:$0x1F000] =	vst v63  }
0xf3: {  	s23 =	simm.s32 $0x19D00;
	s3 =	rddreg [dreg:$0x1d]  }
0xf4: {  	[tilespmem:s23], [sflag:$0x2] =	stream.linear.gather [hbm4b:s22+s2], $0x80, $0x38;
	[tilespmem:$0x1F000] =	vst v63  }
0xf5: {  	s21 =	simm.s32 $0x1A100;
	s22 =	rddreg [dreg:$0x1e]  }
0xf6: {  	[tilespmem:s21], [sflag:$0x2] =	stream.linear.gather [hbm4b:s3+s2], $0x80, $0x38;
	[tilespmem:$0x1F000] =	vst v63  }
0xf7: {  	s23 =	simm.s32 $0x1A500;
	s3 =	rddreg [dreg:$0x9]  }
0xf8: {  	[tilespmem:s23], [sflag:$0x2] =	stream.linear.gather [hbm4b:s22+s2], $0x80, $0x38;
	[tilespmem:$0x1F000] =	vst v63  }
0xf9: {  	s21 =	simm.s32 $0x18980;
	s22 =	rddreg [dreg:$0x1f]  }
0xfa: {  	[tilespmem:s21], [sflag:$0x2] =	stream.linear.gather [hbm4b:s3+s2], $0x80, $0x38;
	[tilespmem:$0x1F000] =	vst v63  }
0xfb: {  	s23 =	simm.s32 $0x18D80;
	s3 =	sld [smem:$0x788]  }
0xfc: {  	[tilespmem:s23], [sflag:$0x2] =	stream.linear.gather [hbm4b:s22+s2], $0x80, $0x38;
	[tilespmem:$0x1F000] =	vst v63  }
0xfd: {  	s21 =	simm.s32 $0x19180;
	s22 =	sld [smem:$0x789]  }
0xfe: {  	[tilespmem:s21], [sflag:$0x2] =	stream.linear.gather [hbm4b:s3+s2], $0x80, $0x38;
	[tilespmem:$0x1F000] =	vst v63  }
0xff: {  	s23 =	simm.s32 $0x19580;
	s3 =	sld [smem:$0x78A]  }
0x100: {  	[tilespmem:s23], [sflag:$0x2] =	stream.linear.gather [hbm4b:s22+s2], $0x80, $0x38;
	[tilespmem:$0x1F000] =	vst v63  }
0x101: {  	s21 =	simm.s32 $0x19980;
	s22 =	sld [smem:$0x78B]  }
0x102: {  	[tilespmem:s21], [sflag:$0x2] =	stream.linear.gather [hbm4b:s3+s2], $0x80, $0x38;
	[tilespmem:$0x1F000] =	vst v63  }
0x103: {  	s23 =	simm.s32 $0x19D80;
	s3 =	sld [smem:$0x78C]  }
0x104: {  	[tilespmem:s23], [sflag:$0x2] =	stream.linear.gather [hbm4b:s22+s2], $0x80, $0x38;
	[tilespmem:$0x1F000] =	vst v63  }
0x105: {  	s21 =	simm.s32 $0x1A180;
	s22 =	sld [smem:$0x78D]  }
0x106: {  	[tilespmem:s21], [sflag:$0x2] =	stream.linear.gather [hbm4b:s3+s2], $0x80, $0x38;
	[tilespmem:$0x1F000] =	vst v63  }
0x107: {  	s23 =	simm.s32 $0x1A580  }
0x108: {  	[tilespmem:s23], [sflag:$0x2] =	stream.linear.gather [hbm4b:s22+s2], $0x80, $0x38;
	[tilespmem:$0x1F000] =	vst v63  }
0x109: {  	s1 =	simm.s32 $0x18A00;
	s3 =	sld [smem:$0x78E]  }
0x10a: {  	[tilespmem:s1], [sflag:$0x2] =	stream.linear.gather [hbm4b:s5+s2], $0x80, $0x38;
	[tilespmem:$0x1F000] =	vst v63  }
0x10b: {  	s21 =	simm.s32 $0x18E00;
	s22 =	sld [smem:$0x78F]  }
0x10c: {  	[tilespmem:s21], [sflag:$0x2] =	stream.linear.gather [hbm4b:s3+s2], $0x80, $0x38;
	[tilespmem:$0x1F000] =	vst v63  }
0x10d: {  	s23 =	simm.s32 $0x19200;
	s3 =	sld [smem:$0x790]  }
0x10e: {  	[tilespmem:s23], [sflag:$0x2] =	stream.linear.gather [hbm4b:s22+s2], $0x80, $0x38;
	[tilespmem:$0x1F000] =	vst v63  }
0x10f: {  	s21 =	simm.s32 $0x19600;
	s22 =	sld [smem:$0x791]  }
0x110: {  	[tilespmem:s21], [sflag:$0x2] =	stream.linear.gather [hbm4b:s3+s2], $0x80, $0x38;
	[tilespmem:$0x1F000] =	vst v63  }
0x111: {  	s23 =	simm.s32 $0x19A00;
	s3 =	sld [smem:$0x792]  }
0x112: {  	[tilespmem:s23], [sflag:$0x2] =	stream.linear.gather [hbm4b:s22+s2], $0x80, $0x38;
	[tilespmem:$0x1F000] =	vst v63  }
0x113: {  	s21 =	simm.s32 $0x19E00;
	s22 =	sld [smem:$0x793]  }
0x114: {  	[tilespmem:s21], [sflag:$0x2] =	stream.linear.gather [hbm4b:s3+s2], $0x80, $0x38;
	[tilespmem:$0x1F000] =	vst v63  }
0x115: {  	s1 =	sld [smem:$0x794];
	s23 =	simm.s32 $0x1A200  }
0x116: {  	[tilespmem:s23], [sflag:$0x2] =	stream.linear.gather [hbm4b:s22+s2], $0x80, $0x38;
	[tilespmem:$0x1F000] =	vst v63  }
0x117: {  	s3 =	simm.s32 $0x1A600  }
0x118: {  	[tilespmem:s3], [sflag:$0x2] =	stream.linear.gather [hbm4b:s1+s2], $0x80, $0x38;
	[tilespmem:$0x1F000] =	vst v63  }
0x119: {  	s21 =	simm.s32 $0x18A80;
	s22 =	sld [smem:$0x795]  }
0x11a: {  	[tilespmem:s21], [sflag:$0x2] =	stream.linear.gather [hbm4b:s6+s2], $0x80, $0x38;
	[tilespmem:$0x1F000] =	vst v63  }
0x11b: {  	s23 =	simm.s32 $0x18E80;
	s3 =	sld [smem:$0x796]  }
0x11c: {  	[tilespmem:s23], [sflag:$0x2] =	stream.linear.gather [hbm4b:s22+s2], $0x80, $0x38;
	[tilespmem:$0x1F000] =	vst v63  }
0x11d: {  	s21 =	simm.s32 $0x19280;
	s22 =	sld [smem:$0x797]  }
0x11e: {  	[tilespmem:s21], [sflag:$0x2] =	stream.linear.gather [hbm4b:s3+s2], $0x80, $0x38;
	[tilespmem:$0x1F000] =	vst v63  }
0x11f: {  	s23 =	simm.s32 $0x19680;
	s3 =	sld [smem:$0x798]  }
0x120: {  	[tilespmem:s23], [sflag:$0x2] =	stream.linear.gather [hbm4b:s22+s2], $0x80, $0x38;
	[tilespmem:$0x1F000] =	vst v63  }
0x121: {  	s21 =	simm.s32 $0x19A80;
	s22 =	sld [smem:$0x799]  }
0x122: {  	[tilespmem:s21], [sflag:$0x2] =	stream.linear.gather [hbm4b:s3+s2], $0x80, $0x38;
	[tilespmem:$0x1F000] =	vst v63  }
0x123: {  	s23 =	simm.s32 $0x19E80;
	s3 =	sld [smem:$0x79A]  }
0x124: {  	[tilespmem:s23], [sflag:$0x2] =	stream.linear.gather [hbm4b:s22+s2], $0x80, $0x38;
	[tilespmem:$0x1F000] =	vst v63  }
0x125: {  	s21 =	simm.s32 $0x1A280;
	s22 =	sld [smem:$0x79B]  }
0x126: {  	[tilespmem:s21], [sflag:$0x2] =	stream.linear.gather [hbm4b:s3+s2], $0x80, $0x38;
	[tilespmem:$0x1F000] =	vst v63  }
0x127: {  	s23 =	simm.s32 $0x1A680  }
0x128: {  	[tilespmem:s23], [sflag:$0x2] =	stream.linear.gather [hbm4b:s22+s2], $0x80, $0x38;
	[tilespmem:$0x1F000] =	vst v63  }
0x129: {  	s1 =	simm.s32 $0x18B00;
	s3 =	sld [smem:$0x79C]  }
0x12a: {  	[tilespmem:s1], [sflag:$0x2] =	stream.linear.gather [hbm4b:s7+s2], $0x80, $0x38;
	[tilespmem:$0x1F000] =	vst v63  }
0x12b: {  	s21 =	simm.s32 $0x18F00;
	s22 =	sld [smem:$0x79D]  }
0x12c: {  	[tilespmem:s21], [sflag:$0x2] =	stream.linear.gather [hbm4b:s3+s2], $0x80, $0x38;
	[tilespmem:$0x1F000] =	vst v63  }
0x12d: {  	s23 =	simm.s32 $0x19300;
	s3 =	sld [smem:$0x79E]  }
0x12e: {  	[tilespmem:s23], [sflag:$0x2] =	stream.linear.gather [hbm4b:s22+s2], $0x80, $0x38;
	[tilespmem:$0x1F000] =	vst v63  }
0x12f: {  	s21 =	simm.s32 $0x19700;
	s22 =	sld [smem:$0x79F]  }
0x130: {  	[tilespmem:s21], [sflag:$0x2] =	stream.linear.gather [hbm4b:s3+s2], $0x80, $0x38;
	[tilespmem:$0x1F000] =	vst v63  }
0x131: {  	s23 =	simm.s32 $0x19B00;
	s3 =	sld [smem:$0x7A0]  }
0x132: {  	[tilespmem:s23], [sflag:$0x2] =	stream.linear.gather [hbm4b:s22+s2], $0x80, $0x38;
	[tilespmem:$0x1F000] =	vst v63  }
0x133: {  	s21 =	simm.s32 $0x19F00;
	s22 =	sld [smem:$0x7A1]  }
0x134: {  	[tilespmem:s21], [sflag:$0x2] =	stream.linear.gather [hbm4b:s3+s2], $0x80, $0x38;
	[tilespmem:$0x1F000] =	vst v63  }
0x135: {  	s1 =	sld [smem:$0x7A2];
	s23 =	simm.s32 $0x1A300  }
0x136: {  	[tilespmem:s23], [sflag:$0x2] =	stream.linear.gather [hbm4b:s22+s2], $0x80, $0x38;
	[tilespmem:$0x1F000] =	vst v63  }
0x137: {  	s3 =	simm.s32 $0x1A700  }
0x138: {  	[tilespmem:s3], [sflag:$0x2] =	stream.linear.gather [hbm4b:s1+s2], $0x80, $0x38;
	[tilespmem:$0x1F000] =	vst v63  }
0x139: {  	s21 =	simm.s32 $0x18B80;
	s22 =	sld [smem:$0x7A3]  }
0x13a: {  	[tilespmem:s21], [sflag:$0x2] =	stream.linear.gather [hbm4b:s8+s2], $0x80, $0x38;
	[tilespmem:$0x1F000] =	vst v63  }
0x13b: {  	s23 =	simm.s32 $0x18F80;
	s3 =	sld [smem:$0x7A4]  }
0x13c: {  	[tilespmem:s23], [sflag:$0x2] =	stream.linear.gather [hbm4b:s22+s2], $0x80, $0x38;
	[tilespmem:$0x1F000] =	vst v63  }
0x13d: {  	s21 =	simm.s32 $0x19380;
	s22 =	sld [smem:$0x7A5]  }
0x13e: {  	[tilespmem:s21], [sflag:$0x2] =	stream.linear.gather [hbm4b:s3+s2], $0x80, $0x38;
	[tilespmem:$0x1F000] =	vst v63  }
0x13f: {  	s23 =	simm.s32 $0x19780;
	s3 =	sld [smem:$0x7A6]  }
0x140: {  	[tilespmem:s23], [sflag:$0x2] =	stream.linear.gather [hbm4b:s22+s2], $0x80, $0x38;
	[tilespmem:$0x1F000] =	vst v63  }
0x141: {  	s21 =	simm.s32 $0x19B80;
	s22 =	sld [smem:$0x7A7]  }
0x142: {  	[tilespmem:s21], [sflag:$0x2] =	stream.linear.gather [hbm4b:s3+s2], $0x80, $0x38;
	[tilespmem:$0x1F000] =	vst v63  }
0x143: {  	s23 =	simm.s32 $0x19F80;
	s3 =	sld [smem:$0x7A8]  }
0x144: {  	[tilespmem:s23], [sflag:$0x2] =	stream.linear.gather [hbm4b:s22+s2], $0x80, $0x38;
	[tilespmem:$0x1F000] =	vst v63  }
0x145: {  	s21 =	simm.s32 $0x1A380;
	s22 =	sld [smem:$0x7A9]  }
0x146: {  	[tilespmem:s21], [sflag:$0x2] =	stream.linear.gather [hbm4b:s3+s2], $0x80, $0x38;
	[tilespmem:$0x1F000] =	vst v63  }
0x147: {  	s23 =	simm.s32 $0x1A780  }
0x148: {  	[tilespmem:s23], [sflag:$0x2] =	stream.linear.gather [hbm4b:s22+s2], $0x80, $0x38;
	[tilespmem:$0x1F000] =	vst v63  }
0x149: {  	s1 =	simm.s32 $0x1A800;
	s3 =	sld [smem:$0x7AA]  }
0x14a: {  	[tilespmem:s1], [sflag:$0x2] =	stream.linear.gather [hbm4b:s9+s2], $0x80, $0x38;
	[tilespmem:$0x1F000] =	vst v63  }
0x14b: {  	s21 =	simm.s32 $0x1AC00;
	s22 =	sld [smem:$0x7AB]  }
0x14c: {  	[tilespmem:s21], [sflag:$0x2] =	stream.linear.gather [hbm4b:s3+s2], $0x80, $0x38;
	[tilespmem:$0x1F000] =	vst v63  }
0x14d: {  	s23 =	simm.s32 $0x1B000;
	s3 =	sld [smem:$0x7AC]  }
0x14e: {  	[tilespmem:s23], [sflag:$0x2] =	stream.linear.gather [hbm4b:s22+s2], $0x80, $0x38;
	[tilespmem:$0x1F000] =	vst v63  }
0x14f: {  	s21 =	simm.s32 $0x1B400;
	s22 =	sld [smem:$0x7AD]  }
0x150: {  	[tilespmem:s21], [sflag:$0x2] =	stream.linear.gather [hbm4b:s3+s2], $0x80, $0x38;
	[tilespmem:$0x1F000] =	vst v63  }
0x151: {  	s23 =	simm.s32 $0x1B800;
	s3 =	sld [smem:$0x7AE]  }
0x152: {  	[tilespmem:s23], [sflag:$0x2] =	stream.linear.gather [hbm4b:s22+s2], $0x80, $0x38;
	[tilespmem:$0x1F000] =	vst v63  }
0x153: {  	s21 =	simm.s32 $0x1BC00;
	s22 =	sld [smem:$0x7AF]  }
0x154: {  	[tilespmem:s21], [sflag:$0x2] =	stream.linear.gather [hbm4b:s3+s2], $0x80, $0x38;
	[tilespmem:$0x1F000] =	vst v63  }
0x155: {  	s1 =	sld [smem:$0x7B0];
	s23 =	simm.s32 $0x1C000  }
0x156: {  	[tilespmem:s23], [sflag:$0x2] =	stream.linear.gather [hbm4b:s22+s2], $0x80, $0x38;
	[tilespmem:$0x1F000] =	vst v63  }
0x157: {  	s3 =	simm.s32 $0x1C400  }
0x158: {  	[tilespmem:s3], [sflag:$0x2] =	stream.linear.gather [hbm4b:s1+s2], $0x80, $0x38;
	[tilespmem:$0x1F000] =	vst v63  }
0x159: {  	s21 =	simm.s32 $0x1A880;
	s22 =	sld [smem:$0x7B1]  }
0x15a: {  	[tilespmem:s21], [sflag:$0x2] =	stream.linear.gather [hbm4b:s10+s2], $0x80, $0x38;
	[tilespmem:$0x1F000] =	vst v63  }
0x15b: {  	s23 =	simm.s32 $0x1AC80;
	s3 =	sld [smem:$0x7B2]  }
0x15c: {  	[tilespmem:s23], [sflag:$0x2] =	stream.linear.gather [hbm4b:s22+s2], $0x80, $0x38;
	[tilespmem:$0x1F000] =	vst v63  }
0x15d: {  	s21 =	simm.s32 $0x1B080;
	s22 =	sld [smem:$0x7B3]  }
0x15e: {  	[tilespmem:s21], [sflag:$0x2] =	stream.linear.gather [hbm4b:s3+s2], $0x80, $0x38;
	[tilespmem:$0x1F000] =	vst v63  }
0x15f: {  	s23 =	simm.s32 $0x1B480;
	s3 =	sld [smem:$0x7B4]  }
0x160: {  	[tilespmem:s23], [sflag:$0x2] =	stream.linear.gather [hbm4b:s22+s2], $0x80, $0x38;
	[tilespmem:$0x1F000] =	vst v63  }
0x161: {  	s21 =	simm.s32 $0x1B880;
	s22 =	sld [smem:$0x7B5]  }
0x162: {  	[tilespmem:s21], [sflag:$0x2] =	stream.linear.gather [hbm4b:s3+s2], $0x80, $0x38;
	[tilespmem:$0x1F000] =	vst v63  }
0x163: {  	s23 =	simm.s32 $0x1BC80;
	s3 =	sld [smem:$0x7B6]  }
0x164: {  	[tilespmem:s23], [sflag:$0x2] =	stream.linear.gather [hbm4b:s22+s2], $0x80, $0x38;
	[tilespmem:$0x1F000] =	vst v63  }
0x165: {  	s21 =	simm.s32 $0x1C080;
	s22 =	sld [smem:$0x7B7]  }
0x166: {  	[tilespmem:s21], [sflag:$0x2] =	stream.linear.gather [hbm4b:s3+s2], $0x80, $0x38;
	[tilespmem:$0x1F000] =	vst v63  }
0x167: {  	s23 =	simm.s32 $0x1C480  }
0x168: {  	[tilespmem:s23], [sflag:$0x2] =	stream.linear.gather [hbm4b:s22+s2], $0x80, $0x38;
	[tilespmem:$0x1F000] =	vst v63  }
0x169: {  	s1 =	simm.s32 $0x1A900;
	s3 =	sld [smem:$0x7B8]  }
0x16a: {  	[tilespmem:s1], [sflag:$0x2] =	stream.linear.gather [hbm4b:s11+s2], $0x80, $0x38;
	[tilespmem:$0x1F000] =	vst v63  }
0x16b: {  	s21 =	simm.s32 $0x1AD00;
	s22 =	sld [smem:$0x7B9]  }
0x16c: {  	[tilespmem:s21], [sflag:$0x2] =	stream.linear.gather [hbm4b:s3+s2], $0x80, $0x38;
	[tilespmem:$0x1F000] =	vst v63  }
0x16d: {  	s23 =	simm.s32 $0x1B100;
	s3 =	sld [smem:$0x7BA]  }
0x16e: {  	[tilespmem:s23], [sflag:$0x2] =	stream.linear.gather [hbm4b:s22+s2], $0x80, $0x38;
	[tilespmem:$0x1F000] =	vst v63  }
0x16f: {  	s21 =	simm.s32 $0x1B500;
	s22 =	sld [smem:$0x7BB]  }
0x170: {  	[tilespmem:s21], [sflag:$0x2] =	stream.linear.gather [hbm4b:s3+s2], $0x80, $0x38;
	[tilespmem:$0x1F000] =	vst v63  }
0x171: {  	s23 =	simm.s32 $0x1B900;
	s3 =	sld [smem:$0x7BC]  }
0x172: {  	[tilespmem:s23], [sflag:$0x2] =	stream.linear.gather [hbm4b:s22+s2], $0x80, $0x38;
	[tilespmem:$0x1F000] =	vst v63  }
0x173: {  	s21 =	simm.s32 $0x1BD00;
	s22 =	sld [smem:$0x7BD]  }
0x174: {  	[tilespmem:s21], [sflag:$0x2] =	stream.linear.gather [hbm4b:s3+s2], $0x80, $0x38;
	[tilespmem:$0x1F000] =	vst v63  }
0x175: {  	s1 =	sld [smem:$0x7BE];
	s23 =	simm.s32 $0x1C100  }
0x176: {  	[tilespmem:s23], [sflag:$0x2] =	stream.linear.gather [hbm4b:s22+s2], $0x80, $0x38;
	[tilespmem:$0x1F000] =	vst v63  }
0x177: {  	s3 =	simm.s32 $0x1C500  }
0x178: {  	[tilespmem:s3], [sflag:$0x2] =	stream.linear.gather [hbm4b:s1+s2], $0x80, $0x38;
	[tilespmem:$0x1F000] =	vst v63  }
0x179: {  	s21 =	simm.s32 $0x1A980;
	s22 =	sld [smem:$0x7BF]  }
0x17a: {  	[tilespmem:s21], [sflag:$0x2] =	stream.linear.gather [hbm4b:s12+s2], $0x80, $0x38;
	[tilespmem:$0x1F000] =	vst v63  }
0x17b: {  	s23 =	simm.s32 $0x1AD80;
	s3 =	sld [smem:$0x7C0]  }
0x17c: {  	[tilespmem:s23], [sflag:$0x2] =	stream.linear.gather [hbm4b:s22+s2], $0x80, $0x38;
	[tilespmem:$0x1F000] =	vst v63  }
0x17d: {  	s21 =	simm.s32 $0x1B180;
	s22 =	sld [smem:$0x7C1]  }
0x17e: {  	[tilespmem:s21], [sflag:$0x2] =	stream.linear.gather [hbm4b:s3+s2], $0x80, $0x38;
	[tilespmem:$0x1F000] =	vst v63  }
0x17f: {  	s23 =	simm.s32 $0x1B580;
	s3 =	sld [smem:$0x7C2]  }
0x180: {  	[tilespmem:s23], [sflag:$0x2] =	stream.linear.gather [hbm4b:s22+s2], $0x80, $0x38;
	[tilespmem:$0x1F000] =	vst v63  }
0x181: {  	s21 =	simm.s32 $0x1B980;
	s22 =	sld [smem:$0x7C3]  }
0x182: {  	[tilespmem:s21], [sflag:$0x2] =	stream.linear.gather [hbm4b:s3+s2], $0x80, $0x38;
	[tilespmem:$0x1F000] =	vst v63  }
0x183: {  	s23 =	simm.s32 $0x1BD80;
	s3 =	sld [smem:$0x7C4]  }
0x184: {  	[tilespmem:s23], [sflag:$0x2] =	stream.linear.gather [hbm4b:s22+s2], $0x80, $0x38;
	[tilespmem:$0x1F000] =	vst v63  }
0x185: {  	s21 =	simm.s32 $0x1C180;
	s22 =	sld [smem:$0x7C5]  }
0x186: {  	[tilespmem:s21], [sflag:$0x2] =	stream.linear.gather [hbm4b:s3+s2], $0x80, $0x38;
	[tilespmem:$0x1F000] =	vst v63  }
0x187: {  	s23 =	simm.s32 $0x1C580  }
0x188: {  	[tilespmem:s23], [sflag:$0x2] =	stream.linear.gather [hbm4b:s22+s2], $0x80, $0x38;
	[tilespmem:$0x1F000] =	vst v63  }
0x189: {  	s1 =	simm.s32 $0x1AA00;
	s3 =	sld [smem:$0x7C6]  }
0x18a: {  	[tilespmem:s1], [sflag:$0x2] =	stream.linear.gather [hbm4b:s13+s2], $0x80, $0x38;
	[tilespmem:$0x1F000] =	vst v63  }
0x18b: {  	s21 =	simm.s32 $0x1AE00;
	s22 =	sld [smem:$0x7C7]  }
0x18c: {  	[tilespmem:s21], [sflag:$0x2] =	stream.linear.gather [hbm4b:s3+s2], $0x80, $0x38;
	[tilespmem:$0x1F000] =	vst v63  }
0x18d: {  	s23 =	simm.s32 $0x1B200;
	s3 =	sld [smem:$0x7C8]  }
0x18e: {  	[tilespmem:s23], [sflag:$0x2] =	stream.linear.gather [hbm4b:s22+s2], $0x80, $0x38;
	[tilespmem:$0x1F000] =	vst v63  }
0x18f: {  	s21 =	simm.s32 $0x1B600;
	s22 =	sld [smem:$0x7C9]  }
0x190: {  	[tilespmem:s21], [sflag:$0x2] =	stream.linear.gather [hbm4b:s3+s2], $0x80, $0x38;
	[tilespmem:$0x1F000] =	vst v63  }
0x191: {  	s23 =	simm.s32 $0x1BA00;
	s3 =	sld [smem:$0x7CA]  }
0x192: {  	[tilespmem:s23], [sflag:$0x2] =	stream.linear.gather [hbm4b:s22+s2], $0x80, $0x38;
	[tilespmem:$0x1F000] =	vst v63  }
0x193: {  	s21 =	simm.s32 $0x1BE00;
	s22 =	sld [smem:$0x7CB]  }
0x194: {  	[tilespmem:s21], [sflag:$0x2] =	stream.linear.gather [hbm4b:s3+s2], $0x80, $0x38;
	[tilespmem:$0x1F000] =	vst v63  }
0x195: {  	s1 =	sld [smem:$0x7CC];
	s23 =	simm.s32 $0x1C200  }
0x196: {  	[tilespmem:s23], [sflag:$0x2] =	stream.linear.gather [hbm4b:s22+s2], $0x80, $0x38;
	[tilespmem:$0x1F000] =	vst v63  }
0x197: {  	s3 =	simm.s32 $0x1C600  }
0x198: {  	[tilespmem:s3], [sflag:$0x2] =	stream.linear.gather [hbm4b:s1+s2], $0x80, $0x38;
	[tilespmem:$0x1F000] =	vst v63  }
0x199: {  	s21 =	simm.s32 $0x1AA80;
	s22 =	sld [smem:$0x7CD]  }
0x19a: {  	[tilespmem:s21], [sflag:$0x2] =	stream.linear.gather [hbm4b:s14+s2], $0x80, $0x38;
	[tilespmem:$0x1F000] =	vst v63  }
0x19b: {  	s23 =	simm.s32 $0x1AE80;
	s3 =	sld [smem:$0x7CE]  }
0x19c: {  	[tilespmem:s23], [sflag:$0x2] =	stream.linear.gather [hbm4b:s22+s2], $0x80, $0x38;
	[tilespmem:$0x1F000] =	vst v63  }
0x19d: {  	s21 =	simm.s32 $0x1B280;
	s22 =	sld [smem:$0x7CF]  }
0x19e: {  	[tilespmem:s21], [sflag:$0x2] =	stream.linear.gather [hbm4b:s3+s2], $0x80, $0x38;
	[tilespmem:$0x1F000] =	vst v63  }
0x19f: {  	s23 =	simm.s32 $0x1B680;
	s3 =	sld [smem:$0x7D0]  }
0x1a0: {  	[tilespmem:s23], [sflag:$0x2] =	stream.linear.gather [hbm4b:s22+s2], $0x80, $0x38;
	[tilespmem:$0x1F000] =	vst v63  }
0x1a1: {  	s21 =	simm.s32 $0x1BA80;
	s22 =	sld [smem:$0x7D1]  }
0x1a2: {  	[tilespmem:s21], [sflag:$0x2] =	stream.linear.gather [hbm4b:s3+s2], $0x80, $0x38;
	[tilespmem:$0x1F000] =	vst v63  }
0x1a3: {  	s23 =	simm.s32 $0x1BE80;
	s3 =	sld [smem:$0x7D2]  }
0x1a4: {  	[tilespmem:s23], [sflag:$0x2] =	stream.linear.gather [hbm4b:s22+s2], $0x80, $0x38;
	[tilespmem:$0x1F000] =	vst v63  }
0x1a5: {  	s21 =	simm.s32 $0x1C280;
	s22 =	sld [smem:$0x7D3]  }
0x1a6: {  	[tilespmem:s21], [sflag:$0x2] =	stream.linear.gather [hbm4b:s3+s2], $0x80, $0x38;
	[tilespmem:$0x1F000] =	vst v63  }
0x1a7: {  	s23 =	simm.s32 $0x1C680  }
0x1a8: {  	[tilespmem:s23], [sflag:$0x2] =	stream.linear.gather [hbm4b:s22+s2], $0x80, $0x38;
	[tilespmem:$0x1F000] =	vst v63  }
0x1a9: {  	s1 =	simm.s32 $0x1AB00;
	s3 =	sld [smem:$0x7D4]  }
0x1aa: {  	[tilespmem:s1], [sflag:$0x2] =	stream.linear.gather [hbm4b:s15+s2], $0x80, $0x38;
	[tilespmem:$0x1F000] =	vst v63  }
0x1ab: {  	s21 =	simm.s32 $0x1AF00;
	s22 =	sld [smem:$0x7D5]  }
0x1ac: {  	[tilespmem:s21], [sflag:$0x2] =	stream.linear.gather [hbm4b:s3+s2], $0x80, $0x38;
	[tilespmem:$0x1F000] =	vst v63  }
0x1ad: {  	s23 =	simm.s32 $0x1B300;
	s3 =	sld [smem:$0x7D6]  }
0x1ae: {  	[tilespmem:s23], [sflag:$0x2] =	stream.linear.gather [hbm4b:s22+s2], $0x80, $0x38;
	[tilespmem:$0x1F000] =	vst v63  }
0x1af: {  	s21 =	simm.s32 $0x1B700;
	s22 =	sld [smem:$0x7D7]  }
0x1b0: {  	[tilespmem:s21], [sflag:$0x2] =	stream.linear.gather [hbm4b:s3+s2], $0x80, $0x38;
	[tilespmem:$0x1F000] =	vst v63  }
0x1b1: {  	s23 =	simm.s32 $0x1BB00;
	s3 =	sld [smem:$0x7D8]  }
0x1b2: {  	[tilespmem:s23], [sflag:$0x2] =	stream.linear.gather [hbm4b:s22+s2], $0x80, $0x38;
	[tilespmem:$0x1F000] =	vst v63  }
0x1b3: {  	s21 =	simm.s32 $0x1BF00;
	s22 =	sld [smem:$0x7D9]  }
0x1b4: {  	[tilespmem:s21], [sflag:$0x2] =	stream.linear.gather [hbm4b:s3+s2], $0x80, $0x38;
	[tilespmem:$0x1F000] =	vst v63  }
0x1b5: {  	s1 =	sld [smem:$0x7DA];
	s23 =	simm.s32 $0x1C300  }
0x1b6: {  	[tilespmem:s23], [sflag:$0x2] =	stream.linear.gather [hbm4b:s22+s2], $0x80, $0x38;
	[tilespmem:$0x1F000] =	vst v63  }
0x1b7: {  	s3 =	simm.s32 $0x1C700  }
0x1b8: {  	[tilespmem:s3], [sflag:$0x2] =	stream.linear.gather [hbm4b:s1+s2], $0x80, $0x38;
	[tilespmem:$0x1F000] =	vst v63  }
0x1b9: {  	s21 =	simm.s32 $0x1AB80;
	s22 =	sld [smem:$0x7DB]  }
0x1ba: {  	[tilespmem:s21], [sflag:$0x2] =	stream.linear.gather [hbm4b:s16+s2], $0x80, $0x38;
	[tilespmem:$0x1F000] =	vst v63  }
0x1bb: {  	s23 =	simm.s32 $0x1AF80;
	s3 =	sld [smem:$0x7DC]  }
0x1bc: {  	[tilespmem:s23], [sflag:$0x2] =	stream.linear.gather [hbm4b:s22+s2], $0x80, $0x38;
	[tilespmem:$0x1F000] =	vst v63  }
0x1bd: {  	s21 =	simm.s32 $0x1B380;
	s22 =	sld [smem:$0x7DD]  }
0x1be: {  	[tilespmem:s21], [sflag:$0x2] =	stream.linear.gather [hbm4b:s3+s2], $0x80, $0x38;
	[tilespmem:$0x1F000] =	vst v63  }
0x1bf: {  	s23 =	simm.s32 $0x1B780;
	s3 =	sld [smem:$0x7DE]  }
0x1c0: {  	[tilespmem:s23], [sflag:$0x2] =	stream.linear.gather [hbm4b:s22+s2], $0x80, $0x38;
	[tilespmem:$0x1F000] =	vst v63  }
0x1c1: {  	s21 =	simm.s32 $0x1BB80;
	s22 =	sld [smem:$0x7DF]  }
0x1c2: {  	[tilespmem:s21], [sflag:$0x2] =	stream.linear.gather [hbm4b:s3+s2], $0x80, $0x38;
	[tilespmem:$0x1F000] =	vst v63  }
0x1c3: {  	s23 =	simm.s32 $0x1BF80;
	s3 =	sld [smem:$0x7E0]  }
0x1c4: {  	[tilespmem:s23], [sflag:$0x2] =	stream.linear.gather [hbm4b:s22+s2], $0x80, $0x38;
	[tilespmem:$0x1F000] =	vst v63  }
0x1c5: {  	s21 =	simm.s32 $0x1C380;
	s22 =	sld [smem:$0x7E1]  }
0x1c6: {  	[tilespmem:s21], [sflag:$0x2] =	stream.linear.gather [hbm4b:s3+s2], $0x80, $0x38;
	[tilespmem:$0x1F000] =	vst v63  }
0x1c7: {  	s23 =	simm.s32 $0x1C780  }
0x1c8: {  	[tilespmem:s23], [sflag:$0x2] =	stream.linear.gather [hbm4b:s22+s2], $0x80, $0x38;
	[tilespmem:$0x1F000] =	vst v63  }
0x1c9: {  	s1 =	simm.s32 $0x1C800;
	s3 =	sld [smem:$0x7E2]  }
0x1ca: {  	[tilespmem:s1], [sflag:$0x2] =	stream.linear.gather [hbm4b:s17+s2], $0x80, $0x38;
	[tilespmem:$0x1F000] =	vst v63  }
0x1cb: {  	s21 =	simm.s32 $0x1CC00;
	s22 =	sld [smem:$0x7E3]  }
0x1cc: {  	[tilespmem:s21], [sflag:$0x2] =	stream.linear.gather [hbm4b:s3+s2], $0x80, $0x38;
	[tilespmem:$0x1F000] =	vst v63  }
0x1cd: {  	s23 =	simm.s32 $0x1D000;
	s3 =	sld [smem:$0x7E4]  }
0x1ce: {  	[tilespmem:s23], [sflag:$0x2] =	stream.linear.gather [hbm4b:s22+s2], $0x80, $0x38;
	[tilespmem:$0x1F000] =	vst v63  }
0x1cf: {  	s21 =	simm.s32 $0x1D400;
	s22 =	sld [smem:$0x7E5]  }
0x1d0: {  	[tilespmem:s21], [sflag:$0x2] =	stream.linear.gather [hbm4b:s3+s2], $0x80, $0x38;
	[tilespmem:$0x1F000] =	vst v63  }
0x1d1: {  	s23 =	simm.s32 $0x1D800;
	s3 =	sld [smem:$0x7E6]  }
0x1d2: {  	[tilespmem:s23], [sflag:$0x2] =	stream.linear.gather [hbm4b:s22+s2], $0x80, $0x38;
	[tilespmem:$0x1F000] =	vst v63  }
0x1d3: {  	s21 =	simm.s32 $0x1DC00;
	s22 =	sld [smem:$0x7E7]  }
0x1d4: {  	[tilespmem:s21], [sflag:$0x2] =	stream.linear.gather [hbm4b:s3+s2], $0x80, $0x38;
	[tilespmem:$0x1F000] =	vst v63  }
0x1d5: {  	s1 =	sld [smem:$0x7E8];
	s23 =	simm.s32 $0x1E000  }
0x1d6: {  	[tilespmem:s23], [sflag:$0x2] =	stream.linear.gather [hbm4b:s22+s2], $0x80, $0x38;
	[tilespmem:$0x1F000] =	vst v63  }
0x1d7: {  	s3 =	simm.s32 $0x1E400  }
0x1d8: {  	[tilespmem:s3], [sflag:$0x2] =	stream.linear.gather [hbm4b:s1+s2], $0x80, $0x38;
	[tilespmem:$0x1F000] =	vst v63  }
0x1d9: {  	s21 =	simm.s32 $0x1C880;
	s22 =	sld [smem:$0x7E9]  }
0x1da: {  	[tilespmem:s21], [sflag:$0x2] =	stream.linear.gather [hbm4b:s18+s2], $0x80, $0x38;
	[tilespmem:$0x1F000] =	vst v63  }
0x1db: {  	s23 =	simm.s32 $0x1CC80;
	s3 =	sld [smem:$0x7EA]  }
0x1dc: {  	[tilespmem:s23], [sflag:$0x2] =	stream.linear.gather [hbm4b:s22+s2], $0x80, $0x38;
	[tilespmem:$0x1F000] =	vst v63  }
0x1dd: {  	s21 =	simm.s32 $0x1D080;
	s22 =	sld [smem:$0x7EB]  }
0x1de: {  	[tilespmem:s21], [sflag:$0x2] =	stream.linear.gather [hbm4b:s3+s2], $0x80, $0x38;
	[tilespmem:$0x1F000] =	vst v63  }
0x1df: {  	s23 =	simm.s32 $0x1D480;
	s3 =	sld [smem:$0x7EC]  }
0x1e0: {  	[tilespmem:s23], [sflag:$0x2] =	stream.linear.gather [hbm4b:s22+s2], $0x80, $0x38;
	[tilespmem:$0x1F000] =	vst v63  }
0x1e1: {  	s21 =	simm.s32 $0x1D880;
	s22 =	sld [smem:$0x7ED]  }
0x1e2: {  	[tilespmem:s21], [sflag:$0x2] =	stream.linear.gather [hbm4b:s3+s2], $0x80, $0x38;
	[tilespmem:$0x1F000] =	vst v63  }
0x1e3: {  	s23 =	simm.s32 $0x1DC80;
	s3 =	sld [smem:$0x7EE]  }
0x1e4: {  	[tilespmem:s23], [sflag:$0x2] =	stream.linear.gather [hbm4b:s22+s2], $0x80, $0x38;
	[tilespmem:$0x1F000] =	vst v63  }
0x1e5: {  	s21 =	simm.s32 $0x1E080;
	s22 =	sld [smem:$0x7EF]  }
0x1e6: {  	[tilespmem:s21], [sflag:$0x2] =	stream.linear.gather [hbm4b:s3+s2], $0x80, $0x38;
	[tilespmem:$0x1F000] =	vst v63  }
0x1e7: {  	s23 =	simm.s32 $0x1E480  }
0x1e8: {  	[tilespmem:s23], [sflag:$0x2] =	stream.linear.gather [hbm4b:s22+s2], $0x80, $0x38;
	[tilespmem:$0x1F000] =	vst v63  }
0x1e9: {  	s1 =	simm.s32 $0x1C900;
	s3 =	sld [smem:$0x7F0]  }
0x1ea: {  	[tilespmem:s1], [sflag:$0x2] =	stream.linear.gather [hbm4b:s19+s2], $0x80, $0x38;
	[tilespmem:$0x1F000] =	vst v63  }
0x1eb: {  	s21 =	simm.s32 $0x1CD00;
	s22 =	sld [smem:$0x7F1]  }
0x1ec: {  	[tilespmem:s21], [sflag:$0x2] =	stream.linear.gather [hbm4b:s3+s2], $0x80, $0x38;
	[tilespmem:$0x1F000] =	vst v63  }
0x1ed: {  	s23 =	simm.s32 $0x1D100;
	s3 =	sld [smem:$0x7F2]  }
0x1ee: {  	[tilespmem:s23], [sflag:$0x2] =	stream.linear.gather [hbm4b:s22+s2], $0x80, $0x38;
	[tilespmem:$0x1F000] =	vst v63  }
0x1ef: {  	s21 =	simm.s32 $0x1D500;
	s22 =	sld [smem:$0x7F3]  }
0x1f0: {  	[tilespmem:s21], [sflag:$0x2] =	stream.linear.gather [hbm4b:s3+s2], $0x80, $0x38;
	[tilespmem:$0x1F000] =	vst v63  }
0x1f1: {  	s23 =	simm.s32 $0x1D900;
	s3 =	sld [smem:$0x7F4]  }
0x1f2: {  	[tilespmem:s23], [sflag:$0x2] =	stream.linear.gather [hbm4b:s22+s2], $0x80, $0x38;
	[tilespmem:$0x1F000] =	vst v63  }
0x1f3: {  	s21 =	simm.s32 $0x1DD00;
	s22 =	sld [smem:$0x7F5]  }
0x1f4: {  	[tilespmem:s21], [sflag:$0x2] =	stream.linear.gather [hbm4b:s3+s2], $0x80, $0x38;
	[tilespmem:$0x1F000] =	vst v63  }
0x1f5: {  	s1 =	sld [smem:$0x7F6];
	s23 =	simm.s32 $0x1E100  }
0x1f6: {  	[tilespmem:s23], [sflag:$0x2] =	stream.linear.gather [hbm4b:s22+s2], $0x80, $0x38;
	[tilespmem:$0x1F000] =	vst v63  }
0x1f7: {  	s3 =	simm.s32 $0x1E500  }
0x1f8: {  	[tilespmem:s3], [sflag:$0x2] =	stream.linear.gather [hbm4b:s1+s2], $0x80, $0x38;
	[tilespmem:$0x1F000] =	vst v63  }
0x1f9: {  	s21 =	simm.s32 $0x1C980;
	s22 =	sld [smem:$0x7F7]  }
0x1fa: {  	[tilespmem:s21], [sflag:$0x2] =	stream.linear.gather [hbm4b:s20+s2], $0x80, $0x38;
	[tilespmem:$0x1F000] =	vst v63  }
0x1fb: {  	s23 =	simm.s32 $0x1CD80;
	s3 =	sld [smem:$0x7F8]  }
0x1fc: {  	[tilespmem:s23], [sflag:$0x2] =	stream.linear.gather [hbm4b:s22+s2], $0x80, $0x38;
	[tilespmem:$0x1F000] =	vst v63  }
0x1fd: {  	s21 =	simm.s32 $0x1D180;
	s22 =	sld [smem:$0x7F9]  }
0x1fe: {  	[tilespmem:s21], [sflag:$0x2] =	stream.linear.gather [hbm4b:s3+s2], $0x80, $0x38;
	[tilespmem:$0x1F000] =	vst v63  }
0x1ff: {  	s23 =	simm.s32 $0x1D580;
	s3 =	sld [smem:$0x7FA]  }
0x200: {  	[tilespmem:s23], [sflag:$0x2] =	stream.linear.gather [hbm4b:s22+s2], $0x80, $0x38;
	[tilespmem:$0x1F000] =	vst v63  }
0x201: {  	s21 =	simm.s32 $0x1D980;
	s22 =	sld [smem:$0x7FB]  }
0x202: {  	[tilespmem:s21], [sflag:$0x2] =	stream.linear.gather [hbm4b:s3+s2], $0x80, $0x38;
	[tilespmem:$0x1F000] =	vst v63  }
0x203: {  	s23 =	simm.s32 $0x1DD80;
	s3 =	sld [smem:$0x7FC]  }
0x204: {  	[tilespmem:s23], [sflag:$0x2] =	stream.linear.gather [hbm4b:s22+s2], $0x80, $0x38;
	[tilespmem:$0x1F000] =	vst v63  }
0x205: {  	s21 =	simm.s32 $0x1E180;
	s22 =	sld [smem:$0x7FD]  }
0x206: {  	[tilespmem:s21], [sflag:$0x2] =	stream.linear.gather [hbm4b:s3+s2], $0x80, $0x38;
	[tilespmem:$0x1F000] =	vst v63  }
0x207: {  	s23 =	simm.s32 $0x1E580  }
0x208: {  	[tilespmem:s23], [sflag:$0x2] =	stream.linear.gather [hbm4b:s22+s2], $0x80, $0x38;
	[tilespmem:$0x1F000] =	vst v63  }
0x209: {  	s31 =	simm.s32 $0x1E800;
	s3 =	rddreg [dreg:$0x5]  }
0x20a: {  	[tilespmem:s31], [sflag:$0x3] =	stream.strided.gather [hbm4b:s3+s24], $0x400, s25, s24, $0x38;
	[tilespmem:$0x1F000] =	vst v63  }
0x20b: {  	_ =	swait.ge [sflag:s26], $0x400  }
0x20c: {  	[sflag:s26] =	ssyncset.done $0x0  }
0x20d: {  	[sflag:s26] =	ssyncadd.s32 $0xFFFFFC00  }
0x20e: {  	_ =	swait.ge [sflag:s28], $0x400  }
0x20f: {  	[sflag:s28] =	ssyncset.done $0x0  }
0x210: {  	[sflag:s28] =	ssyncadd.s32 $0xFFFFFC00  }
0x211: {  	_ =	swait.ge [sflag:s28], $0x400  }
0x212: {  	[sflag:s28] =	ssyncset.done $0x0  }
0x213: {  	[sflag:s28] =	ssyncadd.s32 $0xFFFFFC00  }
0x214: {  	_ =	swait.ge [sflag:s28], $0x400  }
0x215: {  	[sflag:s28] =	ssyncset.done $0x0  }
0x216: {  	[sflag:s28] =	ssyncadd.s32 $0xFFFFFC00  }
0x217: {  	_ =	swait.ge [sflag:s28], $0x400  }
0x218: {  	[sflag:s28] =	ssyncset.done $0x0  }
0x219: {  	[sflag:s28] =	ssyncadd.s32 $0xFFFFFC00  }
0x21a: {  	_ =	swait.ge [sflag:s28], $0x400  }
0x21b: {  	[sflag:s28] =	ssyncset.done $0x0  }
0x21c: {  	[sflag:s28] =	ssyncadd.s32 $0xFFFFFC00  }
0x21d: {  	_ =	swait.ge [sflag:s28], $0x400  }
0x21e: {  	[sflag:s28] =	ssyncset.done $0x0  }
0x21f: {  	[sflag:s28] =	ssyncadd.s32 $0xFFFFFC00  }
0x220: {  	_ =	swait.ge [sflag:s28], $0x400  }
0x221: {  	[sflag:s28] =	ssyncset.done $0x0  }
0x222: {  	[sflag:s28] =	ssyncadd.s32 $0xFFFFFC00  }
0x223: {  	_ =	swait.ge [sflag:s28], $0x400  }
0x224: {  	[sflag:s28] =	ssyncset.done $0x0  }
0x225: {  	[sflag:s28] =	ssyncadd.s32 $0xFFFFFC00  }
0x226: {  	_ =	swait.ge [sflag:s28], $0x400  }
0x227: {  	[sflag:s28] =	ssyncset.done $0x0  }
0x228: {  	[sflag:s28] =	ssyncadd.s32 $0xFFFFFC00  }
0x229: {  	_ =	swait.ge [sflag:s28], $0x400  }
0x22a: {  	[sflag:s28] =	ssyncset.done $0x0  }
0x22b: {  	[sflag:s28] =	ssyncadd.s32 $0xFFFFFC00  }
0x22c: {  	_ =	swait.ge [sflag:s28], $0x400  }
0x22d: {  	[sflag:s28] =	ssyncset.done $0x0  }
0x22e: {  	[sflag:s28] =	ssyncadd.s32 $0xFFFFFC00  }
0x22f: {  	_ =	swait.ge [sflag:s28], $0x400  }
0x230: {  	[sflag:s28] =	ssyncset.done $0x0  }
0x231: {  	[sflag:s28] =	ssyncadd.s32 $0xFFFFFC00  }
0x232: {  	_ =	swait.ge [sflag:s28], $0x400  }
0x233: {  	[sflag:s28] =	ssyncset.done $0x0  }
0x234: {  	[sflag:s28] =	ssyncadd.s32 $0xFFFFFC00  }
0x235: {  	_ =	swait.ge [sflag:s28], $0x400  }
0x236: {  	[sflag:s28] =	ssyncset.done $0x0  }
0x237: {  	[sflag:s28] =	ssyncadd.s32 $0xFFFFFC00  }
0x238: {  	_ =	swait.ge [sflag:s28], $0x400  }
0x239: {  	[sflag:s28] =	ssyncset.done $0x0  }
0x23a: {  	[sflag:s28] =	ssyncadd.s32 $0xFFFFFC00  }
0x23b: {  	_ =	swait.ge [sflag:s28], $0x400  }
0x23c: {  	[sflag:s28] =	ssyncset.done $0x0  }
0x23d: {  	[sflag:s28] =	ssyncadd.s32 $0xFFFFFC00  }
0x23e: {  	_ =	swait.ge [sflag:s28], $0x400  }
0x23f: {  	[sflag:s28] =	ssyncset.done $0x0  }
0x240: {  	[sflag:s28] =	ssyncadd.s32 $0xFFFFFC00  }
0x241: {  	_ =	swait.ge [sflag:s28], $0x400  }
0x242: {  	[sflag:s28] =	ssyncset.done $0x0  }
0x243: {  	[sflag:s28] =	ssyncadd.s32 $0xFFFFFC00  }
0x244: {  	_ =	swait.ge [sflag:s28], $0x400  }
0x245: {  	[sflag:s28] =	ssyncset.done $0x0  }
0x246: {  	[sflag:s28] =	ssyncadd.s32 $0xFFFFFC00  }
0x247: {  	_ =	swait.ge [sflag:s28], $0x400  }
0x248: {  	[sflag:s28] =	ssyncset.done $0x0  }
0x249: {  	s21 =	sand.u32 $0x70, s2;
	s22 =	sand.u32 $0x1C00, s2;
	[sflag:s28] =	ssyncadd.s32 $0xFFFFFC00  }
0x24a: {  	s0 =	sor.u32 s21, s22;
	v0 =	vld [tilespmem:s31+$0x0]  }
0x24b: {  	s1 =	sadd.s32 $0x18800, s0;
	v1 =	vld [tilespmem:s0+$0x18800]  }
0x24c: {  	v2 =	vld [tilespmem:s1+$0x300]  }
0x24d: {  	v3 =	vld [tilespmem:s1+$0x280]  }
0x24e: {  	v4 =	vld [tilespmem:s1+$0x200]  }
0x24f: {  	v5 =	vld [tilespmem:s1+$0x180];
	vm0 =	vgt.s32 v0, $0x1  }
0x250: {  	v6 =	vld [tilespmem:s1+$0x100];
	vm10 =	vgt.s32 v0, $0x7;
	v1 =	vnsel vm0, $0x0, v1  }
0x251: {  	vm1 =	vgt.s32 v0, $0x6;
	v2 =	vnsel vm10, $0x0, v2;
	[tilespmem:s0+$0x18800] =	vst v1;
	v1 =	vld [tilespmem:s1+$0x80]  }
0x252: {  	vm11 =	vgt.s32 v0, $0x5;
	v3 =	vnsel vm1, $0x0, v3;
	[tilespmem:s1+$0x300] =	vst v2  }
0x253: {  	vm12 =	vgt.s32 v0, $0x4;
	v2 =	vnsel vm11, $0x0, v4;
	[tilespmem:s1+$0x280] =	vst v3  }
0x254: {  	vm13 =	vgt.s32 v0, $0x3;
	v3 =	vnsel vm12, $0x0, v5;
	[tilespmem:s1+$0x200] =	vst v2  }
0x255: {  	vm14 =	vgt.s32 v0, $0x2;
	v2 =	vnsel vm13, $0x0, v6;
	[tilespmem:s1+$0x180] =	vst v3  }
0x256: {  	s3 =	sor.u32 s2, s2;
	[tilespmem:s1+$0x100] =	vst v2;
	v1 =	vnsel vm14, $0x0, v1  }
0x257: {  	s23 =	sor.u32 $0x380, s3;
	[tilespmem:s1+$0x80] =	vst v1  }
0x258: {  	v1 =	vld [tilespmem:s23+$0x18800];
	_ =	sdelay $0x3  }
0x259: {  	vm15 =	vgt.s32 v0, $0x8  }
0x25a: {  	v1 =	vnsel vm15, $0x0, v1  }
0x25b: {  	[tilespmem:s23+$0x18800] =	vst v1  }
0x25c: {  	s3 =	simm.s32 $0x0;
	s1 =	simm.s32 $0x10;
	v1 =	vld [tilespmem:s0+$0x1A980]  }
.LBB2_2:
0x25d: {  	p0 =	sne.s32 s1, $0x3F0;
	v2 =	vld [tilespmem:s0+$0x1AA00];
	s3 =	sadd.s32 $0x80, s3;
	s31 =	sadd.s32 $0x10, s31  }
0x25e: {  	s21 =	smov.u32 s1;
	s1 =	sadd.s32 $0x10, s1;
	v3 =	vld [tilespmem:s0+$0x1C980]  }
0x25f: {  	v4 =	vld [tilespmem:s0+$0x1A900]  }
0x260: {  	v5 =	vld [tilespmem:s0+$0x1C900]  }
0x261: {  	vm0 =	vgt.s32 v0, $0xD;
	v6 =	vld [tilespmem:s0+$0x1C880]  }
0x262: {  	v2 =	vnsel vm0, $0x0, v2;
	v7 =	vld [tilespmem:s0+$0x1AB80];
	vm0 =	vgt.s32 v0, $0x14  }
0x263: {  	vm1 =	vgt.s32 v0, $0xB;
	[tilespmem:s0+$0x1AA00] =	vst v2;
	v2 =	vld [tilespmem:s0+$0x1C800];
	v3 =	vnsel vm0, $0x0, v3  }
0x264: {  	vm0 =	vgt.s32 v0, $0xC;
	v8 =	vld [tilespmem:s0+$0x1A880];
	v4 =	vnsel vm1, $0x0, v4;
	vm1 =	vgt.s32 v0, $0x13;
	[tilespmem:s0+$0x1C980] =	vst v3  }
0x265: {  	v1 =	vnsel vm0, $0x0, v1;
	vm0 =	vgt.s32 v0, $0x12;
	[tilespmem:s0+$0x1A900] =	vst v4;
	v3 =	vld [tilespmem:s0+$0x1AB00];
	v4 =	vnsel vm1, $0x0, v5  }
0x266: {  	v5 =	vld [tilespmem:s0+$0x1AA80];
	v6 =	vnsel vm0, $0x0, v6;
	[tilespmem:s0+$0x1C900] =	vst v4  }
0x267: {  	vm0 =	vgt.s32 v0, $0x11;
	v4 =	vld [tilespmem:s0+$0x1A800];
	[tilespmem:s0+$0x1C880] =	vst v6  }
0x268: {  	vm2 =	vgt.s32 v0, $0x10;
	vm1 =	vgt.s32 v0, $0xA;
	[tilespmem:s0+$0x1A980] =	vst v1;
	v1 =	vnsel vm0, $0x0, v2  }
0x269: {  	v6 =	vnsel vm2, $0x0, v7;
	vm0 =	vgt.s32 v0, $0xF;
	v2 =	vnsel vm1, $0x0, v8;
	[tilespmem:s0+$0x1C800] =	vst v1  }
0x26a: {  	vm1 =	vgt.s32 v0, $0xE;
	[tilespmem:s0+$0x1A880] =	vst v2;
	v1 =	vnsel vm0, $0x0, v3  }
0x26b: {  	vm0 =	vgt.s32 v0, $0x9;
	v0 =	vnsel vm1, $0x0, v5;
	[tilespmem:s0+$0x1AB00] =	vst v1  }
0x26c: {  	v1 =	vnsel vm0, $0x0, v4;
	[tilespmem:s0+$0x1AA80] =	vst v0  }
0x26d: {  	[tilespmem:s0+$0x1A800] =	vst v1  }
0x26e: {  	s22 =	sand.u32 $0x70, s21;
	s23 =	sand.u32 $0x1C00, s3;
	[tilespmem:s0+$0x1AB80] =	vst v6  }
0x26f: {  	s0 =	sor.u32 s22, s23;
	v0 =	vld [tilespmem:s31+$0x0]  }
0x270: {  	s22 =	sadd.s32 $0x18800, s0;
	v1 =	vld [tilespmem:s0+$0x18800]  }
0x271: {  	v2 =	vld [tilespmem:s22+$0x300]  }
0x272: {  	v3 =	vld [tilespmem:s22+$0x280]  }
0x273: {  	v4 =	vld [tilespmem:s22+$0x200]  }
0x274: {  	vm0 =	vgt.s32 v0, $0x1;
	v5 =	vld [tilespmem:s22+$0x180]  }
0x275: {  	v1 =	vnsel vm0, $0x0, v1;
	v6 =	vld [tilespmem:s22+$0x100];
	vm0 =	vgt.s32 v0, $0x7  }
0x276: {  	vm1 =	vgt.s32 v0, $0x6;
	[tilespmem:s0+$0x18800] =	vst v1;
	v1 =	vld [tilespmem:s22+$0x80];
	v2 =	vnsel vm0, $0x0, v2  }
0x277: {  	vm0 =	vgt.s32 v0, $0x5;
	v3 =	vnsel vm1, $0x0, v3;
	[tilespmem:s22+$0x300] =	vst v2  }
0x278: {  	vm1 =	vgt.s32 v0, $0x4;
	v2 =	vnsel vm0, $0x0, v4;
	[tilespmem:s22+$0x280] =	vst v3  }
0x279: {  	vm0 =	vgt.s32 v0, $0x3;
	v3 =	vnsel vm1, $0x0, v5;
	[tilespmem:s22+$0x200] =	vst v2  }
0x27a: {  	vm1 =	vgt.s32 v0, $0x2;
	v2 =	vnsel vm0, $0x0, v6;
	[tilespmem:s22+$0x180] =	vst v3  }
0x27b: {  	s21 =	sor.u32 s3, s21;
	v1 =	vnsel vm1, $0x0, v1;
	[tilespmem:s22+$0x100] =	vst v2  }
0x27c: {  	s21 =	sor.u32 $0x380, s21;
	[tilespmem:s22+$0x80] =	vst v1  }
0x27d: {  	v1 =	vld [tilespmem:s21+$0x18800];
	_ =	sdelay $0x2  }
.Ltmp0:
0x27e: {  	(pc) =	sbr.rel @p0 .LBB2_2-.Ltmp0, $4  }
0x27f: {  	vm0 =	vgt.s32 v0, $0x8  }
0x280: {  	v1 =	vnsel vm0, $0x0, v1  }
0x281: {  	[tilespmem:s21+$0x18800] =	vst v1  }
0x282: {  	v1 =	vld [tilespmem:s0+$0x1A980]  }
0x283: {  	v2 =	vld [tilespmem:s0+$0x1AA00]  }
0x284: {  	v3 =	vld [tilespmem:s0+$0x1C980]  }
0x285: {  	v4 =	vld [tilespmem:s0+$0x1A900]  }
0x286: {  	v5 =	vld [tilespmem:s0+$0x1C900];
	vm9 =	vgt.s32 v0, $0xC  }
0x287: {  	vm0 =	vgt.s32 v0, $0xD;
	v6 =	vld [tilespmem:s0+$0x1C880];
	v1 =	vnsel vm9, $0x0, v1  }
0x288: {  	vm6 =	vgt.s32 v0, $0x14;
	v47 =	vld [tilespmem:s0+$0x1A800];
	v2 =	vnsel vm0, $0x0, v2;
	[tilespmem:s0+$0x1A980] =	vst v1  }
0x289: {  	vm1 =	vgt.s32 v0, $0xB;
	v3 =	vnsel vm6, $0x0, v3;
	[tilespmem:s0+$0x1AA00] =	vst v2;
	v2 =	vld [tilespmem:s0+$0x1C800]  }
0x28a: {  	v8 =	vld [tilespmem:s0+$0x1A880];
	vm7 =	vgt.s32 v0, $0x13;
	vm8 =	vgt.s32 v0, $0x12;
	v4 =	vnsel vm1, $0x0, v4;
	[tilespmem:s0+$0x1C980] =	vst v3  }
0x28b: {  	vm10 =	vgt.s32 v0, $0x11;
	vm11 =	vgt.s32 v0, $0xA;
	v44 =	vnsel vm7, $0x0, v5;
	[tilespmem:s0+$0x1A900] =	vst v4;
	v3 =	vld [tilespmem:s0+$0x1AB00]  }
0x28c: {  	v45 =	vld [tilespmem:s0+$0x1AA80];
	vm12 =	vgt.s32 v0, $0xF;
	vm14 =	vgt.s32 v0, $0x9;
	v46 =	vnsel vm8, $0x0, v6;
	[tilespmem:s0+$0x1C900] =	vst v44  }
0x28d: {  	v7 =	vld [tilespmem:s0+$0x1AB80];
	vm13 =	vgt.s32 v0, $0xE;
	vm15 =	vgt.s32 v0, $0x10;
	v0 =	vnsel vm14, $0x0, v47;
	[tilespmem:s0+$0x1C880] =	vst v46  }
0x28e: {  	[tilespmem:s0+$0x1A800] =	vst v0;
	v1 =	vnsel vm10, $0x0, v2  }
0x28f: {  	v2 =	vnsel vm11, $0x0, v8;
	[tilespmem:s0+$0x1C800] =	vst v1  }
0x290: {  	[tilespmem:s0+$0x1A880] =	vst v2;
	v1 =	vnsel vm12, $0x0, v3  }
0x291: {  	v2 =	vnsel vm13, $0x0, v45;
	[tilespmem:s0+$0x1AB00] =	vst v1  }
0x292: {  	[tilespmem:s0+$0x1AA80] =	vst v2;
	v1 =	vnsel vm15, $0x0, v7  }
0x293: {  	[tilespmem:s0+$0x1AB80] =	vst v1  }
0x294: {  	s23 =	simm.s32 $0x0;
	_ =	swait.ge [sflag:s29], $0x18800  }
0x295: {  	s1 =	sand.u32 $0x70, s23;
	s0 =	sand.u32 $0x1C00, s23;
	[sflag:s29] =	ssyncset.done $0x0  }
0x296: {  	s0 =	sor.u32 s1, s0;
	[sflag:s29] =	ssyncadd.s32 $0xFFFE7800  }
0x297: {  	v0 =	vld [tilespmem:s0+$0x18800]  }
0x298: {  	s1 =	sadd.s32 $0x18800, s0  }
0x299: {  	v1 =	vld [tilespmem:s1+$0x80];
	_ =	sdelay $0x1  }
0x29a: {  	v2 =	vld [tilespmem:s1+$0x100];
	_ =	sdelay $0x1  }
0x29b: {  	v3 =	vld [tilespmem:s1+$0x180]  }
0x29c: {  	v48 =	vld [tilespmem:s1+$0x200]  }
0x29d: {  	v0 =	vld.idx.msk [tilespmem:v0+s2+$0x0], $0xffff  }
0x29e: {  	v49 =	vld [tilespmem:s1+$0x280]  }
0x29f: {  	v1 =	vld.idx.msk [tilespmem:v1+s2+$0x0], $0xffff  }
0x2a0: {  	v50 =	vld [tilespmem:s1+$0x300]  }
0x2a1: {  	v2 =	vld.idx.msk [tilespmem:v2+s2+$0x0], $0xffff  }
0x2a2: {  	v51 =	vld [tilespmem:s1+$0x380];
	v0 =	vadd.f32 $0.0e+00, v0  }
0x2a3: {  	v3 =	vld.idx.msk [tilespmem:v3+s2+$0x0], $0xffff  }
0x2a4: {  	v52 =	vld [tilespmem:s0+$0x1A800];
	v0 =	vadd.f32 v1, v0  }
0x2a5: {  	v1 =	vld.idx.msk [tilespmem:v48+s2+$0x0], $0xffff  }
0x2a6: {  	v53 =	vld [tilespmem:s0+$0x1A880];
	v0 =	vadd.f32 v2, v0  }
0x2a7: {  	v2 =	vld.idx.msk [tilespmem:v49+s2+$0x0], $0xffff  }
0x2a8: {  	v54 =	vld [tilespmem:s0+$0x1A900];
	v0 =	vadd.f32 v3, v0  }
0x2a9: {  	v3 =	vld.idx.msk [tilespmem:v50+s2+$0x0], $0xffff  }
0x2aa: {  	v55 =	vld [tilespmem:s0+$0x1A980];
	v0 =	vadd.f32 v1, v0  }
0x2ab: {  	v1 =	vld.idx.msk [tilespmem:v51+s2+$0x0], $0xffff  }
0x2ac: {  	v56 =	vld [tilespmem:s0+$0x1AA00];
	v0 =	vadd.f32 v2, v0  }
0x2ad: {  	v2 =	vld.idx.msk [tilespmem:v52+s2+$0x0], $0xffff  }
0x2ae: {  	v57 =	vld [tilespmem:s0+$0x1AA80];
	v0 =	vadd.f32 v3, v0  }
0x2af: {  	v3 =	vld.idx.msk [tilespmem:v53+s2+$0x0], $0xffff  }
0x2b0: {  	v58 =	vld [tilespmem:s0+$0x1AB00];
	v0 =	vadd.f32 v1, v0  }
0x2b1: {  	v1 =	vld.idx.msk [tilespmem:v54+s2+$0x0], $0xffff  }
0x2b2: {  	v59 =	vld [tilespmem:s0+$0x1AB80];
	v0 =	vadd.f32 v2, v0  }
0x2b3: {  	v2 =	vld.idx.msk [tilespmem:v55+s2+$0x0], $0xffff  }
0x2b4: {  	v60 =	vld [tilespmem:s0+$0x1C800];
	v0 =	vadd.f32 v3, v0  }
0x2b5: {  	v3 =	vld.idx.msk [tilespmem:v56+s2+$0x0], $0xffff  }
0x2b6: {  	v61 =	vld [tilespmem:s0+$0x1C880];
	v0 =	vadd.f32 v1, v0  }
0x2b7: {  	v1 =	vld.idx.msk [tilespmem:v57+s2+$0x0], $0xffff  }
0x2b8: {  	v62 =	vld [tilespmem:s0+$0x1C900];
	v0 =	vadd.f32 v2, v0  }
0x2b9: {  	v2 =	vld.idx.msk [tilespmem:v58+s2+$0x0], $0xffff  }
0x2ba: {  	v63 =	vld [tilespmem:s0+$0x1C980];
	v0 =	vadd.f32 v3, v0  }
0x2bb: {  	v3 =	vld.idx.msk [tilespmem:v59+s2+$0x0], $0xffff  }
0x2bc: {  	v0 =	vadd.f32 v1, v0  }
0x2bd: {  	v1 =	vld.idx.msk [tilespmem:v60+s2+$0x0], $0xffff  }
0x2be: {  	v0 =	vadd.f32 v2, v0  }
0x2bf: {  	v2 =	vld.idx.msk [tilespmem:v61+s2+$0x0], $0xffff  }
0x2c0: {  	v0 =	vadd.f32 v3, v0  }
0x2c1: {  	v3 =	vld.idx.msk [tilespmem:v62+s2+$0x0], $0xffff  }
0x2c2: {  	v0 =	vadd.f32 v1, v0  }
0x2c3: {  	v1 =	vld.idx.msk [tilespmem:v63+s2+$0x0], $0xffff  }
0x2c4: {  	v0 =	vadd.f32 v2, v0;
	_ =	sdelay $0x1  }
0x2c5: {  	v0 =	vadd.f32 v3, v0  }
0x2c6: {  	s3 =	simm.s32 $0x10  }
0x2c7: {  	s21 =	sand.u32 $0x70, s3;
	s1 =	simm.s32 $0x80;
	v0 =	vadd.f32 v1, v0  }
0x2c8: {  	s3 =	simm.s32 $0x20;
	s0 =	simm.s32 $0x1EC00;
	s31 =	sand.u32 $0x1C00, s1  }
.LBB2_4:
0x2c9: {  	p0 =	sne.s32 s3, $0x3F0;
	s21 =	sor.u32 s21, s31;
	[tilespmem:s0+$0x0] =	vst v0  }
0x2ca: {  	v0 =	vld [tilespmem:s21+$0x18800]  }
0x2cb: {  	s22 =	sadd.s32 $0x18800, s21  }
0x2cc: {  	v1 =	vld [tilespmem:s22+$0x80];
	_ =	sdelay $0x1  }
0x2cd: {  	v2 =	vld [tilespmem:s22+$0x100];
	_ =	sdelay $0x1  }
0x2ce: {  	v3 =	vld [tilespmem:s22+$0x180]  }
0x2cf: {  	v4 =	vld [tilespmem:s22+$0x200]  }
0x2d0: {  	v0 =	vld.idx.msk [tilespmem:v0+s2+$0x0], $0xffff  }
0x2d1: {  	v5 =	vld [tilespmem:s22+$0x280]  }
0x2d2: {  	v1 =	vld.idx.msk [tilespmem:v1+s2+$0x0], $0xffff  }
0x2d3: {  	v6 =	vld [tilespmem:s22+$0x300]  }
0x2d4: {  	v2 =	vld.idx.msk [tilespmem:v2+s2+$0x0], $0xffff  }
0x2d5: {  	v7 =	vld [tilespmem:s22+$0x380]  }
0x2d6: {  	v0 =	vadd.f32 $0.0e+00, v0;
	v3 =	vld.idx.msk [tilespmem:v3+s2+$0x0], $0xffff  }
0x2d7: {  	v8 =	vld [tilespmem:s21+$0x1A800]  }
0x2d8: {  	v0 =	vadd.f32 v1, v0;
	v1 =	vld.idx.msk [tilespmem:v4+s2+$0x0], $0xffff  }
0x2d9: {  	v4 =	vld [tilespmem:s21+$0x1A880]  }
0x2da: {  	v0 =	vadd.f32 v2, v0;
	v2 =	vld.idx.msk [tilespmem:v5+s2+$0x0], $0xffff  }
0x2db: {  	v5 =	vld [tilespmem:s21+$0x1A900]  }
0x2dc: {  	v0 =	vadd.f32 v3, v0;
	v3 =	vld.idx.msk [tilespmem:v6+s2+$0x0], $0xffff  }
0x2dd: {  	v6 =	vld [tilespmem:s21+$0x1A980]  }
0x2de: {  	v0 =	vadd.f32 v1, v0;
	v1 =	vld.idx.msk [tilespmem:v7+s2+$0x0], $0xffff  }
0x2df: {  	v7 =	vld [tilespmem:s21+$0x1AA00]  }
0x2e0: {  	v0 =	vadd.f32 v2, v0;
	v2 =	vld.idx.msk [tilespmem:v8+s2+$0x0], $0xffff  }
0x2e1: {  	v8 =	vld [tilespmem:s21+$0x1AA80]  }
0x2e2: {  	v0 =	vadd.f32 v3, v0;
	v3 =	vld.idx.msk [tilespmem:v4+s2+$0x0], $0xffff  }
0x2e3: {  	v4 =	vld [tilespmem:s21+$0x1AB00]  }
0x2e4: {  	v0 =	vadd.f32 v1, v0;
	v1 =	vld.idx.msk [tilespmem:v5+s2+$0x0], $0xffff  }
0x2e5: {  	v5 =	vld [tilespmem:s21+$0x1AB80]  }
0x2e6: {  	v0 =	vadd.f32 v2, v0;
	v2 =	vld.idx.msk [tilespmem:v6+s2+$0x0], $0xffff  }
0x2e7: {  	v6 =	vld [tilespmem:s21+$0x1C800]  }
0x2e8: {  	v0 =	vadd.f32 v3, v0;
	v3 =	vld.idx.msk [tilespmem:v7+s2+$0x0], $0xffff  }
0x2e9: {  	v7 =	vld [tilespmem:s21+$0x1C880]  }
0x2ea: {  	v0 =	vadd.f32 v1, v0;
	v1 =	vld.idx.msk [tilespmem:v8+s2+$0x0], $0xffff  }
0x2eb: {  	v8 =	vld [tilespmem:s21+$0x1C900]  }
0x2ec: {  	v0 =	vadd.f32 v2, v0;
	v2 =	vld.idx.msk [tilespmem:v4+s2+$0x0], $0xffff  }
0x2ed: {  	v4 =	vld [tilespmem:s21+$0x1C980]  }
0x2ee: {  	v0 =	vadd.f32 v3, v0;
	v3 =	vld.idx.msk [tilespmem:v5+s2+$0x0], $0xffff;
	_ =	sdelay $0x1  }
0x2ef: {  	v0 =	vadd.f32 v1, v0;
	v1 =	vld.idx.msk [tilespmem:v6+s2+$0x0], $0xffff;
	_ =	sdelay $0x1  }
0x2f0: {  	v0 =	vadd.f32 v2, v0;
	v2 =	vld.idx.msk [tilespmem:v7+s2+$0x0], $0xffff;
	_ =	sdelay $0x1  }
0x2f1: {  	v0 =	vadd.f32 v3, v0;
	v3 =	vld.idx.msk [tilespmem:v8+s2+$0x0], $0xffff;
	_ =	sdelay $0x1  }
0x2f2: {  	v0 =	vadd.f32 v1, v0;
	v1 =	vld.idx.msk [tilespmem:v4+s2+$0x0], $0xffff;
	_ =	sdelay $0x1  }
0x2f3: {  	v0 =	vadd.f32 v2, v0  }
.Ltmp1:
0x2f4: {  	(pc) =	sbr.rel @p0 .LBB2_4-.Ltmp1, $3  }
0x2f5: {  	v0 =	vadd.f32 v3, v0;
	_ =	sdelay $0x1  }
0x2f6: {  	s1 =	sadd.s32 $0x80, s1;
	s0 =	sadd.s32 $0x10, s0;
	v0 =	vadd.f32 v1, v0  }
0x2f7: {  	s31 =	sand.u32 $0x1C00, s1;
	s21 =	sand.u32 $0x70, s3;
	s3 =	sadd.s32 $0x10, s3  }
0x2f8: {  	s1 =	sor.u32 s21, s31;
	[tilespmem:s0+$0x0] =	vst v0  }
0x2f9: {  	v0 =	vld [tilespmem:s1+$0x18800]  }
0x2fa: {  	s3 =	sadd.s32 $0x18800, s1  }
0x2fb: {  	v1 =	vld [tilespmem:s3+$0x80];
	_ =	sdelay $0x1  }
0x2fc: {  	v2 =	vld [tilespmem:s3+$0x100];
	_ =	sdelay $0x1  }
0x2fd: {  	v3 =	vld [tilespmem:s3+$0x180]  }
0x2fe: {  	v4 =	vld [tilespmem:s3+$0x200]  }
0x2ff: {  	v0 =	vld.idx.msk [tilespmem:v0+s2+$0x0], $0xffff  }
0x300: {  	v5 =	vld [tilespmem:s3+$0x280]  }
0x301: {  	v1 =	vld.idx.msk [tilespmem:v1+s2+$0x0], $0xffff  }
0x302: {  	v6 =	vld [tilespmem:s3+$0x300]  }
0x303: {  	v2 =	vld.idx.msk [tilespmem:v2+s2+$0x0], $0xffff  }
0x304: {  	v7 =	vld [tilespmem:s3+$0x380];
	v0 =	vadd.f32 $0.0e+00, v0  }
0x305: {  	v3 =	vld.idx.msk [tilespmem:v3+s2+$0x0], $0xffff  }
0x306: {  	v8 =	vld [tilespmem:s1+$0x1A800];
	v0 =	vadd.f32 v1, v0  }
0x307: {  	v37 =	vld.idx.msk [tilespmem:v4+s2+$0x0], $0xffff  }
0x308: {  	v38 =	vld [tilespmem:s1+$0x1A880];
	v0 =	vadd.f32 v2, v0  }
0x309: {  	v39 =	vld.idx.msk [tilespmem:v5+s2+$0x0], $0xffff  }
0x30a: {  	v40 =	vld [tilespmem:s1+$0x1A900];
	v0 =	vadd.f32 v3, v0  }
0x30b: {  	v41 =	vld.idx.msk [tilespmem:v6+s2+$0x0], $0xffff  }
0x30c: {  	v42 =	vld [tilespmem:s1+$0x1A980];
	v0 =	vadd.f32 v37, v0  }
0x30d: {  	v43 =	vld.idx.msk [tilespmem:v7+s2+$0x0], $0xffff  }
0x30e: {  	v44 =	vld [tilespmem:s1+$0x1AA00];
	v0 =	vadd.f32 v39, v0  }
0x30f: {  	v45 =	vld.idx.msk [tilespmem:v8+s2+$0x0], $0xffff  }
0x310: {  	v46 =	vld [tilespmem:s1+$0x1AA80];
	v0 =	vadd.f32 v41, v0  }
0x311: {  	v47 =	vld.idx.msk [tilespmem:v38+s2+$0x0], $0xffff  }
0x312: {  	v48 =	vld [tilespmem:s1+$0x1AB00];
	v0 =	vadd.f32 v43, v0  }
0x313: {  	v49 =	vld.idx.msk [tilespmem:v40+s2+$0x0], $0xffff  }
0x314: {  	v50 =	vld [tilespmem:s1+$0x1AB80];
	v0 =	vadd.f32 v45, v0  }
0x315: {  	v51 =	vld.idx.msk [tilespmem:v42+s2+$0x0], $0xffff  }
0x316: {  	v52 =	vld [tilespmem:s1+$0x1C800];
	v0 =	vadd.f32 v47, v0  }
0x317: {  	v53 =	vld.idx.msk [tilespmem:v44+s2+$0x0], $0xffff  }
0x318: {  	v54 =	vld [tilespmem:s1+$0x1C880];
	v0 =	vadd.f32 v49, v0  }
0x319: {  	v55 =	vld.idx.msk [tilespmem:v46+s2+$0x0], $0xffff  }
0x31a: {  	v56 =	vld [tilespmem:s1+$0x1C900];
	v0 =	vadd.f32 v51, v0  }
0x31b: {  	v57 =	vld.idx.msk [tilespmem:v48+s2+$0x0], $0xffff  }
0x31c: {  	v58 =	vld [tilespmem:s1+$0x1C980];
	v0 =	vadd.f32 v53, v0  }
0x31d: {  	v59 =	vld.idx.msk [tilespmem:v50+s2+$0x0], $0xffff  }
0x31e: {  	v0 =	vadd.f32 v55, v0  }
0x31f: {  	v60 =	vld.idx.msk [tilespmem:v52+s2+$0x0], $0xffff  }
0x320: {  	v0 =	vadd.f32 v57, v0  }
0x321: {  	v61 =	vld.idx.msk [tilespmem:v54+s2+$0x0], $0xffff  }
0x322: {  	v0 =	vadd.f32 v59, v0  }
0x323: {  	v62 =	vld.idx.msk [tilespmem:v56+s2+$0x0], $0xffff  }
0x324: {  	v0 =	vadd.f32 v60, v0  }
0x325: {  	v63 =	vld.idx.msk [tilespmem:v58+s2+$0x0], $0xffff  }
0x326: {  	v0 =	vadd.f32 v61, v0;
	_ =	sdelay $0x1  }
0x327: {  	v0 =	vadd.f32 v62, v0;
	_ =	sdelay $0x1  }
0x328: {  	v0 =	vadd.f32 v63, v0  }
0x329: {  	s21 =	sadd.s32 $0x10, s0  }
0x32a: {  	s22 =	rddreg [dreg:$0x7];
	s23 =	simm.s32 $0x1EC00;
	[tilespmem:s21+$0x0] =	vst v0  }
0x32b: {  	[hbm4b:s22+s24] =	stream.strided.scatter [tilespmem:s23], [sflag:$0x3], $0x400, s25, s24, $0x38;
	[tilespmem:$0x1F000] =	vst v63  }
0x32c: {  	_ =	swait.ge [sflag:s26], $0x400  }
0x32d: {  	s30 =	sadd.s32 $0x1, s30;
	s31 =	rddreg [dreg:$0x8]  }
0x32e: {  	p0 =	sne.s32 s30, s31  }
.Ltmp2:
0x32f: {  	_ = 	snop;
	(pc) =	sbr.rel @p0 .LBB2_1-.Ltmp2, $3  }
0x330: {  	_ =	sdelay $0x1  }
0x331: {  	[sflag:s26] =	ssyncset.done $0x0  }
0x332: {  	[sflag:s26] =	ssyncadd.s32 $0xFFFFFC00  }
0x333: {  	_ =	sfence.sel $0x180000  }
0x334: {  	[bflag:$0x0] =	sbarrier.arrive $0xFFFF  }
0x335: {  	_ =	strace $0x90000047  }
0x336: {  	s0 =	stileid.u32;
	[bflag:$0x2] =	sbarrier.arrive $0xFFFF  }
0x337: {  	p0 =	sne.s32 s0, $0x0;
	s0 =	rddreg [dreg:$0x2]  }
0x338: {  	s0 =	sadd.s32 @!p0 $0x100000, s0  }
0x339: {  	[sflag:s0] =	ssyncadd.tile.s32 @!p0 $0x1;
	_ =	shalt  }
.Lfunc_end2:
_tile_overlayer_lowered:
.L_overlay_start_2:
0x33a: {  	(tag) =	ssettag $0x2  }
0x33b: {  	s0 =	rddreg [dreg:$0x0];
	s2 =	stileid.u32  }
0x33c: {  	s1 =	rddreg [dreg:$0x1];
	p0 =	sne.s32 s2, $0x0  }
0x33d: {  	s3 =	rddreg [dreg:$0x2];
	[bflag:$0x3] =	sbarrier.arrive $0xFFFF;
	s2 =	simm.s32 @!p0 $0x1C03  }
0x33e: {  	[timem:s3], [sflag:s2] =	dma.local @!p0 [hbm:s0], s1  }
0x33f: {  	s0 =	simm.s32 @!p0 $0x3  }
0x340: {  	_ =	swait.ge @!p0 [sflag:s0], s1  }
0x341: {  	s1 =	ssub.s32 @!p0 $0x0, s1;
	[sflag:s0] =	ssyncset.done @!p0 $0x0  }
0x342: {  	[sflag:s0] =	ssyncadd.s32 @!p0 s1  }
0x343: {  	[bflag:$0x3] =	sbarrier.arrive $0xFFFF  }
0x344: {  	_ =	shalt  }

</sc_bundles>
